<compile_context>
chip_gen: v7x
topology: tpu7x:2x2x1
jax: 0.10.2.dev20260603
libtpu: 0.0.44.dev20260713+nightly
codegen_flags: <defaults>
</compile_context>

<pallas_src>
import functools

import jax
import jax.numpy as jnp
from jax import lax
from jax.experimental import pallas as pl
from jax.experimental.pallas import tpu as pltpu
from jax.experimental.pallas import tpu_sc as plsc

N = 10000
E = 320000
D = 128
G = 64

NB_N = 10
BN = N // NB_N
BE = 2000
NB_E = E // BE

NC = 2
NS = 16
NW = NC * NS
EPW = E // NW
CHUNK = 80
CPW = EPW // CHUNK
ROWS_MAIN = 624
CW = 16
TAIL0 = NS * ROWS_MAIN
TAIL = N - TAIL0



def _prep_body(x_ref, wu_ref, wv_ref, wsc_ref, bsc_ref, u_ref, v_ref, sc_ref):
    xb = x_ref[...]
    u_ref[...] = jnp.dot(xb, wu_ref[...], preferred_element_type=jnp.float32)
    v_ref[...] = jnp.dot(xb, wv_ref[...], preferred_element_type=jnp.float32)
    sc_ref[...] = (
        jnp.dot(xb, wsc_ref[...], preferred_element_type=jnp.float32)
        + bsc_ref[...]
    )


def _edge_body(p_ref, ba_ref, wb_ref, bb_ref, t_ref):
    p = jnp.maximum(p_ref[...] + ba_ref[...], 0.0)
    t = jnp.dot(p, wb_ref[...], preferred_element_type=jnp.float32) + bb_ref[...]
    t_ref[...] = jnp.maximum(t, 0.0)


def _combine_body(sp_ref, cp_ref, scin_ref, batch_ref,
                  o_ref, s_ref, q_ref, c_ref):
    i = pl.program_id(0)

    @pl.when(i == 0)
    def _():
        s_ref[...] = jnp.zeros_like(s_ref)
        q_ref[...] = jnp.zeros_like(q_ref)
        c_ref[...] = jnp.zeros_like(c_ref)

    sp = sp_ref[...]
    cp = cp_ref[...]
    cnt = cp[0, :, 0:1] + cp[1, :, 0:1]
    agg = (sp[0] + sp[1]) / jnp.maximum(cnt, 1.0)
    o = agg + scin_ref[...]
    o_ref[...] = o

    b = batch_ref[0, 0, :]
    gid = lax.broadcasted_iota(jnp.int32, (BN, G), 1)
    oh = (b[:, None] == gid).astype(jnp.float32)
    dn = (((0,), (0,)), ((), ()))
    hp = lax.Precision.HIGHEST
    s_ref[...] += lax.dot_general(oh, o, dn, precision=hp,
                                  preferred_element_type=jnp.float32)
    q_ref[...] += lax.dot_general(oh, o * o, dn, precision=hp,
                                  preferred_element_type=jnp.float32)
    colsum = jnp.sum(oh, axis=0)
    c_ref[...] += jnp.broadcast_to(colsum[None, :], (8, G))


def _norm_stats(s_ref, q_ref, c_ref):
    cg = jnp.maximum(c_ref[0, :], 1.0)[:, None]
    mean = s_ref[...] / cg
    var = jnp.maximum(q_ref[...] / cg - mean * mean, 0.0)
    return mean, var


def _norm_rows(o, batch_row, mean, var):
    gid = lax.broadcasted_iota(jnp.int32, (o.shape[0], G), 1)
    oh = (batch_row[:, None] == gid).astype(jnp.float32)
    mean_r = jnp.dot(oh, mean, precision=lax.Precision.HIGHEST,
                     preferred_element_type=jnp.float32)
    var_r = jnp.dot(oh, var, precision=lax.Precision.HIGHEST,
                    preferred_element_type=jnp.float32)
    h = (o - mean_r) * lax.rsqrt(var_r + 1e-5)
    return jnp.maximum(h, 0.0), oh


def _norm_prep_body(o_ref, batch_ref, s_ref, q_ref, c_ref,
                    wu_ref, wv_ref, wsc_ref, bsc_ref,
                    u_ref, v_ref, sc_ref):
    mean, var = _norm_stats(s_ref, q_ref, c_ref)
    h, _ = _norm_rows(o_ref[...], batch_ref[0, 0, :], mean, var)
    u_ref[...] = jnp.dot(h, wu_ref[...], preferred_element_type=jnp.float32)
    v_ref[...] = jnp.dot(h, wv_ref[...], preferred_element_type=jnp.float32)
    sc_ref[...] = (
        jnp.dot(h, wsc_ref[...], preferred_element_type=jnp.float32)
        + bsc_ref[...]
    )


def _norm_pool_body(o_ref, batch_ref, s_ref, q_ref, c_ref, pool_ref):
    i = pl.program_id(0)

    @pl.when(i == 0)
    def _():
        pool_ref[...] = jnp.zeros_like(pool_ref)

    mean, var = _norm_stats(s_ref, q_ref, c_ref)
    h, oh = _norm_rows(o_ref[...], batch_ref[0, 0, :], mean, var)
    dn = (((0,), (0,)), ((), ()))
    pool_ref[...] += lax.dot_general(oh, h, dn, precision=lax.Precision.HIGHEST,
                                     preferred_element_type=jnp.float32)


def _final_body(pool_ref, c_ref, wm_ref, bm_ref, wo_ref, bo_ref, out_ref):
    cg = jnp.maximum(c_ref[0, :], 1.0)[:, None]
    pooled = pool_ref[...] / cg
    h = jnp.maximum(
        jnp.dot(pooled, wm_ref[...], preferred_element_type=jnp.float32)
        + bm_ref[...], 0.0)
    out_ref[...] = (
        jnp.dot(h, wo_ref[...], preferred_element_type=jnp.float32)
        + bo_ref[...]
    )



_full = lambda *shape: pl.BlockSpec(shape, lambda i: tuple(0 for _ in shape))


def _prep(x, wu, wv, wsc, bsc):
    return pl.pallas_call(
        _prep_body,
        grid=(NB_N,),
        in_specs=[
            pl.BlockSpec((BN, D), lambda i: (i, 0)),
            _full(D, D), _full(D, D), _full(D, D), _full(1, D),
        ],
        out_specs=[pl.BlockSpec((BN, D), lambda i: (i, 0))] * 3,
        out_shape=[jax.ShapeDtypeStruct((N, D), jnp.float32)] * 3,
    )(x, wu, wv, wsc, bsc)


def _edge_mlp(p, ba, wb, bb):
    return pl.pallas_call(
        _edge_body,
        grid=(NB_E,),
        in_specs=[
            pl.BlockSpec((BE, D), lambda i: (i, 0)),
            _full(1, D), _full(D, D), _full(1, D),
        ],
        out_specs=pl.BlockSpec((BE, D), lambda i: (i, 0)),
        out_shape=jax.ShapeDtypeStruct((E, D), jnp.float32),
    )(p, ba, wb, bb)


def _combine_stats(sparts, cparts, scin, batch3):
    return pl.pallas_call(
        _combine_body,
        grid=(NB_N,),
        in_specs=[
            pl.BlockSpec((2, BN, D), lambda i: (0, i, 0)),
            pl.BlockSpec((2, BN, CW), lambda i: (0, i, 0)),
            pl.BlockSpec((BN, D), lambda i: (i, 0)),
            pl.BlockSpec((1, 1, BN), lambda i: (i, 0, 0)),
        ],
        out_specs=[
            pl.BlockSpec((BN, D), lambda i: (i, 0)),
            _full(G, D), _full(G, D), _full(8, G),
        ],
        out_shape=[
            jax.ShapeDtypeStruct((N, D), jnp.float32),
            jax.ShapeDtypeStruct((G, D), jnp.float32),
            jax.ShapeDtypeStruct((G, D), jnp.float32),
            jax.ShapeDtypeStruct((8, G), jnp.float32),
        ],
    )(sparts, cparts, scin, batch3)


def _norm_prep(o, batch3, s, q, c, wu, wv, wsc, bsc):
    return pl.pallas_call(
        _norm_prep_body,
        grid=(NB_N,),
        in_specs=[
            pl.BlockSpec((BN, D), lambda i: (i, 0)),
            pl.BlockSpec((1, 1, BN), lambda i: (i, 0, 0)),
            _full(G, D), _full(G, D), _full(8, G),
            _full(D, D), _full(D, D), _full(D, D), _full(1, D),
        ],
        out_specs=[pl.BlockSpec((BN, D), lambda i: (i, 0))] * 3,
        out_shape=[jax.ShapeDtypeStruct((N, D), jnp.float32)] * 3,
    )(o, batch3, s, q, c, wu, wv, wsc, bsc)


def _norm_pool(o, batch3, s, q, c):
    return pl.pallas_call(
        _norm_pool_body,
        grid=(NB_N,),
        in_specs=[
            pl.BlockSpec((BN, D), lambda i: (i, 0)),
            pl.BlockSpec((1, 1, BN), lambda i: (i, 0, 0)),
            _full(G, D), _full(G, D), _full(8, G),
        ],
        out_specs=_full(G, D),
        out_shape=jax.ShapeDtypeStruct((G, D), jnp.float32),
    )(o, batch3, s, q, c)


def _final_mlp(pool, c, wm, bm, wo, bo):
    return pl.pallas_call(
        _final_body,
        in_specs=[
            pl.BlockSpec((G, D), lambda: (0, 0)),
            pl.BlockSpec((8, G), lambda: (0, 0)),
            pl.BlockSpec((D, 256), lambda: (0, 0)),
            pl.BlockSpec((1, 256), lambda: (0, 0)),
            pl.BlockSpec((256, 2), lambda: (0, 0)),
            pl.BlockSpec((1, 2), lambda: (0, 0)),
        ],
        out_specs=pl.BlockSpec((G, 2), lambda: (0, 0)),
        out_shape=jax.ShapeDtypeStruct((G, 2), jnp.float32),
    )(pool, c, wm, bm, wo, bo)



@functools.cache
def _sc_mesh():
    return plsc.VectorSubcoreMesh(core_axis_name="c", subcore_axis_name="s")


@functools.cache
def _make_sc_gather():
    def body(u_hbm, v_hbm, dst_hbm, src_hbm, p_hbm,
             ibuf_d, ibuf_s, rows_u, rows_v,
             sem_i0, sem_i1, sem_g, sem_w0, sem_w1):
        wid = lax.axis_index("s") * NC + lax.axis_index("c")
        e0 = wid * EPW
        sem_i = (sem_i0, sem_i1)
        sem_w = (sem_w0, sem_w1)

        def idx_start(k, p):
            base = e0 + k * CHUNK
            pltpu.async_copy(dst_hbm.at[pl.ds(base, CHUNK)], ibuf_d.at[p],
                             sem_i[p])
            pltpu.async_copy(src_hbm.at[pl.ds(base, CHUNK)], ibuf_s.at[p],
                             sem_i[p])

        def idx_wait(p):
            pltpu.make_async_copy(dst_hbm.at[pl.ds(0, CHUNK)], ibuf_d.at[p],
                                  sem_i[p]).wait()
            pltpu.make_async_copy(src_hbm.at[pl.ds(0, CHUNK)], ibuf_s.at[p],
                                  sem_i[p]).wait()

        def write_start(k, p):
            base = e0 + k * CHUNK
            pltpu.async_copy(rows_u.at[p], p_hbm.at[pl.ds(base, CHUNK)],
                             sem_w[p])

        def write_wait(p):
            pltpu.make_async_copy(rows_u.at[p], p_hbm.at[pl.ds(0, CHUNK)],
                                  sem_w[p]).wait()

        def add_rows(p):
            def rbody(r, _):
                for c in range(D // 16):
                    sl = pl.ds(c * 16, 16)
                    rows_u[p, r, sl] = rows_u[p, r, sl] + rows_v[p, r, sl]
                return 0

            lax.fori_loop(0, CHUNK, rbody, 0)

        def gather_u(k, p):
            return pltpu.async_copy(u_hbm.at[ibuf_d.at[p]], rows_u.at[p],
                                    sem_g)

        def gather_v(k, p):
            return pltpu.async_copy(v_hbm.at[ibuf_s.at[p]], rows_v.at[p],
                                    sem_g)

        idx_start(0, 0)
        idx_wait(0)
        idx_start(1, 1)
        gather_u(0, 0).wait()
        gather_v(0, 0).wait()

        def step(j, k, p):
            q = 1 - p
            idx_wait(q)

            @pl.when(k + 2 < CPW)
            def _():
                idx_start(k + 2, p)

            if p == 0:
                @pl.when(j > 0)
                def _():
                    write_wait(q)
            else:
                write_wait(q)

            cu = gather_u(k + 1, q)
            add_rows(p)
            cu.wait()
            cv = gather_v(k + 1, q)
            write_start(k, p)
            cv.wait()

        def loop(j, _):
            step(j, 2 * j, 0)
            step(j, 2 * j + 1, 1)
            return 0

        lax.fori_loop(0, (CPW - 1) // 2, loop, 0)
        add_rows(0)
        write_start(CPW - 1, 0)
        write_wait(1)
        write_wait(0)

    return pl.kernel(
        body,
        out_type=[jax.ShapeDtypeStruct((E, D), jnp.float32)],
        mesh=_sc_mesh(),
        scratch_types=[
            pltpu.VMEM((2, CHUNK), jnp.int32),
            pltpu.VMEM((2, CHUNK), jnp.int32),
            pltpu.VMEM((2, CHUNK, D), jnp.float32),
            pltpu.VMEM((2, CHUNK, D), jnp.float32),
            pltpu.SemaphoreType.DMA,
            pltpu.SemaphoreType.DMA,
            pltpu.SemaphoreType.DMA,
            pltpu.SemaphoreType.DMA,
            pltpu.SemaphoreType.DMA,
        ],
    )


def _sc_gather(u, v, dst, src):
    (p,) = _make_sc_gather()(u, v, dst, src)
    return p


@functools.cache
def _make_sc_scatter():
    def body(t_hbm, dst_hbm, z128, sparts, acc, ibuf0, ibuf1, tbuf,
             sem0, sem1):
        cid = lax.axis_index("c")
        sid = lax.axis_index("s")
        wid = sid * NC + cid
        r0 = pl.multiple_of(sid * ROWS_MAIN, 8)

        pltpu.sync_copy(z128.at[pl.ds(r0, ROWS_MAIN)],
                        acc.at[pl.ds(r0, ROWS_MAIN)])

        @pl.when(sid == NS - 1)
        def _():
            pltpu.sync_copy(z128.at[pl.ds(TAIL0, TAIL)],
                            acc.at[pl.ds(TAIL0, TAIL)])

        plsc.subcore_barrier()
        e0 = wid * EPW
        ibuf = (ibuf0, ibuf1)
        sem = (sem0, sem1)

        def load_start(k, p):
            base = e0 + k * CHUNK
            pltpu.async_copy(dst_hbm.at[pl.ds(base, CHUNK)], ibuf[p], sem[p])
            pltpu.async_copy(t_hbm.at[pl.ds(base, CHUNK)], tbuf.at[p], sem[p])

        def load_wait(p):
            pltpu.make_async_copy(dst_hbm.at[pl.ds(0, CHUNK)], ibuf[p],
                                  sem[p]).wait()
            pltpu.make_async_copy(t_hbm.at[pl.ds(0, CHUNK)], tbuf.at[p],
                                  sem[p]).wait()

        def scatter_add(p):
            pltpu.sync_copy(tbuf.at[p], acc.at[ibuf[p]], add=True)

        load_start(0, 0)
        load_wait(0)
        load_start(1, 1)
        scatter_add(0)

        def loop(j, _):
            k = 1 + j * 2

            load_wait(1)

            @pl.when(k + 1 < CPW)
            def _():
                load_start(k + 1, 0)

            scatter_add(1)
            load_wait(0)

            @pl.when(k + 2 < CPW)
            def _():
                load_start(k + 2, 1)

            scatter_add(0)
            return 0

        lax.fori_loop(0, (CPW - 1) // 2, loop, 0)
        plsc.subcore_barrier()

        o0 = pl.multiple_of(cid * N + r0, 8)
        pltpu.sync_copy(acc.at[pl.ds(r0, ROWS_MAIN)],
                        sparts.at[pl.ds(o0, ROWS_MAIN)])

        @pl.when(sid == NS - 1)
        def _():
            ot = pl.multiple_of(cid * N + TAIL0, 8)
            pltpu.sync_copy(acc.at[pl.ds(TAIL0, TAIL)],
                            sparts.at[pl.ds(ot, TAIL)])

    return pl.kernel(
        body,
        out_type=[jax.ShapeDtypeStruct((NC * N, D), jnp.float32)],
        mesh=_sc_mesh(),
        scratch_types=[
            pltpu.VMEM_SHARED((N, D), jnp.float32),
            pltpu.VMEM((CHUNK,), jnp.int32),
            pltpu.VMEM((CHUNK,), jnp.int32),
            pltpu.VMEM((2, CHUNK, D), jnp.float32),
            pltpu.SemaphoreType.DMA,
            pltpu.SemaphoreType.DMA,
        ],
    )


@functools.cache
def _make_sc_count():
    def body(dst_hbm, z128, ones_hbm, cparts, acc, ibuf0, ibuf1, ones_v,
             sem0, sem1):
        cid = lax.axis_index("c")
        sid = lax.axis_index("s")
        wid = sid * NC + cid
        r0 = pl.multiple_of(sid * ROWS_MAIN, 8)

        pltpu.sync_copy(z128.at[pl.ds(r0, ROWS_MAIN)],
                        acc.at[pl.ds(r0, ROWS_MAIN)])
        pltpu.sync_copy(ones_hbm, ones_v)

        @pl.when(sid == NS - 1)
        def _():
            pltpu.sync_copy(z128.at[pl.ds(TAIL0, TAIL)],
                            acc.at[pl.ds(TAIL0, TAIL)])

        plsc.subcore_barrier()
        e0 = wid * EPW
        ibuf = (ibuf0, ibuf1)
        sem = (sem0, sem1)

        def load_start(k, p):
            pltpu.async_copy(dst_hbm.at[pl.ds(e0 + k * CHUNK, CHUNK)],
                             ibuf[p], sem[p])

        def load_wait(p):
            pltpu.make_async_copy(dst_hbm.at[pl.ds(0, CHUNK)], ibuf[p],
                                  sem[p]).wait()

        def scatter_add(p):
            pltpu.sync_copy(ones_v, acc.at[ibuf[p]], add=True)

        load_start(0, 0)
        load_wait(0)
        load_start(1, 1)
        scatter_add(0)

        def loop(j, _):
            k = 1 + j * 2
            load_wait(1)

            @pl.when(k + 1 < CPW)
            def _():
                load_start(k + 1, 0)

            scatter_add(1)
            load_wait(0)

            @pl.when(k + 2 < CPW)
            def _():
                load_start(k + 2, 1)

            scatter_add(0)
            return 0

        lax.fori_loop(0, (CPW - 1) // 2, loop, 0)
        plsc.subcore_barrier()

        o0 = pl.multiple_of(cid * N + r0, 8)
        pltpu.sync_copy(acc.at[pl.ds(r0, ROWS_MAIN)],
                        cparts.at[pl.ds(o0, ROWS_MAIN)])

        @pl.when(sid == NS - 1)
        def _():
            ot = pl.multiple_of(cid * N + TAIL0, 8)
            pltpu.sync_copy(acc.at[pl.ds(TAIL0, TAIL)],
                            cparts.at[pl.ds(ot, TAIL)])

    return pl.kernel(
        body,
        out_type=[jax.ShapeDtypeStruct((NC * N, D), jnp.float32)],
        mesh=_sc_mesh(),
        scratch_types=[
            pltpu.VMEM_SHARED((N, D), jnp.float32),
            pltpu.VMEM((CHUNK,), jnp.int32),
            pltpu.VMEM((CHUNK,), jnp.int32),
            pltpu.VMEM((CHUNK, D), jnp.float32),
            pltpu.SemaphoreType.DMA,
            pltpu.SemaphoreType.DMA,
        ],
    )


def _sc_count(dst, z128, ones128):
    (cparts,) = _make_sc_count()(dst, z128, ones128)
    return cparts.reshape(NC, N, D)[:, :, :CW]


def _sc_scatter(t, dst, z128):
    (sparts,) = _make_sc_scatter()(t, dst, z128)
    return sparts.reshape(NC, N, D)



def kernel(x, edge_index, batch, W1a, b1a, W1b, b1b, Wsc1, bsc1,
           W2a, b2a, W2b, b2b, Wsc2, bsc2, Wm, bm, Wo, bo):
    src = edge_index[0]
    dst = edge_index[1]
    batch3 = batch.reshape(NB_N, 1, BN).astype(jnp.int32)

    W1u = W1a[:D] - W1a[D:]
    W1v = W1a[D:]
    W2u = W2a[:D] - W2a[D:]
    W2v = W2a[D:]
    r = lambda b: b.reshape(1, -1)

    z128 = jnp.zeros((N, D), jnp.float32)
    ones128 = jnp.ones((CHUNK, D), jnp.float32)

    u1, v1, sc1 = _prep(x, W1u, W1v, Wsc1, r(bsc1))
    p1 = _sc_gather(u1, v1, dst, src)
    t1 = _edge_mlp(p1, r(b1a), W1b, r(b1b))
    sparts1 = _sc_scatter(t1, dst, z128)
    cparts = _sc_count(dst, z128, ones128)
    o1, s1, q1, c1 = _combine_stats(sparts1, cparts, sc1, batch3)

    u2, v2, sc2 = _norm_prep(o1, batch3, s1, q1, c1, W2u, W2v, Wsc2, r(bsc2))
    p2 = _sc_gather(u2, v2, dst, src)
    t2 = _edge_mlp(p2, r(b2a), W2b, r(b2b))
    sparts2 = _sc_scatter(t2, dst, z128)
    o2, s2, q2, c2 = _combine_stats(sparts2, cparts, sc2, batch3)

    pool = _norm_pool(o2, batch3, s2, q2, c2)
    return _final_mlp(pool, c2, Wm, r(bm), Wo, r(bo))

# --- scband reference (transcript-rebuilt; emitter-appended) ---
"""Pipeline reference for scband-particle-net-geometric-65773129171008 (READ-ONLY COPY).

The authoritative reference and input builder live on the scoring server;
editing this copy changes nothing except your own understanding.
"""

import jax, jax.numpy as jnp
import numpy as np

N = 10000
E = 320000
D = 128
G = 64


def _lin_init(key, fan_in, fan_out):
    k1, k2 = jax.random.split(key)
    bound = 1.0 / np.sqrt(fan_in)
    W = jax.random.uniform(k1, (fan_in, fan_out), minval=-bound, maxval=bound, dtype=jnp.float32)
    b = jax.random.uniform(k2, (fan_out,), minval=-bound, maxval=bound, dtype=jnp.float32)
    return W, b


def setup_inputs(seed: int = 0):
    key = jax.random.key(seed)
    ks = jax.random.split(key, 12)
    x = jax.random.normal(ks[0], (N, D), dtype=jnp.float32)
    edge_index = jax.random.randint(ks[1], (2, E), 0, N)
    batch = jnp.sort(jax.random.randint(ks[2], (N,), 0, G))
    W1a, b1a = _lin_init(ks[3], 2 * D, D)
    W1b, b1b = _lin_init(ks[4], D, D)
    Wsc1, bsc1 = _lin_init(ks[5], D, D)
    W2a, b2a = _lin_init(ks[6], 2 * D, D)
    W2b, b2b = _lin_init(ks[7], D, D)
    Wsc2, bsc2 = _lin_init(ks[8], D, D)
    Wm, bm = _lin_init(ks[9], D, 256)
    Wo, bo = _lin_init(ks[10], 256, 2)
    return dict(x=x, edge_index=edge_index, batch=batch,
                W1a=W1a, b1a=b1a, W1b=W1b, b1b=b1b, Wsc1=Wsc1, bsc1=bsc1,
                W2a=W2a, b2a=b2a, W2b=W2b, b2b=b2b, Wsc2=Wsc2, bsc2=bsc2,
                Wm=Wm, bm=bm, Wo=Wo, bo=bo)


def _edge_conv(x, src, dst, Wa, ba, Wb, bb, Wsc, bsc):
    # FilteredDynamicEdgeConv (enable_knn=False): message = nn([x_i, x_j - x_i]),
    # aggr='mean' at dst, plus shortcut Linear on x.
    xi = x[dst]
    xj = x[src]
    m = jnp.concatenate([xi, xj - xi], axis=-1)
    h = jax.nn.relu(m @ Wa + ba)
    h = jax.nn.relu(h @ Wb + bb)
    s = jax.ops.segment_sum(h, dst, num_segments=N)
    cnt = jax.ops.segment_sum(jnp.ones((dst.shape[0],), jnp.float32), dst, num_segments=N)
    agg = s / jnp.maximum(cnt, 1.0)[:, None]
    return agg + x @ Wsc + bsc


def _instance_norm(x, batch):
    # PyG InstanceNorm (affine=False): per-graph per-channel normalization
    cnt = jax.ops.segment_sum(jnp.ones((x.shape[0],), jnp.float32), batch, num_segments=G)
    cnt = jnp.maximum(cnt, 1.0)
    mean = jax.ops.segment_sum(x, batch, num_segments=G) / cnt[:, None]
    sq = jax.ops.segment_sum(x * x, batch, num_segments=G) / cnt[:, None]
    var = jnp.maximum(sq - mean * mean, 0.0)
    return (x - mean[batch]) / jnp.sqrt(var[batch] + 1e-5)


def reference(x, edge_index, batch, W1a, b1a, W1b, b1b, Wsc1, bsc1,
              W2a, b2a, W2b, b2b, Wsc2, bsc2, Wm, bm, Wo, bo):
    src = edge_index[0]
    dst = edge_index[1]
    h = _edge_conv(x, src, dst, W1a, b1a, W1b, b1b, Wsc1, bsc1)
    h = jax.nn.relu(_instance_norm(h, batch))
    h = _edge_conv(h, src, dst, W2a, b2a, W2b, b2b, Wsc2, bsc2)
    h = jax.nn.relu(_instance_norm(h, batch))
    # final mean pooling per graph
    cnt = jax.ops.segment_sum(jnp.ones((N,), jnp.float32), batch, num_segments=G)
    pooled = jax.ops.segment_sum(h, batch, num_segments=G) / jnp.maximum(cnt, 1.0)[:, None]
    # final MLP (dropout is identity in eval)
    h = jax.nn.relu(pooled @ Wm + bm)
    out = h @ Wo + bo
    return out

if __name__ == "__main__":
    import jax
    _d = setup_inputs()
    print(jax.jit(kernel)(*tuple(_d.values())))

</pallas_src>

<mosaic_0001>
#map = affine_map<(d0, d1) -> (0, 0)>
#map1 = affine_map<(d0, d1) -> (0)>
module attributes {stable_mosaic.version = 14 : i64} {
  func.func @body(%arg0: i32, %arg1: i32, %arg2: memref<10000x128xf32, #tpu.memory_space<hbm>>, %arg3: memref<10000x128xf32, #tpu.memory_space<hbm>>, %arg4: memref<320000xi32, #tpu.memory_space<hbm>>, %arg5: memref<320000xi32, #tpu.memory_space<hbm>>, %arg6: memref<320000x128xf32, #tpu.memory_space<hbm>>, %arg7: memref<2x80xi32, #tpu.memory_space<vmem>>, %arg8: memref<2x80xi32, #tpu.memory_space<vmem>>, %arg9: memref<2x80x128xf32, #tpu.memory_space<vmem>>, %arg10: memref<2x80x128xf32, #tpu.memory_space<vmem>>, %arg11: memref<!tpu.dma_semaphore, #tpu.memory_space<semaphore_mem>>, %arg12: memref<!tpu.dma_semaphore, #tpu.memory_space<semaphore_mem>>, %arg13: memref<!tpu.dma_semaphore, #tpu.memory_space<semaphore_mem>>, %arg14: memref<!tpu.dma_semaphore, #tpu.memory_space<semaphore_mem>>, %arg15: memref<!tpu.dma_semaphore, #tpu.memory_space<semaphore_mem>>) attributes {dimension_semantics = [#tpu.dimension_semantics<core_parallel>, #tpu.dimension_semantics<subcore_parallel>], iteration_bounds = array<i64: 2, 16>, scalar_prefetch = 0 : i64, scratch_operands = 9 : i64, tpu.core_type = #tpu.core_type<sc_vector_subcore>, window_params = [{transform_indices = #map}, {transform_indices = #map}, {transform_indices = #map1}, {transform_indices = #map1}, {transform_indices = #map}]} {
    %mul3A = arith.constant 2 : i32
    %mul3A_0 = arith.muli %arg1, %mul3A : i32
    %add3A = arith.addi %mul3A_0, %arg0 : i32
    %mul3A_1 = arith.constant 10000 : i32
    %mul3A_2 = arith.muli %add3A, %mul3A_1 : i32
    %add3A_3 = arith.constant 0 : i32
    %add3A_4 = arith.addi %mul3A_2, %add3A_3 : i32
    %dma_start3A = arith.constant 0 : i32
    %dma_start3A_5 = arith.constant 0 : i32
    %dma_start3A_6 = tpu.memref_slice %arg7[%dma_start3A, %dma_start3A_5] : memref<2x80xi32, #tpu.memory_space<vmem>> -> memref<1x80xi32, #tpu.memory_space<vmem>>
    %dma_start3A_7 = tpu.memref_squeeze %dma_start3A_6 : memref<1x80xi32, #tpu.memory_space<vmem>> -> memref<80xi32, #tpu.memory_space<vmem>>
    %dma_start3A_8 = tpu.memref_slice %arg4[%add3A_4] : memref<320000xi32, #tpu.memory_space<hbm>> -> memref<80xi32, #tpu.memory_space<hbm>>
    %dma_start3A_9 = arith.constant 0 : i32
    %dma_start3A_10 = tpu.memref_slice %arg7[%dma_start3A, %dma_start3A_9] : memref<2x80xi32, #tpu.memory_space<vmem>> -> memref<1x80xi32, #tpu.memory_space<vmem>>
    %dma_start3A_11 = tpu.memref_squeeze %dma_start3A_10 : memref<1x80xi32, #tpu.memory_space<vmem>> -> memref<80xi32, #tpu.memory_space<vmem>>
    %dma_start3A_12 = tpu.memref_slice %arg4[%add3A_4] : memref<320000xi32, #tpu.memory_space<hbm>> -> memref<80xi32, #tpu.memory_space<hbm>>
    tpu.enqueue_dma source(%dma_start3A_12 : memref<80xi32, #tpu.memory_space<hbm>>) target(%dma_start3A_11 : memref<80xi32, #tpu.memory_space<vmem>>) target_semaphore(%arg11 : memref<!tpu.dma_semaphore, #tpu.memory_space<semaphore_mem>>)
    %dma_start3A_13 = arith.constant 0 : i32
    %dma_start3A_14 = arith.constant 0 : i32
    %dma_start3A_15 = tpu.memref_slice %arg8[%dma_start3A_13, %dma_start3A_14] : memref<2x80xi32, #tpu.memory_space<vmem>> -> memref<1x80xi32, #tpu.memory_space<vmem>>
    %dma_start3A_16 = tpu.memref_squeeze %dma_start3A_15 : memref<1x80xi32, #tpu.memory_space<vmem>> -> memref<80xi32, #tpu.memory_space<vmem>>
    %dma_start3A_17 = tpu.memref_slice %arg5[%add3A_4] : memref<320000xi32, #tpu.memory_space<hbm>> -> memref<80xi32, #tpu.memory_space<hbm>>
    %dma_start3A_18 = arith.constant 0 : i32
    %dma_start3A_19 = tpu.memref_slice %arg8[%dma_start3A_13, %dma_start3A_18] : memref<2x80xi32, #tpu.memory_space<vmem>> -> memref<1x80xi32, #tpu.memory_space<vmem>>
    %dma_start3A_20 = tpu.memref_squeeze %dma_start3A_19 : memref<1x80xi32, #tpu.memory_space<vmem>> -> memref<80xi32, #tpu.memory_space<vmem>>
    %dma_start3A_21 = tpu.memref_slice %arg5[%add3A_4] : memref<320000xi32, #tpu.memory_space<hbm>> -> memref<80xi32, #tpu.memory_space<hbm>>
    tpu.enqueue_dma source(%dma_start3A_21 : memref<80xi32, #tpu.memory_space<hbm>>) target(%dma_start3A_20 : memref<80xi32, #tpu.memory_space<vmem>>) target_semaphore(%arg11 : memref<!tpu.dma_semaphore, #tpu.memory_space<semaphore_mem>>)
    %dma_wait3A = arith.constant 0 : i32
    %dma_wait3A_22 = arith.constant 0 : i32
    %dma_wait3A_23 = tpu.memref_slice %arg7[%dma_wait3A, %dma_wait3A_22] : memref<2x80xi32, #tpu.memory_space<vmem>> -> memref<1x80xi32, #tpu.memory_space<vmem>>
    %dma_wait3A_24 = tpu.memref_squeeze %dma_wait3A_23 : memref<1x80xi32, #tpu.memory_space<vmem>> -> memref<80xi32, #tpu.memory_space<vmem>>
    %dma_wait3A_25 = arith.constant 0 : i32
    %dma_wait3A_26 = tpu.memref_slice %arg4[%dma_wait3A_25] : memref<320000xi32, #tpu.memory_space<hbm>> -> memref<80xi32, #tpu.memory_space<hbm>>
    %dma_wait3A_27 = arith.constant 0 : i32
    %dma_wait3A_28 = tpu.memref_slice %arg7[%dma_wait3A, %dma_wait3A_27] : memref<2x80xi32, #tpu.memory_space<vmem>> -> memref<1x80xi32, #tpu.memory_space<vmem>>
    %dma_wait3A_29 = tpu.memref_squeeze %dma_wait3A_28 : memref<1x80xi32, #tpu.memory_space<vmem>> -> memref<80xi32, #tpu.memory_space<vmem>>
    %dma_wait3A_30 = arith.constant 0 : i32
    %dma_wait3A_31 = tpu.memref_slice %arg4[%dma_wait3A_30] : memref<320000xi32, #tpu.memory_space<hbm>> -> memref<80xi32, #tpu.memory_space<hbm>>
    tpu.wait_dma2 semaphore(%arg11 : memref<!tpu.dma_semaphore, #tpu.memory_space<semaphore_mem>>) src(%dma_wait3A_31 : memref<80xi32, #tpu.memory_space<hbm>>) dst(%dma_wait3A_29 : memref<80xi32, #tpu.memory_space<vmem>>)
    %dma_wait3A_32 = arith.constant 0 : i32
    %dma_wait3A_33 = arith.constant 0 : i32
    %dma_wait3A_34 = tpu.memref_slice %arg8[%dma_wait3A_32, %dma_wait3A_33] : memref<2x80xi32, #tpu.memory_space<vmem>> -> memref<1x80xi32, #tpu.memory_space<vmem>>
    %dma_wait3A_35 = tpu.memref_squeeze %dma_wait3A_34 : memref<1x80xi32, #tpu.memory_space<vmem>> -> memref<80xi32, #tpu.memory_space<vmem>>
    %dma_wait3A_36 = arith.constant 0 : i32
    %dma_wait3A_37 = tpu.memref_slice %arg5[%dma_wait3A_36] : memref<320000xi32, #tpu.memory_space<hbm>> -> memref<80xi32, #tpu.memory_space<hbm>>
    %dma_wait3A_38 = arith.constant 0 : i32
    %dma_wait3A_39 = tpu.memref_slice %arg8[%dma_wait3A_32, %dma_wait3A_38] : memref<2x80xi32, #tpu.memory_space<vmem>> -> memref<1x80xi32, #tpu.memory_space<vmem>>
    %dma_wait3A_40 = tpu.memref_squeeze %dma_wait3A_39 : memref<1x80xi32, #tpu.memory_space<vmem>> -> memref<80xi32, #tpu.memory_space<vmem>>
    %dma_wait3A_41 = arith.constant 0 : i32
    %dma_wait3A_42 = tpu.memref_slice %arg5[%dma_wait3A_41] : memref<320000xi32, #tpu.memory_space<hbm>> -> memref<80xi32, #tpu.memory_space<hbm>>
    tpu.wait_dma2 semaphore(%arg11 : memref<!tpu.dma_semaphore, #tpu.memory_space<semaphore_mem>>) src(%dma_wait3A_42 : memref<80xi32, #tpu.memory_space<hbm>>) dst(%dma_wait3A_40 : memref<80xi32, #tpu.memory_space<vmem>>)
    %add3A_43 = arith.constant 80 : i32
    %add3A_44 = arith.addi %mul3A_2, %add3A_43 : i32
    %dma_start3A_45 = arith.constant 1 : i32
    %dma_start3A_46 = arith.constant 0 : i32
    %dma_start3A_47 = tpu.memref_slice %arg7[%dma_start3A_45, %dma_start3A_46] : memref<2x80xi32, #tpu.memory_space<vmem>> -> memref<1x80xi32, #tpu.memory_space<vmem>>
    %dma_start3A_48 = tpu.memref_squeeze %dma_start3A_47 : memref<1x80xi32, #tpu.memory_space<vmem>> -> memref<80xi32, #tpu.memory_space<vmem>>
    %dma_start3A_49 = tpu.memref_slice %arg4[%add3A_44] : memref<320000xi32, #tpu.memory_space<hbm>> -> memref<80xi32, #tpu.memory_space<hbm>>
    %dma_start3A_50 = arith.constant 0 : i32
    %dma_start3A_51 = tpu.memref_slice %arg7[%dma_start3A_45, %dma_start3A_50] : memref<2x80xi32, #tpu.memory_space<vmem>> -> memref<1x80xi32, #tpu.memory_space<vmem>>
    %dma_start3A_52 = tpu.memref_squeeze %dma_start3A_51 : memref<1x80xi32, #tpu.memory_space<vmem>> -> memref<80xi32, #tpu.memory_space<vmem>>
    %dma_start3A_53 = tpu.memref_slice %arg4[%add3A_44] : memref<320000xi32, #tpu.memory_space<hbm>> -> memref<80xi32, #tpu.memory_space<hbm>>
    tpu.enqueue_dma source(%dma_start3A_53 : memref<80xi32, #tpu.memory_space<hbm>>) target(%dma_start3A_52 : memref<80xi32, #tpu.memory_space<vmem>>) target_semaphore(%arg12 : memref<!tpu.dma_semaphore, #tpu.memory_space<semaphore_mem>>)
    %dma_start3A_54 = arith.constant 1 : i32
    %dma_start3A_55 = arith.constant 0 : i32
    %dma_start3A_56 = tpu.memref_slice %arg8[%dma_start3A_54, %dma_start3A_55] : memref<2x80xi32, #tpu.memory_space<vmem>> -> memref<1x80xi32, #tpu.memory_space<vmem>>
    %dma_start3A_57 = tpu.memref_squeeze %dma_start3A_56 : memref<1x80xi32, #tpu.memory_space<vmem>> -> memref<80xi32, #tpu.memory_space<vmem>>
    %dma_start3A_58 = tpu.memref_slice %arg5[%add3A_44] : memref<320000xi32, #tpu.memory_space<hbm>> -> memref<80xi32, #tpu.memory_space<hbm>>
    %dma_start3A_59 = arith.constant 0 : i32
    %dma_start3A_60 = tpu.memref_slice %arg8[%dma_start3A_54, %dma_start3A_59] : memref<2x80xi32, #tpu.memory_space<vmem>> -> memref<1x80xi32, #tpu.memory_space<vmem>>
    %dma_start3A_61 = tpu.memref_squeeze %dma_start3A_60 : memref<1x80xi32, #tpu.memory_space<vmem>> -> memref<80xi32, #tpu.memory_space<vmem>>
    %dma_start3A_62 = tpu.memref_slice %arg5[%add3A_44] : memref<320000xi32, #tpu.memory_space<hbm>> -> memref<80xi32, #tpu.memory_space<hbm>>
    tpu.enqueue_dma source(%dma_start3A_62 : memref<80xi32, #tpu.memory_space<hbm>>) target(%dma_start3A_61 : memref<80xi32, #tpu.memory_space<vmem>>) target_semaphore(%arg12 : memref<!tpu.dma_semaphore, #tpu.memory_space<semaphore_mem>>)
    %dma_start3A_63 = arith.constant 0 : i32
    %dma_start3A_64 = arith.constant 0 : i32
    %dma_start3A_65 = arith.constant 0 : i32
    %dma_start3A_66 = arith.constant 0 : i32
    %dma_start3A_67 = tpu.memref_slice %arg9[%dma_start3A_64, %dma_start3A_65, %dma_start3A_66] : memref<2x80x128xf32, #tpu.memory_space<vmem>> -> memref<1x80x128xf32, #tpu.memory_space<vmem>>
    %dma_start3A_68 = tpu.memref_squeeze %dma_start3A_67 : memref<1x80x128xf32, #tpu.memory_space<vmem>> -> memref<80x128xf32, #tpu.memory_space<vmem>>
    %dma_start3A_69 = arith.constant 0 : i32
    %dma_start3A_70 = tpu.memref_slice %arg7[%dma_start3A_63, %dma_start3A_69] : memref<2x80xi32, #tpu.memory_space<vmem>> -> memref<1x80xi32, #tpu.memory_space<vmem>>
    %dma_start3A_71 = tpu.memref_squeeze %dma_start3A_70 : memref<1x80xi32, #tpu.memory_space<vmem>> -> memref<80xi32, #tpu.memory_space<vmem>>
    %dma_start3A_72 = arith.constant 0 : i32
    %dma_start3A_73 = arith.constant 0 : i32
    %dma_start3A_74 = tpu.memref_slice %arg2[%dma_start3A_72, %dma_start3A_73] : memref<10000x128xf32, #tpu.memory_space<hbm>> -> memref<10000x128xf32, #tpu.memory_space<hbm>>
    tpu.enqueue_indirect_dma source(%dma_start3A_74 : memref<10000x128xf32, #tpu.memory_space<hbm>>) target(%dma_start3A_68 : memref<80x128xf32, #tpu.memory_space<vmem>>) offsets(%dma_start3A_71 : memref<80xi32, #tpu.memory_space<vmem>>) semaphore(%arg13 : memref<!tpu.dma_semaphore, #tpu.memory_space<semaphore_mem>>)
    %dma_wait3A_75 = arith.constant 0 : i32
    %dma_wait3A_76 = arith.constant 0 : i32
    %dma_wait3A_77 = arith.constant 0 : i32
    %dma_wait3A_78 = arith.constant 0 : i32
    %dma_wait3A_79 = tpu.memref_slice %arg9[%dma_wait3A_76, %dma_wait3A_77, %dma_wait3A_78] : memref<2x80x128xf32, #tpu.memory_space<vmem>> -> memref<1x80x128xf32, #tpu.memory_space<vmem>>
    %dma_wait3A_80 = tpu.memref_squeeze %dma_wait3A_79 : memref<1x80x128xf32, #tpu.memory_space<vmem>> -> memref<80x128xf32, #tpu.memory_space<vmem>>
    %dma_wait3A_81 = arith.constant 0 : i32
    %dma_wait3A_82 = tpu.memref_slice %arg7[%dma_wait3A_75, %dma_wait3A_81] : memref<2x80xi32, #tpu.memory_space<vmem>> -> memref<1x80xi32, #tpu.memory_space<vmem>>
    %dma_wait3A_83 = tpu.memref_squeeze %dma_wait3A_82 : memref<1x80xi32, #tpu.memory_space<vmem>> -> memref<80xi32, #tpu.memory_space<vmem>>
    %dma_wait3A_84 = arith.constant 0 : i32
    %dma_wait3A_85 = arith.constant 0 : i32
    %dma_wait3A_86 = tpu.memref_slice %arg2[%dma_wait3A_84, %dma_wait3A_85] : memref<10000x128xf32, #tpu.memory_space<hbm>> -> memref<10000x128xf32, #tpu.memory_space<hbm>>
    tpu.wait_indirect_dma semaphore(%arg13 : memref<!tpu.dma_semaphore, #tpu.memory_space<semaphore_mem>>) src(%dma_wait3A_86 : memref<10000x128xf32, #tpu.memory_space<hbm>>) dst(%dma_wait3A_80 : memref<80x128xf32, #tpu.memory_space<vmem>>)
    %dma_start3A_87 = arith.constant 0 : i32
    %dma_start3A_88 = arith.constant 0 : i32
    %dma_start3A_89 = arith.constant 0 : i32
    %dma_start3A_90 = arith.constant 0 : i32
    %dma_start3A_91 = tpu.memref_slice %arg10[%dma_start3A_88, %dma_start3A_89, %dma_start3A_90] : memref<2x80x128xf32, #tpu.memory_space<vmem>> -> memref<1x80x128xf32, #tpu.memory_space<vmem>>
    %dma_start3A_92 = tpu.memref_squeeze %dma_start3A_91 : memref<1x80x128xf32, #tpu.memory_space<vmem>> -> memref<80x128xf32, #tpu.memory_space<vmem>>
    %dma_start3A_93 = arith.constant 0 : i32
    %dma_start3A_94 = tpu.memref_slice %arg8[%dma_start3A_87, %dma_start3A_93] : memref<2x80xi32, #tpu.memory_space<vmem>> -> memref<1x80xi32, #tpu.memory_space<vmem>>
    %dma_start3A_95 = tpu.memref_squeeze %dma_start3A_94 : memref<1x80xi32, #tpu.memory_space<vmem>> -> memref<80xi32, #tpu.memory_space<vmem>>
    %dma_start3A_96 = arith.constant 0 : i32
    %dma_start3A_97 = arith.constant 0 : i32
    %dma_start3A_98 = tpu.memref_slice %arg3[%dma_start3A_96, %dma_start3A_97] : memref<10000x128xf32, #tpu.memory_space<hbm>> -> memref<10000x128xf32, #tpu.memory_space<hbm>>
    tpu.enqueue_indirect_dma source(%dma_start3A_98 : memref<10000x128xf32, #tpu.memory_space<hbm>>) target(%dma_start3A_92 : memref<80x128xf32, #tpu.memory_space<vmem>>) offsets(%dma_start3A_95 : memref<80xi32, #tpu.memory_space<vmem>>) semaphore(%arg13 : memref<!tpu.dma_semaphore, #tpu.memory_space<semaphore_mem>>)
    %dma_wait3A_99 = arith.constant 0 : i32
    %dma_wait3A_100 = arith.constant 0 : i32
    %dma_wait3A_101 = arith.constant 0 : i32
    %dma_wait3A_102 = arith.constant 0 : i32
    %dma_wait3A_103 = tpu.memref_slice %arg10[%dma_wait3A_100, %dma_wait3A_101, %dma_wait3A_102] : memref<2x80x128xf32, #tpu.memory_space<vmem>> -> memref<1x80x128xf32, #tpu.memory_space<vmem>>
    %dma_wait3A_104 = tpu.memref_squeeze %dma_wait3A_103 : memref<1x80x128xf32, #tpu.memory_space<vmem>> -> memref<80x128xf32, #tpu.memory_space<vmem>>
    %dma_wait3A_105 = arith.constant 0 : i32
    %dma_wait3A_106 = tpu.memref_slice %arg8[%dma_wait3A_99, %dma_wait3A_105] : memref<2x80xi32, #tpu.memory_space<vmem>> -> memref<1x80xi32, #tpu.memory_space<vmem>>
    %dma_wait3A_107 = tpu.memref_squeeze %dma_wait3A_106 : memref<1x80xi32, #tpu.memory_space<vmem>> -> memref<80xi32, #tpu.memory_space<vmem>>
    %dma_wait3A_108 = arith.constant 0 : i32
    %dma_wait3A_109 = arith.constant 0 : i32
    %dma_wait3A_110 = tpu.memref_slice %arg3[%dma_wait3A_108, %dma_wait3A_109] : memref<10000x128xf32, #tpu.memory_space<hbm>> -> memref<10000x128xf32, #tpu.memory_space<hbm>>
    tpu.wait_indirect_dma semaphore(%arg13 : memref<!tpu.dma_semaphore, #tpu.memory_space<semaphore_mem>>) src(%dma_wait3A_110 : memref<10000x128xf32, #tpu.memory_space<hbm>>) dst(%dma_wait3A_104 : memref<80x128xf32, #tpu.memory_space<vmem>>)
    %scan3A = arith.constant 0 : i32
    %scan3A_111 = arith.constant 0 : i32
    %scan3A_112 = arith.constant 62 : i32
    %scan3A_113 = arith.addi %scan3A_111, %scan3A_112 : i32
    %scan3A_114 = arith.constant 1 : i32
    %scan3A_115 = scf.for %scan3A_169 = %scan3A_111 to %scan3A_113 step %scan3A_114 iter_args(%scan3A_170 = %scan3A) -> (i32)  : i32 {
      %mul3A_171 = arith.constant 2 : i32
      %mul3A_172 = arith.muli %mul3A_171, %scan3A_169 : i32
      %dma_wait3A_173 = arith.constant 1 : i32
      %dma_wait3A_174 = arith.constant 0 : i32
      %dma_wait3A_175 = tpu.memref_slice %arg7[%dma_wait3A_173, %dma_wait3A_174] : memref<2x80xi32, #tpu.memory_space<vmem>> -> memref<1x80xi32, #tpu.memory_space<vmem>>
      %dma_wait3A_176 = tpu.memref_squeeze %dma_wait3A_175 : memref<1x80xi32, #tpu.memory_space<vmem>> -> memref<80xi32, #tpu.memory_space<vmem>>
      %dma_wait3A_177 = arith.constant 0 : i32
      %dma_wait3A_178 = tpu.memref_slice %arg4[%dma_wait3A_177] : memref<320000xi32, #tpu.memory_space<hbm>> -> memref<80xi32, #tpu.memory_space<hbm>>
      %dma_wait3A_179 = arith.constant 0 : i32
      %dma_wait3A_180 = tpu.memref_slice %arg7[%dma_wait3A_173, %dma_wait3A_179] : memref<2x80xi32, #tpu.memory_space<vmem>> -> memref<1x80xi32, #tpu.memory_space<vmem>>
      %dma_wait3A_181 = tpu.memref_squeeze %dma_wait3A_180 : memref<1x80xi32, #tpu.memory_space<vmem>> -> memref<80xi32, #tpu.memory_space<vmem>>
      %dma_wait3A_182 = arith.constant 0 : i32
      %dma_wait3A_183 = tpu.memref_slice %arg4[%dma_wait3A_182] : memref<320000xi32, #tpu.memory_space<hbm>> -> memref<80xi32, #tpu.memory_space<hbm>>
      tpu.wait_dma2 semaphore(%arg12 : memref<!tpu.dma_semaphore, #tpu.memory_space<semaphore_mem>>) src(%dma_wait3A_183 : memref<80xi32, #tpu.memory_space<hbm>>) dst(%dma_wait3A_181 : memref<80xi32, #tpu.memory_space<vmem>>)
      %dma_wait3A_184 = arith.constant 1 : i32
      %dma_wait3A_185 = arith.constant 0 : i32
      %dma_wait3A_186 = tpu.memref_slice %arg8[%dma_wait3A_184, %dma_wait3A_185] : memref<2x80xi32, #tpu.memory_space<vmem>> -> memref<1x80xi32, #tpu.memory_space<vmem>>
      %dma_wait3A_187 = tpu.memref_squeeze %dma_wait3A_186 : memref<1x80xi32, #tpu.memory_space<vmem>> -> memref<80xi32, #tpu.memory_space<vmem>>
      %dma_wait3A_188 = arith.constant 0 : i32
      %dma_wait3A_189 = tpu.memref_slice %arg5[%dma_wait3A_188] : memref<320000xi32, #tpu.memory_space<hbm>> -> memref<80xi32, #tpu.memory_space<hbm>>
      %dma_wait3A_190 = arith.constant 0 : i32
      %dma_wait3A_191 = tpu.memref_slice %arg8[%dma_wait3A_184, %dma_wait3A_190] : memref<2x80xi32, #tpu.memory_space<vmem>> -> memref<1x80xi32, #tpu.memory_space<vmem>>
      %dma_wait3A_192 = tpu.memref_squeeze %dma_wait3A_191 : memref<1x80xi32, #tpu.memory_space<vmem>> -> memref<80xi32, #tpu.memory_space<vmem>>
      %dma_wait3A_193 = arith.constant 0 : i32
      %dma_wait3A_194 = tpu.memref_slice %arg5[%dma_wait3A_193] : memref<320000xi32, #tpu.memory_space<hbm>> -> memref<80xi32, #tpu.memory_space<hbm>>
      tpu.wait_dma2 semaphore(%arg12 : memref<!tpu.dma_semaphore, #tpu.memory_space<semaphore_mem>>) src(%dma_wait3A_194 : memref<80xi32, #tpu.memory_space<hbm>>) dst(%dma_wait3A_192 : memref<80xi32, #tpu.memory_space<vmem>>)
      %add3A_195 = arith.constant 2 : i32
      %add3A_196 = arith.addi %mul3A_172, %add3A_195 : i32
      %lt3A = arith.constant 125 : i32
      %lt3A_197 = arith.cmpi slt, %add3A_196, %lt3A : i32
      %convert_element_type3A = arith.extui %lt3A_197 : i1 to i32
      %cond3A = arith.constant 0 : i32
      %cond3A_198 = arith.cmpi ne, %convert_element_type3A, %cond3A : i32
      scf.if %cond3A_198 {
        %add3A_402 = arith.constant 2 : i32
        %add3A_403 = arith.addi %mul3A_172, %add3A_402 : i32
        %mul3A_404 = arith.constant 80 : i32
        %mul3A_405 = arith.muli %add3A_403, %mul3A_404 : i32
        %add3A_406 = arith.addi %mul3A_2, %mul3A_405 : i32
        %dma_start3A_407 = arith.constant 0 : i32
        %dma_start3A_408 = arith.constant 0 : i32
        %dma_start3A_409 = tpu.memref_slice %arg7[%dma_start3A_407, %dma_start3A_408] : memref<2x80xi32, #tpu.memory_space<vmem>> -> memref<1x80xi32, #tpu.memory_space<vmem>>
        %dma_start3A_410 = tpu.memref_squeeze %dma_start3A_409 : memref<1x80xi32, #tpu.memory_space<vmem>> -> memref<80xi32, #tpu.memory_space<vmem>>
        %dma_start3A_411 = tpu.memref_slice %arg4[%add3A_406] : memref<320000xi32, #tpu.memory_space<hbm>> -> memref<80xi32, #tpu.memory_space<hbm>>
        %dma_start3A_412 = arith.constant 0 : i32
        %dma_start3A_413 = tpu.memref_slice %arg7[%dma_start3A_407, %dma_start3A_412] : memref<2x80xi32, #tpu.memory_space<vmem>> -> memref<1x80xi32, #tpu.memory_space<vmem>>
        %dma_start3A_414 = tpu.memref_squeeze %dma_start3A_413 : memref<1x80xi32, #tpu.memory_space<vmem>> -> memref<80xi32, #tpu.memory_space<vmem>>
        %dma_start3A_415 = tpu.memref_slice %arg4[%add3A_406] : memref<320000xi32, #tpu.memory_space<hbm>> -> memref<80xi32, #tpu.memory_space<hbm>>
        tpu.enqueue_dma source(%dma_start3A_415 : memref<80xi32, #tpu.memory_space<hbm>>) target(%dma_start3A_414 : memref<80xi32, #tpu.memory_space<vmem>>) target_semaphore(%arg11 : memref<!tpu.dma_semaphore, #tpu.memory_space<semaphore_mem>>)
        %dma_start3A_416 = arith.constant 0 : i32
        %dma_start3A_417 = arith.constant 0 : i32
        %dma_start3A_418 = tpu.memref_slice %arg8[%dma_start3A_416, %dma_start3A_417] : memref<2x80xi32, #tpu.memory_space<vmem>> -> memref<1x80xi32, #tpu.memory_space<vmem>>
        %dma_start3A_419 = tpu.memref_squeeze %dma_start3A_418 : memref<1x80xi32, #tpu.memory_space<vmem>> -> memref<80xi32, #tpu.memory_space<vmem>>
        %dma_start3A_420 = tpu.memref_slice %arg5[%add3A_406] : memref<320000xi32, #tpu.memory_space<hbm>> -> memref<80xi32, #tpu.memory_space<hbm>>
        %dma_start3A_421 = arith.constant 0 : i32
        %dma_start3A_422 = tpu.memref_slice %arg8[%dma_start3A_416, %dma_start3A_421] : memref<2x80xi32, #tpu.memory_space<vmem>> -> memref<1x80xi32, #tpu.memory_space<vmem>>
        %dma_start3A_423 = tpu.memref_squeeze %dma_start3A_422 : memref<1x80xi32, #tpu.memory_space<vmem>> -> memref<80xi32, #tpu.memory_space<vmem>>
        %dma_start3A_424 = tpu.memref_slice %arg5[%add3A_406] : memref<320000xi32, #tpu.memory_space<hbm>> -> memref<80xi32, #tpu.memory_space<hbm>>
        tpu.enqueue_dma source(%dma_start3A_424 : memref<80xi32, #tpu.memory_space<hbm>>) target(%dma_start3A_423 : memref<80xi32, #tpu.memory_space<vmem>>) target_semaphore(%arg11 : memref<!tpu.dma_semaphore, #tpu.memory_space<semaphore_mem>>)
      } else {
      }
      %gt3A = arith.constant 0 : i32
      %gt3A_199 = arith.cmpi sgt, %scan3A_169, %gt3A : i32
      %convert_element_type3A_200 = arith.extui %gt3A_199 : i1 to i32
      %cond3A_201 = arith.constant 0 : i32
      %cond3A_202 = arith.cmpi ne, %convert_element_type3A_200, %cond3A_201 : i32
      scf.if %cond3A_202 {
        %dma_wait3A_402 = arith.constant 1 : i32
        %dma_wait3A_403 = arith.constant 0 : i32
        %dma_wait3A_404 = arith.constant 0 : i32
        %dma_wait3A_405 = tpu.memref_slice %arg9[%dma_wait3A_402, %dma_wait3A_403, %dma_wait3A_404] : memref<2x80x128xf32, #tpu.memory_space<vmem>> -> memref<1x80x128xf32, #tpu.memory_space<vmem>>
        %dma_wait3A_406 = tpu.memref_squeeze %dma_wait3A_405 : memref<1x80x128xf32, #tpu.memory_space<vmem>> -> memref<80x128xf32, #tpu.memory_space<vmem>>
        %dma_wait3A_407 = arith.constant 0 : i32
        %dma_wait3A_408 = arith.constant 0 : i32
        %dma_wait3A_409 = tpu.memref_slice %arg6[%dma_wait3A_407, %dma_wait3A_408] : memref<320000x128xf32, #tpu.memory_space<hbm>> -> memref<80x128xf32, #tpu.memory_space<hbm>>
        %dma_wait3A_410 = arith.constant 0 : i32
        %dma_wait3A_411 = arith.constant 0 : i32
        %dma_wait3A_412 = tpu.memref_slice %arg6[%dma_wait3A_410, %dma_wait3A_411] : memref<320000x128xf32, #tpu.memory_space<hbm>> -> memref<80x128xf32, #tpu.memory_space<hbm>>
        %dma_wait3A_413 = arith.constant 0 : i32
        %dma_wait3A_414 = arith.constant 0 : i32
        %dma_wait3A_415 = tpu.memref_slice %arg9[%dma_wait3A_402, %dma_wait3A_413, %dma_wait3A_414] : memref<2x80x128xf32, #tpu.memory_space<vmem>> -> memref<1x80x128xf32, #tpu.memory_space<vmem>>
        %dma_wait3A_416 = tpu.memref_squeeze %dma_wait3A_415 : memref<1x80x128xf32, #tpu.memory_space<vmem>> -> memref<80x128xf32, #tpu.memory_space<vmem>>
        tpu.wait_dma2 semaphore(%arg15 : memref<!tpu.dma_semaphore, #tpu.memory_space<semaphore_mem>>) src(%dma_wait3A_416 : memref<80x128xf32, #tpu.memory_space<vmem>>) dst(%dma_wait3A_412 : memref<80x128xf32, #tpu.memory_space<hbm>>)
      } else {
      }
      %add3A_203 = arith.constant 1 : i32
      %add3A_204 = arith.addi %mul3A_172, %add3A_203 : i32
      %dma_start3A_205 = arith.constant 1 : i32
      %dma_start3A_206 = arith.constant 1 : i32
      %dma_start3A_207 = arith.constant 0 : i32
      %dma_start3A_208 = arith.constant 0 : i32
      %dma_start3A_209 = tpu.memref_slice %arg9[%dma_start3A_206, %dma_start3A_207, %dma_start3A_208] : memref<2x80x128xf32, #tpu.memory_space<vmem>> -> memref<1x80x128xf32, #tpu.memory_space<vmem>>
      %dma_start3A_210 = tpu.memref_squeeze %dma_start3A_209 : memref<1x80x128xf32, #tpu.memory_space<vmem>> -> memref<80x128xf32, #tpu.memory_space<vmem>>
      %dma_start3A_211 = arith.constant 0 : i32
      %dma_start3A_212 = tpu.memref_slice %arg7[%dma_start3A_205, %dma_start3A_211] : memref<2x80xi32, #tpu.memory_space<vmem>> -> memref<1x80xi32, #tpu.memory_space<vmem>>
      %dma_start3A_213 = tpu.memref_squeeze %dma_start3A_212 : memref<1x80xi32, #tpu.memory_space<vmem>> -> memref<80xi32, #tpu.memory_space<vmem>>
      %dma_start3A_214 = arith.constant 0 : i32
      %dma_start3A_215 = arith.constant 0 : i32
      %dma_start3A_216 = tpu.memref_slice %arg2[%dma_start3A_214, %dma_start3A_215] : memref<10000x128xf32, #tpu.memory_space<hbm>> -> memref<10000x128xf32, #tpu.memory_space<hbm>>
      tpu.enqueue_indirect_dma source(%dma_start3A_216 : memref<10000x128xf32, #tpu.memory_space<hbm>>) target(%dma_start3A_210 : memref<80x128xf32, #tpu.memory_space<vmem>>) offsets(%dma_start3A_213 : memref<80xi32, #tpu.memory_space<vmem>>) semaphore(%arg13 : memref<!tpu.dma_semaphore, #tpu.memory_space<semaphore_mem>>)
      %scan3A_217 = arith.constant 0 : i32
      %scan3A_218 = arith.constant 0 : i32
      %scan3A_219 = arith.constant 80 : i32
      %scan3A_220 = arith.addi %scan3A_218, %scan3A_219 : i32
      %scan3A_221 = arith.constant 1 : i32
      %scan3A_222 = scf.for %scan3A_402 = %scan3A_218 to %scan3A_220 step %scan3A_221 iter_args(%scan3A_403 = %scan3A_217) -> (i32)  : i32 {
        %get3A = arith.constant 0 : i32
        %get3A_404 = arith.index_cast %get3A : i32 to index
        %get3A_405 = arith.index_cast %scan3A_402 : i32 to index
        %get3A_406 = arith.constant 0 : index
        %get3A_407 = tpu.vector_load %arg9[%get3A_404, %get3A_405, %get3A_406] {strides = array<i32>} : memref<2x80x128xf32, #tpu.memory_space<vmem>>, vector<1x1x16xf32>,
        %get3A_408 = vector.shape_cast %get3A_407 : vector<1x1x16xf32> to vector<16xf32>
        %get3A_409 = arith.constant 0 : i32
        %get3A_410 = arith.index_cast %get3A_409 : i32 to index
        %get3A_411 = arith.index_cast %scan3A_402 : i32 to index
        %get3A_412 = arith.constant 0 : index
        %get3A_413 = tpu.vector_load %arg10[%get3A_410, %get3A_411, %get3A_412] {strides = array<i32>} : memref<2x80x128xf32, #tpu.memory_space<vmem>>, vector<1x1x16xf32>,
        %get3A_414 = vector.shape_cast %get3A_413 : vector<1x1x16xf32> to vector<16xf32>
        %add3A_415 = arith.addf %get3A_408, %get3A_414 : vector<16xf32>
        %swap3A = arith.constant 0 : i32
        %swap3A_416 = arith.index_cast %swap3A : i32 to index
        %swap3A_417 = arith.index_cast %scan3A_402 : i32 to index
        %swap3A_418 = arith.constant 0 : index
        %swap3A_419 = tpu.vector_load %arg9[%swap3A_416, %swap3A_417, %swap3A_418] {strides = array<i32>} : memref<2x80x128xf32, #tpu.memory_space<vmem>>, vector<1x1x16xf32>,
        %swap3A_420 = vector.shape_cast %swap3A_419 : vector<1x1x16xf32> to vector<16xf32>
        %swap3A_421 = vector.shape_cast %add3A_415 : vector<16xf32> to vector<1x1x16xf32>
        tpu.vector_store %arg9[%swap3A_416, %swap3A_417, %swap3A_418], %swap3A_421 {strides = array<i32>} : memref<2x80x128xf32, #tpu.memory_space<vmem>>, vector<1x1x16xf32>,
        %get3A_422 = arith.constant 0 : i32
        %get3A_423 = arith.index_cast %get3A_422 : i32 to index
        %get3A_424 = arith.index_cast %scan3A_402 : i32 to index
        %get3A_425 = arith.constant 16 : index
        %get3A_426 = tpu.vector_load %arg9[%get3A_423, %get3A_424, %get3A_425] {strides = array<i32>} : memref<2x80x128xf32, #tpu.memory_space<vmem>>, vector<1x1x16xf32>,
        %get3A_427 = vector.shape_cast %get3A_426 : vector<1x1x16xf32> to vector<16xf32>
        %get3A_428 = arith.constant 0 : i32
        %get3A_429 = arith.index_cast %get3A_428 : i32 to index
        %get3A_430 = arith.index_cast %scan3A_402 : i32 to index
        %get3A_431 = arith.constant 16 : index
        %get3A_432 = tpu.vector_load %arg10[%get3A_429, %get3A_430, %get3A_431] {strides = array<i32>} : memref<2x80x128xf32, #tpu.memory_space<vmem>>, vector<1x1x16xf32>,
        %get3A_433 = vector.shape_cast %get3A_432 : vector<1x1x16xf32> to vector<16xf32>
        %add3A_434 = arith.addf %get3A_427, %get3A_433 : vector<16xf32>
        %swap3A_435 = arith.constant 0 : i32
        %swap3A_436 = arith.index_cast %swap3A_435 : i32 to index
        %swap3A_437 = arith.index_cast %scan3A_402 : i32 to index
        %swap3A_438 = arith.constant 16 : index
        %swap3A_439 = tpu.vector_load %arg9[%swap3A_436, %swap3A_437, %swap3A_438] {strides = array<i32>} : memref<2x80x128xf32, #tpu.memory_space<vmem>>, vector<1x1x16xf32>,
        %swap3A_440 = vector.shape_cast %swap3A_439 : vector<1x1x16xf32> to vector<16xf32>
        %swap3A_441 = vector.shape_cast %add3A_434 : vector<16xf32> to vector<1x1x16xf32>
        tpu.vector_store %arg9[%swap3A_436, %swap3A_437, %swap3A_438], %swap3A_441 {strides = array<i32>} : memref<2x80x128xf32, #tpu.memory_space<vmem>>, vector<1x1x16xf32>,
        %get3A_442 = arith.constant 0 : i32
        %get3A_443 = arith.index_cast %get3A_442 : i32 to index
        %get3A_444 = arith.index_cast %scan3A_402 : i32 to index
        %get3A_445 = arith.constant 32 : index
        %get3A_446 = tpu.vector_load %arg9[%get3A_443, %get3A_444, %get3A_445] {strides = array<i32>} : memref<2x80x128xf32, #tpu.memory_space<vmem>>, vector<1x1x16xf32>,
        %get3A_447 = vector.shape_cast %get3A_446 : vector<1x1x16xf32> to vector<16xf32>
        %get3A_448 = arith.constant 0 : i32
        %get3A_449 = arith.index_cast %get3A_448 : i32 to index
        %get3A_450 = arith.index_cast %scan3A_402 : i32 to index
        %get3A_451 = arith.constant 32 : index
        %get3A_452 = tpu.vector_load %arg10[%get3A_449, %get3A_450, %get3A_451] {strides = array<i32>} : memref<2x80x128xf32, #tpu.memory_space<vmem>>, vector<1x1x16xf32>,
        %get3A_453 = vector.shape_cast %get3A_452 : vector<1x1x16xf32> to vector<16xf32>
        %add3A_454 = arith.addf %get3A_447, %get3A_453 : vector<16xf32>
        %swap3A_455 = arith.constant 0 : i32
        %swap3A_456 = arith.index_cast %swap3A_455 : i32 to index
        %swap3A_457 = arith.index_cast %scan3A_402 : i32 to index
        %swap3A_458 = arith.constant 32 : index
        %swap3A_459 = tpu.vector_load %arg9[%swap3A_456, %swap3A_457, %swap3A_458] {strides = array<i32>} : memref<2x80x128xf32, #tpu.memory_space<vmem>>, vector<1x1x16xf32>,
        %swap3A_460 = vector.shape_cast %swap3A_459 : vector<1x1x16xf32> to vector<16xf32>
        %swap3A_461 = vector.shape_cast %add3A_454 : vector<16xf32> to vector<1x1x16xf32>
        tpu.vector_store %arg9[%swap3A_456, %swap3A_457, %swap3A_458], %swap3A_461 {strides = array<i32>} : memref<2x80x128xf32, #tpu.memory_space<vmem>>, vector<1x1x16xf32>,
        %get3A_462 = arith.constant 0 : i32
        %get3A_463 = arith.index_cast %get3A_462 : i32 to index
        %get3A_464 = arith.index_cast %scan3A_402 : i32 to index
        %get3A_465 = arith.constant 48 : index
        %get3A_466 = tpu.vector_load %arg9[%get3A_463, %get3A_464, %get3A_465] {strides = array<i32>} : memref<2x80x128xf32, #tpu.memory_space<vmem>>, vector<1x1x16xf32>,
        %get3A_467 = vector.shape_cast %get3A_466 : vector<1x1x16xf32> to vector<16xf32>
        %get3A_468 = arith.constant 0 : i32
        %get3A_469 = arith.index_cast %get3A_468 : i32 to index
        %get3A_470 = arith.index_cast %scan3A_402 : i32 to index
        %get3A_471 = arith.constant 48 : index
        %get3A_472 = tpu.vector_load %arg10[%get3A_469, %get3A_470, %get3A_471] {strides = array<i32>} : memref<2x80x128xf32, #tpu.memory_space<vmem>>, vector<1x1x16xf32>,
        %get3A_473 = vector.shape_cast %get3A_472 : vector<1x1x16xf32> to vector<16xf32>
        %add3A_474 = arith.addf %get3A_467, %get3A_473 : vector<16xf32>
        %swap3A_475 = arith.constant 0 : i32
        %swap3A_476 = arith.index_cast %swap3A_475 : i32 to index
        %swap3A_477 = arith.index_cast %scan3A_402 : i32 to index
        %swap3A_478 = arith.constant 48 : index
        %swap3A_479 = tpu.vector_load %arg9[%swap3A_476, %swap3A_477, %swap3A_478] {strides = array<i32>} : memref<2x80x128xf32, #tpu.memory_space<vmem>>, vector<1x1x16xf32>,
        %swap3A_480 = vector.shape_cast %swap3A_479 : vector<1x1x16xf32> to vector<16xf32>
        %swap3A_481 = vector.shape_cast %add3A_474 : vector<16xf32> to vector<1x1x16xf32>
        tpu.vector_store %arg9[%swap3A_476, %swap3A_477, %swap3A_478], %swap3A_481 {strides = array<i32>} : memref<2x80x128xf32, #tpu.memory_space<vmem>>, vector<1x1x16xf32>,
        %get3A_482 = arith.constant 0 : i32
        %get3A_483 = arith.index_cast %get3A_482 : i32 to index
        %get3A_484 = arith.index_cast %scan3A_402 : i32 to index
        %get3A_485 = arith.constant 64 : index
        %get3A_486 = tpu.vector_load %arg9[%get3A_483, %get3A_484, %get3A_485] {strides = array<i32>} : memref<2x80x128xf32, #tpu.memory_space<vmem>>, vector<1x1x16xf32>,
        %get3A_487 = vector.shape_cast %get3A_486 : vector<1x1x16xf32> to vector<16xf32>
        %get3A_488 = arith.constant 0 : i32
        %get3A_489 = arith.index_cast %get3A_488 : i32 to index
        %get3A_490 = arith.index_cast %scan3A_402 : i32 to index
        %get3A_491 = arith.constant 64 : index
        %get3A_492 = tpu.vector_load %arg10[%get3A_489, %get3A_490, %get3A_491] {strides = array<i32>} : memref<2x80x128xf32, #tpu.memory_space<vmem>>, vector<1x1x16xf32>,
        %get3A_493 = vector.shape_cast %get3A_492 : vector<1x1x16xf32> to vector<16xf32>
        %add3A_494 = arith.addf %get3A_487, %get3A_493 : vector<16xf32>
        %swap3A_495 = arith.constant 0 : i32
        %swap3A_496 = arith.index_cast %swap3A_495 : i32 to index
        %swap3A_497 = arith.index_cast %scan3A_402 : i32 to index
        %swap3A_498 = arith.constant 64 : index
        %swap3A_499 = tpu.vector_load %arg9[%swap3A_496, %swap3A_497, %swap3A_498] {strides = array<i32>} : memref<2x80x128xf32, #tpu.memory_space<vmem>>, vector<1x1x16xf32>,
        %swap3A_500 = vector.shape_cast %swap3A_499 : vector<1x1x16xf32> to vector<16xf32>
        %swap3A_501 = vector.shape_cast %add3A_494 : vector<16xf32> to vector<1x1x16xf32>
        tpu.vector_store %arg9[%swap3A_496, %swap3A_497, %swap3A_498], %swap3A_501 {strides = array<i32>} : memref<2x80x128xf32, #tpu.memory_space<vmem>>, vector<1x1x16xf32>,
        %get3A_502 = arith.constant 0 : i32
        %get3A_503 = arith.index_cast %get3A_502 : i32 to index
        %get3A_504 = arith.index_cast %scan3A_402 : i32 to index
        %get3A_505 = arith.constant 80 : index
        %get3A_506 = tpu.vector_load %arg9[%get3A_503, %get3A_504, %get3A_505] {strides = array<i32>} : memref<2x80x128xf32, #tpu.memory_space<vmem>>, vector<1x1x16xf32>,
        %get3A_507 = vector.shape_cast %get3A_506 : vector<1x1x16xf32> to vector<16xf32>
        %get3A_508 = arith.constant 0 : i32
        %get3A_509 = arith.index_cast %get3A_508 : i32 to index
        %get3A_510 = arith.index_cast %scan3A_402 : i32 to index
        %get3A_511 = arith.constant 80 : index
        %get3A_512 = tpu.vector_load %arg10[%get3A_509, %get3A_510, %get3A_511] {strides = array<i32>} : memref<2x80x128xf32, #tpu.memory_space<vmem>>, vector<1x1x16xf32>,
        %get3A_513 = vector.shape_cast %get3A_512 : vector<1x1x16xf32> to vector<16xf32>
        %add3A_514 = arith.addf %get3A_507, %get3A_513 : vector<16xf32>
        %swap3A_515 = arith.constant 0 : i32
        %swap3A_516 = arith.index_cast %swap3A_515 : i32 to index
        %swap3A_517 = arith.index_cast %scan3A_402 : i32 to index
        %swap3A_518 = arith.constant 80 : index
        %swap3A_519 = tpu.vector_load %arg9[%swap3A_516, %swap3A_517, %swap3A_518] {strides = array<i32>} : memref<2x80x128xf32, #tpu.memory_space<vmem>>, vector<1x1x16xf32>,
        %swap3A_520 = vector.shape_cast %swap3A_519 : vector<1x1x16xf32> to vector<16xf32>
        %swap3A_521 = vector.shape_cast %add3A_514 : vector<16xf32> to vector<1x1x16xf32>
        tpu.vector_store %arg9[%swap3A_516, %swap3A_517, %swap3A_518], %swap3A_521 {strides = array<i32>} : memref<2x80x128xf32, #tpu.memory_space<vmem>>, vector<1x1x16xf32>,
        %get3A_522 = arith.constant 0 : i32
        %get3A_523 = arith.index_cast %get3A_522 : i32 to index
        %get3A_524 = arith.index_cast %scan3A_402 : i32 to index
        %get3A_525 = arith.constant 96 : index
        %get3A_526 = tpu.vector_load %arg9[%get3A_523, %get3A_524, %get3A_525] {strides = array<i32>} : memref<2x80x128xf32, #tpu.memory_space<vmem>>, vector<1x1x16xf32>,
        %get3A_527 = vector.shape_cast %get3A_526 : vector<1x1x16xf32> to vector<16xf32>
        %get3A_528 = arith.constant 0 : i32
        %get3A_529 = arith.index_cast %get3A_528 : i32 to index
        %get3A_530 = arith.index_cast %scan3A_402 : i32 to index
        %get3A_531 = arith.constant 96 : index
        %get3A_532 = tpu.vector_load %arg10[%get3A_529, %get3A_530, %get3A_531] {strides = array<i32>} : memref<2x80x128xf32, #tpu.memory_space<vmem>>, vector<1x1x16xf32>,
        %get3A_533 = vector.shape_cast %get3A_532 : vector<1x1x16xf32> to vector<16xf32>
        %add3A_534 = arith.addf %get3A_527, %get3A_533 : vector<16xf32>
        %swap3A_535 = arith.constant 0 : i32
        %swap3A_536 = arith.index_cast %swap3A_535 : i32 to index
        %swap3A_537 = arith.index_cast %scan3A_402 : i32 to index
        %swap3A_538 = arith.constant 96 : index
        %swap3A_539 = tpu.vector_load %arg9[%swap3A_536, %swap3A_537, %swap3A_538] {strides = array<i32>} : memref<2x80x128xf32, #tpu.memory_space<vmem>>, vector<1x1x16xf32>,
        %swap3A_540 = vector.shape_cast %swap3A_539 : vector<1x1x16xf32> to vector<16xf32>
        %swap3A_541 = vector.shape_cast %add3A_534 : vector<16xf32> to vector<1x1x16xf32>
        tpu.vector_store %arg9[%swap3A_536, %swap3A_537, %swap3A_538], %swap3A_541 {strides = array<i32>} : memref<2x80x128xf32, #tpu.memory_space<vmem>>, vector<1x1x16xf32>,
        %get3A_542 = arith.constant 0 : i32
        %get3A_543 = arith.index_cast %get3A_542 : i32 to index
        %get3A_544 = arith.index_cast %scan3A_402 : i32 to index
        %get3A_545 = arith.constant 112 : index
        %get3A_546 = tpu.vector_load %arg9[%get3A_543, %get3A_544, %get3A_545] {strides = array<i32>} : memref<2x80x128xf32, #tpu.memory_space<vmem>>, vector<1x1x16xf32>,
        %get3A_547 = vector.shape_cast %get3A_546 : vector<1x1x16xf32> to vector<16xf32>
        %get3A_548 = arith.constant 0 : i32
        %get3A_549 = arith.index_cast %get3A_548 : i32 to index
        %get3A_550 = arith.index_cast %scan3A_402 : i32 to index
        %get3A_551 = arith.constant 112 : index
        %get3A_552 = tpu.vector_load %arg10[%get3A_549, %get3A_550, %get3A_551] {strides = array<i32>} : memref<2x80x128xf32, #tpu.memory_space<vmem>>, vector<1x1x16xf32>,
        %get3A_553 = vector.shape_cast %get3A_552 : vector<1x1x16xf32> to vector<16xf32>
        %add3A_554 = arith.addf %get3A_547, %get3A_553 : vector<16xf32>
        %swap3A_555 = arith.constant 0 : i32
        %swap3A_556 = arith.index_cast %swap3A_555 : i32 to index
        %swap3A_557 = arith.index_cast %scan3A_402 : i32 to index
        %swap3A_558 = arith.constant 112 : index
        %swap3A_559 = tpu.vector_load %arg9[%swap3A_556, %swap3A_557, %swap3A_558] {strides = array<i32>} : memref<2x80x128xf32, #tpu.memory_space<vmem>>, vector<1x1x16xf32>,
        %swap3A_560 = vector.shape_cast %swap3A_559 : vector<1x1x16xf32> to vector<16xf32>
        %swap3A_561 = vector.shape_cast %add3A_554 : vector<16xf32> to vector<1x1x16xf32>
        tpu.vector_store %arg9[%swap3A_556, %swap3A_557, %swap3A_558], %swap3A_561 {strides = array<i32>} : memref<2x80x128xf32, #tpu.memory_space<vmem>>, vector<1x1x16xf32>,
        %scan3A_562 = arith.constant 0 : i32
        scf.yield %scan3A_562 : i32
      }
      %scan3A_223 = arith.constant 80 : i32
      %dma_wait3A_224 = arith.constant 1 : i32
      %dma_wait3A_225 = arith.constant 1 : i32
      %dma_wait3A_226 = arith.constant 0 : i32
      %dma_wait3A_227 = arith.constant 0 : i32
      %dma_wait3A_228 = tpu.memref_slice %arg9[%dma_wait3A_225, %dma_wait3A_226, %dma_wait3A_227] : memref<2x80x128xf32, #tpu.memory_space<vmem>> -> memref<1x80x128xf32, #tpu.memory_space<vmem>>
      %dma_wait3A_229 = tpu.memref_squeeze %dma_wait3A_228 : memref<1x80x128xf32, #tpu.memory_space<vmem>> -> memref<80x128xf32, #tpu.memory_space<vmem>>
      %dma_wait3A_230 = arith.constant 0 : i32
      %dma_wait3A_231 = tpu.memref_slice %arg7[%dma_wait3A_224, %dma_wait3A_230] : memref<2x80xi32, #tpu.memory_space<vmem>> -> memref<1x80xi32, #tpu.memory_space<vmem>>
      %dma_wait3A_232 = tpu.memref_squeeze %dma_wait3A_231 : memref<1x80xi32, #tpu.memory_space<vmem>> -> memref<80xi32, #tpu.memory_space<vmem>>
      %dma_wait3A_233 = arith.constant 0 : i32
      %dma_wait3A_234 = arith.constant 0 : i32
      %dma_wait3A_235 = tpu.memref_slice %arg2[%dma_wait3A_233, %dma_wait3A_234] : memref<10000x128xf32, #tpu.memory_space<hbm>> -> memref<10000x128xf32, #tpu.memory_space<hbm>>
      tpu.wait_indirect_dma semaphore(%arg13 : memref<!tpu.dma_semaphore, #tpu.memory_space<semaphore_mem>>) src(%dma_wait3A_235 : memref<10000x128xf32, #tpu.memory_space<hbm>>) dst(%dma_wait3A_229 : memref<80x128xf32, #tpu.memory_space<vmem>>)
      %add3A_236 = arith.constant 1 : i32
      %add3A_237 = arith.addi %mul3A_172, %add3A_236 : i32
      %dma_start3A_238 = arith.constant 1 : i32
      %dma_start3A_239 = arith.constant 1 : i32
      %dma_start3A_240 = arith.constant 0 : i32
      %dma_start3A_241 = arith.constant 0 : i32
      %dma_start3A_242 = tpu.memref_slice %arg10[%dma_start3A_239, %dma_start3A_240, %dma_start3A_241] : memref<2x80x128xf32, #tpu.memory_space<vmem>> -> memref<1x80x128xf32, #tpu.memory_space<vmem>>
      %dma_start3A_243 = tpu.memref_squeeze %dma_start3A_242 : memref<1x80x128xf32, #tpu.memory_space<vmem>> -> memref<80x128xf32, #tpu.memory_space<vmem>>
      %dma_start3A_244 = arith.constant 0 : i32
      %dma_start3A_245 = tpu.memref_slice %arg8[%dma_start3A_238, %dma_start3A_244] : memref<2x80xi32, #tpu.memory_space<vmem>> -> memref<1x80xi32, #tpu.memory_space<vmem>>
      %dma_start3A_246 = tpu.memref_squeeze %dma_start3A_245 : memref<1x80xi32, #tpu.memory_space<vmem>> -> memref<80xi32, #tpu.memory_space<vmem>>
      %dma_start3A_247 = arith.constant 0 : i32
      %dma_start3A_248 = arith.constant 0 : i32
      %dma_start3A_249 = tpu.memref_slice %arg3[%dma_start3A_247, %dma_start3A_248] : memref<10000x128xf32, #tpu.memory_space<hbm>> -> memref<10000x128xf32, #tpu.memory_space<hbm>>
      tpu.enqueue_indirect_dma source(%dma_start3A_249 : memref<10000x128xf32, #tpu.memory_space<hbm>>) target(%dma_start3A_243 : memref<80x128xf32, #tpu.memory_space<vmem>>) offsets(%dma_start3A_246 : memref<80xi32, #tpu.memory_space<vmem>>) semaphore(%arg13 : memref<!tpu.dma_semaphore, #tpu.memory_space<semaphore_mem>>)
      %mul3A_250 = arith.constant 80 : i32
      %mul3A_251 = arith.muli %mul3A_172, %mul3A_250 : i32
      %add3A_252 = arith.addi %mul3A_2, %mul3A_251 : i32
      %dma_start3A_253 = arith.constant 0 : i32
      %dma_start3A_254 = arith.constant 0 : i32
      %dma_start3A_255 = arith.constant 0 : i32
      %dma_start3A_256 = tpu.memref_slice %arg9[%dma_start3A_253, %dma_start3A_254, %dma_start3A_255] : memref<2x80x128xf32, #tpu.memory_space<vmem>> -> memref<1x80x128xf32, #tpu.memory_space<vmem>>
      %dma_start3A_257 = tpu.memref_squeeze %dma_start3A_256 : memref<1x80x128xf32, #tpu.memory_space<vmem>> -> memref<80x128xf32, #tpu.memory_space<vmem>>
      %dma_start3A_258 = arith.constant 0 : i32
      %dma_start3A_259 = tpu.memref_slice %arg6[%add3A_252, %dma_start3A_258] : memref<320000x128xf32, #tpu.memory_space<hbm>> -> memref<80x128xf32, #tpu.memory_space<hbm>>
      %dma_start3A_260 = arith.constant 0 : i32
      %dma_start3A_261 = tpu.memref_slice %arg6[%add3A_252, %dma_start3A_260] : memref<320000x128xf32, #tpu.memory_space<hbm>> -> memref<80x128xf32, #tpu.memory_space<hbm>>
      %dma_start3A_262 = arith.constant 0 : i32
      %dma_start3A_263 = arith.constant 0 : i32
      %dma_start3A_264 = tpu.memref_slice %arg9[%dma_start3A_253, %dma_start3A_262, %dma_start3A_263] : memref<2x80x128xf32, #tpu.memory_space<vmem>> -> memref<1x80x128xf32, #tpu.memory_space<vmem>>
      %dma_start3A_265 = tpu.memref_squeeze %dma_start3A_264 : memref<1x80x128xf32, #tpu.memory_space<vmem>> -> memref<80x128xf32, #tpu.memory_space<vmem>>
      tpu.enqueue_dma source(%dma_start3A_265 : memref<80x128xf32, #tpu.memory_space<vmem>>) target(%dma_start3A_261 : memref<80x128xf32, #tpu.memory_space<hbm>>) target_semaphore(%arg14 : memref<!tpu.dma_semaphore, #tpu.memory_space<semaphore_mem>>)
      %dma_wait3A_266 = arith.constant 1 : i32
      %dma_wait3A_267 = arith.constant 1 : i32
      %dma_wait3A_268 = arith.constant 0 : i32
      %dma_wait3A_269 = arith.constant 0 : i32
      %dma_wait3A_270 = tpu.memref_slice %arg10[%dma_wait3A_267, %dma_wait3A_268, %dma_wait3A_269] : memref<2x80x128xf32, #tpu.memory_space<vmem>> -> memref<1x80x128xf32, #tpu.memory_space<vmem>>
      %dma_wait3A_271 = tpu.memref_squeeze %dma_wait3A_270 : memref<1x80x128xf32, #tpu.memory_space<vmem>> -> memref<80x128xf32, #tpu.memory_space<vmem>>
      %dma_wait3A_272 = arith.constant 0 : i32
      %dma_wait3A_273 = tpu.memref_slice %arg8[%dma_wait3A_266, %dma_wait3A_272] : memref<2x80xi32, #tpu.memory_space<vmem>> -> memref<1x80xi32, #tpu.memory_space<vmem>>
      %dma_wait3A_274 = tpu.memref_squeeze %dma_wait3A_273 : memref<1x80xi32, #tpu.memory_space<vmem>> -> memref<80xi32, #tpu.memory_space<vmem>>
      %dma_wait3A_275 = arith.constant 0 : i32
      %dma_wait3A_276 = arith.constant 0 : i32
      %dma_wait3A_277 = tpu.memref_slice %arg3[%dma_wait3A_275, %dma_wait3A_276] : memref<10000x128xf32, #tpu.memory_space<hbm>> -> memref<10000x128xf32, #tpu.memory_space<hbm>>
      tpu.wait_indirect_dma semaphore(%arg13 : memref<!tpu.dma_semaphore, #tpu.memory_space<semaphore_mem>>) src(%dma_wait3A_277 : memref<10000x128xf32, #tpu.memory_space<hbm>>) dst(%dma_wait3A_271 : memref<80x128xf32, #tpu.memory_space<vmem>>)
      %mul3A_278 = arith.constant 2 : i32
      %mul3A_279 = arith.muli %mul3A_278, %scan3A_169 : i32
      %add3A_280 = arith.constant 1 : i32
      %add3A_281 = arith.addi %mul3A_279, %add3A_280 : i32
      %dma_wait3A_282 = arith.constant 0 : i32
      %dma_wait3A_283 = arith.constant 0 : i32
      %dma_wait3A_284 = tpu.memref_slice %arg7[%dma_wait3A_282, %dma_wait3A_283] : memref<2x80xi32, #tpu.memory_space<vmem>> -> memref<1x80xi32, #tpu.memory_space<vmem>>
      %dma_wait3A_285 = tpu.memref_squeeze %dma_wait3A_284 : memref<1x80xi32, #tpu.memory_space<vmem>> -> memref<80xi32, #tpu.memory_space<vmem>>
      %dma_wait3A_286 = arith.constant 0 : i32
      %dma_wait3A_287 = tpu.memref_slice %arg4[%dma_wait3A_286] : memref<320000xi32, #tpu.memory_space<hbm>> -> memref<80xi32, #tpu.memory_space<hbm>>
      %dma_wait3A_288 = arith.constant 0 : i32
      %dma_wait3A_289 = tpu.memref_slice %arg7[%dma_wait3A_282, %dma_wait3A_288] : memref<2x80xi32, #tpu.memory_space<vmem>> -> memref<1x80xi32, #tpu.memory_space<vmem>>
      %dma_wait3A_290 = tpu.memref_squeeze %dma_wait3A_289 : memref<1x80xi32, #tpu.memory_space<vmem>> -> memref<80xi32, #tpu.memory_space<vmem>>
      %dma_wait3A_291 = arith.constant 0 : i32
      %dma_wait3A_292 = tpu.memref_slice %arg4[%dma_wait3A_291] : memref<320000xi32, #tpu.memory_space<hbm>> -> memref<80xi32, #tpu.memory_space<hbm>>
      tpu.wait_dma2 semaphore(%arg11 : memref<!tpu.dma_semaphore, #tpu.memory_space<semaphore_mem>>) src(%dma_wait3A_292 : memref<80xi32, #tpu.memory_space<hbm>>) dst(%dma_wait3A_290 : memref<80xi32, #tpu.memory_space<vmem>>)
      %dma_wait3A_293 = arith.constant 0 : i32
      %dma_wait3A_294 = arith.constant 0 : i32
      %dma_wait3A_295 = tpu.memref_slice %arg8[%dma_wait3A_293, %dma_wait3A_294] : memref<2x80xi32, #tpu.memory_space<vmem>> -> memref<1x80xi32, #tpu.memory_space<vmem>>
      %dma_wait3A_296 = tpu.memref_squeeze %dma_wait3A_295 : memref<1x80xi32, #tpu.memory_space<vmem>> -> memref<80xi32, #tpu.memory_space<vmem>>
      %dma_wait3A_297 = arith.constant 0 : i32
      %dma_wait3A_298 = tpu.memref_slice %arg5[%dma_wait3A_297] : memref<320000xi32, #tpu.memory_space<hbm>> -> memref<80xi32, #tpu.memory_space<hbm>>
      %dma_wait3A_299 = arith.constant 0 : i32
      %dma_wait3A_300 = tpu.memref_slice %arg8[%dma_wait3A_293, %dma_wait3A_299] : memref<2x80xi32, #tpu.memory_space<vmem>> -> memref<1x80xi32, #tpu.memory_space<vmem>>
      %dma_wait3A_301 = tpu.memref_squeeze %dma_wait3A_300 : memref<1x80xi32, #tpu.memory_space<vmem>> -> memref<80xi32, #tpu.memory_space<vmem>>
      %dma_wait3A_302 = arith.constant 0 : i32
      %dma_wait3A_303 = tpu.memref_slice %arg5[%dma_wait3A_302] : memref<320000xi32, #tpu.memory_space<hbm>> -> memref<80xi32, #tpu.memory_space<hbm>>
      tpu.wait_dma2 semaphore(%arg11 : memref<!tpu.dma_semaphore, #tpu.memory_space<semaphore_mem>>) src(%dma_wait3A_303 : memref<80xi32, #tpu.memory_space<hbm>>) dst(%dma_wait3A_301 : memref<80xi32, #tpu.memory_space<vmem>>)
      %add3A_304 = arith.constant 2 : i32
      %add3A_305 = arith.addi %add3A_281, %add3A_304 : i32
      %lt3A_306 = arith.constant 125 : i32
      %lt3A_307 = arith.cmpi slt, %add3A_305, %lt3A_306 : i32
      %convert_element_type3A_308 = arith.extui %lt3A_307 : i1 to i32
      %cond3A_309 = arith.constant 0 : i32
      %cond3A_310 = arith.cmpi ne, %convert_element_type3A_308, %cond3A_309 : i32
      scf.if %cond3A_310 {
        %add3A_402 = arith.constant 2 : i32
        %add3A_403 = arith.addi %add3A_281, %add3A_402 : i32
        %mul3A_404 = arith.constant 80 : i32
        %mul3A_405 = arith.muli %add3A_403, %mul3A_404 : i32
        %add3A_406 = arith.addi %mul3A_2, %mul3A_405 : i32
        %dma_start3A_407 = arith.constant 1 : i32
        %dma_start3A_408 = arith.constant 0 : i32
        %dma_start3A_409 = tpu.memref_slice %arg7[%dma_start3A_407, %dma_start3A_408] : memref<2x80xi32, #tpu.memory_space<vmem>> -> memref<1x80xi32, #tpu.memory_space<vmem>>
        %dma_start3A_410 = tpu.memref_squeeze %dma_start3A_409 : memref<1x80xi32, #tpu.memory_space<vmem>> -> memref<80xi32, #tpu.memory_space<vmem>>
        %dma_start3A_411 = tpu.memref_slice %arg4[%add3A_406] : memref<320000xi32, #tpu.memory_space<hbm>> -> memref<80xi32, #tpu.memory_space<hbm>>
        %dma_start3A_412 = arith.constant 0 : i32
        %dma_start3A_413 = tpu.memref_slice %arg7[%dma_start3A_407, %dma_start3A_412] : memref<2x80xi32, #tpu.memory_space<vmem>> -> memref<1x80xi32, #tpu.memory_space<vmem>>
        %dma_start3A_414 = tpu.memref_squeeze %dma_start3A_413 : memref<1x80xi32, #tpu.memory_space<vmem>> -> memref<80xi32, #tpu.memory_space<vmem>>
        %dma_start3A_415 = tpu.memref_slice %arg4[%add3A_406] : memref<320000xi32, #tpu.memory_space<hbm>> -> memref<80xi32, #tpu.memory_space<hbm>>
        tpu.enqueue_dma source(%dma_start3A_415 : memref<80xi32, #tpu.memory_space<hbm>>) target(%dma_start3A_414 : memref<80xi32, #tpu.memory_space<vmem>>) target_semaphore(%arg12 : memref<!tpu.dma_semaphore, #tpu.memory_space<semaphore_mem>>)
        %dma_start3A_416 = arith.constant 1 : i32
        %dma_start3A_417 = arith.constant 0 : i32
        %dma_start3A_418 = tpu.memref_slice %arg8[%dma_start3A_416, %dma_start3A_417] : memref<2x80xi32, #tpu.memory_space<vmem>> -> memref<1x80xi32, #tpu.memory_space<vmem>>
        %dma_start3A_419 = tpu.memref_squeeze %dma_start3A_418 : memref<1x80xi32, #tpu.memory_space<vmem>> -> memref<80xi32, #tpu.memory_space<vmem>>
        %dma_start3A_420 = tpu.memref_slice %arg5[%add3A_406] : memref<320000xi32, #tpu.memory_space<hbm>> -> memref<80xi32, #tpu.memory_space<hbm>>
        %dma_start3A_421 = arith.constant 0 : i32
        %dma_start3A_422 = tpu.memref_slice %arg8[%dma_start3A_416, %dma_start3A_421] : memref<2x80xi32, #tpu.memory_space<vmem>> -> memref<1x80xi32, #tpu.memory_space<vmem>>
        %dma_start3A_423 = tpu.memref_squeeze %dma_start3A_422 : memref<1x80xi32, #tpu.memory_space<vmem>> -> memref<80xi32, #tpu.memory_space<vmem>>
        %dma_start3A_424 = tpu.memref_slice %arg5[%add3A_406] : memref<320000xi32, #tpu.memory_space<hbm>> -> memref<80xi32, #tpu.memory_space<hbm>>
        tpu.enqueue_dma source(%dma_start3A_424 : memref<80xi32, #tpu.memory_space<hbm>>) target(%dma_start3A_423 : memref<80xi32, #tpu.memory_space<vmem>>) target_semaphore(%arg12 : memref<!tpu.dma_semaphore, #tpu.memory_space<semaphore_mem>>)
      } else {
      }
      %dma_wait3A_311 = arith.constant 0 : i32
      %dma_wait3A_312 = arith.constant 0 : i32
      %dma_wait3A_313 = arith.constant 0 : i32
      %dma_wait3A_314 = tpu.memref_slice %arg9[%dma_wait3A_311, %dma_wait3A_312, %dma_wait3A_313] : memref<2x80x128xf32, #tpu.memory_space<vmem>> -> memref<1x80x128xf32, #tpu.memory_space<vmem>>
      %dma_wait3A_315 = tpu.memref_squeeze %dma_wait3A_314 : memref<1x80x128xf32, #tpu.memory_space<vmem>> -> memref<80x128xf32, #tpu.memory_space<vmem>>
      %dma_wait3A_316 = arith.constant 0 : i32
      %dma_wait3A_317 = arith.constant 0 : i32
      %dma_wait3A_318 = tpu.memref_slice %arg6[%dma_wait3A_316, %dma_wait3A_317] : memref<320000x128xf32, #tpu.memory_space<hbm>> -> memref<80x128xf32, #tpu.memory_space<hbm>>
      %dma_wait3A_319 = arith.constant 0 : i32
      %dma_wait3A_320 = arith.constant 0 : i32
      %dma_wait3A_321 = tpu.memref_slice %arg6[%dma_wait3A_319, %dma_wait3A_320] : memref<320000x128xf32, #tpu.memory_space<hbm>> -> memref<80x128xf32, #tpu.memory_space<hbm>>
      %dma_wait3A_322 = arith.constant 0 : i32
      %dma_wait3A_323 = arith.constant 0 : i32
      %dma_wait3A_324 = tpu.memref_slice %arg9[%dma_wait3A_311, %dma_wait3A_322, %dma_wait3A_323] : memref<2x80x128xf32, #tpu.memory_space<vmem>> -> memref<1x80x128xf32, #tpu.memory_space<vmem>>
      %dma_wait3A_325 = tpu.memref_squeeze %dma_wait3A_324 : memref<1x80x128xf32, #tpu.memory_space<vmem>> -> memref<80x128xf32, #tpu.memory_space<vmem>>
      tpu.wait_dma2 semaphore(%arg14 : memref<!tpu.dma_semaphore, #tpu.memory_space<semaphore_mem>>) src(%dma_wait3A_325 : memref<80x128xf32, #tpu.memory_space<vmem>>) dst(%dma_wait3A_321 : memref<80x128xf32, #tpu.memory_space<hbm>>)
      %add3A_326 = arith.constant 1 : i32
      %add3A_327 = arith.addi %add3A_281, %add3A_326 : i32
      %dma_start3A_328 = arith.constant 0 : i32
      %dma_start3A_329 = arith.constant 0 : i32
      %dma_start3A_330 = arith.constant 0 : i32
      %dma_start3A_331 = arith.constant 0 : i32
      %dma_start3A_332 = tpu.memref_slice %arg9[%dma_start3A_329, %dma_start3A_330, %dma_start3A_331] : memref<2x80x128xf32, #tpu.memory_space<vmem>> -> memref<1x80x128xf32, #tpu.memory_space<vmem>>
      %dma_start3A_333 = tpu.memref_squeeze %dma_start3A_332 : memref<1x80x128xf32, #tpu.memory_space<vmem>> -> memref<80x128xf32, #tpu.memory_space<vmem>>
      %dma_start3A_334 = arith.constant 0 : i32
      %dma_start3A_335 = tpu.memref_slice %arg7[%dma_start3A_328, %dma_start3A_334] : memref<2x80xi32, #tpu.memory_space<vmem>> -> memref<1x80xi32, #tpu.memory_space<vmem>>
      %dma_start3A_336 = tpu.memref_squeeze %dma_start3A_335 : memref<1x80xi32, #tpu.memory_space<vmem>> -> memref<80xi32, #tpu.memory_space<vmem>>
      %dma_start3A_337 = arith.constant 0 : i32
      %dma_start3A_338 = arith.constant 0 : i32
      %dma_start3A_339 = tpu.memref_slice %arg2[%dma_start3A_337, %dma_start3A_338] : memref<10000x128xf32, #tpu.memory_space<hbm>> -> memref<10000x128xf32, #tpu.memory_space<hbm>>
      tpu.enqueue_indirect_dma source(%dma_start3A_339 : memref<10000x128xf32, #tpu.memory_space<hbm>>) target(%dma_start3A_333 : memref<80x128xf32, #tpu.memory_space<vmem>>) offsets(%dma_start3A_336 : memref<80xi32, #tpu.memory_space<vmem>>) semaphore(%arg13 : memref<!tpu.dma_semaphore, #tpu.memory_space<semaphore_mem>>)
      %scan3A_340 = arith.constant 0 : i32
      %scan3A_341 = arith.constant 0 : i32
      %scan3A_342 = arith.constant 80 : i32
      %scan3A_343 = arith.addi %scan3A_341, %scan3A_342 : i32
      %scan3A_344 = arith.constant 1 : i32
      %scan3A_345 = scf.for %scan3A_402 = %scan3A_341 to %scan3A_343 step %scan3A_344 iter_args(%scan3A_403 = %scan3A_340) -> (i32)  : i32 {
        %get3A = arith.constant 1 : i32
        %get3A_404 = arith.index_cast %get3A : i32 to index
        %get3A_405 = arith.index_cast %scan3A_402 : i32 to index
        %get3A_406 = arith.constant 0 : index
        %get3A_407 = tpu.vector_load %arg9[%get3A_404, %get3A_405, %get3A_406] {strides = array<i32>} : memref<2x80x128xf32, #tpu.memory_space<vmem>>, vector<1x1x16xf32>,
        %get3A_408 = vector.shape_cast %get3A_407 : vector<1x1x16xf32> to vector<16xf32>
        %get3A_409 = arith.constant 1 : i32
        %get3A_410 = arith.index_cast %get3A_409 : i32 to index
        %get3A_411 = arith.index_cast %scan3A_402 : i32 to index
        %get3A_412 = arith.constant 0 : index
        %get3A_413 = tpu.vector_load %arg10[%get3A_410, %get3A_411, %get3A_412] {strides = array<i32>} : memref<2x80x128xf32, #tpu.memory_space<vmem>>, vector<1x1x16xf32>,
        %get3A_414 = vector.shape_cast %get3A_413 : vector<1x1x16xf32> to vector<16xf32>
        %add3A_415 = arith.addf %get3A_408, %get3A_414 : vector<16xf32>
        %swap3A = arith.constant 1 : i32
        %swap3A_416 = arith.index_cast %swap3A : i32 to index
        %swap3A_417 = arith.index_cast %scan3A_402 : i32 to index
        %swap3A_418 = arith.constant 0 : index
        %swap3A_419 = tpu.vector_load %arg9[%swap3A_416, %swap3A_417, %swap3A_418] {strides = array<i32>} : memref<2x80x128xf32, #tpu.memory_space<vmem>>, vector<1x1x16xf32>,
        %swap3A_420 = vector.shape_cast %swap3A_419 : vector<1x1x16xf32> to vector<16xf32>
        %swap3A_421 = vector.shape_cast %add3A_415 : vector<16xf32> to vector<1x1x16xf32>
        tpu.vector_store %arg9[%swap3A_416, %swap3A_417, %swap3A_418], %swap3A_421 {strides = array<i32>} : memref<2x80x128xf32, #tpu.memory_space<vmem>>, vector<1x1x16xf32>,
        %get3A_422 = arith.constant 1 : i32
        %get3A_423 = arith.index_cast %get3A_422 : i32 to index
        %get3A_424 = arith.index_cast %scan3A_402 : i32 to index
        %get3A_425 = arith.constant 16 : index
        %get3A_426 = tpu.vector_load %arg9[%get3A_423, %get3A_424, %get3A_425] {strides = array<i32>} : memref<2x80x128xf32, #tpu.memory_space<vmem>>, vector<1x1x16xf32>,
        %get3A_427 = vector.shape_cast %get3A_426 : vector<1x1x16xf32> to vector<16xf32>
        %get3A_428 = arith.constant 1 : i32
        %get3A_429 = arith.index_cast %get3A_428 : i32 to index
        %get3A_430 = arith.index_cast %scan3A_402 : i32 to index
        %get3A_431 = arith.constant 16 : index
        %get3A_432 = tpu.vector_load %arg10[%get3A_429, %get3A_430, %get3A_431] {strides = array<i32>} : memref<2x80x128xf32, #tpu.memory_space<vmem>>, vector<1x1x16xf32>,
        %get3A_433 = vector.shape_cast %get3A_432 : vector<1x1x16xf32> to vector<16xf32>
        %add3A_434 = arith.addf %get3A_427, %get3A_433 : vector<16xf32>
        %swap3A_435 = arith.constant 1 : i32
        %swap3A_436 = arith.index_cast %swap3A_435 : i32 to index
        %swap3A_437 = arith.index_cast %scan3A_402 : i32 to index
        %swap3A_438 = arith.constant 16 : index
        %swap3A_439 = tpu.vector_load %arg9[%swap3A_436, %swap3A_437, %swap3A_438] {strides = array<i32>} : memref<2x80x128xf32, #tpu.memory_space<vmem>>, vector<1x1x16xf32>,
        %swap3A_440 = vector.shape_cast %swap3A_439 : vector<1x1x16xf32> to vector<16xf32>
        %swap3A_441 = vector.shape_cast %add3A_434 : vector<16xf32> to vector<1x1x16xf32>
        tpu.vector_store %arg9[%swap3A_436, %swap3A_437, %swap3A_438], %swap3A_441 {strides = array<i32>} : memref<2x80x128xf32, #tpu.memory_space<vmem>>, vector<1x1x16xf32>,
        %get3A_442 = arith.constant 1 : i32
        %get3A_443 = arith.index_cast %get3A_442 : i32 to index
        %get3A_444 = arith.index_cast %scan3A_402 : i32 to index
        %get3A_445 = arith.constant 32 : index
        %get3A_446 = tpu.vector_load %arg9[%get3A_443, %get3A_444, %get3A_445] {strides = array<i32>} : memref<2x80x128xf32, #tpu.memory_space<vmem>>, vector<1x1x16xf32>,
        %get3A_447 = vector.shape_cast %get3A_446 : vector<1x1x16xf32> to vector<16xf32>
        %get3A_448 = arith.constant 1 : i32
        %get3A_449 = arith.index_cast %get3A_448 : i32 to index
        %get3A_450 = arith.index_cast %scan3A_402 : i32 to index
        %get3A_451 = arith.constant 32 : index
        %get3A_452 = tpu.vector_load %arg10[%get3A_449, %get3A_450, %get3A_451] {strides = array<i32>} : memref<2x80x128xf32, #tpu.memory_space<vmem>>, vector<1x1x16xf32>,
        %get3A_453 = vector.shape_cast %get3A_452 : vector<1x1x16xf32> to vector<16xf32>
        %add3A_454 = arith.addf %get3A_447, %get3A_453 : vector<16xf32>
        %swap3A_455 = arith.constant 1 : i32
        %swap3A_456 = arith.index_cast %swap3A_455 : i32 to index
        %swap3A_457 = arith.index_cast %scan3A_402 : i32 to index
        %swap3A_458 = arith.constant 32 : index
        %swap3A_459 = tpu.vector_load %arg9[%swap3A_456, %swap3A_457, %swap3A_458] {strides = array<i32>} : memref<2x80x128xf32, #tpu.memory_space<vmem>>, vector<1x1x16xf32>,
        %swap3A_460 = vector.shape_cast %swap3A_459 : vector<1x1x16xf32> to vector<16xf32>
        %swap3A_461 = vector.shape_cast %add3A_454 : vector<16xf32> to vector<1x1x16xf32>
        tpu.vector_store %arg9[%swap3A_456, %swap3A_457, %swap3A_458], %swap3A_461 {strides = array<i32>} : memref<2x80x128xf32, #tpu.memory_space<vmem>>, vector<1x1x16xf32>,
        %get3A_462 = arith.constant 1 : i32
        %get3A_463 = arith.index_cast %get3A_462 : i32 to index
        %get3A_464 = arith.index_cast %scan3A_402 : i32 to index
        %get3A_465 = arith.constant 48 : index
        %get3A_466 = tpu.vector_load %arg9[%get3A_463, %get3A_464, %get3A_465] {strides = array<i32>} : memref<2x80x128xf32, #tpu.memory_space<vmem>>, vector<1x1x16xf32>,
        %get3A_467 = vector.shape_cast %get3A_466 : vector<1x1x16xf32> to vector<16xf32>
        %get3A_468 = arith.constant 1 : i32
        %get3A_469 = arith.index_cast %get3A_468 : i32 to index
        %get3A_470 = arith.index_cast %scan3A_402 : i32 to index
        %get3A_471 = arith.constant 48 : index
        %get3A_472 = tpu.vector_load %arg10[%get3A_469, %get3A_470, %get3A_471] {strides = array<i32>} : memref<2x80x128xf32, #tpu.memory_space<vmem>>, vector<1x1x16xf32>,
        %get3A_473 = vector.shape_cast %get3A_472 : vector<1x1x16xf32> to vector<16xf32>
        %add3A_474 = arith.addf %get3A_467, %get3A_473 : vector<16xf32>
        %swap3A_475 = arith.constant 1 : i32
        %swap3A_476 = arith.index_cast %swap3A_475 : i32 to index
        %swap3A_477 = arith.index_cast %scan3A_402 : i32 to index
        %swap3A_478 = arith.constant 48 : index
        %swap3A_479 = tpu.vector_load %arg9[%swap3A_476, %swap3A_477, %swap3A_478] {strides = array<i32>} : memref<2x80x128xf32, #tpu.memory_space<vmem>>, vector<1x1x16xf32>,
        %swap3A_480 = vector.shape_cast %swap3A_479 : vector<1x1x16xf32> to vector<16xf32>
        %swap3A_481 = vector.shape_cast %add3A_474 : vector<16xf32> to vector<1x1x16xf32>
        tpu.vector_store %arg9[%swap3A_476, %swap3A_477, %swap3A_478], %swap3A_481 {strides = array<i32>} : memref<2x80x128xf32, #tpu.memory_space<vmem>>, vector<1x1x16xf32>,
        %get3A_482 = arith.constant 1 : i32
        %get3A_483 = arith.index_cast %get3A_482 : i32 to index
        %get3A_484 = arith.index_cast %scan3A_402 : i32 to index
        %get3A_485 = arith.constant 64 : index
        %get3A_486 = tpu.vector_load %arg9[%get3A_483, %get3A_484, %get3A_485] {strides = array<i32>} : memref<2x80x128xf32, #tpu.memory_space<vmem>>, vector<1x1x16xf32>,
        %get3A_487 = vector.shape_cast %get3A_486 : vector<1x1x16xf32> to vector<16xf32>
        %get3A_488 = arith.constant 1 : i32
        %get3A_489 = arith.index_cast %get3A_488 : i32 to index
        %get3A_490 = arith.index_cast %scan3A_402 : i32 to index
        %get3A_491 = arith.constant 64 : index
        %get3A_492 = tpu.vector_load %arg10[%get3A_489, %get3A_490, %get3A_491] {strides = array<i32>} : memref<2x80x128xf32, #tpu.memory_space<vmem>>, vector<1x1x16xf32>,
        %get3A_493 = vector.shape_cast %get3A_492 : vector<1x1x16xf32> to vector<16xf32>
        %add3A_494 = arith.addf %get3A_487, %get3A_493 : vector<16xf32>
        %swap3A_495 = arith.constant 1 : i32
        %swap3A_496 = arith.index_cast %swap3A_495 : i32 to index
        %swap3A_497 = arith.index_cast %scan3A_402 : i32 to index
        %swap3A_498 = arith.constant 64 : index
        %swap3A_499 = tpu.vector_load %arg9[%swap3A_496, %swap3A_497, %swap3A_498] {strides = array<i32>} : memref<2x80x128xf32, #tpu.memory_space<vmem>>, vector<1x1x16xf32>,
        %swap3A_500 = vector.shape_cast %swap3A_499 : vector<1x1x16xf32> to vector<16xf32>
        %swap3A_501 = vector.shape_cast %add3A_494 : vector<16xf32> to vector<1x1x16xf32>
        tpu.vector_store %arg9[%swap3A_496, %swap3A_497, %swap3A_498], %swap3A_501 {strides = array<i32>} : memref<2x80x128xf32, #tpu.memory_space<vmem>>, vector<1x1x16xf32>,
        %get3A_502 = arith.constant 1 : i32
        %get3A_503 = arith.index_cast %get3A_502 : i32 to index
        %get3A_504 = arith.index_cast %scan3A_402 : i32 to index
        %get3A_505 = arith.constant 80 : index
        %get3A_506 = tpu.vector_load %arg9[%get3A_503, %get3A_504, %get3A_505] {strides = array<i32>} : memref<2x80x128xf32, #tpu.memory_space<vmem>>, vector<1x1x16xf32>,
        %get3A_507 = vector.shape_cast %get3A_506 : vector<1x1x16xf32> to vector<16xf32>
        %get3A_508 = arith.constant 1 : i32
        %get3A_509 = arith.index_cast %get3A_508 : i32 to index
        %get3A_510 = arith.index_cast %scan3A_402 : i32 to index
        %get3A_511 = arith.constant 80 : index
        %get3A_512 = tpu.vector_load %arg10[%get3A_509, %get3A_510, %get3A_511] {strides = array<i32>} : memref<2x80x128xf32, #tpu.memory_space<vmem>>, vector<1x1x16xf32>,
        %get3A_513 = vector.shape_cast %get3A_512 : vector<1x1x16xf32> to vector<16xf32>
        %add3A_514 = arith.addf %get3A_507, %get3A_513 : vector<16xf32>
        %swap3A_515 = arith.constant 1 : i32
        %swap3A_516 = arith.index_cast %swap3A_515 : i32 to index
        %swap3A_517 = arith.index_cast %scan3A_402 : i32 to index
        %swap3A_518 = arith.constant 80 : index
        %swap3A_519 = tpu.vector_load %arg9[%swap3A_516, %swap3A_517, %swap3A_518] {strides = array<i32>} : memref<2x80x128xf32, #tpu.memory_space<vmem>>, vector<1x1x16xf32>,
        %swap3A_520 = vector.shape_cast %swap3A_519 : vector<1x1x16xf32> to vector<16xf32>
        %swap3A_521 = vector.shape_cast %add3A_514 : vector<16xf32> to vector<1x1x16xf32>
        tpu.vector_store %arg9[%swap3A_516, %swap3A_517, %swap3A_518], %swap3A_521 {strides = array<i32>} : memref<2x80x128xf32, #tpu.memory_space<vmem>>, vector<1x1x16xf32>,
        %get3A_522 = arith.constant 1 : i32
        %get3A_523 = arith.index_cast %get3A_522 : i32 to index
        %get3A_524 = arith.index_cast %scan3A_402 : i32 to index
        %get3A_525 = arith.constant 96 : index
        %get3A_526 = tpu.vector_load %arg9[%get3A_523, %get3A_524, %get3A_525] {strides = array<i32>} : memref<2x80x128xf32, #tpu.memory_space<vmem>>, vector<1x1x16xf32>,
        %get3A_527 = vector.shape_cast %get3A_526 : vector<1x1x16xf32> to vector<16xf32>
        %get3A_528 = arith.constant 1 : i32
        %get3A_529 = arith.index_cast %get3A_528 : i32 to index
        %get3A_530 = arith.index_cast %scan3A_402 : i32 to index
        %get3A_531 = arith.constant 96 : index
        %get3A_532 = tpu.vector_load %arg10[%get3A_529, %get3A_530, %get3A_531] {strides = array<i32>} : memref<2x80x128xf32, #tpu.memory_space<vmem>>, vector<1x1x16xf32>,
        %get3A_533 = vector.shape_cast %get3A_532 : vector<1x1x16xf32> to vector<16xf32>
        %add3A_534 = arith.addf %get3A_527, %get3A_533 : vector<16xf32>
        %swap3A_535 = arith.constant 1 : i32
        %swap3A_536 = arith.index_cast %swap3A_535 : i32 to index
        %swap3A_537 = arith.index_cast %scan3A_402 : i32 to index
        %swap3A_538 = arith.constant 96 : index
        %swap3A_539 = tpu.vector_load %arg9[%swap3A_536, %swap3A_537, %swap3A_538] {strides = array<i32>} : memref<2x80x128xf32, #tpu.memory_space<vmem>>, vector<1x1x16xf32>,
        %swap3A_540 = vector.shape_cast %swap3A_539 : vector<1x1x16xf32> to vector<16xf32>
        %swap3A_541 = vector.shape_cast %add3A_534 : vector<16xf32> to vector<1x1x16xf32>
        tpu.vector_store %arg9[%swap3A_536, %swap3A_537, %swap3A_538], %swap3A_541 {strides = array<i32>} : memref<2x80x128xf32, #tpu.memory_space<vmem>>, vector<1x1x16xf32>,
        %get3A_542 = arith.constant 1 : i32
        %get3A_543 = arith.index_cast %get3A_542 : i32 to index
        %get3A_544 = arith.index_cast %scan3A_402 : i32 to index
        %get3A_545 = arith.constant 112 : index
        %get3A_546 = tpu.vector_load %arg9[%get3A_543, %get3A_544, %get3A_545] {strides = array<i32>} : memref<2x80x128xf32, #tpu.memory_space<vmem>>, vector<1x1x16xf32>,
        %get3A_547 = vector.shape_cast %get3A_546 : vector<1x1x16xf32> to vector<16xf32>
        %get3A_548 = arith.constant 1 : i32
        %get3A_549 = arith.index_cast %get3A_548 : i32 to index
        %get3A_550 = arith.index_cast %scan3A_402 : i32 to index
        %get3A_551 = arith.constant 112 : index
        %get3A_552 = tpu.vector_load %arg10[%get3A_549, %get3A_550, %get3A_551] {strides = array<i32>} : memref<2x80x128xf32, #tpu.memory_space<vmem>>, vector<1x1x16xf32>,
        %get3A_553 = vector.shape_cast %get3A_552 : vector<1x1x16xf32> to vector<16xf32>
        %add3A_554 = arith.addf %get3A_547, %get3A_553 : vector<16xf32>
        %swap3A_555 = arith.constant 1 : i32
        %swap3A_556 = arith.index_cast %swap3A_555 : i32 to index
        %swap3A_557 = arith.index_cast %scan3A_402 : i32 to index
        %swap3A_558 = arith.constant 112 : index
        %swap3A_559 = tpu.vector_load %arg9[%swap3A_556, %swap3A_557, %swap3A_558] {strides = array<i32>} : memref<2x80x128xf32, #tpu.memory_space<vmem>>, vector<1x1x16xf32>,
        %swap3A_560 = vector.shape_cast %swap3A_559 : vector<1x1x16xf32> to vector<16xf32>
        %swap3A_561 = vector.shape_cast %add3A_554 : vector<16xf32> to vector<1x1x16xf32>
        tpu.vector_store %arg9[%swap3A_556, %swap3A_557, %swap3A_558], %swap3A_561 {strides = array<i32>} : memref<2x80x128xf32, #tpu.memory_space<vmem>>, vector<1x1x16xf32>,
        %scan3A_562 = arith.constant 0 : i32
        scf.yield %scan3A_562 : i32
      }
      %scan3A_346 = arith.constant 80 : i32
      %dma_wait3A_347 = arith.constant 0 : i32
      %dma_wait3A_348 = arith.constant 0 : i32
      %dma_wait3A_349 = arith.constant 0 : i32
      %dma_wait3A_350 = arith.constant 0 : i32
      %dma_wait3A_351 = tpu.memref_slice %arg9[%dma_wait3A_348, %dma_wait3A_349, %dma_wait3A_350] : memref<2x80x128xf32, #tpu.memory_space<vmem>> -> memref<1x80x128xf32, #tpu.memory_space<vmem>>
      %dma_wait3A_352 = tpu.memref_squeeze %dma_wait3A_351 : memref<1x80x128xf32, #tpu.memory_space<vmem>> -> memref<80x128xf32, #tpu.memory_space<vmem>>
      %dma_wait3A_353 = arith.constant 0 : i32
      %dma_wait3A_354 = tpu.memref_slice %arg7[%dma_wait3A_347, %dma_wait3A_353] : memref<2x80xi32, #tpu.memory_space<vmem>> -> memref<1x80xi32, #tpu.memory_space<vmem>>
      %dma_wait3A_355 = tpu.memref_squeeze %dma_wait3A_354 : memref<1x80xi32, #tpu.memory_space<vmem>> -> memref<80xi32, #tpu.memory_space<vmem>>
      %dma_wait3A_356 = arith.constant 0 : i32
      %dma_wait3A_357 = arith.constant 0 : i32
      %dma_wait3A_358 = tpu.memref_slice %arg2[%dma_wait3A_356, %dma_wait3A_357] : memref<10000x128xf32, #tpu.memory_space<hbm>> -> memref<10000x128xf32, #tpu.memory_space<hbm>>
      tpu.wait_indirect_dma semaphore(%arg13 : memref<!tpu.dma_semaphore, #tpu.memory_space<semaphore_mem>>) src(%dma_wait3A_358 : memref<10000x128xf32, #tpu.memory_space<hbm>>) dst(%dma_wait3A_352 : memref<80x128xf32, #tpu.memory_space<vmem>>)
      %add3A_359 = arith.constant 1 : i32
      %add3A_360 = arith.addi %add3A_281, %add3A_359 : i32
      %dma_start3A_361 = arith.constant 0 : i32
      %dma_start3A_362 = arith.constant 0 : i32
      %dma_start3A_363 = arith.constant 0 : i32
      %dma_start3A_364 = arith.constant 0 : i32
      %dma_start3A_365 = tpu.memref_slice %arg10[%dma_start3A_362, %dma_start3A_363, %dma_start3A_364] : memref<2x80x128xf32, #tpu.memory_space<vmem>> -> memref<1x80x128xf32, #tpu.memory_space<vmem>>
      %dma_start3A_366 = tpu.memref_squeeze %dma_start3A_365 : memref<1x80x128xf32, #tpu.memory_space<vmem>> -> memref<80x128xf32, #tpu.memory_space<vmem>>
      %dma_start3A_367 = arith.constant 0 : i32
      %dma_start3A_368 = tpu.memref_slice %arg8[%dma_start3A_361, %dma_start3A_367] : memref<2x80xi32, #tpu.memory_space<vmem>> -> memref<1x80xi32, #tpu.memory_space<vmem>>
      %dma_start3A_369 = tpu.memref_squeeze %dma_start3A_368 : memref<1x80xi32, #tpu.memory_space<vmem>> -> memref<80xi32, #tpu.memory_space<vmem>>
      %dma_start3A_370 = arith.constant 0 : i32
      %dma_start3A_371 = arith.constant 0 : i32
      %dma_start3A_372 = tpu.memref_slice %arg3[%dma_start3A_370, %dma_start3A_371] : memref<10000x128xf32, #tpu.memory_space<hbm>> -> memref<10000x128xf32, #tpu.memory_space<hbm>>
      tpu.enqueue_indirect_dma source(%dma_start3A_372 : memref<10000x128xf32, #tpu.memory_space<hbm>>) target(%dma_start3A_366 : memref<80x128xf32, #tpu.memory_space<vmem>>) offsets(%dma_start3A_369 : memref<80xi32, #tpu.memory_space<vmem>>) semaphore(%arg13 : memref<!tpu.dma_semaphore, #tpu.memory_space<semaphore_mem>>)
      %mul3A_373 = arith.constant 80 : i32
      %mul3A_374 = arith.muli %add3A_281, %mul3A_373 : i32
      %add3A_375 = arith.addi %mul3A_2, %mul3A_374 : i32
      %dma_start3A_376 = arith.constant 1 : i32
      %dma_start3A_377 = arith.constant 0 : i32
      %dma_start3A_378 = arith.constant 0 : i32
      %dma_start3A_379 = tpu.memref_slice %arg9[%dma_start3A_376, %dma_start3A_377, %dma_start3A_378] : memref<2x80x128xf32, #tpu.memory_space<vmem>> -> memref<1x80x128xf32, #tpu.memory_space<vmem>>
      %dma_start3A_380 = tpu.memref_squeeze %dma_start3A_379 : memref<1x80x128xf32, #tpu.memory_space<vmem>> -> memref<80x128xf32, #tpu.memory_space<vmem>>
      %dma_start3A_381 = arith.constant 0 : i32
      %dma_start3A_382 = tpu.memref_slice %arg6[%add3A_375, %dma_start3A_381] : memref<320000x128xf32, #tpu.memory_space<hbm>> -> memref<80x128xf32, #tpu.memory_space<hbm>>
      %dma_start3A_383 = arith.constant 0 : i32
      %dma_start3A_384 = tpu.memref_slice %arg6[%add3A_375, %dma_start3A_383] : memref<320000x128xf32, #tpu.memory_space<hbm>> -> memref<80x128xf32, #tpu.memory_space<hbm>>
      %dma_start3A_385 = arith.constant 0 : i32
      %dma_start3A_386 = arith.constant 0 : i32
      %dma_start3A_387 = tpu.memref_slice %arg9[%dma_start3A_376, %dma_start3A_385, %dma_start3A_386] : memref<2x80x128xf32, #tpu.memory_space<vmem>> -> memref<1x80x128xf32, #tpu.memory_space<vmem>>
      %dma_start3A_388 = tpu.memref_squeeze %dma_start3A_387 : memref<1x80x128xf32, #tpu.memory_space<vmem>> -> memref<80x128xf32, #tpu.memory_space<vmem>>
      tpu.enqueue_dma source(%dma_start3A_388 : memref<80x128xf32, #tpu.memory_space<vmem>>) target(%dma_start3A_384 : memref<80x128xf32, #tpu.memory_space<hbm>>) target_semaphore(%arg15 : memref<!tpu.dma_semaphore, #tpu.memory_space<semaphore_mem>>)
      %dma_wait3A_389 = arith.constant 0 : i32
      %dma_wait3A_390 = arith.constant 0 : i32
      %dma_wait3A_391 = arith.constant 0 : i32
      %dma_wait3A_392 = arith.constant 0 : i32
      %dma_wait3A_393 = tpu.memref_slice %arg10[%dma_wait3A_390, %dma_wait3A_391, %dma_wait3A_392] : memref<2x80x128xf32, #tpu.memory_space<vmem>> -> memref<1x80x128xf32, #tpu.memory_space<vmem>>
      %dma_wait3A_394 = tpu.memref_squeeze %dma_wait3A_393 : memref<1x80x128xf32, #tpu.memory_space<vmem>> -> memref<80x128xf32, #tpu.memory_space<vmem>>
      %dma_wait3A_395 = arith.constant 0 : i32
      %dma_wait3A_396 = tpu.memref_slice %arg8[%dma_wait3A_389, %dma_wait3A_395] : memref<2x80xi32, #tpu.memory_space<vmem>> -> memref<1x80xi32, #tpu.memory_space<vmem>>
      %dma_wait3A_397 = tpu.memref_squeeze %dma_wait3A_396 : memref<1x80xi32, #tpu.memory_space<vmem>> -> memref<80xi32, #tpu.memory_space<vmem>>
      %dma_wait3A_398 = arith.constant 0 : i32
      %dma_wait3A_399 = arith.constant 0 : i32
      %dma_wait3A_400 = tpu.memref_slice %arg3[%dma_wait3A_398, %dma_wait3A_399] : memref<10000x128xf32, #tpu.memory_space<hbm>> -> memref<10000x128xf32, #tpu.memory_space<hbm>>
      tpu.wait_indirect_dma semaphore(%arg13 : memref<!tpu.dma_semaphore, #tpu.memory_space<semaphore_mem>>) src(%dma_wait3A_400 : memref<10000x128xf32, #tpu.memory_space<hbm>>) dst(%dma_wait3A_394 : memref<80x128xf32, #tpu.memory_space<vmem>>)
      %scan3A_401 = arith.constant 0 : i32
      scf.yield %scan3A_401 : i32
    }
    %scan3A_116 = arith.constant 62 : i32
    %scan3A_117 = arith.constant 0 : i32
    %scan3A_118 = arith.constant 0 : i32
    %scan3A_119 = arith.constant 80 : i32
    %scan3A_120 = arith.addi %scan3A_118, %scan3A_119 : i32
    %scan3A_121 = arith.constant 1 : i32
    %scan3A_122 = scf.for %scan3A_169 = %scan3A_118 to %scan3A_120 step %scan3A_121 iter_args(%scan3A_170 = %scan3A_117) -> (i32)  : i32 {
      %get3A = arith.constant 0 : i32
      %get3A_171 = arith.index_cast %get3A : i32 to index
      %get3A_172 = arith.index_cast %scan3A_169 : i32 to index
      %get3A_173 = arith.constant 0 : index
      %get3A_174 = tpu.vector_load %arg9[%get3A_171, %get3A_172, %get3A_173] {strides = array<i32>} : memref<2x80x128xf32, #tpu.memory_space<vmem>>, vector<1x1x16xf32>,
      %get3A_175 = vector.shape_cast %get3A_174 : vector<1x1x16xf32> to vector<16xf32>
      %get3A_176 = arith.constant 0 : i32
      %get3A_177 = arith.index_cast %get3A_176 : i32 to index
      %get3A_178 = arith.index_cast %scan3A_169 : i32 to index
      %get3A_179 = arith.constant 0 : index
      %get3A_180 = tpu.vector_load %arg10[%get3A_177, %get3A_178, %get3A_179] {strides = array<i32>} : memref<2x80x128xf32, #tpu.memory_space<vmem>>, vector<1x1x16xf32>,
      %get3A_181 = vector.shape_cast %get3A_180 : vector<1x1x16xf32> to vector<16xf32>
      %add3A_182 = arith.addf %get3A_175, %get3A_181 : vector<16xf32>
      %swap3A = arith.constant 0 : i32
      %swap3A_183 = arith.index_cast %swap3A : i32 to index
      %swap3A_184 = arith.index_cast %scan3A_169 : i32 to index
      %swap3A_185 = arith.constant 0 : index
      %swap3A_186 = tpu.vector_load %arg9[%swap3A_183, %swap3A_184, %swap3A_185] {strides = array<i32>} : memref<2x80x128xf32, #tpu.memory_space<vmem>>, vector<1x1x16xf32>,
      %swap3A_187 = vector.shape_cast %swap3A_186 : vector<1x1x16xf32> to vector<16xf32>
      %swap3A_188 = vector.shape_cast %add3A_182 : vector<16xf32> to vector<1x1x16xf32>
      tpu.vector_store %arg9[%swap3A_183, %swap3A_184, %swap3A_185], %swap3A_188 {strides = array<i32>} : memref<2x80x128xf32, #tpu.memory_space<vmem>>, vector<1x1x16xf32>,
      %get3A_189 = arith.constant 0 : i32
      %get3A_190 = arith.index_cast %get3A_189 : i32 to index
      %get3A_191 = arith.index_cast %scan3A_169 : i32 to index
      %get3A_192 = arith.constant 16 : index
      %get3A_193 = tpu.vector_load %arg9[%get3A_190, %get3A_191, %get3A_192] {strides = array<i32>} : memref<2x80x128xf32, #tpu.memory_space<vmem>>, vector<1x1x16xf32>,
      %get3A_194 = vector.shape_cast %get3A_193 : vector<1x1x16xf32> to vector<16xf32>
      %get3A_195 = arith.constant 0 : i32
      %get3A_196 = arith.index_cast %get3A_195 : i32 to index
      %get3A_197 = arith.index_cast %scan3A_169 : i32 to index
      %get3A_198 = arith.constant 16 : index
      %get3A_199 = tpu.vector_load %arg10[%get3A_196, %get3A_197, %get3A_198] {strides = array<i32>} : memref<2x80x128xf32, #tpu.memory_space<vmem>>, vector<1x1x16xf32>,
      %get3A_200 = vector.shape_cast %get3A_199 : vector<1x1x16xf32> to vector<16xf32>
      %add3A_201 = arith.addf %get3A_194, %get3A_200 : vector<16xf32>
      %swap3A_202 = arith.constant 0 : i32
      %swap3A_203 = arith.index_cast %swap3A_202 : i32 to index
      %swap3A_204 = arith.index_cast %scan3A_169 : i32 to index
      %swap3A_205 = arith.constant 16 : index
      %swap3A_206 = tpu.vector_load %arg9[%swap3A_203, %swap3A_204, %swap3A_205] {strides = array<i32>} : memref<2x80x128xf32, #tpu.memory_space<vmem>>, vector<1x1x16xf32>,
      %swap3A_207 = vector.shape_cast %swap3A_206 : vector<1x1x16xf32> to vector<16xf32>
      %swap3A_208 = vector.shape_cast %add3A_201 : vector<16xf32> to vector<1x1x16xf32>
      tpu.vector_store %arg9[%swap3A_203, %swap3A_204, %swap3A_205], %swap3A_208 {strides = array<i32>} : memref<2x80x128xf32, #tpu.memory_space<vmem>>, vector<1x1x16xf32>,
      %get3A_209 = arith.constant 0 : i32
      %get3A_210 = arith.index_cast %get3A_209 : i32 to index
      %get3A_211 = arith.index_cast %scan3A_169 : i32 to index
      %get3A_212 = arith.constant 32 : index
      %get3A_213 = tpu.vector_load %arg9[%get3A_210, %get3A_211, %get3A_212] {strides = array<i32>} : memref<2x80x128xf32, #tpu.memory_space<vmem>>, vector<1x1x16xf32>,
      %get3A_214 = vector.shape_cast %get3A_213 : vector<1x1x16xf32> to vector<16xf32>
      %get3A_215 = arith.constant 0 : i32
      %get3A_216 = arith.index_cast %get3A_215 : i32 to index
      %get3A_217 = arith.index_cast %scan3A_169 : i32 to index
      %get3A_218 = arith.constant 32 : index
      %get3A_219 = tpu.vector_load %arg10[%get3A_216, %get3A_217, %get3A_218] {strides = array<i32>} : memref<2x80x128xf32, #tpu.memory_space<vmem>>, vector<1x1x16xf32>,
      %get3A_220 = vector.shape_cast %get3A_219 : vector<1x1x16xf32> to vector<16xf32>
      %add3A_221 = arith.addf %get3A_214, %get3A_220 : vector<16xf32>
      %swap3A_222 = arith.constant 0 : i32
      %swap3A_223 = arith.index_cast %swap3A_222 : i32 to index
      %swap3A_224 = arith.index_cast %scan3A_169 : i32 to index
      %swap3A_225 = arith.constant 32 : index
      %swap3A_226 = tpu.vector_load %arg9[%swap3A_223, %swap3A_224, %swap3A_225] {strides = array<i32>} : memref<2x80x128xf32, #tpu.memory_space<vmem>>, vector<1x1x16xf32>,
      %swap3A_227 = vector.shape_cast %swap3A_226 : vector<1x1x16xf32> to vector<16xf32>
      %swap3A_228 = vector.shape_cast %add3A_221 : vector<16xf32> to vector<1x1x16xf32>
      tpu.vector_store %arg9[%swap3A_223, %swap3A_224, %swap3A_225], %swap3A_228 {strides = array<i32>} : memref<2x80x128xf32, #tpu.memory_space<vmem>>, vector<1x1x16xf32>,
      %get3A_229 = arith.constant 0 : i32
      %get3A_230 = arith.index_cast %get3A_229 : i32 to index
      %get3A_231 = arith.index_cast %scan3A_169 : i32 to index
      %get3A_232 = arith.constant 48 : index
      %get3A_233 = tpu.vector_load %arg9[%get3A_230, %get3A_231, %get3A_232] {strides = array<i32>} : memref<2x80x128xf32, #tpu.memory_space<vmem>>, vector<1x1x16xf32>,
      %get3A_234 = vector.shape_cast %get3A_233 : vector<1x1x16xf32> to vector<16xf32>
      %get3A_235 = arith.constant 0 : i32
      %get3A_236 = arith.index_cast %get3A_235 : i32 to index
      %get3A_237 = arith.index_cast %scan3A_169 : i32 to index
      %get3A_238 = arith.constant 48 : index
      %get3A_239 = tpu.vector_load %arg10[%get3A_236, %get3A_237, %get3A_238] {strides = array<i32>} : memref<2x80x128xf32, #tpu.memory_space<vmem>>, vector<1x1x16xf32>,
      %get3A_240 = vector.shape_cast %get3A_239 : vector<1x1x16xf32> to vector<16xf32>
      %add3A_241 = arith.addf %get3A_234, %get3A_240 : vector<16xf32>
      %swap3A_242 = arith.constant 0 : i32
      %swap3A_243 = arith.index_cast %swap3A_242 : i32 to index
      %swap3A_244 = arith.index_cast %scan3A_169 : i32 to index
      %swap3A_245 = arith.constant 48 : index
      %swap3A_246 = tpu.vector_load %arg9[%swap3A_243, %swap3A_244, %swap3A_245] {strides = array<i32>} : memref<2x80x128xf32, #tpu.memory_space<vmem>>, vector<1x1x16xf32>,
      %swap3A_247 = vector.shape_cast %swap3A_246 : vector<1x1x16xf32> to vector<16xf32>
      %swap3A_248 = vector.shape_cast %add3A_241 : vector<16xf32> to vector<1x1x16xf32>
      tpu.vector_store %arg9[%swap3A_243, %swap3A_244, %swap3A_245], %swap3A_248 {strides = array<i32>} : memref<2x80x128xf32, #tpu.memory_space<vmem>>, vector<1x1x16xf32>,
      %get3A_249 = arith.constant 0 : i32
      %get3A_250 = arith.index_cast %get3A_249 : i32 to index
      %get3A_251 = arith.index_cast %scan3A_169 : i32 to index
      %get3A_252 = arith.constant 64 : index
      %get3A_253 = tpu.vector_load %arg9[%get3A_250, %get3A_251, %get3A_252] {strides = array<i32>} : memref<2x80x128xf32, #tpu.memory_space<vmem>>, vector<1x1x16xf32>,
      %get3A_254 = vector.shape_cast %get3A_253 : vector<1x1x16xf32> to vector<16xf32>
      %get3A_255 = arith.constant 0 : i32
      %get3A_256 = arith.index_cast %get3A_255 : i32 to index
      %get3A_257 = arith.index_cast %scan3A_169 : i32 to index
      %get3A_258 = arith.constant 64 : index
      %get3A_259 = tpu.vector_load %arg10[%get3A_256, %get3A_257, %get3A_258] {strides = array<i32>} : memref<2x80x128xf32, #tpu.memory_space<vmem>>, vector<1x1x16xf32>,
      %get3A_260 = vector.shape_cast %get3A_259 : vector<1x1x16xf32> to vector<16xf32>
      %add3A_261 = arith.addf %get3A_254, %get3A_260 : vector<16xf32>
      %swap3A_262 = arith.constant 0 : i32
      %swap3A_263 = arith.index_cast %swap3A_262 : i32 to index
      %swap3A_264 = arith.index_cast %scan3A_169 : i32 to index
      %swap3A_265 = arith.constant 64 : index
      %swap3A_266 = tpu.vector_load %arg9[%swap3A_263, %swap3A_264, %swap3A_265] {strides = array<i32>} : memref<2x80x128xf32, #tpu.memory_space<vmem>>, vector<1x1x16xf32>,
      %swap3A_267 = vector.shape_cast %swap3A_266 : vector<1x1x16xf32> to vector<16xf32>
      %swap3A_268 = vector.shape_cast %add3A_261 : vector<16xf32> to vector<1x1x16xf32>
      tpu.vector_store %arg9[%swap3A_263, %swap3A_264, %swap3A_265], %swap3A_268 {strides = array<i32>} : memref<2x80x128xf32, #tpu.memory_space<vmem>>, vector<1x1x16xf32>,
      %get3A_269 = arith.constant 0 : i32
      %get3A_270 = arith.index_cast %get3A_269 : i32 to index
      %get3A_271 = arith.index_cast %scan3A_169 : i32 to index
      %get3A_272 = arith.constant 80 : index
      %get3A_273 = tpu.vector_load %arg9[%get3A_270, %get3A_271, %get3A_272] {strides = array<i32>} : memref<2x80x128xf32, #tpu.memory_space<vmem>>, vector<1x1x16xf32>,
      %get3A_274 = vector.shape_cast %get3A_273 : vector<1x1x16xf32> to vector<16xf32>
      %get3A_275 = arith.constant 0 : i32
      %get3A_276 = arith.index_cast %get3A_275 : i32 to index
      %get3A_277 = arith.index_cast %scan3A_169 : i32 to index
      %get3A_278 = arith.constant 80 : index
      %get3A_279 = tpu.vector_load %arg10[%get3A_276, %get3A_277, %get3A_278] {strides = array<i32>} : memref<2x80x128xf32, #tpu.memory_space<vmem>>, vector<1x1x16xf32>,
      %get3A_280 = vector.shape_cast %get3A_279 : vector<1x1x16xf32> to vector<16xf32>
      %add3A_281 = arith.addf %get3A_274, %get3A_280 : vector<16xf32>
      %swap3A_282 = arith.constant 0 : i32
      %swap3A_283 = arith.index_cast %swap3A_282 : i32 to index
      %swap3A_284 = arith.index_cast %scan3A_169 : i32 to index
      %swap3A_285 = arith.constant 80 : index
      %swap3A_286 = tpu.vector_load %arg9[%swap3A_283, %swap3A_284, %swap3A_285] {strides = array<i32>} : memref<2x80x128xf32, #tpu.memory_space<vmem>>, vector<1x1x16xf32>,
      %swap3A_287 = vector.shape_cast %swap3A_286 : vector<1x1x16xf32> to vector<16xf32>
      %swap3A_288 = vector.shape_cast %add3A_281 : vector<16xf32> to vector<1x1x16xf32>
      tpu.vector_store %arg9[%swap3A_283, %swap3A_284, %swap3A_285], %swap3A_288 {strides = array<i32>} : memref<2x80x128xf32, #tpu.memory_space<vmem>>, vector<1x1x16xf32>,
      %get3A_289 = arith.constant 0 : i32
      %get3A_290 = arith.index_cast %get3A_289 : i32 to index
      %get3A_291 = arith.index_cast %scan3A_169 : i32 to index
      %get3A_292 = arith.constant 96 : index
      %get3A_293 = tpu.vector_load %arg9[%get3A_290, %get3A_291, %get3A_292] {strides = array<i32>} : memref<2x80x128xf32, #tpu.memory_space<vmem>>, vector<1x1x16xf32>,
      %get3A_294 = vector.shape_cast %get3A_293 : vector<1x1x16xf32> to vector<16xf32>
      %get3A_295 = arith.constant 0 : i32
      %get3A_296 = arith.index_cast %get3A_295 : i32 to index
      %get3A_297 = arith.index_cast %scan3A_169 : i32 to index
      %get3A_298 = arith.constant 96 : index
      %get3A_299 = tpu.vector_load %arg10[%get3A_296, %get3A_297, %get3A_298] {strides = array<i32>} : memref<2x80x128xf32, #tpu.memory_space<vmem>>, vector<1x1x16xf32>,
      %get3A_300 = vector.shape_cast %get3A_299 : vector<1x1x16xf32> to vector<16xf32>
      %add3A_301 = arith.addf %get3A_294, %get3A_300 : vector<16xf32>
      %swap3A_302 = arith.constant 0 : i32
      %swap3A_303 = arith.index_cast %swap3A_302 : i32 to index
      %swap3A_304 = arith.index_cast %scan3A_169 : i32 to index
      %swap3A_305 = arith.constant 96 : index
      %swap3A_306 = tpu.vector_load %arg9[%swap3A_303, %swap3A_304, %swap3A_305] {strides = array<i32>} : memref<2x80x128xf32, #tpu.memory_space<vmem>>, vector<1x1x16xf32>,
      %swap3A_307 = vector.shape_cast %swap3A_306 : vector<1x1x16xf32> to vector<16xf32>
      %swap3A_308 = vector.shape_cast %add3A_301 : vector<16xf32> to vector<1x1x16xf32>
      tpu.vector_store %arg9[%swap3A_303, %swap3A_304, %swap3A_305], %swap3A_308 {strides = array<i32>} : memref<2x80x128xf32, #tpu.memory_space<vmem>>, vector<1x1x16xf32>,
      %get3A_309 = arith.constant 0 : i32
      %get3A_310 = arith.index_cast %get3A_309 : i32 to index
      %get3A_311 = arith.index_cast %scan3A_169 : i32 to index
      %get3A_312 = arith.constant 112 : index
      %get3A_313 = tpu.vector_load %arg9[%get3A_310, %get3A_311, %get3A_312] {strides = array<i32>} : memref<2x80x128xf32, #tpu.memory_space<vmem>>, vector<1x1x16xf32>,
      %get3A_314 = vector.shape_cast %get3A_313 : vector<1x1x16xf32> to vector<16xf32>
      %get3A_315 = arith.constant 0 : i32
      %get3A_316 = arith.index_cast %get3A_315 : i32 to index
      %get3A_317 = arith.index_cast %scan3A_169 : i32 to index
      %get3A_318 = arith.constant 112 : index
      %get3A_319 = tpu.vector_load %arg10[%get3A_316, %get3A_317, %get3A_318] {strides = array<i32>} : memref<2x80x128xf32, #tpu.memory_space<vmem>>, vector<1x1x16xf32>,
      %get3A_320 = vector.shape_cast %get3A_319 : vector<1x1x16xf32> to vector<16xf32>
      %add3A_321 = arith.addf %get3A_314, %get3A_320 : vector<16xf32>
      %swap3A_322 = arith.constant 0 : i32
      %swap3A_323 = arith.index_cast %swap3A_322 : i32 to index
      %swap3A_324 = arith.index_cast %scan3A_169 : i32 to index
      %swap3A_325 = arith.constant 112 : index
      %swap3A_326 = tpu.vector_load %arg9[%swap3A_323, %swap3A_324, %swap3A_325] {strides = array<i32>} : memref<2x80x128xf32, #tpu.memory_space<vmem>>, vector<1x1x16xf32>,
      %swap3A_327 = vector.shape_cast %swap3A_326 : vector<1x1x16xf32> to vector<16xf32>
      %swap3A_328 = vector.shape_cast %add3A_321 : vector<16xf32> to vector<1x1x16xf32>
      tpu.vector_store %arg9[%swap3A_323, %swap3A_324, %swap3A_325], %swap3A_328 {strides = array<i32>} : memref<2x80x128xf32, #tpu.memory_space<vmem>>, vector<1x1x16xf32>,
      %scan3A_329 = arith.constant 0 : i32
      scf.yield %scan3A_329 : i32
    }
    %scan3A_123 = arith.constant 80 : i32
    %add3A_124 = arith.constant 9920 : i32
    %add3A_125 = arith.addi %mul3A_2, %add3A_124 : i32
    %dma_start3A_126 = arith.constant 0 : i32
    %dma_start3A_127 = arith.constant 0 : i32
    %dma_start3A_128 = arith.constant 0 : i32
    %dma_start3A_129 = tpu.memref_slice %arg9[%dma_start3A_126, %dma_start3A_127, %dma_start3A_128] : memref<2x80x128xf32, #tpu.memory_space<vmem>> -> memref<1x80x128xf32, #tpu.memory_space<vmem>>
    %dma_start3A_130 = tpu.memref_squeeze %dma_start3A_129 : memref<1x80x128xf32, #tpu.memory_space<vmem>> -> memref<80x128xf32, #tpu.memory_space<vmem>>
    %dma_start3A_131 = arith.constant 0 : i32
    %dma_start3A_132 = tpu.memref_slice %arg6[%add3A_125, %dma_start3A_131] : memref<320000x128xf32, #tpu.memory_space<hbm>> -> memref<80x128xf32, #tpu.memory_space<hbm>>
    %dma_start3A_133 = arith.constant 0 : i32
    %dma_start3A_134 = tpu.memref_slice %arg6[%add3A_125, %dma_start3A_133] : memref<320000x128xf32, #tpu.memory_space<hbm>> -> memref<80x128xf32, #tpu.memory_space<hbm>>
    %dma_start3A_135 = arith.constant 0 : i32
    %dma_start3A_136 = arith.constant 0 : i32
    %dma_start3A_137 = tpu.memref_slice %arg9[%dma_start3A_126, %dma_start3A_135, %dma_start3A_136] : memref<2x80x128xf32, #tpu.memory_space<vmem>> -> memref<1x80x128xf32, #tpu.memory_space<vmem>>
    %dma_start3A_138 = tpu.memref_squeeze %dma_start3A_137 : memref<1x80x128xf32, #tpu.memory_space<vmem>> -> memref<80x128xf32, #tpu.memory_space<vmem>>
    tpu.enqueue_dma source(%dma_start3A_138 : memref<80x128xf32, #tpu.memory_space<vmem>>) target(%dma_start3A_134 : memref<80x128xf32, #tpu.memory_space<hbm>>) target_semaphore(%arg14 : memref<!tpu.dma_semaphore, #tpu.memory_space<semaphore_mem>>)
    %dma_wait3A_139 = arith.constant 1 : i32
    %dma_wait3A_140 = arith.constant 0 : i32
    %dma_wait3A_141 = arith.constant 0 : i32
    %dma_wait3A_142 = tpu.memref_slice %arg9[%dma_wait3A_139, %dma_wait3A_140, %dma_wait3A_141] : memref<2x80x128xf32, #tpu.memory_space<vmem>> -> memref<1x80x128xf32, #tpu.memory_space<vmem>>
    %dma_wait3A_143 = tpu.memref_squeeze %dma_wait3A_142 : memref<1x80x128xf32, #tpu.memory_space<vmem>> -> memref<80x128xf32, #tpu.memory_space<vmem>>
    %dma_wait3A_144 = arith.constant 0 : i32
    %dma_wait3A_145 = arith.constant 0 : i32
    %dma_wait3A_146 = tpu.memref_slice %arg6[%dma_wait3A_144, %dma_wait3A_145] : memref<320000x128xf32, #tpu.memory_space<hbm>> -> memref<80x128xf32, #tpu.memory_space<hbm>>
    %dma_wait3A_147 = arith.constant 0 : i32
    %dma_wait3A_148 = arith.constant 0 : i32
    %dma_wait3A_149 = tpu.memref_slice %arg6[%dma_wait3A_147, %dma_wait3A_148] : memref<320000x128xf32, #tpu.memory_space<hbm>> -> memref<80x128xf32, #tpu.memory_space<hbm>>
    %dma_wait3A_150 = arith.constant 0 : i32
    %dma_wait3A_151 = arith.constant 0 : i32
    %dma_wait3A_152 = tpu.memref_slice %arg9[%dma_wait3A_139, %dma_wait3A_150, %dma_wait3A_151] : memref<2x80x128xf32, #tpu.memory_space<vmem>> -> memref<1x80x128xf32, #tpu.memory_space<vmem>>
    %dma_wait3A_153 = tpu.memref_squeeze %dma_wait3A_152 : memref<1x80x128xf32, #tpu.memory_space<vmem>> -> memref<80x128xf32, #tpu.memory_space<vmem>>
    tpu.wait_dma2 semaphore(%arg15 : memref<!tpu.dma_semaphore, #tpu.memory_space<semaphore_mem>>) src(%dma_wait3A_153 : memref<80x128xf32, #tpu.memory_space<vmem>>) dst(%dma_wait3A_149 : memref<80x128xf32, #tpu.memory_space<hbm>>)
    %dma_wait3A_154 = arith.constant 0 : i32
    %dma_wait3A_155 = arith.constant 0 : i32
    %dma_wait3A_156 = arith.constant 0 : i32
    %dma_wait3A_157 = tpu.memref_slice %arg9[%dma_wait3A_154, %dma_wait3A_155, %dma_wait3A_156] : memref<2x80x128xf32, #tpu.memory_space<vmem>> -> memref<1x80x128xf32, #tpu.memory_space<vmem>>
    %dma_wait3A_158 = tpu.memref_squeeze %dma_wait3A_157 : memref<1x80x128xf32, #tpu.memory_space<vmem>> -> memref<80x128xf32, #tpu.memory_space<vmem>>
    %dma_wait3A_159 = arith.constant 0 : i32
    %dma_wait3A_160 = arith.constant 0 : i32
    %dma_wait3A_161 = tpu.memref_slice %arg6[%dma_wait3A_159, %dma_wait3A_160] : memref<320000x128xf32, #tpu.memory_space<hbm>> -> memref<80x128xf32, #tpu.memory_space<hbm>>
    %dma_wait3A_162 = arith.constant 0 : i32
    %dma_wait3A_163 = arith.constant 0 : i32
    %dma_wait3A_164 = tpu.memref_slice %arg6[%dma_wait3A_162, %dma_wait3A_163] : memref<320000x128xf32, #tpu.memory_space<hbm>> -> memref<80x128xf32, #tpu.memory_space<hbm>>
    %dma_wait3A_165 = arith.constant 0 : i32
    %dma_wait3A_166 = arith.constant 0 : i32
    %dma_wait3A_167 = tpu.memref_slice %arg9[%dma_wait3A_154, %dma_wait3A_165, %dma_wait3A_166] : memref<2x80x128xf32, #tpu.memory_space<vmem>> -> memref<1x80x128xf32, #tpu.memory_space<vmem>>
    %dma_wait3A_168 = tpu.memref_squeeze %dma_wait3A_167 : memref<1x80x128xf32, #tpu.memory_space<vmem>> -> memref<80x128xf32, #tpu.memory_space<vmem>>
    tpu.wait_dma2 semaphore(%arg14 : memref<!tpu.dma_semaphore, #tpu.memory_space<semaphore_mem>>) src(%dma_wait3A_168 : memref<80x128xf32, #tpu.memory_space<vmem>>) dst(%dma_wait3A_164 : memref<80x128xf32, #tpu.memory_space<hbm>>)
    return
  }
}

#map = affine_map<(d0, d1) -> (0, 0)>
#map1 = affine_map<(d0, d1) -> (0)>
module attributes {stable_mosaic.version = 14 : i64} {
  func.func @body(%arg0: i32, %arg1: i32, %arg2: memref<10000x128xf32, #tpu.memory_space<hbm>>, %arg3: memref<10000x128xf32, #tpu.memory_space<hbm>>, %arg4: memref<320000xi32, #tpu.memory_space<hbm>>, %arg5: memref<320000xi32, #tpu.memory_space<hbm>>, %arg6: memref<320000x128xf32, #tpu.memory_space<hbm>>, %arg7: memref<2x80xi32, #tpu.memory_space<vmem>>, %arg8: memref<2x80xi32, #tpu.memory_space<vmem>>, %arg9: memref<2x80x128xf32, #tpu.memory_space<vmem>>, %arg10: memref<2x80x128xf32, #tpu.memory_space<vmem>>, %arg11: memref<!tpu.dma_semaphore, #tpu.memory_space<semaphore_mem>>, %arg12: memref<!tpu.dma_semaphore, #tpu.memory_space<semaphore_mem>>, %arg13: memref<!tpu.dma_semaphore, #tpu.memory_space<semaphore_mem>>, %arg14: memref<!tpu.dma_semaphore, #tpu.memory_space<semaphore_mem>>, %arg15: memref<!tpu.dma_semaphore, #tpu.memory_space<semaphore_mem>>) attributes {dimension_semantics = [#tpu.dimension_semantics<core_parallel>, #tpu.dimension_semantics<subcore_parallel>], iteration_bounds = array<i64: 2, 16>, scalar_prefetch = 0 : i64, scratch_operands = 9 : i64, tpu.core_type = #tpu.core_type<sc_vector_subcore>, window_params = [{transform_indices = #map}, {transform_indices = #map}, {transform_indices = #map1}, {transform_indices = #map1}, {transform_indices = #map}]} {
    %mul3A = arith.constant 2 : i32
    %mul3A_0 = arith.muli %arg1, %mul3A : i32
    %add3A = arith.addi %mul3A_0, %arg0 : i32
    %mul3A_1 = arith.constant 10000 : i32
    %mul3A_2 = arith.muli %add3A, %mul3A_1 : i32
    %add3A_3 = arith.constant 0 : i32
    %add3A_4 = arith.addi %mul3A_2, %add3A_3 : i32
    %dma_start3A = arith.constant 0 : i32
    %dma_start3A_5 = arith.constant 0 : i32
    %dma_start3A_6 = tpu.memref_slice %arg7[%dma_start3A, %dma_start3A_5] : memref<2x80xi32, #tpu.memory_space<vmem>> -> memref<1x80xi32, #tpu.memory_space<vmem>>
    %dma_start3A_7 = tpu.memref_squeeze %dma_start3A_6 : memref<1x80xi32, #tpu.memory_space<vmem>> -> memref<80xi32, #tpu.memory_space<vmem>>
    %dma_start3A_8 = tpu.memref_slice %arg4[%add3A_4] : memref<320000xi32, #tpu.memory_space<hbm>> -> memref<80xi32, #tpu.memory_space<hbm>>
    %dma_start3A_9 = arith.constant 0 : i32
    %dma_start3A_10 = tpu.memref_slice %arg7[%dma_start3A, %dma_start3A_9] : memref<2x80xi32, #tpu.memory_space<vmem>> -> memref<1x80xi32, #tpu.memory_space<vmem>>
    %dma_start3A_11 = tpu.memref_squeeze %dma_start3A_10 : memref<1x80xi32, #tpu.memory_space<vmem>> -> memref<80xi32, #tpu.memory_space<vmem>>
    %dma_start3A_12 = tpu.memref_slice %arg4[%add3A_4] : memref<320000xi32, #tpu.memory_space<hbm>> -> memref<80xi32, #tpu.memory_space<hbm>>
    tpu.enqueue_dma source(%dma_start3A_12 : memref<80xi32, #tpu.memory_space<hbm>>) target(%dma_start3A_11 : memref<80xi32, #tpu.memory_space<vmem>>) target_semaphore(%arg11 : memref<!tpu.dma_semaphore, #tpu.memory_space<semaphore_mem>>)
    %dma_start3A_13 = arith.constant 0 : i32
    %dma_start3A_14 = arith.constant 0 : i32
    %dma_start3A_15 = tpu.memref_slice %arg8[%dma_start3A_13, %dma_start3A_14] : memref<2x80xi32, #tpu.memory_space<vmem>> -> memref<1x80xi32, #tpu.memory_space<vmem>>
    %dma_start3A_16 = tpu.memref_squeeze %dma_start3A_15 : memref<1x80xi32, #tpu.memory_space<vmem>> -> memref<80xi32, #tpu.memory_space<vmem>>
    %dma_start3A_17 = tpu.memref_slice %arg5[%add3A_4] : memref<320000xi32, #tpu.memory_space<hbm>> -> memref<80xi32, #tpu.memory_space<hbm>>
    %dma_start3A_18 = arith.constant 0 : i32
    %dma_start3A_19 = tpu.memref_slice %arg8[%dma_start3A_13, %dma_start3A_18] : memref<2x80xi32, #tpu.memory_space<vmem>> -> memref<1x80xi32, #tpu.memory_space<vmem>>
    %dma_start3A_20 = tpu.memref_squeeze %dma_start3A_19 : memref<1x80xi32, #tpu.memory_space<vmem>> -> memref<80xi32, #tpu.memory_space<vmem>>
    %dma_start3A_21 = tpu.memref_slice %arg5[%add3A_4] : memref<320000xi32, #tpu.memory_space<hbm>> -> memref<80xi32, #tpu.memory_space<hbm>>
    tpu.enqueue_dma source(%dma_start3A_21 : memref<80xi32, #tpu.memory_space<hbm>>) target(%dma_start3A_20 : memref<80xi32, #tpu.memory_space<vmem>>) target_semaphore(%arg11 : memref<!tpu.dma_semaphore, #tpu.memory_space<semaphore_mem>>)
    %dma_wait3A = arith.constant 0 : i32
    %dma_wait3A_22 = arith.constant 0 : i32
    %dma_wait3A_23 = tpu.memref_slice %arg7[%dma_wait3A, %dma_wait3A_22] : memref<2x80xi32, #tpu.memory_space<vmem>> -> memref<1x80xi32, #tpu.memory_space<vmem>>
    %dma_wait3A_24 = tpu.memref_squeeze %dma_wait3A_23 : memref<1x80xi32, #tpu.memory_space<vmem>> -> memref<80xi32, #tpu.memory_space<vmem>>
    %dma_wait3A_25 = arith.constant 0 : i32
    %dma_wait3A_26 = tpu.memref_slice %arg4[%dma_wait3A_25] : memref<320000xi32, #tpu.memory_space<hbm>> -> memref<80xi32, #tpu.memory_space<hbm>>
    %dma_wait3A_27 = arith.constant 0 : i32
    %dma_wait3A_28 = tpu.memref_slice %arg7[%dma_wait3A, %dma_wait3A_27] : memref<2x80xi32, #tpu.memory_space<vmem>> -> memref<1x80xi32, #tpu.memory_space<vmem>>
    %dma_wait3A_29 = tpu.memref_squeeze %dma_wait3A_28 : memref<1x80xi32, #tpu.memory_space<vmem>> -> memref<80xi32, #tpu.memory_space<vmem>>
    %dma_wait3A_30 = arith.constant 0 : i32
    %dma_wait3A_31 = tpu.memref_slice %arg4[%dma_wait3A_30] : memref<320000xi32, #tpu.memory_space<hbm>> -> memref<80xi32, #tpu.memory_space<hbm>>
    tpu.wait_dma2 semaphore(%arg11 : memref<!tpu.dma_semaphore, #tpu.memory_space<semaphore_mem>>) src(%dma_wait3A_31 : memref<80xi32, #tpu.memory_space<hbm>>) dst(%dma_wait3A_29 : memref<80xi32, #tpu.memory_space<vmem>>)
    %dma_wait3A_32 = arith.constant 0 : i32
    %dma_wait3A_33 = arith.constant 0 : i32
    %dma_wait3A_34 = tpu.memref_slice %arg8[%dma_wait3A_32, %dma_wait3A_33] : memref<2x80xi32, #tpu.memory_space<vmem>> -> memref<1x80xi32, #tpu.memory_space<vmem>>
    %dma_wait3A_35 = tpu.memref_squeeze %dma_wait3A_34 : memref<1x80xi32, #tpu.memory_space<vmem>> -> memref<80xi32, #tpu.memory_space<vmem>>
    %dma_wait3A_36 = arith.constant 0 : i32
    %dma_wait3A_37 = tpu.memref_slice %arg5[%dma_wait3A_36] : memref<320000xi32, #tpu.memory_space<hbm>> -> memref<80xi32, #tpu.memory_space<hbm>>
    %dma_wait3A_38 = arith.constant 0 : i32
    %dma_wait3A_39 = tpu.memref_slice %arg8[%dma_wait3A_32, %dma_wait3A_38] : memref<2x80xi32, #tpu.memory_space<vmem>> -> memref<1x80xi32, #tpu.memory_space<vmem>>
    %dma_wait3A_40 = tpu.memref_squeeze %dma_wait3A_39 : memref<1x80xi32, #tpu.memory_space<vmem>> -> memref<80xi32, #tpu.memory_space<vmem>>
    %dma_wait3A_41 = arith.constant 0 : i32
    %dma_wait3A_42 = tpu.memref_slice %arg5[%dma_wait3A_41] : memref<320000xi32, #tpu.memory_space<hbm>> -> memref<80xi32, #tpu.memory_space<hbm>>
    tpu.wait_dma2 semaphore(%arg11 : memref<!tpu.dma_semaphore, #tpu.memory_space<semaphore_mem>>) src(%dma_wait3A_42 : memref<80xi32, #tpu.memory_space<hbm>>) dst(%dma_wait3A_40 : memref<80xi32, #tpu.memory_space<vmem>>)
    %add3A_43 = arith.constant 80 : i32
    %add3A_44 = arith.addi %mul3A_2, %add3A_43 : i32
    %dma_start3A_45 = arith.constant 1 : i32
    %dma_start3A_46 = arith.constant 0 : i32
    %dma_start3A_47 = tpu.memref_slice %arg7[%dma_start3A_45, %dma_start3A_46] : memref<2x80xi32, #tpu.memory_space<vmem>> -> memref<1x80xi32, #tpu.memory_space<vmem>>
    %dma_start3A_48 = tpu.memref_squeeze %dma_start3A_47 : memref<1x80xi32, #tpu.memory_space<vmem>> -> memref<80xi32, #tpu.memory_space<vmem>>
    %dma_start3A_49 = tpu.memref_slice %arg4[%add3A_44] : memref<320000xi32, #tpu.memory_space<hbm>> -> memref<80xi32, #tpu.memory_space<hbm>>
    %dma_start3A_50 = arith.constant 0 : i32
    %dma_start3A_51 = tpu.memref_slice %arg7[%dma_start3A_45, %dma_start3A_50] : memref<2x80xi32, #tpu.memory_space<vmem>> -> memref<1x80xi32, #tpu.memory_space<vmem>>
    %dma_start3A_52 = tpu.memref_squeeze %dma_start3A_51 : memref<1x80xi32, #tpu.memory_space<vmem>> -> memref<80xi32, #tpu.memory_space<vmem>>
    %dma_start3A_53 = tpu.memref_slice %arg4[%add3A_44] : memref<320000xi32, #tpu.memory_space<hbm>> -> memref<80xi32, #tpu.memory_space<hbm>>
    tpu.enqueue_dma source(%dma_start3A_53 : memref<80xi32, #tpu.memory_space<hbm>>) target(%dma_start3A_52 : memref<80xi32, #tpu.memory_space<vmem>>) target_semaphore(%arg12 : memref<!tpu.dma_semaphore, #tpu.memory_space<semaphore_mem>>)
    %dma_start3A_54 = arith.constant 1 : i32
    %dma_start3A_55 = arith.constant 0 : i32
    %dma_start3A_56 = tpu.memref_slice %arg8[%dma_start3A_54, %dma_start3A_55] : memref<2x80xi32, #tpu.memory_space<vmem>> -> memref<1x80xi32, #tpu.memory_space<vmem>>
    %dma_start3A_57 = tpu.memref_squeeze %dma_start3A_56 : memref<1x80xi32, #tpu.memory_space<vmem>> -> memref<80xi32, #tpu.memory_space<vmem>>
    %dma_start3A_58 = tpu.memref_slice %arg5[%add3A_44] : memref<320000xi32, #tpu.memory_space<hbm>> -> memref<80xi32, #tpu.memory_space<hbm>>
    %dma_start3A_59 = arith.constant 0 : i32
    %dma_start3A_60 = tpu.memref_slice %arg8[%dma_start3A_54, %dma_start3A_59] : memref<2x80xi32, #tpu.memory_space<vmem>> -> memref<1x80xi32, #tpu.memory_space<vmem>>
    %dma_start3A_61 = tpu.memref_squeeze %dma_start3A_60 : memref<1x80xi32, #tpu.memory_space<vmem>> -> memref<80xi32, #tpu.memory_space<vmem>>
    %dma_start3A_62 = tpu.memref_slice %arg5[%add3A_44] : memref<320000xi32, #tpu.memory_space<hbm>> -> memref<80xi32, #tpu.memory_space<hbm>>
    tpu.enqueue_dma source(%dma_start3A_62 : memref<80xi32, #tpu.memory_space<hbm>>) target(%dma_start3A_61 : memref<80xi32, #tpu.memory_space<vmem>>) target_semaphore(%arg12 : memref<!tpu.dma_semaphore, #tpu.memory_space<semaphore_mem>>)
    %dma_start3A_63 = arith.constant 0 : i32
    %dma_start3A_64 = arith.constant 0 : i32
    %dma_start3A_65 = arith.constant 0 : i32
    %dma_start3A_66 = arith.constant 0 : i32
    %dma_start3A_67 = tpu.memref_slice %arg9[%dma_start3A_64, %dma_start3A_65, %dma_start3A_66] : memref<2x80x128xf32, #tpu.memory_space<vmem>> -> memref<1x80x128xf32, #tpu.memory_space<vmem>>
    %dma_start3A_68 = tpu.memref_squeeze %dma_start3A_67 : memref<1x80x128xf32, #tpu.memory_space<vmem>> -> memref<80x128xf32, #tpu.memory_space<vmem>>
    %dma_start3A_69 = arith.constant 0 : i32
    %dma_start3A_70 = tpu.memref_slice %arg7[%dma_start3A_63, %dma_start3A_69] : memref<2x80xi32, #tpu.memory_space<vmem>> -> memref<1x80xi32, #tpu.memory_space<vmem>>
    %dma_start3A_71 = tpu.memref_squeeze %dma_start3A_70 : memref<1x80xi32, #tpu.memory_space<vmem>> -> memref<80xi32, #tpu.memory_space<vmem>>
    %dma_start3A_72 = arith.constant 0 : i32
    %dma_start3A_73 = arith.constant 0 : i32
    %dma_start3A_74 = tpu.memref_slice %arg2[%dma_start3A_72, %dma_start3A_73] : memref<10000x128xf32, #tpu.memory_space<hbm>> -> memref<10000x128xf32, #tpu.memory_space<hbm>>
    tpu.enqueue_indirect_dma source(%dma_start3A_74 : memref<10000x128xf32, #tpu.memory_space<hbm>>) target(%dma_start3A_68 : memref<80x128xf32, #tpu.memory_space<vmem>>) offsets(%dma_start3A_71 : memref<80xi32, #tpu.memory_space<vmem>>) semaphore(%arg13 : memref<!tpu.dma_semaphore, #tpu.memory_space<semaphore_mem>>)
    %dma_wait3A_75 = arith.constant 0 : i32
    %dma_wait3A_76 = arith.constant 0 : i32
    %dma_wait3A_77 = arith.constant 0 : i32
    %dma_wait3A_78 = arith.constant 0 : i32
    %dma_wait3A_79 = tpu.memref_slice %arg9[%dma_wait3A_76, %dma_wait3A_77, %dma_wait3A_78] : memref<2x80x128xf32, #tpu.memory_space<vmem>> -> memref<1x80x128xf32, #tpu.memory_space<vmem>>
    %dma_wait3A_80 = tpu.memref_squeeze %dma_wait3A_79 : memref<1x80x128xf32, #tpu.memory_space<vmem>> -> memref<80x128xf32, #tpu.memory_space<vmem>>
    %dma_wait3A_81 = arith.constant 0 : i32
    %dma_wait3A_82 = tpu.memref_slice %arg7[%dma_wait3A_75, %dma_wait3A_81] : memref<2x80xi32, #tpu.memory_space<vmem>> -> memref<1x80xi32, #tpu.memory_space<vmem>>
    %dma_wait3A_83 = tpu.memref_squeeze %dma_wait3A_82 : memref<1x80xi32, #tpu.memory_space<vmem>> -> memref<80xi32, #tpu.memory_space<vmem>>
    %dma_wait3A_84 = arith.constant 0 : i32
    %dma_wait3A_85 = arith.constant 0 : i32
    %dma_wait3A_86 = tpu.memref_slice %arg2[%dma_wait3A_84, %dma_wait3A_85] : memref<10000x128xf32, #tpu.memory_space<hbm>> -> memref<10000x128xf32, #tpu.memory_space<hbm>>
    tpu.wait_indirect_dma semaphore(%arg13 : memref<!tpu.dma_semaphore, #tpu.memory_space<semaphore_mem>>) src(%dma_wait3A_86 : memref<10000x128xf32, #tpu.memory_space<hbm>>) dst(%dma_wait3A_80 : memref<80x128xf32, #tpu.memory_space<vmem>>)
    %dma_start3A_87 = arith.constant 0 : i32
    %dma_start3A_88 = arith.constant 0 : i32
    %dma_start3A_89 = arith.constant 0 : i32
    %dma_start3A_90 = arith.constant 0 : i32
    %dma_start3A_91 = tpu.memref_slice %arg10[%dma_start3A_88, %dma_start3A_89, %dma_start3A_90] : memref<2x80x128xf32, #tpu.memory_space<vmem>> -> memref<1x80x128xf32, #tpu.memory_space<vmem>>
    %dma_start3A_92 = tpu.memref_squeeze %dma_start3A_91 : memref<1x80x128xf32, #tpu.memory_space<vmem>> -> memref<80x128xf32, #tpu.memory_space<vmem>>
    %dma_start3A_93 = arith.constant 0 : i32
    %dma_start3A_94 = tpu.memref_slice %arg8[%dma_start3A_87, %dma_start3A_93] : memref<2x80xi32, #tpu.memory_space<vmem>> -> memref<1x80xi32, #tpu.memory_space<vmem>>
    %dma_start3A_95 = tpu.memref_squeeze %dma_start3A_94 : memref<1x80xi32, #tpu.memory_space<vmem>> -> memref<80xi32, #tpu.memory_space<vmem>>
    %dma_start3A_96 = arith.constant 0 : i32
    %dma_start3A_97 = arith.constant 0 : i32
    %dma_start3A_98 = tpu.memref_slice %arg3[%dma_start3A_96, %dma_start3A_97] : memref<10000x128xf32, #tpu.memory_space<hbm>> -> memref<10000x128xf32, #tpu.memory_space<hbm>>
    tpu.enqueue_indirect_dma source(%dma_start3A_98 : memref<10000x128xf32, #tpu.memory_space<hbm>>) target(%dma_start3A_92 : memref<80x128xf32, #tpu.memory_space<vmem>>) offsets(%dma_start3A_95 : memref<80xi32, #tpu.memory_space<vmem>>) semaphore(%arg13 : memref<!tpu.dma_semaphore, #tpu.memory_space<semaphore_mem>>)
    %dma_wait3A_99 = arith.constant 0 : i32
    %dma_wait3A_100 = arith.constant 0 : i32
    %dma_wait3A_101 = arith.constant 0 : i32
    %dma_wait3A_102 = arith.constant 0 : i32
    %dma_wait3A_103 = tpu.memref_slice %arg10[%dma_wait3A_100, %dma_wait3A_101, %dma_wait3A_102] : memref<2x80x128xf32, #tpu.memory_space<vmem>> -> memref<1x80x128xf32, #tpu.memory_space<vmem>>
    %dma_wait3A_104 = tpu.memref_squeeze %dma_wait3A_103 : memref<1x80x128xf32, #tpu.memory_space<vmem>> -> memref<80x128xf32, #tpu.memory_space<vmem>>
    %dma_wait3A_105 = arith.constant 0 : i32
    %dma_wait3A_106 = tpu.memref_slice %arg8[%dma_wait3A_99, %dma_wait3A_105] : memref<2x80xi32, #tpu.memory_space<vmem>> -> memref<1x80xi32, #tpu.memory_space<vmem>>
    %dma_wait3A_107 = tpu.memref_squeeze %dma_wait3A_106 : memref<1x80xi32, #tpu.memory_space<vmem>> -> memref<80xi32, #tpu.memory_space<vmem>>
    %dma_wait3A_108 = arith.constant 0 : i32
    %dma_wait3A_109 = arith.constant 0 : i32
    %dma_wait3A_110 = tpu.memref_slice %arg3[%dma_wait3A_108, %dma_wait3A_109] : memref<10000x128xf32, #tpu.memory_space<hbm>> -> memref<10000x128xf32, #tpu.memory_space<hbm>>
    tpu.wait_indirect_dma semaphore(%arg13 : memref<!tpu.dma_semaphore, #tpu.memory_space<semaphore_mem>>) src(%dma_wait3A_110 : memref<10000x128xf32, #tpu.memory_space<hbm>>) dst(%dma_wait3A_104 : memref<80x128xf32, #tpu.memory_space<vmem>>)
    %scan3A = arith.constant 0 : i32
    %scan3A_111 = arith.constant 0 : i32
    %scan3A_112 = arith.constant 62 : i32
    %scan3A_113 = arith.addi %scan3A_111, %scan3A_112 : i32
    %scan3A_114 = arith.constant 1 : i32
    %scan3A_115 = scf.for %scan3A_169 = %scan3A_111 to %scan3A_113 step %scan3A_114 iter_args(%scan3A_170 = %scan3A) -> (i32)  : i32 {
      %mul3A_171 = arith.constant 2 : i32
      %mul3A_172 = arith.muli %mul3A_171, %scan3A_169 : i32
      %dma_wait3A_173 = arith.constant 1 : i32
      %dma_wait3A_174 = arith.constant 0 : i32
      %dma_wait3A_175 = tpu.memref_slice %arg7[%dma_wait3A_173, %dma_wait3A_174] : memref<2x80xi32, #tpu.memory_space<vmem>> -> memref<1x80xi32, #tpu.memory_space<vmem>>
      %dma_wait3A_176 = tpu.memref_squeeze %dma_wait3A_175 : memref<1x80xi32, #tpu.memory_space<vmem>> -> memref<80xi32, #tpu.memory_space<vmem>>
      %dma_wait3A_177 = arith.constant 0 : i32
      %dma_wait3A_178 = tpu.memref_slice %arg4[%dma_wait3A_177] : memref<320000xi32, #tpu.memory_space<hbm>> -> memref<80xi32, #tpu.memory_space<hbm>>
      %dma_wait3A_179 = arith.constant 0 : i32
      %dma_wait3A_180 = tpu.memref_slice %arg7[%dma_wait3A_173, %dma_wait3A_179] : memref<2x80xi32, #tpu.memory_space<vmem>> -> memref<1x80xi32, #tpu.memory_space<vmem>>
      %dma_wait3A_181 = tpu.memref_squeeze %dma_wait3A_180 : memref<1x80xi32, #tpu.memory_space<vmem>> -> memref<80xi32, #tpu.memory_space<vmem>>
      %dma_wait3A_182 = arith.constant 0 : i32
      %dma_wait3A_183 = tpu.memref_slice %arg4[%dma_wait3A_182] : memref<320000xi32, #tpu.memory_space<hbm>> -> memref<80xi32, #tpu.memory_space<hbm>>
      tpu.wait_dma2 semaphore(%arg12 : memref<!tpu.dma_semaphore, #tpu.memory_space<semaphore_mem>>) src(%dma_wait3A_183 : memref<80xi32, #tpu.memory_space<hbm>>) dst(%dma_wait3A_181 : memref<80xi32, #tpu.memory_space<vmem>>)
      %dma_wait3A_184 = arith.constant 1 : i32
      %dma_wait3A_185 = arith.constant 0 : i32
      %dma_wait3A_186 = tpu.memref_slice %arg8[%dma_wait3A_184, %dma_wait3A_185] : memref<2x80xi32, #tpu.memory_space<vmem>> -> memref<1x80xi32, #tpu.memory_space<vmem>>
      %dma_wait3A_187 = tpu.memref_squeeze %dma_wait3A_186 : memref<1x80xi32, #tpu.memory_space<vmem>> -> memref<80xi32, #tpu.memory_space<vmem>>
      %dma_wait3A_188 = arith.constant 0 : i32
      %dma_wait3A_189 = tpu.memref_slice %arg5[%dma_wait3A_188] : memref<320000xi32, #tpu.memory_space<hbm>> -> memref<80xi32, #tpu.memory_space<hbm>>
      %dma_wait3A_190 = arith.constant 0 : i32
      %dma_wait3A_191 = tpu.memref_slice %arg8[%dma_wait3A_184, %dma_wait3A_190] : memref<2x80xi32, #tpu.memory_space<vmem>> -> memref<1x80xi32, #tpu.memory_space<vmem>>
      %dma_wait3A_192 = tpu.memref_squeeze %dma_wait3A_191 : memref<1x80xi32, #tpu.memory_space<vmem>> -> memref<80xi32, #tpu.memory_space<vmem>>
      %dma_wait3A_193 = arith.constant 0 : i32
      %dma_wait3A_194 = tpu.memref_slice %arg5[%dma_wait3A_193] : memref<320000xi32, #tpu.memory_space<hbm>> -> memref<80xi32, #tpu.memory_space<hbm>>
      tpu.wait_dma2 semaphore(%arg12 : memref<!tpu.dma_semaphore, #tpu.memory_space<semaphore_mem>>) src(%dma_wait3A_194 : memref<80xi32, #tpu.memory_space<hbm>>) dst(%dma_wait3A_192 : memref<80xi32, #tpu.memory_space<vmem>>)
      %add3A_195 = arith.constant 2 : i32
      %add3A_196 = arith.addi %mul3A_172, %add3A_195 : i32
      %lt3A = arith.constant 125 : i32
      %lt3A_197 = arith.cmpi slt, %add3A_196, %lt3A : i32
      %convert_element_type3A = arith.extui %lt3A_197 : i1 to i32
      %cond3A = arith.constant 0 : i32
      %cond3A_198 = arith.cmpi ne, %convert_element_type3A, %cond3A : i32
      scf.if %cond3A_198 {
        %add3A_402 = arith.constant 2 : i32
        %add3A_403 = arith.addi %mul3A_172, %add3A_402 : i32
        %mul3A_404 = arith.constant 80 : i32
        %mul3A_405 = arith.muli %add3A_403, %mul3A_404 : i32
        %add3A_406 = arith.addi %mul3A_2, %mul3A_405 : i32
        %dma_start3A_407 = arith.constant 0 : i32
        %dma_start3A_408 = arith.constant 0 : i32
        %dma_start3A_409 = tpu.memref_slice %arg7[%dma_start3A_407, %dma_start3A_408] : memref<2x80xi32, #tpu.memory_space<vmem>> -> memref<1x80xi32, #tpu.memory_space<vmem>>
        %dma_start3A_410 = tpu.memref_squeeze %dma_start3A_409 : memref<1x80xi32, #tpu.memory_space<vmem>> -> memref<80xi32, #tpu.memory_space<vmem>>
        %dma_start3A_411 = tpu.memref_slice %arg4[%add3A_406] : memref<320000xi32, #tpu.memory_space<hbm>> -> memref<80xi32, #tpu.memory_space<hbm>>
        %dma_start3A_412 = arith.constant 0 : i32
        %dma_start3A_413 = tpu.memref_slice %arg7[%dma_start3A_407, %dma_start3A_412] : memref<2x80xi32, #tpu.memory_space<vmem>> -> memref<1x80xi32, #tpu.memory_space<vmem>>
        %dma_start3A_414 = tpu.memref_squeeze %dma_start3A_413 : memref<1x80xi32, #tpu.memory_space<vmem>> -> memref<80xi32, #tpu.memory_space<vmem>>
        %dma_start3A_415 = tpu.memref_slice %arg4[%add3A_406] : memref<320000xi32, #tpu.memory_space<hbm>> -> memref<80xi32, #tpu.memory_space<hbm>>
        tpu.enqueue_dma source(%dma_start3A_415 : memref<80xi32, #tpu.memory_space<hbm>>) target(%dma_start3A_414 : memref<80xi32, #tpu.memory_space<vmem>>) target_semaphore(%arg11 : memref<!tpu.dma_semaphore, #tpu.memory_space<semaphore_mem>>)
        %dma_start3A_416 = arith.constant 0 : i32
        %dma_start3A_417 = arith.constant 0 : i32
        %dma_start3A_418 = tpu.memref_slice %arg8[%dma_start3A_416, %dma_start3A_417] : memref<2x80xi32, #tpu.memory_space<vmem>> -> memref<1x80xi32, #tpu.memory_space<vmem>>
        %dma_start3A_419 = tpu.memref_squeeze %dma_start3A_418 : memref<1x80xi32, #tpu.memory_space<vmem>> -> memref<80xi32, #tpu.memory_space<vmem>>
        %dma_start3A_420 = tpu.memref_slice %arg5[%add3A_406] : memref<320000xi32, #tpu.memory_space<hbm>> -> memref<80xi32, #tpu.memory_space<hbm>>
        %dma_start3A_421 = arith.constant 0 : i32
        %dma_start3A_422 = tpu.memref_slice %arg8[%dma_start3A_416, %dma_start3A_421] : memref<2x80xi32, #tpu.memory_space<vmem>> -> memref<1x80xi32, #tpu.memory_space<vmem>>
        %dma_start3A_423 = tpu.memref_squeeze %dma_start3A_422 : memref<1x80xi32, #tpu.memory_space<vmem>> -> memref<80xi32, #tpu.memory_space<vmem>>
        %dma_start3A_424 = tpu.memref_slice %arg5[%add3A_406] : memref<320000xi32, #tpu.memory_space<hbm>> -> memref<80xi32, #tpu.memory_space<hbm>>
        tpu.enqueue_dma source(%dma_start3A_424 : memref<80xi32, #tpu.memory_space<hbm>>) target(%dma_start3A_423 : memref<80xi32, #tpu.memory_space<vmem>>) target_semaphore(%arg11 : memref<!tpu.dma_semaphore, #tpu.memory_space<semaphore_mem>>)
      } else {
      }
      %gt3A = arith.constant 0 : i32
      %gt3A_199 = arith.cmpi sgt, %scan3A_169, %gt3A : i32
      %convert_element_type3A_200 = arith.extui %gt3A_199 : i1 to i32
      %cond3A_201 = arith.constant 0 : i32
      %cond3A_202 = arith.cmpi ne, %convert_element_type3A_200, %cond3A_201 : i32
      scf.if %cond3A_202 {
        %dma_wait3A_402 = arith.constant 1 : i32
        %dma_wait3A_403 = arith.constant 0 : i32
        %dma_wait3A_404 = arith.constant 0 : i32
        %dma_wait3A_405 = tpu.memref_slice %arg9[%dma_wait3A_402, %dma_wait3A_403, %dma_wait3A_404] : memref<2x80x128xf32, #tpu.memory_space<vmem>> -> memref<1x80x128xf32, #tpu.memory_space<vmem>>
        %dma_wait3A_406 = tpu.memref_squeeze %dma_wait3A_405 : memref<1x80x128xf32, #tpu.memory_space<vmem>> -> memref<80x128xf32, #tpu.memory_space<vmem>>
        %dma_wait3A_407 = arith.constant 0 : i32
        %dma_wait3A_408 = arith.constant 0 : i32
        %dma_wait3A_409 = tpu.memref_slice %arg6[%dma_wait3A_407, %dma_wait3A_408] : memref<320000x128xf32, #tpu.memory_space<hbm>> -> memref<80x128xf32, #tpu.memory_space<hbm>>
        %dma_wait3A_410 = arith.constant 0 : i32
        %dma_wait3A_411 = arith.constant 0 : i32
        %dma_wait3A_412 = tpu.memref_slice %arg6[%dma_wait3A_410, %dma_wait3A_411] : memref<320000x128xf32, #tpu.memory_space<hbm>> -> memref<80x128xf32, #tpu.memory_space<hbm>>
        %dma_wait3A_413 = arith.constant 0 : i32
        %dma_wait3A_414 = arith.constant 0 : i32
        %dma_wait3A_415 = tpu.memref_slice %arg9[%dma_wait3A_402, %dma_wait3A_413, %dma_wait3A_414] : memref<2x80x128xf32, #tpu.memory_space<vmem>> -> memref<1x80x128xf32, #tpu.memory_space<vmem>>
        %dma_wait3A_416 = tpu.memref_squeeze %dma_wait3A_415 : memref<1x80x128xf32, #tpu.memory_space<vmem>> -> memref<80x128xf32, #tpu.memory_space<vmem>>
        tpu.wait_dma2 semaphore(%arg15 : memref<!tpu.dma_semaphore, #tpu.memory_space<semaphore_mem>>) src(%dma_wait3A_416 : memref<80x128xf32, #tpu.memory_space<vmem>>) dst(%dma_wait3A_412 : memref<80x128xf32, #tpu.memory_space<hbm>>)
      } else {
      }
      %add3A_203 = arith.constant 1 : i32
      %add3A_204 = arith.addi %mul3A_172, %add3A_203 : i32
      %dma_start3A_205 = arith.constant 1 : i32
      %dma_start3A_206 = arith.constant 1 : i32
      %dma_start3A_207 = arith.constant 0 : i32
      %dma_start3A_208 = arith.constant 0 : i32
      %dma_start3A_209 = tpu.memref_slice %arg9[%dma_start3A_206, %dma_start3A_207, %dma_start3A_208] : memref<2x80x128xf32, #tpu.memory_space<vmem>> -> memref<1x80x128xf32, #tpu.memory_space<vmem>>
      %dma_start3A_210 = tpu.memref_squeeze %dma_start3A_209 : memref<1x80x128xf32, #tpu.memory_space<vmem>> -> memref<80x128xf32, #tpu.memory_space<vmem>>
      %dma_start3A_211 = arith.constant 0 : i32
      %dma_start3A_212 = tpu.memref_slice %arg7[%dma_start3A_205, %dma_start3A_211] : memref<2x80xi32, #tpu.memory_space<vmem>> -> memref<1x80xi32, #tpu.memory_space<vmem>>
      %dma_start3A_213 = tpu.memref_squeeze %dma_start3A_212 : memref<1x80xi32, #tpu.memory_space<vmem>> -> memref<80xi32, #tpu.memory_space<vmem>>
      %dma_start3A_214 = arith.constant 0 : i32
      %dma_start3A_215 = arith.constant 0 : i32
      %dma_start3A_216 = tpu.memref_slice %arg2[%dma_start3A_214, %dma_start3A_215] : memref<10000x128xf32, #tpu.memory_space<hbm>> -> memref<10000x128xf32, #tpu.memory_space<hbm>>
      tpu.enqueue_indirect_dma source(%dma_start3A_216 : memref<10000x128xf32, #tpu.memory_space<hbm>>) target(%dma_start3A_210 : memref<80x128xf32, #tpu.memory_space<vmem>>) offsets(%dma_start3A_213 : memref<80xi32, #tpu.memory_space<vmem>>) semaphore(%arg13 : memref<!tpu.dma_semaphore, #tpu.memory_space<semaphore_mem>>)
      %scan3A_217 = arith.constant 0 : i32
      %scan3A_218 = arith.constant 0 : i32
      %scan3A_219 = arith.constant 80 : i32
      %scan3A_220 = arith.addi %scan3A_218, %scan3A_219 : i32
      %scan3A_221 = arith.constant 1 : i32
      %scan3A_222 = scf.for %scan3A_402 = %scan3A_218 to %scan3A_220 step %scan3A_221 iter_args(%scan3A_403 = %scan3A_217) -> (i32)  : i32 {
        %get3A = arith.constant 0 : i32
        %get3A_404 = arith.index_cast %get3A : i32 to index
        %get3A_405 = arith.index_cast %scan3A_402 : i32 to index
        %get3A_406 = arith.constant 0 : index
        %get3A_407 = tpu.vector_load %arg9[%get3A_404, %get3A_405, %get3A_406] {strides = array<i32>} : memref<2x80x128xf32, #tpu.memory_space<vmem>>, vector<1x1x16xf32>,
        %get3A_408 = vector.shape_cast %get3A_407 : vector<1x1x16xf32> to vector<16xf32>
        %get3A_409 = arith.constant 0 : i32
        %get3A_410 = arith.index_cast %get3A_409 : i32 to index
        %get3A_411 = arith.index_cast %scan3A_402 : i32 to index
        %get3A_412 = arith.constant 0 : index
        %get3A_413 = tpu.vector_load %arg10[%get3A_410, %get3A_411, %get3A_412] {strides = array<i32>} : memref<2x80x128xf32, #tpu.memory_space<vmem>>, vector<1x1x16xf32>,
        %get3A_414 = vector.shape_cast %get3A_413 : vector<1x1x16xf32> to vector<16xf32>
        %add3A_415 = arith.addf %get3A_408, %get3A_414 : vector<16xf32>
        %swap3A = arith.constant 0 : i32
        %swap3A_416 = arith.index_cast %swap3A : i32 to index
        %swap3A_417 = arith.index_cast %scan3A_402 : i32 to index
        %swap3A_418 = arith.constant 0 : index
        %swap3A_419 = tpu.vector_load %arg9[%swap3A_416, %swap3A_417, %swap3A_418] {strides = array<i32>} : memref<2x80x128xf32, #tpu.memory_space<vmem>>, vector<1x1x16xf32>,
        %swap3A_420 = vector.shape_cast %swap3A_419 : vector<1x1x16xf32> to vector<16xf32>
        %swap3A_421 = vector.shape_cast %add3A_415 : vector<16xf32> to vector<1x1x16xf32>
        tpu.vector_store %arg9[%swap3A_416, %swap3A_417, %swap3A_418], %swap3A_421 {strides = array<i32>} : memref<2x80x128xf32, #tpu.memory_space<vmem>>, vector<1x1x16xf32>,
        %get3A_422 = arith.constant 0 : i32
        %get3A_423 = arith.index_cast %get3A_422 : i32 to index
        %get3A_424 = arith.index_cast %scan3A_402 : i32 to index
        %get3A_425 = arith.constant 16 : index
        %get3A_426 = tpu.vector_load %arg9[%get3A_423, %get3A_424, %get3A_425] {strides = array<i32>} : memref<2x80x128xf32, #tpu.memory_space<vmem>>, vector<1x1x16xf32>,
        %get3A_427 = vector.shape_cast %get3A_426 : vector<1x1x16xf32> to vector<16xf32>
        %get3A_428 = arith.constant 0 : i32
        %get3A_429 = arith.index_cast %get3A_428 : i32 to index
        %get3A_430 = arith.index_cast %scan3A_402 : i32 to index
        %get3A_431 = arith.constant 16 : index
        %get3A_432 = tpu.vector_load %arg10[%get3A_429, %get3A_430, %get3A_431] {strides = array<i32>} : memref<2x80x128xf32, #tpu.memory_space<vmem>>, vector<1x1x16xf32>,
        %get3A_433 = vector.shape_cast %get3A_432 : vector<1x1x16xf32> to vector<16xf32>
        %add3A_434 = arith.addf %get3A_427, %get3A_433 : vector<16xf32>
        %swap3A_435 = arith.constant 0 : i32
        %swap3A_436 = arith.index_cast %swap3A_435 : i32 to index
        %swap3A_437 = arith.index_cast %scan3A_402 : i32 to index
        %swap3A_438 = arith.constant 16 : index
        %swap3A_439 = tpu.vector_load %arg9[%swap3A_436, %swap3A_437, %swap3A_438] {strides = array<i32>} : memref<2x80x128xf32, #tpu.memory_space<vmem>>, vector<1x1x16xf32>,
        %swap3A_440 = vector.shape_cast %swap3A_439 : vector<1x1x16xf32> to vector<16xf32>
        %swap3A_441 = vector.shape_cast %add3A_434 : vector<16xf32> to vector<1x1x16xf32>
        tpu.vector_store %arg9[%swap3A_436, %swap3A_437, %swap3A_438], %swap3A_441 {strides = array<i32>} : memref<2x80x128xf32, #tpu.memory_space<vmem>>, vector<1x1x16xf32>,
        %get3A_442 = arith.constant 0 : i32
        %get3A_443 = arith.index_cast %get3A_442 : i32 to index
        %get3A_444 = arith.index_cast %scan3A_402 : i32 to index
        %get3A_445 = arith.constant 32 : index
        %get3A_446 = tpu.vector_load %arg9[%get3A_443, %get3A_444, %get3A_445] {strides = array<i32>} : memref<2x80x128xf32, #tpu.memory_space<vmem>>, vector<1x1x16xf32>,
        %get3A_447 = vector.shape_cast %get3A_446 : vector<1x1x16xf32> to vector<16xf32>
        %get3A_448 = arith.constant 0 : i32
        %get3A_449 = arith.index_cast %get3A_448 : i32 to index
        %get3A_450 = arith.index_cast %scan3A_402 : i32 to index
        %get3A_451 = arith.constant 32 : index
        %get3A_452 = tpu.vector_load %arg10[%get3A_449, %get3A_450, %get3A_451] {strides = array<i32>} : memref<2x80x128xf32, #tpu.memory_space<vmem>>, vector<1x1x16xf32>,
        %get3A_453 = vector.shape_cast %get3A_452 : vector<1x1x16xf32> to vector<16xf32>
        %add3A_454 = arith.addf %get3A_447, %get3A_453 : vector<16xf32>
        %swap3A_455 = arith.constant 0 : i32
        %swap3A_456 = arith.index_cast %swap3A_455 : i32 to index
        %swap3A_457 = arith.index_cast %scan3A_402 : i32 to index
        %swap3A_458 = arith.constant 32 : index
        %swap3A_459 = tpu.vector_load %arg9[%swap3A_456, %swap3A_457, %swap3A_458] {strides = array<i32>} : memref<2x80x128xf32, #tpu.memory_space<vmem>>, vector<1x1x16xf32>,
        %swap3A_460 = vector.shape_cast %swap3A_459 : vector<1x1x16xf32> to vector<16xf32>
        %swap3A_461 = vector.shape_cast %add3A_454 : vector<16xf32> to vector<1x1x16xf32>
        tpu.vector_store %arg9[%swap3A_456, %swap3A_457, %swap3A_458], %swap3A_461 {strides = array<i32>} : memref<2x80x128xf32, #tpu.memory_space<vmem>>, vector<1x1x16xf32>,
        %get3A_462 = arith.constant 0 : i32
        %get3A_463 = arith.index_cast %get3A_462 : i32 to index
        %get3A_464 = arith.index_cast %scan3A_402 : i32 to index
        %get3A_465 = arith.constant 48 : index
        %get3A_466 = tpu.vector_load %arg9[%get3A_463, %get3A_464, %get3A_465] {strides = array<i32>} : memref<2x80x128xf32, #tpu.memory_space<vmem>>, vector<1x1x16xf32>,
        %get3A_467 = vector.shape_cast %get3A_466 : vector<1x1x16xf32> to vector<16xf32>
        %get3A_468 = arith.constant 0 : i32
        %get3A_469 = arith.index_cast %get3A_468 : i32 to index
        %get3A_470 = arith.index_cast %scan3A_402 : i32 to index
        %get3A_471 = arith.constant 48 : index
        %get3A_472 = tpu.vector_load %arg10[%get3A_469, %get3A_470, %get3A_471] {strides = array<i32>} : memref<2x80x128xf32, #tpu.memory_space<vmem>>, vector<1x1x16xf32>,
        %get3A_473 = vector.shape_cast %get3A_472 : vector<1x1x16xf32> to vector<16xf32>
        %add3A_474 = arith.addf %get3A_467, %get3A_473 : vector<16xf32>
        %swap3A_475 = arith.constant 0 : i32
        %swap3A_476 = arith.index_cast %swap3A_475 : i32 to index
        %swap3A_477 = arith.index_cast %scan3A_402 : i32 to index
        %swap3A_478 = arith.constant 48 : index
        %swap3A_479 = tpu.vector_load %arg9[%swap3A_476, %swap3A_477, %swap3A_478] {strides = array<i32>} : memref<2x80x128xf32, #tpu.memory_space<vmem>>, vector<1x1x16xf32>,
        %swap3A_480 = vector.shape_cast %swap3A_479 : vector<1x1x16xf32> to vector<16xf32>
        %swap3A_481 = vector.shape_cast %add3A_474 : vector<16xf32> to vector<1x1x16xf32>
        tpu.vector_store %arg9[%swap3A_476, %swap3A_477, %swap3A_478], %swap3A_481 {strides = array<i32>} : memref<2x80x128xf32, #tpu.memory_space<vmem>>, vector<1x1x16xf32>,
        %get3A_482 = arith.constant 0 : i32
        %get3A_483 = arith.index_cast %get3A_482 : i32 to index
        %get3A_484 = arith.index_cast %scan3A_402 : i32 to index
        %get3A_485 = arith.constant 64 : index
        %get3A_486 = tpu.vector_load %arg9[%get3A_483, %get3A_484, %get3A_485] {strides = array<i32>} : memref<2x80x128xf32, #tpu.memory_space<vmem>>, vector<1x1x16xf32>,
        %get3A_487 = vector.shape_cast %get3A_486 : vector<1x1x16xf32> to vector<16xf32>
        %get3A_488 = arith.constant 0 : i32
        %get3A_489 = arith.index_cast %get3A_488 : i32 to index
        %get3A_490 = arith.index_cast %scan3A_402 : i32 to index
        %get3A_491 = arith.constant 64 : index
        %get3A_492 = tpu.vector_load %arg10[%get3A_489, %get3A_490, %get3A_491] {strides = array<i32>} : memref<2x80x128xf32, #tpu.memory_space<vmem>>, vector<1x1x16xf32>,
        %get3A_493 = vector.shape_cast %get3A_492 : vector<1x1x16xf32> to vector<16xf32>
        %add3A_494 = arith.addf %get3A_487, %get3A_493 : vector<16xf32>
        %swap3A_495 = arith.constant 0 : i32
        %swap3A_496 = arith.index_cast %swap3A_495 : i32 to index
        %swap3A_497 = arith.index_cast %scan3A_402 : i32 to index
        %swap3A_498 = arith.constant 64 : index
        %swap3A_499 = tpu.vector_load %arg9[%swap3A_496, %swap3A_497, %swap3A_498] {strides = array<i32>} : memref<2x80x128xf32, #tpu.memory_space<vmem>>, vector<1x1x16xf32>,
        %swap3A_500 = vector.shape_cast %swap3A_499 : vector<1x1x16xf32> to vector<16xf32>
        %swap3A_501 = vector.shape_cast %add3A_494 : vector<16xf32> to vector<1x1x16xf32>
        tpu.vector_store %arg9[%swap3A_496, %swap3A_497, %swap3A_498], %swap3A_501 {strides = array<i32>} : memref<2x80x128xf32, #tpu.memory_space<vmem>>, vector<1x1x16xf32>,
        %get3A_502 = arith.constant 0 : i32
        %get3A_503 = arith.index_cast %get3A_502 : i32 to index
        %get3A_504 = arith.index_cast %scan3A_402 : i32 to index
        %get3A_505 = arith.constant 80 : index
        %get3A_506 = tpu.vector_load %arg9[%get3A_503, %get3A_504, %get3A_505] {strides = array<i32>} : memref<2x80x128xf32, #tpu.memory_space<vmem>>, vector<1x1x16xf32>,
        %get3A_507 = vector.shape_cast %get3A_506 : vector<1x1x16xf32> to vector<16xf32>
        %get3A_508 = arith.constant 0 : i32
        %get3A_509 = arith.index_cast %get3A_508 : i32 to index
        %get3A_510 = arith.index_cast %scan3A_402 : i32 to index
        %get3A_511 = arith.constant 80 : index
        %get3A_512 = tpu.vector_load %arg10[%get3A_509, %get3A_510, %get3A_511] {strides = array<i32>} : memref<2x80x128xf32, #tpu.memory_space<vmem>>, vector<1x1x16xf32>,
        %get3A_513 = vector.shape_cast %get3A_512 : vector<1x1x16xf32> to vector<16xf32>
        %add3A_514 = arith.addf %get3A_507, %get3A_513 : vector<16xf32>
        %swap3A_515 = arith.constant 0 : i32
        %swap3A_516 = arith.index_cast %swap3A_515 : i32 to index
        %swap3A_517 = arith.index_cast %scan3A_402 : i32 to index
        %swap3A_518 = arith.constant 80 : index
        %swap3A_519 = tpu.vector_load %arg9[%swap3A_516, %swap3A_517, %swap3A_518] {strides = array<i32>} : memref<2x80x128xf32, #tpu.memory_space<vmem>>, vector<1x1x16xf32>,
        %swap3A_520 = vector.shape_cast %swap3A_519 : vector<1x1x16xf32> to vector<16xf32>
        %swap3A_521 = vector.shape_cast %add3A_514 : vector<16xf32> to vector<1x1x16xf32>
        tpu.vector_store %arg9[%swap3A_516, %swap3A_517, %swap3A_518], %swap3A_521 {strides = array<i32>} : memref<2x80x128xf32, #tpu.memory_space<vmem>>, vector<1x1x16xf32>,
        %get3A_522 = arith.constant 0 : i32
        %get3A_523 = arith.index_cast %get3A_522 : i32 to index
        %get3A_524 = arith.index_cast %scan3A_402 : i32 to index
        %get3A_525 = arith.constant 96 : index
        %get3A_526 = tpu.vector_load %arg9[%get3A_523, %get3A_524, %get3A_525] {strides = array<i32>} : memref<2x80x128xf32, #tpu.memory_space<vmem>>, vector<1x1x16xf32>,
        %get3A_527 = vector.shape_cast %get3A_526 : vector<1x1x16xf32> to vector<16xf32>
        %get3A_528 = arith.constant 0 : i32
        %get3A_529 = arith.index_cast %get3A_528 : i32 to index
        %get3A_530 = arith.index_cast %scan3A_402 : i32 to index
        %get3A_531 = arith.constant 96 : index
        %get3A_532 = tpu.vector_load %arg10[%get3A_529, %get3A_530, %get3A_531] {strides = array<i32>} : memref<2x80x128xf32, #tpu.memory_space<vmem>>, vector<1x1x16xf32>,
        %get3A_533 = vector.shape_cast %get3A_532 : vector<1x1x16xf32> to vector<16xf32>
        %add3A_534 = arith.addf %get3A_527, %get3A_533 : vector<16xf32>
        %swap3A_535 = arith.constant 0 : i32
        %swap3A_536 = arith.index_cast %swap3A_535 : i32 to index
        %swap3A_537 = arith.index_cast %scan3A_402 : i32 to index
        %swap3A_538 = arith.constant 96 : index
        %swap3A_539 = tpu.vector_load %arg9[%swap3A_536, %swap3A_537, %swap3A_538] {strides = array<i32>} : memref<2x80x128xf32, #tpu.memory_space<vmem>>, vector<1x1x16xf32>,
        %swap3A_540 = vector.shape_cast %swap3A_539 : vector<1x1x16xf32> to vector<16xf32>
        %swap3A_541 = vector.shape_cast %add3A_534 : vector<16xf32> to vector<1x1x16xf32>
        tpu.vector_store %arg9[%swap3A_536, %swap3A_537, %swap3A_538], %swap3A_541 {strides = array<i32>} : memref<2x80x128xf32, #tpu.memory_space<vmem>>, vector<1x1x16xf32>,
        %get3A_542 = arith.constant 0 : i32
        %get3A_543 = arith.index_cast %get3A_542 : i32 to index
        %get3A_544 = arith.index_cast %scan3A_402 : i32 to index
        %get3A_545 = arith.constant 112 : index
        %get3A_546 = tpu.vector_load %arg9[%get3A_543, %get3A_544, %get3A_545] {strides = array<i32>} : memref<2x80x128xf32, #tpu.memory_space<vmem>>, vector<1x1x16xf32>,
        %get3A_547 = vector.shape_cast %get3A_546 : vector<1x1x16xf32> to vector<16xf32>
        %get3A_548 = arith.constant 0 : i32
        %get3A_549 = arith.index_cast %get3A_548 : i32 to index
        %get3A_550 = arith.index_cast %scan3A_402 : i32 to index
        %get3A_551 = arith.constant 112 : index
        %get3A_552 = tpu.vector_load %arg10[%get3A_549, %get3A_550, %get3A_551] {strides = array<i32>} : memref<2x80x128xf32, #tpu.memory_space<vmem>>, vector<1x1x16xf32>,
        %get3A_553 = vector.shape_cast %get3A_552 : vector<1x1x16xf32> to vector<16xf32>
        %add3A_554 = arith.addf %get3A_547, %get3A_553 : vector<16xf32>
        %swap3A_555 = arith.constant 0 : i32
        %swap3A_556 = arith.index_cast %swap3A_555 : i32 to index
        %swap3A_557 = arith.index_cast %scan3A_402 : i32 to index
        %swap3A_558 = arith.constant 112 : index
        %swap3A_559 = tpu.vector_load %arg9[%swap3A_556, %swap3A_557, %swap3A_558] {strides = array<i32>} : memref<2x80x128xf32, #tpu.memory_space<vmem>>, vector<1x1x16xf32>,
        %swap3A_560 = vector.shape_cast %swap3A_559 : vector<1x1x16xf32> to vector<16xf32>
        %swap3A_561 = vector.shape_cast %add3A_554 : vector<16xf32> to vector<1x1x16xf32>
        tpu.vector_store %arg9[%swap3A_556, %swap3A_557, %swap3A_558], %swap3A_561 {strides = array<i32>} : memref<2x80x128xf32, #tpu.memory_space<vmem>>, vector<1x1x16xf32>,
        %scan3A_562 = arith.constant 0 : i32
        scf.yield %scan3A_562 : i32
      }
      %scan3A_223 = arith.constant 80 : i32
      %dma_wait3A_224 = arith.constant 1 : i32
      %dma_wait3A_225 = arith.constant 1 : i32
      %dma_wait3A_226 = arith.constant 0 : i32
      %dma_wait3A_227 = arith.constant 0 : i32
      %dma_wait3A_228 = tpu.memref_slice %arg9[%dma_wait3A_225, %dma_wait3A_226, %dma_wait3A_227] : memref<2x80x128xf32, #tpu.memory_space<vmem>> -> memref<1x80x128xf32, #tpu.memory_space<vmem>>
      %dma_wait3A_229 = tpu.memref_squeeze %dma_wait3A_228 : memref<1x80x128xf32, #tpu.memory_space<vmem>> -> memref<80x128xf32, #tpu.memory_space<vmem>>
      %dma_wait3A_230 = arith.constant 0 : i32
      %dma_wait3A_231 = tpu.memref_slice %arg7[%dma_wait3A_224, %dma_wait3A_230] : memref<2x80xi32, #tpu.memory_space<vmem>> -> memref<1x80xi32, #tpu.memory_space<vmem>>
      %dma_wait3A_232 = tpu.memref_squeeze %dma_wait3A_231 : memref<1x80xi32, #tpu.memory_space<vmem>> -> memref<80xi32, #tpu.memory_space<vmem>>
      %dma_wait3A_233 = arith.constant 0 : i32
      %dma_wait3A_234 = arith.constant 0 : i32
      %dma_wait3A_235 = tpu.memref_slice %arg2[%dma_wait3A_233, %dma_wait3A_234] : memref<10000x128xf32, #tpu.memory_space<hbm>> -> memref<10000x128xf32, #tpu.memory_space<hbm>>
      tpu.wait_indirect_dma semaphore(%arg13 : memref<!tpu.dma_semaphore, #tpu.memory_space<semaphore_mem>>) src(%dma_wait3A_235 : memref<10000x128xf32, #tpu.memory_space<hbm>>) dst(%dma_wait3A_229 : memref<80x128xf32, #tpu.memory_space<vmem>>)
      %add3A_236 = arith.constant 1 : i32
      %add3A_237 = arith.addi %mul3A_172, %add3A_236 : i32
      %dma_start3A_238 = arith.constant 1 : i32
      %dma_start3A_239 = arith.constant 1 : i32
      %dma_start3A_240 = arith.constant 0 : i32
      %dma_start3A_241 = arith.constant 0 : i32
      %dma_start3A_242 = tpu.memref_slice %arg10[%dma_start3A_239, %dma_start3A_240, %dma_start3A_241] : memref<2x80x128xf32, #tpu.memory_space<vmem>> -> memref<1x80x128xf32, #tpu.memory_space<vmem>>
      %dma_start3A_243 = tpu.memref_squeeze %dma_start3A_242 : memref<1x80x128xf32, #tpu.memory_space<vmem>> -> memref<80x128xf32, #tpu.memory_space<vmem>>
      %dma_start3A_244 = arith.constant 0 : i32
      %dma_start3A_245 = tpu.memref_slice %arg8[%dma_start3A_238, %dma_start3A_244] : memref<2x80xi32, #tpu.memory_space<vmem>> -> memref<1x80xi32, #tpu.memory_space<vmem>>
      %dma_start3A_246 = tpu.memref_squeeze %dma_start3A_245 : memref<1x80xi32, #tpu.memory_space<vmem>> -> memref<80xi32, #tpu.memory_space<vmem>>
      %dma_start3A_247 = arith.constant 0 : i32
      %dma_start3A_248 = arith.constant 0 : i32
      %dma_start3A_249 = tpu.memref_slice %arg3[%dma_start3A_247, %dma_start3A_248] : memref<10000x128xf32, #tpu.memory_space<hbm>> -> memref<10000x128xf32, #tpu.memory_space<hbm>>
      tpu.enqueue_indirect_dma source(%dma_start3A_249 : memref<10000x128xf32, #tpu.memory_space<hbm>>) target(%dma_start3A_243 : memref<80x128xf32, #tpu.memory_space<vmem>>) offsets(%dma_start3A_246 : memref<80xi32, #tpu.memory_space<vmem>>) semaphore(%arg13 : memref<!tpu.dma_semaphore, #tpu.memory_space<semaphore_mem>>)
      %mul3A_250 = arith.constant 80 : i32
      %mul3A_251 = arith.muli %mul3A_172, %mul3A_250 : i32
      %add3A_252 = arith.addi %mul3A_2, %mul3A_251 : i32
      %dma_start3A_253 = arith.constant 0 : i32
      %dma_start3A_254 = arith.constant 0 : i32
      %dma_start3A_255 = arith.constant 0 : i32
      %dma_start3A_256 = tpu.memref_slice %arg9[%dma_start3A_253, %dma_start3A_254, %dma_start3A_255] : memref<2x80x128xf32, #tpu.memory_space<vmem>> -> memref<1x80x128xf32, #tpu.memory_space<vmem>>
      %dma_start3A_257 = tpu.memref_squeeze %dma_start3A_256 : memref<1x80x128xf32, #tpu.memory_space<vmem>> -> memref<80x128xf32, #tpu.memory_space<vmem>>
      %dma_start3A_258 = arith.constant 0 : i32
      %dma_start3A_259 = tpu.memref_slice %arg6[%add3A_252, %dma_start3A_258] : memref<320000x128xf32, #tpu.memory_space<hbm>> -> memref<80x128xf32, #tpu.memory_space<hbm>>
      %dma_start3A_260 = arith.constant 0 : i32
      %dma_start3A_261 = tpu.memref_slice %arg6[%add3A_252, %dma_start3A_260] : memref<320000x128xf32, #tpu.memory_space<hbm>> -> memref<80x128xf32, #tpu.memory_space<hbm>>
      %dma_start3A_262 = arith.constant 0 : i32
      %dma_start3A_263 = arith.constant 0 : i32
      %dma_start3A_264 = tpu.memref_slice %arg9[%dma_start3A_253, %dma_start3A_262, %dma_start3A_263] : memref<2x80x128xf32, #tpu.memory_space<vmem>> -> memref<1x80x128xf32, #tpu.memory_space<vmem>>
      %dma_start3A_265 = tpu.memref_squeeze %dma_start3A_264 : memref<1x80x128xf32, #tpu.memory_space<vmem>> -> memref<80x128xf32, #tpu.memory_space<vmem>>
      tpu.enqueue_dma source(%dma_start3A_265 : memref<80x128xf32, #tpu.memory_space<vmem>>) target(%dma_start3A_261 : memref<80x128xf32, #tpu.memory_space<hbm>>) target_semaphore(%arg14 : memref<!tpu.dma_semaphore, #tpu.memory_space<semaphore_mem>>)
      %dma_wait3A_266 = arith.constant 1 : i32
      %dma_wait3A_267 = arith.constant 1 : i32
      %dma_wait3A_268 = arith.constant 0 : i32
      %dma_wait3A_269 = arith.constant 0 : i32
      %dma_wait3A_270 = tpu.memref_slice %arg10[%dma_wait3A_267, %dma_wait3A_268, %dma_wait3A_269] : memref<2x80x128xf32, #tpu.memory_space<vmem>> -> memref<1x80x128xf32, #tpu.memory_space<vmem>>
      %dma_wait3A_271 = tpu.memref_squeeze %dma_wait3A_270 : memref<1x80x128xf32, #tpu.memory_space<vmem>> -> memref<80x128xf32, #tpu.memory_space<vmem>>
      %dma_wait3A_272 = arith.constant 0 : i32
      %dma_wait3A_273 = tpu.memref_slice %arg8[%dma_wait3A_266, %dma_wait3A_272] : memref<2x80xi32, #tpu.memory_space<vmem>> -> memref<1x80xi32, #tpu.memory_space<vmem>>
      %dma_wait3A_274 = tpu.memref_squeeze %dma_wait3A_273 : memref<1x80xi32, #tpu.memory_space<vmem>> -> memref<80xi32, #tpu.memory_space<vmem>>
      %dma_wait3A_275 = arith.constant 0 : i32
      %dma_wait3A_276 = arith.constant 0 : i32
      %dma_wait3A_277 = tpu.memref_slice %arg3[%dma_wait3A_275, %dma_wait3A_276] : memref<10000x128xf32, #tpu.memory_space<hbm>> -> memref<10000x128xf32, #tpu.memory_space<hbm>>
      tpu.wait_indirect_dma semaphore(%arg13 : memref<!tpu.dma_semaphore, #tpu.memory_space<semaphore_mem>>) src(%dma_wait3A_277 : memref<10000x128xf32, #tpu.memory_space<hbm>>) dst(%dma_wait3A_271 : memref<80x128xf32, #tpu.memory_space<vmem>>)
      %mul3A_278 = arith.constant 2 : i32
      %mul3A_279 = arith.muli %mul3A_278, %scan3A_169 : i32
      %add3A_280 = arith.constant 1 : i32
      %add3A_281 = arith.addi %mul3A_279, %add3A_280 : i32
      %dma_wait3A_282 = arith.constant 0 : i32
      %dma_wait3A_283 = arith.constant 0 : i32
      %dma_wait3A_284 = tpu.memref_slice %arg7[%dma_wait3A_282, %dma_wait3A_283] : memref<2x80xi32, #tpu.memory_space<vmem>> -> memref<1x80xi32, #tpu.memory_space<vmem>>
      %dma_wait3A_285 = tpu.memref_squeeze %dma_wait3A_284 : memref<1x80xi32, #tpu.memory_space<vmem>> -> memref<80xi32, #tpu.memory_space<vmem>>
      %dma_wait3A_286 = arith.constant 0 : i32
      %dma_wait3A_287 = tpu.memref_slice %arg4[%dma_wait3A_286] : memref<320000xi32, #tpu.memory_space<hbm>> -> memref<80xi32, #tpu.memory_space<hbm>>
      %dma_wait3A_288 = arith.constant 0 : i32
      %dma_wait3A_289 = tpu.memref_slice %arg7[%dma_wait3A_282, %dma_wait3A_288] : memref<2x80xi32, #tpu.memory_space<vmem>> -> memref<1x80xi32, #tpu.memory_space<vmem>>
      %dma_wait3A_290 = tpu.memref_squeeze %dma_wait3A_289 : memref<1x80xi32, #tpu.memory_space<vmem>> -> memref<80xi32, #tpu.memory_space<vmem>>
      %dma_wait3A_291 = arith.constant 0 : i32
      %dma_wait3A_292 = tpu.memref_slice %arg4[%dma_wait3A_291] : memref<320000xi32, #tpu.memory_space<hbm>> -> memref<80xi32, #tpu.memory_space<hbm>>
      tpu.wait_dma2 semaphore(%arg11 : memref<!tpu.dma_semaphore, #tpu.memory_space<semaphore_mem>>) src(%dma_wait3A_292 : memref<80xi32, #tpu.memory_space<hbm>>) dst(%dma_wait3A_290 : memref<80xi32, #tpu.memory_space<vmem>>)
      %dma_wait3A_293 = arith.constant 0 : i32
      %dma_wait3A_294 = arith.constant 0 : i32
      %dma_wait3A_295 = tpu.memref_slice %arg8[%dma_wait3A_293, %dma_wait3A_294] : memref<2x80xi32, #tpu.memory_space<vmem>> -> memref<1x80xi32, #tpu.memory_space<vmem>>
      %dma_wait3A_296 = tpu.memref_squeeze %dma_wait3A_295 : memref<1x80xi32, #tpu.memory_space<vmem>> -> memref<80xi32, #tpu.memory_space<vmem>>
      %dma_wait3A_297 = arith.constant 0 : i32
      %dma_wait3A_298 = tpu.memref_slice %arg5[%dma_wait3A_297] : memref<320000xi32, #tpu.memory_space<hbm>> -> memref<80xi32, #tpu.memory_space<hbm>>
      %dma_wait3A_299 = arith.constant 0 : i32
      %dma_wait3A_300 = tpu.memref_slice %arg8[%dma_wait3A_293, %dma_wait3A_299] : memref<2x80xi32, #tpu.memory_space<vmem>> -> memref<1x80xi32, #tpu.memory_space<vmem>>
      %dma_wait3A_301 = tpu.memref_squeeze %dma_wait3A_300 : memref<1x80xi32, #tpu.memory_space<vmem>> -> memref<80xi32, #tpu.memory_space<vmem>>
      %dma_wait3A_302 = arith.constant 0 : i32
      %dma_wait3A_303 = tpu.memref_slice %arg5[%dma_wait3A_302] : memref<320000xi32, #tpu.memory_space<hbm>> -> memref<80xi32, #tpu.memory_space<hbm>>
      tpu.wait_dma2 semaphore(%arg11 : memref<!tpu.dma_semaphore, #tpu.memory_space<semaphore_mem>>) src(%dma_wait3A_303 : memref<80xi32, #tpu.memory_space<hbm>>) dst(%dma_wait3A_301 : memref<80xi32, #tpu.memory_space<vmem>>)
      %add3A_304 = arith.constant 2 : i32
      %add3A_305 = arith.addi %add3A_281, %add3A_304 : i32
      %lt3A_306 = arith.constant 125 : i32
      %lt3A_307 = arith.cmpi slt, %add3A_305, %lt3A_306 : i32
      %convert_element_type3A_308 = arith.extui %lt3A_307 : i1 to i32
      %cond3A_309 = arith.constant 0 : i32
      %cond3A_310 = arith.cmpi ne, %convert_element_type3A_308, %cond3A_309 : i32
      scf.if %cond3A_310 {
        %add3A_402 = arith.constant 2 : i32
        %add3A_403 = arith.addi %add3A_281, %add3A_402 : i32
        %mul3A_404 = arith.constant 80 : i32
        %mul3A_405 = arith.muli %add3A_403, %mul3A_404 : i32
        %add3A_406 = arith.addi %mul3A_2, %mul3A_405 : i32
        %dma_start3A_407 = arith.constant 1 : i32
        %dma_start3A_408 = arith.constant 0 : i32
        %dma_start3A_409 = tpu.memref_slice %arg7[%dma_start3A_407, %dma_start3A_408] : memref<2x80xi32, #tpu.memory_space<vmem>> -> memref<1x80xi32, #tpu.memory_space<vmem>>
        %dma_start3A_410 = tpu.memref_squeeze %dma_start3A_409 : memref<1x80xi32, #tpu.memory_space<vmem>> -> memref<80xi32, #tpu.memory_space<vmem>>
        %dma_start3A_411 = tpu.memref_slice %arg4[%add3A_406] : memref<320000xi32, #tpu.memory_space<hbm>> -> memref<80xi32, #tpu.memory_space<hbm>>
        %dma_start3A_412 = arith.constant 0 : i32
        %dma_start3A_413 = tpu.memref_slice %arg7[%dma_start3A_407, %dma_start3A_412] : memref<2x80xi32, #tpu.memory_space<vmem>> -> memref<1x80xi32, #tpu.memory_space<vmem>>
        %dma_start3A_414 = tpu.memref_squeeze %dma_start3A_413 : memref<1x80xi32, #tpu.memory_space<vmem>> -> memref<80xi32, #tpu.memory_space<vmem>>
        %dma_start3A_415 = tpu.memref_slice %arg4[%add3A_406] : memref<320000xi32, #tpu.memory_space<hbm>> -> memref<80xi32, #tpu.memory_space<hbm>>
        tpu.enqueue_dma source(%dma_start3A_415 : memref<80xi32, #tpu.memory_space<hbm>>) target(%dma_start3A_414 : memref<80xi32, #tpu.memory_space<vmem>>) target_semaphore(%arg12 : memref<!tpu.dma_semaphore, #tpu.memory_space<semaphore_mem>>)
        %dma_start3A_416 = arith.constant 1 : i32
        %dma_start3A_417 = arith.constant 0 : i32
        %dma_start3A_418 = tpu.memref_slice %arg8[%dma_start3A_416, %dma_start3A_417] : memref<2x80xi32, #tpu.memory_space<vmem>> -> memref<1x80xi32, #tpu.memory_space<vmem>>
        %dma_start3A_419 = tpu.memref_squeeze %dma_start3A_418 : memref<1x80xi32, #tpu.memory_space<vmem>> -> memref<80xi32, #tpu.memory_space<vmem>>
        %dma_start3A_420 = tpu.memref_slice %arg5[%add3A_406] : memref<320000xi32, #tpu.memory_space<hbm>> -> memref<80xi32, #tpu.memory_space<hbm>>
        %dma_start3A_421 = arith.constant 0 : i32
        %dma_start3A_422 = tpu.memref_slice %arg8[%dma_start3A_416, %dma_start3A_421] : memref<2x80xi32, #tpu.memory_space<vmem>> -> memref<1x80xi32, #tpu.memory_space<vmem>>
        %dma_start3A_423 = tpu.memref_squeeze %dma_start3A_422 : memref<1x80xi32, #tpu.memory_space<vmem>> -> memref<80xi32, #tpu.memory_space<vmem>>
        %dma_start3A_424 = tpu.memref_slice %arg5[%add3A_406] : memref<320000xi32, #tpu.memory_space<hbm>> -> memref<80xi32, #tpu.memory_space<hbm>>
        tpu.enqueue_dma source(%dma_start3A_424 : memref<80xi32, #tpu.memory_space<hbm>>) target(%dma_start3A_423 : memref<80xi32, #tpu.memory_space<vmem>>) target_semaphore(%arg12 : memref<!tpu.dma_semaphore, #tpu.memory_space<semaphore_mem>>)
      } else {
      }
      %dma_wait3A_311 = arith.constant 0 : i32
      %dma_wait3A_312 = arith.constant 0 : i32
      %dma_wait3A_313 = arith.constant 0 : i32
      %dma_wait3A_314 = tpu.memref_slice %arg9[%dma_wait3A_311, %dma_wait3A_312, %dma_wait3A_313] : memref<2x80x128xf32, #tpu.memory_space<vmem>> -> memref<1x80x128xf32, #tpu.memory_space<vmem>>
      %dma_wait3A_315 = tpu.memref_squeeze %dma_wait3A_314 : memref<1x80x128xf32, #tpu.memory_space<vmem>> -> memref<80x128xf32, #tpu.memory_space<vmem>>
      %dma_wait3A_316 = arith.constant 0 : i32
      %dma_wait3A_317 = arith.constant 0 : i32
      %dma_wait3A_318 = tpu.memref_slice %arg6[%dma_wait3A_316, %dma_wait3A_317] : memref<320000x128xf32, #tpu.memory_space<hbm>> -> memref<80x128xf32, #tpu.memory_space<hbm>>
      %dma_wait3A_319 = arith.constant 0 : i32
      %dma_wait3A_320 = arith.constant 0 : i32
      %dma_wait3A_321 = tpu.memref_slice %arg6[%dma_wait3A_319, %dma_wait3A_320] : memref<320000x128xf32, #tpu.memory_space<hbm>> -> memref<80x128xf32, #tpu.memory_space<hbm>>
      %dma_wait3A_322 = arith.constant 0 : i32
      %dma_wait3A_323 = arith.constant 0 : i32
      %dma_wait3A_324 = tpu.memref_slice %arg9[%dma_wait3A_311, %dma_wait3A_322, %dma_wait3A_323] : memref<2x80x128xf32, #tpu.memory_space<vmem>> -> memref<1x80x128xf32, #tpu.memory_space<vmem>>
      %dma_wait3A_325 = tpu.memref_squeeze %dma_wait3A_324 : memref<1x80x128xf32, #tpu.memory_space<vmem>> -> memref<80x128xf32, #tpu.memory_space<vmem>>
      tpu.wait_dma2 semaphore(%arg14 : memref<!tpu.dma_semaphore, #tpu.memory_space<semaphore_mem>>) src(%dma_wait3A_325 : memref<80x128xf32, #tpu.memory_space<vmem>>) dst(%dma_wait3A_321 : memref<80x128xf32, #tpu.memory_space<hbm>>)
      %add3A_326 = arith.constant 1 : i32
      %add3A_327 = arith.addi %add3A_281, %add3A_326 : i32
      %dma_start3A_328 = arith.constant 0 : i32
      %dma_start3A_329 = arith.constant 0 : i32
      %dma_start3A_330 = arith.constant 0 : i32
      %dma_start3A_331 = arith.constant 0 : i32
      %dma_start3A_332 = tpu.memref_slice %arg9[%dma_start3A_329, %dma_start3A_330, %dma_start3A_331] : memref<2x80x128xf32, #tpu.memory_space<vmem>> -> memref<1x80x128xf32, #tpu.memory_space<vmem>>
      %dma_start3A_333 = tpu.memref_squeeze %dma_start3A_332 : memref<1x80x128xf32, #tpu.memory_space<vmem>> -> memref<80x128xf32, #tpu.memory_space<vmem>>
      %dma_start3A_334 = arith.constant 0 : i32
      %dma_start3A_335 = tpu.memref_slice %arg7[%dma_start3A_328, %dma_start3A_334] : memref<2x80xi32, #tpu.memory_space<vmem>> -> memref<1x80xi32, #tpu.memory_space<vmem>>
      %dma_start3A_336 = tpu.memref_squeeze %dma_start3A_335 : memref<1x80xi32, #tpu.memory_space<vmem>> -> memref<80xi32, #tpu.memory_space<vmem>>
      %dma_start3A_337 = arith.constant 0 : i32
      %dma_start3A_338 = arith.constant 0 : i32
      %dma_start3A_339 = tpu.memref_slice %arg2[%dma_start3A_337, %dma_start3A_338] : memref<10000x128xf32, #tpu.memory_space<hbm>> -> memref<10000x128xf32, #tpu.memory_space<hbm>>
      tpu.enqueue_indirect_dma source(%dma_start3A_339 : memref<10000x128xf32, #tpu.memory_space<hbm>>) target(%dma_start3A_333 : memref<80x128xf32, #tpu.memory_space<vmem>>) offsets(%dma_start3A_336 : memref<80xi32, #tpu.memory_space<vmem>>) semaphore(%arg13 : memref<!tpu.dma_semaphore, #tpu.memory_space<semaphore_mem>>)
      %scan3A_340 = arith.constant 0 : i32
      %scan3A_341 = arith.constant 0 : i32
      %scan3A_342 = arith.constant 80 : i32
      %scan3A_343 = arith.addi %scan3A_341, %scan3A_342 : i32
      %scan3A_344 = arith.constant 1 : i32
      %scan3A_345 = scf.for %scan3A_402 = %scan3A_341 to %scan3A_343 step %scan3A_344 iter_args(%scan3A_403 = %scan3A_340) -> (i32)  : i32 {
        %get3A = arith.constant 1 : i32
        %get3A_404 = arith.index_cast %get3A : i32 to index
        %get3A_405 = arith.index_cast %scan3A_402 : i32 to index
        %get3A_406 = arith.constant 0 : index
        %get3A_407 = tpu.vector_load %arg9[%get3A_404, %get3A_405, %get3A_406] {strides = array<i32>} : memref<2x80x128xf32, #tpu.memory_space<vmem>>, vector<1x1x16xf32>,
        %get3A_408 = vector.shape_cast %get3A_407 : vector<1x1x16xf32> to vector<16xf32>
        %get3A_409 = arith.constant 1 : i32
        %get3A_410 = arith.index_cast %get3A_409 : i32 to index
        %get3A_411 = arith.index_cast %scan3A_402 : i32 to index
        %get3A_412 = arith.constant 0 : index
        %get3A_413 = tpu.vector_load %arg10[%get3A_410, %get3A_411, %get3A_412] {strides = array<i32>} : memref<2x80x128xf32, #tpu.memory_space<vmem>>, vector<1x1x16xf32>,
        %get3A_414 = vector.shape_cast %get3A_413 : vector<1x1x16xf32> to vector<16xf32>
        %add3A_415 = arith.addf %get3A_408, %get3A_414 : vector<16xf32>
        %swap3A = arith.constant 1 : i32
        %swap3A_416 = arith.index_cast %swap3A : i32 to index
        %swap3A_417 = arith.index_cast %scan3A_402 : i32 to index
        %swap3A_418 = arith.constant 0 : index
        %swap3A_419 = tpu.vector_load %arg9[%swap3A_416, %swap3A_417, %swap3A_418] {strides = array<i32>} : memref<2x80x128xf32, #tpu.memory_space<vmem>>, vector<1x1x16xf32>,
        %swap3A_420 = vector.shape_cast %swap3A_419 : vector<1x1x16xf32> to vector<16xf32>
        %swap3A_421 = vector.shape_cast %add3A_415 : vector<16xf32> to vector<1x1x16xf32>
        tpu.vector_store %arg9[%swap3A_416, %swap3A_417, %swap3A_418], %swap3A_421 {strides = array<i32>} : memref<2x80x128xf32, #tpu.memory_space<vmem>>, vector<1x1x16xf32>,
        %get3A_422 = arith.constant 1 : i32
        %get3A_423 = arith.index_cast %get3A_422 : i32 to index
        %get3A_424 = arith.index_cast %scan3A_402 : i32 to index
        %get3A_425 = arith.constant 16 : index
        %get3A_426 = tpu.vector_load %arg9[%get3A_423, %get3A_424, %get3A_425] {strides = array<i32>} : memref<2x80x128xf32, #tpu.memory_space<vmem>>, vector<1x1x16xf32>,
        %get3A_427 = vector.shape_cast %get3A_426 : vector<1x1x16xf32> to vector<16xf32>
        %get3A_428 = arith.constant 1 : i32
        %get3A_429 = arith.index_cast %get3A_428 : i32 to index
        %get3A_430 = arith.index_cast %scan3A_402 : i32 to index
        %get3A_431 = arith.constant 16 : index
        %get3A_432 = tpu.vector_load %arg10[%get3A_429, %get3A_430, %get3A_431] {strides = array<i32>} : memref<2x80x128xf32, #tpu.memory_space<vmem>>, vector<1x1x16xf32>,
        %get3A_433 = vector.shape_cast %get3A_432 : vector<1x1x16xf32> to vector<16xf32>
        %add3A_434 = arith.addf %get3A_427, %get3A_433 : vector<16xf32>
        %swap3A_435 = arith.constant 1 : i32
        %swap3A_436 = arith.index_cast %swap3A_435 : i32 to index
        %swap3A_437 = arith.index_cast %scan3A_402 : i32 to index
        %swap3A_438 = arith.constant 16 : index
        %swap3A_439 = tpu.vector_load %arg9[%swap3A_436, %swap3A_437, %swap3A_438] {strides = array<i32>} : memref<2x80x128xf32, #tpu.memory_space<vmem>>, vector<1x1x16xf32>,
        %swap3A_440 = vector.shape_cast %swap3A_439 : vector<1x1x16xf32> to vector<16xf32>
        %swap3A_441 = vector.shape_cast %add3A_434 : vector<16xf32> to vector<1x1x16xf32>
        tpu.vector_store %arg9[%swap3A_436, %swap3A_437, %swap3A_438], %swap3A_441 {strides = array<i32>} : memref<2x80x128xf32, #tpu.memory_space<vmem>>, vector<1x1x16xf32>,
        %get3A_442 = arith.constant 1 : i32
        %get3A_443 = arith.index_cast %get3A_442 : i32 to index
        %get3A_444 = arith.index_cast %scan3A_402 : i32 to index
        %get3A_445 = arith.constant 32 : index
        %get3A_446 = tpu.vector_load %arg9[%get3A_443, %get3A_444, %get3A_445] {strides = array<i32>} : memref<2x80x128xf32, #tpu.memory_space<vmem>>, vector<1x1x16xf32>,
        %get3A_447 = vector.shape_cast %get3A_446 : vector<1x1x16xf32> to vector<16xf32>
        %get3A_448 = arith.constant 1 : i32
        %get3A_449 = arith.index_cast %get3A_448 : i32 to index
        %get3A_450 = arith.index_cast %scan3A_402 : i32 to index
        %get3A_451 = arith.constant 32 : index
        %get3A_452 = tpu.vector_load %arg10[%get3A_449, %get3A_450, %get3A_451] {strides = array<i32>} : memref<2x80x128xf32, #tpu.memory_space<vmem>>, vector<1x1x16xf32>,
        %get3A_453 = vector.shape_cast %get3A_452 : vector<1x1x16xf32> to vector<16xf32>
        %add3A_454 = arith.addf %get3A_447, %get3A_453 : vector<16xf32>
        %swap3A_455 = arith.constant 1 : i32
        %swap3A_456 = arith.index_cast %swap3A_455 : i32 to index
        %swap3A_457 = arith.index_cast %scan3A_402 : i32 to index
        %swap3A_458 = arith.constant 32 : index
        %swap3A_459 = tpu.vector_load %arg9[%swap3A_456, %swap3A_457, %swap3A_458] {strides = array<i32>} : memref<2x80x128xf32, #tpu.memory_space<vmem>>, vector<1x1x16xf32>,
        %swap3A_460 = vector.shape_cast %swap3A_459 : vector<1x1x16xf32> to vector<16xf32>
        %swap3A_461 = vector.shape_cast %add3A_454 : vector<16xf32> to vector<1x1x16xf32>
        tpu.vector_store %arg9[%swap3A_456, %swap3A_457, %swap3A_458], %swap3A_461 {strides = array<i32>} : memref<2x80x128xf32, #tpu.memory_space<vmem>>, vector<1x1x16xf32>,
        %get3A_462 = arith.constant 1 : i32
        %get3A_463 = arith.index_cast %get3A_462 : i32 to index
        %get3A_464 = arith.index_cast %scan3A_402 : i32 to index
        %get3A_465 = arith.constant 48 : index
        %get3A_466 = tpu.vector_load %arg9[%get3A_463, %get3A_464, %get3A_465] {strides = array<i32>} : memref<2x80x128xf32, #tpu.memory_space<vmem>>, vector<1x1x16xf32>,
        %get3A_467 = vector.shape_cast %get3A_466 : vector<1x1x16xf32> to vector<16xf32>
        %get3A_468 = arith.constant 1 : i32
        %get3A_469 = arith.index_cast %get3A_468 : i32 to index
        %get3A_470 = arith.index_cast %scan3A_402 : i32 to index
        %get3A_471 = arith.constant 48 : index
        %get3A_472 = tpu.vector_load %arg10[%get3A_469, %get3A_470, %get3A_471] {strides = array<i32>} : memref<2x80x128xf32, #tpu.memory_space<vmem>>, vector<1x1x16xf32>,
        %get3A_473 = vector.shape_cast %get3A_472 : vector<1x1x16xf32> to vector<16xf32>
        %add3A_474 = arith.addf %get3A_467, %get3A_473 : vector<16xf32>
        %swap3A_475 = arith.constant 1 : i32
        %swap3A_476 = arith.index_cast %swap3A_475 : i32 to index
        %swap3A_477 = arith.index_cast %scan3A_402 : i32 to index
        %swap3A_478 = arith.constant 48 : index
        %swap3A_479 = tpu.vector_load %arg9[%swap3A_476, %swap3A_477, %swap3A_478] {strides = array<i32>} : memref<2x80x128xf32, #tpu.memory_space<vmem>>, vector<1x1x16xf32>,
        %swap3A_480 = vector.shape_cast %swap3A_479 : vector<1x1x16xf32> to vector<16xf32>
        %swap3A_481 = vector.shape_cast %add3A_474 : vector<16xf32> to vector<1x1x16xf32>
        tpu.vector_store %arg9[%swap3A_476, %swap3A_477, %swap3A_478], %swap3A_481 {strides = array<i32>} : memref<2x80x128xf32, #tpu.memory_space<vmem>>, vector<1x1x16xf32>,
        %get3A_482 = arith.constant 1 : i32
        %get3A_483 = arith.index_cast %get3A_482 : i32 to index
        %get3A_484 = arith.index_cast %scan3A_402 : i32 to index
        %get3A_485 = arith.constant 64 : index
        %get3A_486 = tpu.vector_load %arg9[%get3A_483, %get3A_484, %get3A_485] {strides = array<i32>} : memref<2x80x128xf32, #tpu.memory_space<vmem>>, vector<1x1x16xf32>,
        %get3A_487 = vector.shape_cast %get3A_486 : vector<1x1x16xf32> to vector<16xf32>
        %get3A_488 = arith.constant 1 : i32
        %get3A_489 = arith.index_cast %get3A_488 : i32 to index
        %get3A_490 = arith.index_cast %scan3A_402 : i32 to index
        %get3A_491 = arith.constant 64 : index
        %get3A_492 = tpu.vector_load %arg10[%get3A_489, %get3A_490, %get3A_491] {strides = array<i32>} : memref<2x80x128xf32, #tpu.memory_space<vmem>>, vector<1x1x16xf32>,
        %get3A_493 = vector.shape_cast %get3A_492 : vector<1x1x16xf32> to vector<16xf32>
        %add3A_494 = arith.addf %get3A_487, %get3A_493 : vector<16xf32>
        %swap3A_495 = arith.constant 1 : i32
        %swap3A_496 = arith.index_cast %swap3A_495 : i32 to index
        %swap3A_497 = arith.index_cast %scan3A_402 : i32 to index
        %swap3A_498 = arith.constant 64 : index
        %swap3A_499 = tpu.vector_load %arg9[%swap3A_496, %swap3A_497, %swap3A_498] {strides = array<i32>} : memref<2x80x128xf32, #tpu.memory_space<vmem>>, vector<1x1x16xf32>,
        %swap3A_500 = vector.shape_cast %swap3A_499 : vector<1x1x16xf32> to vector<16xf32>
        %swap3A_501 = vector.shape_cast %add3A_494 : vector<16xf32> to vector<1x1x16xf32>
        tpu.vector_store %arg9[%swap3A_496, %swap3A_497, %swap3A_498], %swap3A_501 {strides = array<i32>} : memref<2x80x128xf32, #tpu.memory_space<vmem>>, vector<1x1x16xf32>,
        %get3A_502 = arith.constant 1 : i32
        %get3A_503 = arith.index_cast %get3A_502 : i32 to index
        %get3A_504 = arith.index_cast %scan3A_402 : i32 to index
        %get3A_505 = arith.constant 80 : index
        %get3A_506 = tpu.vector_load %arg9[%get3A_503, %get3A_504, %get3A_505] {strides = array<i32>} : memref<2x80x128xf32, #tpu.memory_space<vmem>>, vector<1x1x16xf32>,
        %get3A_507 = vector.shape_cast %get3A_506 : vector<1x1x16xf32> to vector<16xf32>
        %get3A_508 = arith.constant 1 : i32
        %get3A_509 = arith.index_cast %get3A_508 : i32 to index
        %get3A_510 = arith.index_cast %scan3A_402 : i32 to index
        %get3A_511 = arith.constant 80 : index
        %get3A_512 = tpu.vector_load %arg10[%get3A_509, %get3A_510, %get3A_511] {strides = array<i32>} : memref<2x80x128xf32, #tpu.memory_space<vmem>>, vector<1x1x16xf32>,
        %get3A_513 = vector.shape_cast %get3A_512 : vector<1x1x16xf32> to vector<16xf32>
        %add3A_514 = arith.addf %get3A_507, %get3A_513 : vector<16xf32>
        %swap3A_515 = arith.constant 1 : i32
        %swap3A_516 = arith.index_cast %swap3A_515 : i32 to index
        %swap3A_517 = arith.index_cast %scan3A_402 : i32 to index
        %swap3A_518 = arith.constant 80 : index
        %swap3A_519 = tpu.vector_load %arg9[%swap3A_516, %swap3A_517, %swap3A_518] {strides = array<i32>} : memref<2x80x128xf32, #tpu.memory_space<vmem>>, vector<1x1x16xf32>,
        %swap3A_520 = vector.shape_cast %swap3A_519 : vector<1x1x16xf32> to vector<16xf32>
        %swap3A_521 = vector.shape_cast %add3A_514 : vector<16xf32> to vector<1x1x16xf32>
        tpu.vector_store %arg9[%swap3A_516, %swap3A_517, %swap3A_518], %swap3A_521 {strides = array<i32>} : memref<2x80x128xf32, #tpu.memory_space<vmem>>, vector<1x1x16xf32>,
        %get3A_522 = arith.constant 1 : i32
        %get3A_523 = arith.index_cast %get3A_522 : i32 to index
        %get3A_524 = arith.index_cast %scan3A_402 : i32 to index
        %get3A_525 = arith.constant 96 : index
        %get3A_526 = tpu.vector_load %arg9[%get3A_523, %get3A_524, %get3A_525] {strides = array<i32>} : memref<2x80x128xf32, #tpu.memory_space<vmem>>, vector<1x1x16xf32>,
        %get3A_527 = vector.shape_cast %get3A_526 : vector<1x1x16xf32> to vector<16xf32>
        %get3A_528 = arith.constant 1 : i32
        %get3A_529 = arith.index_cast %get3A_528 : i32 to index
        %get3A_530 = arith.index_cast %scan3A_402 : i32 to index
        %get3A_531 = arith.constant 96 : index
        %get3A_532 = tpu.vector_load %arg10[%get3A_529, %get3A_530, %get3A_531] {strides = array<i32>} : memref<2x80x128xf32, #tpu.memory_space<vmem>>, vector<1x1x16xf32>,
        %get3A_533 = vector.shape_cast %get3A_532 : vector<1x1x16xf32> to vector<16xf32>
        %add3A_534 = arith.addf %get3A_527, %get3A_533 : vector<16xf32>
        %swap3A_535 = arith.constant 1 : i32
        %swap3A_536 = arith.index_cast %swap3A_535 : i32 to index
        %swap3A_537 = arith.index_cast %scan3A_402 : i32 to index
        %swap3A_538 = arith.constant 96 : index
        %swap3A_539 = tpu.vector_load %arg9[%swap3A_536, %swap3A_537, %swap3A_538] {strides = array<i32>} : memref<2x80x128xf32, #tpu.memory_space<vmem>>, vector<1x1x16xf32>,
        %swap3A_540 = vector.shape_cast %swap3A_539 : vector<1x1x16xf32> to vector<16xf32>
        %swap3A_541 = vector.shape_cast %add3A_534 : vector<16xf32> to vector<1x1x16xf32>
        tpu.vector_store %arg9[%swap3A_536, %swap3A_537, %swap3A_538], %swap3A_541 {strides = array<i32>} : memref<2x80x128xf32, #tpu.memory_space<vmem>>, vector<1x1x16xf32>,
        %get3A_542 = arith.constant 1 : i32
        %get3A_543 = arith.index_cast %get3A_542 : i32 to index
        %get3A_544 = arith.index_cast %scan3A_402 : i32 to index
        %get3A_545 = arith.constant 112 : index
        %get3A_546 = tpu.vector_load %arg9[%get3A_543, %get3A_544, %get3A_545] {strides = array<i32>} : memref<2x80x128xf32, #tpu.memory_space<vmem>>, vector<1x1x16xf32>,
        %get3A_547 = vector.shape_cast %get3A_546 : vector<1x1x16xf32> to vector<16xf32>
        %get3A_548 = arith.constant 1 : i32
        %get3A_549 = arith.index_cast %get3A_548 : i32 to index
        %get3A_550 = arith.index_cast %scan3A_402 : i32 to index
        %get3A_551 = arith.constant 112 : index
        %get3A_552 = tpu.vector_load %arg10[%get3A_549, %get3A_550, %get3A_551] {strides = array<i32>} : memref<2x80x128xf32, #tpu.memory_space<vmem>>, vector<1x1x16xf32>,
        %get3A_553 = vector.shape_cast %get3A_552 : vector<1x1x16xf32> to vector<16xf32>
        %add3A_554 = arith.addf %get3A_547, %get3A_553 : vector<16xf32>
        %swap3A_555 = arith.constant 1 : i32
        %swap3A_556 = arith.index_cast %swap3A_555 : i32 to index
        %swap3A_557 = arith.index_cast %scan3A_402 : i32 to index
        %swap3A_558 = arith.constant 112 : index
        %swap3A_559 = tpu.vector_load %arg9[%swap3A_556, %swap3A_557, %swap3A_558] {strides = array<i32>} : memref<2x80x128xf32, #tpu.memory_space<vmem>>, vector<1x1x16xf32>,
        %swap3A_560 = vector.shape_cast %swap3A_559 : vector<1x1x16xf32> to vector<16xf32>
        %swap3A_561 = vector.shape_cast %add3A_554 : vector<16xf32> to vector<1x1x16xf32>
        tpu.vector_store %arg9[%swap3A_556, %swap3A_557, %swap3A_558], %swap3A_561 {strides = array<i32>} : memref<2x80x128xf32, #tpu.memory_space<vmem>>, vector<1x1x16xf32>,
        %scan3A_562 = arith.constant 0 : i32
        scf.yield %scan3A_562 : i32
      }
      %scan3A_346 = arith.constant 80 : i32
      %dma_wait3A_347 = arith.constant 0 : i32
      %dma_wait3A_348 = arith.constant 0 : i32
      %dma_wait3A_349 = arith.constant 0 : i32
      %dma_wait3A_350 = arith.constant 0 : i32
      %dma_wait3A_351 = tpu.memref_slice %arg9[%dma_wait3A_348, %dma_wait3A_349, %dma_wait3A_350] : memref<2x80x128xf32, #tpu.memory_space<vmem>> -> memref<1x80x128xf32, #tpu.memory_space<vmem>>
      %dma_wait3A_352 = tpu.memref_squeeze %dma_wait3A_351 : memref<1x80x128xf32, #tpu.memory_space<vmem>> -> memref<80x128xf32, #tpu.memory_space<vmem>>
      %dma_wait3A_353 = arith.constant 0 : i32
      %dma_wait3A_354 = tpu.memref_slice %arg7[%dma_wait3A_347, %dma_wait3A_353] : memref<2x80xi32, #tpu.memory_space<vmem>> -> memref<1x80xi32, #tpu.memory_space<vmem>>
      %dma_wait3A_355 = tpu.memref_squeeze %dma_wait3A_354 : memref<1x80xi32, #tpu.memory_space<vmem>> -> memref<80xi32, #tpu.memory_space<vmem>>
      %dma_wait3A_356 = arith.constant 0 : i32
      %dma_wait3A_357 = arith.constant 0 : i32
      %dma_wait3A_358 = tpu.memref_slice %arg2[%dma_wait3A_356, %dma_wait3A_357] : memref<10000x128xf32, #tpu.memory_space<hbm>> -> memref<10000x128xf32, #tpu.memory_space<hbm>>
      tpu.wait_indirect_dma semaphore(%arg13 : memref<!tpu.dma_semaphore, #tpu.memory_space<semaphore_mem>>) src(%dma_wait3A_358 : memref<10000x128xf32, #tpu.memory_space<hbm>>) dst(%dma_wait3A_352 : memref<80x128xf32, #tpu.memory_space<vmem>>)
      %add3A_359 = arith.constant 1 : i32
      %add3A_360 = arith.addi %add3A_281, %add3A_359 : i32
      %dma_start3A_361 = arith.constant 0 : i32
      %dma_start3A_362 = arith.constant 0 : i32
      %dma_start3A_363 = arith.constant 0 : i32
      %dma_start3A_364 = arith.constant 0 : i32
      %dma_start3A_365 = tpu.memref_slice %arg10[%dma_start3A_362, %dma_start3A_363, %dma_start3A_364] : memref<2x80x128xf32, #tpu.memory_space<vmem>> -> memref<1x80x128xf32, #tpu.memory_space<vmem>>
      %dma_start3A_366 = tpu.memref_squeeze %dma_start3A_365 : memref<1x80x128xf32, #tpu.memory_space<vmem>> -> memref<80x128xf32, #tpu.memory_space<vmem>>
      %dma_start3A_367 = arith.constant 0 : i32
      %dma_start3A_368 = tpu.memref_slice %arg8[%dma_start3A_361, %dma_start3A_367] : memref<2x80xi32, #tpu.memory_space<vmem>> -> memref<1x80xi32, #tpu.memory_space<vmem>>
      %dma_start3A_369 = tpu.memref_squeeze %dma_start3A_368 : memref<1x80xi32, #tpu.memory_space<vmem>> -> memref<80xi32, #tpu.memory_space<vmem>>
      %dma_start3A_370 = arith.constant 0 : i32
      %dma_start3A_371 = arith.constant 0 : i32
      %dma_start3A_372 = tpu.memref_slice %arg3[%dma_start3A_370, %dma_start3A_371] : memref<10000x128xf32, #tpu.memory_space<hbm>> -> memref<10000x128xf32, #tpu.memory_space<hbm>>
      tpu.enqueue_indirect_dma source(%dma_start3A_372 : memref<10000x128xf32, #tpu.memory_space<hbm>>) target(%dma_start3A_366 : memref<80x128xf32, #tpu.memory_space<vmem>>) offsets(%dma_start3A_369 : memref<80xi32, #tpu.memory_space<vmem>>) semaphore(%arg13 : memref<!tpu.dma_semaphore, #tpu.memory_space<semaphore_mem>>)
      %mul3A_373 = arith.constant 80 : i32
      %mul3A_374 = arith.muli %add3A_281, %mul3A_373 : i32
      %add3A_375 = arith.addi %mul3A_2, %mul3A_374 : i32
      %dma_start3A_376 = arith.constant 1 : i32
      %dma_start3A_377 = arith.constant 0 : i32
      %dma_start3A_378 = arith.constant 0 : i32
      %dma_start3A_379 = tpu.memref_slice %arg9[%dma_start3A_376, %dma_start3A_377, %dma_start3A_378] : memref<2x80x128xf32, #tpu.memory_space<vmem>> -> memref<1x80x128xf32, #tpu.memory_space<vmem>>
      %dma_start3A_380 = tpu.memref_squeeze %dma_start3A_379 : memref<1x80x128xf32, #tpu.memory_space<vmem>> -> memref<80x128xf32, #tpu.memory_space<vmem>>
      %dma_start3A_381 = arith.constant 0 : i32
      %dma_start3A_382 = tpu.memref_slice %arg6[%add3A_375, %dma_start3A_381] : memref<320000x128xf32, #tpu.memory_space<hbm>> -> memref<80x128xf32, #tpu.memory_space<hbm>>
      %dma_start3A_383 = arith.constant 0 : i32
      %dma_start3A_384 = tpu.memref_slice %arg6[%add3A_375, %dma_start3A_383] : memref<320000x128xf32, #tpu.memory_space<hbm>> -> memref<80x128xf32, #tpu.memory_space<hbm>>
      %dma_start3A_385 = arith.constant 0 : i32
      %dma_start3A_386 = arith.constant 0 : i32
      %dma_start3A_387 = tpu.memref_slice %arg9[%dma_start3A_376, %dma_start3A_385, %dma_start3A_386] : memref<2x80x128xf32, #tpu.memory_space<vmem>> -> memref<1x80x128xf32, #tpu.memory_space<vmem>>
      %dma_start3A_388 = tpu.memref_squeeze %dma_start3A_387 : memref<1x80x128xf32, #tpu.memory_space<vmem>> -> memref<80x128xf32, #tpu.memory_space<vmem>>
      tpu.enqueue_dma source(%dma_start3A_388 : memref<80x128xf32, #tpu.memory_space<vmem>>) target(%dma_start3A_384 : memref<80x128xf32, #tpu.memory_space<hbm>>) target_semaphore(%arg15 : memref<!tpu.dma_semaphore, #tpu.memory_space<semaphore_mem>>)
      %dma_wait3A_389 = arith.constant 0 : i32
      %dma_wait3A_390 = arith.constant 0 : i32
      %dma_wait3A_391 = arith.constant 0 : i32
      %dma_wait3A_392 = arith.constant 0 : i32
      %dma_wait3A_393 = tpu.memref_slice %arg10[%dma_wait3A_390, %dma_wait3A_391, %dma_wait3A_392] : memref<2x80x128xf32, #tpu.memory_space<vmem>> -> memref<1x80x128xf32, #tpu.memory_space<vmem>>
      %dma_wait3A_394 = tpu.memref_squeeze %dma_wait3A_393 : memref<1x80x128xf32, #tpu.memory_space<vmem>> -> memref<80x128xf32, #tpu.memory_space<vmem>>
      %dma_wait3A_395 = arith.constant 0 : i32
      %dma_wait3A_396 = tpu.memref_slice %arg8[%dma_wait3A_389, %dma_wait3A_395] : memref<2x80xi32, #tpu.memory_space<vmem>> -> memref<1x80xi32, #tpu.memory_space<vmem>>
      %dma_wait3A_397 = tpu.memref_squeeze %dma_wait3A_396 : memref<1x80xi32, #tpu.memory_space<vmem>> -> memref<80xi32, #tpu.memory_space<vmem>>
      %dma_wait3A_398 = arith.constant 0 : i32
      %dma_wait3A_399 = arith.constant 0 : i32
      %dma_wait3A_400 = tpu.memref_slice %arg3[%dma_wait3A_398, %dma_wait3A_399] : memref<10000x128xf32, #tpu.memory_space<hbm>> -> memref<10000x128xf32, #tpu.memory_space<hbm>>
      tpu.wait_indirect_dma semaphore(%arg13 : memref<!tpu.dma_semaphore, #tpu.memory_space<semaphore_mem>>) src(%dma_wait3A_400 : memref<10000x128xf32, #tpu.memory_space<hbm>>) dst(%dma_wait3A_394 : memref<80x128xf32, #tpu.memory_space<vmem>>)
      %scan3A_401 = arith.constant 0 : i32
      scf.yield %scan3A_401 : i32
    }
    %scan3A_116 = arith.constant 62 : i32
    %scan3A_117 = arith.constant 0 : i32
    %scan3A_118 = arith.constant 0 : i32
    %scan3A_119 = arith.constant 80 : i32
    %scan3A_120 = arith.addi %scan3A_118, %scan3A_119 : i32
    %scan3A_121 = arith.constant 1 : i32
    %scan3A_122 = scf.for %scan3A_169 = %scan3A_118 to %scan3A_120 step %scan3A_121 iter_args(%scan3A_170 = %scan3A_117) -> (i32)  : i32 {
      %get3A = arith.constant 0 : i32
      %get3A_171 = arith.index_cast %get3A : i32 to index
      %get3A_172 = arith.index_cast %scan3A_169 : i32 to index
      %get3A_173 = arith.constant 0 : index
      %get3A_174 = tpu.vector_load %arg9[%get3A_171, %get3A_172, %get3A_173] {strides = array<i32>} : memref<2x80x128xf32, #tpu.memory_space<vmem>>, vector<1x1x16xf32>,
      %get3A_175 = vector.shape_cast %get3A_174 : vector<1x1x16xf32> to vector<16xf32>
      %get3A_176 = arith.constant 0 : i32
      %get3A_177 = arith.index_cast %get3A_176 : i32 to index
      %get3A_178 = arith.index_cast %scan3A_169 : i32 to index
      %get3A_179 = arith.constant 0 : index
      %get3A_180 = tpu.vector_load %arg10[%get3A_177, %get3A_178, %get3A_179] {strides = array<i32>} : memref<2x80x128xf32, #tpu.memory_space<vmem>>, vector<1x1x16xf32>,
      %get3A_181 = vector.shape_cast %get3A_180 : vector<1x1x16xf32> to vector<16xf32>
      %add3A_182 = arith.addf %get3A_175, %get3A_181 : vector<16xf32>
      %swap3A = arith.constant 0 : i32
      %swap3A_183 = arith.index_cast %swap3A : i32 to index
      %swap3A_184 = arith.index_cast %scan3A_169 : i32 to index
      %swap3A_185 = arith.constant 0 : index
      %swap3A_186 = tpu.vector_load %arg9[%swap3A_183, %swap3A_184, %swap3A_185] {strides = array<i32>} : memref<2x80x128xf32, #tpu.memory_space<vmem>>, vector<1x1x16xf32>,
      %swap3A_187 = vector.shape_cast %swap3A_186 : vector<1x1x16xf32> to vector<16xf32>
      %swap3A_188 = vector.shape_cast %add3A_182 : vector<16xf32> to vector<1x1x16xf32>
      tpu.vector_store %arg9[%swap3A_183, %swap3A_184, %swap3A_185], %swap3A_188 {strides = array<i32>} : memref<2x80x128xf32, #tpu.memory_space<vmem>>, vector<1x1x16xf32>,
      %get3A_189 = arith.constant 0 : i32
      %get3A_190 = arith.index_cast %get3A_189 : i32 to index
      %get3A_191 = arith.index_cast %scan3A_169 : i32 to index
      %get3A_192 = arith.constant 16 : index
      %get3A_193 = tpu.vector_load %arg9[%get3A_190, %get3A_191, %get3A_192] {strides = array<i32>} : memref<2x80x128xf32, #tpu.memory_space<vmem>>, vector<1x1x16xf32>,
      %get3A_194 = vector.shape_cast %get3A_193 : vector<1x1x16xf32> to vector<16xf32>
      %get3A_195 = arith.constant 0 : i32
      %get3A_196 = arith.index_cast %get3A_195 : i32 to index
      %get3A_197 = arith.index_cast %scan3A_169 : i32 to index
      %get3A_198 = arith.constant 16 : index
      %get3A_199 = tpu.vector_load %arg10[%get3A_196, %get3A_197, %get3A_198] {strides = array<i32>} : memref<2x80x128xf32, #tpu.memory_space<vmem>>, vector<1x1x16xf32>,
      %get3A_200 = vector.shape_cast %get3A_199 : vector<1x1x16xf32> to vector<16xf32>
      %add3A_201 = arith.addf %get3A_194, %get3A_200 : vector<16xf32>
      %swap3A_202 = arith.constant 0 : i32
      %swap3A_203 = arith.index_cast %swap3A_202 : i32 to index
      %swap3A_204 = arith.index_cast %scan3A_169 : i32 to index
      %swap3A_205 = arith.constant 16 : index
      %swap3A_206 = tpu.vector_load %arg9[%swap3A_203, %swap3A_204, %swap3A_205] {strides = array<i32>} : memref<2x80x128xf32, #tpu.memory_space<vmem>>, vector<1x1x16xf32>,
      %swap3A_207 = vector.shape_cast %swap3A_206 : vector<1x1x16xf32> to vector<16xf32>
      %swap3A_208 = vector.shape_cast %add3A_201 : vector<16xf32> to vector<1x1x16xf32>
      tpu.vector_store %arg9[%swap3A_203, %swap3A_204, %swap3A_205], %swap3A_208 {strides = array<i32>} : memref<2x80x128xf32, #tpu.memory_space<vmem>>, vector<1x1x16xf32>,
      %get3A_209 = arith.constant 0 : i32
      %get3A_210 = arith.index_cast %get3A_209 : i32 to index
      %get3A_211 = arith.index_cast %scan3A_169 : i32 to index
      %get3A_212 = arith.constant 32 : index
      %get3A_213 = tpu.vector_load %arg9[%get3A_210, %get3A_211, %get3A_212] {strides = array<i32>} : memref<2x80x128xf32, #tpu.memory_space<vmem>>, vector<1x1x16xf32>,
      %get3A_214 = vector.shape_cast %get3A_213 : vector<1x1x16xf32> to vector<16xf32>
      %get3A_215 = arith.constant 0 : i32
      %get3A_216 = arith.index_cast %get3A_215 : i32 to index
      %get3A_217 = arith.index_cast %scan3A_169 : i32 to index
      %get3A_218 = arith.constant 32 : index
      %get3A_219 = tpu.vector_load %arg10[%get3A_216, %get3A_217, %get3A_218] {strides = array<i32>} : memref<2x80x128xf32, #tpu.memory_space<vmem>>, vector<1x1x16xf32>,
      %get3A_220 = vector.shape_cast %get3A_219 : vector<1x1x16xf32> to vector<16xf32>
      %add3A_221 = arith.addf %get3A_214, %get3A_220 : vector<16xf32>
      %swap3A_222 = arith.constant 0 : i32
      %swap3A_223 = arith.index_cast %swap3A_222 : i32 to index
      %swap3A_224 = arith.index_cast %scan3A_169 : i32 to index
      %swap3A_225 = arith.constant 32 : index
      %swap3A_226 = tpu.vector_load %arg9[%swap3A_223, %swap3A_224, %swap3A_225] {strides = array<i32>} : memref<2x80x128xf32, #tpu.memory_space<vmem>>, vector<1x1x16xf32>,
      %swap3A_227 = vector.shape_cast %swap3A_226 : vector<1x1x16xf32> to vector<16xf32>
      %swap3A_228 = vector.shape_cast %add3A_221 : vector<16xf32> to vector<1x1x16xf32>
      tpu.vector_store %arg9[%swap3A_223, %swap3A_224, %swap3A_225], %swap3A_228 {strides = array<i32>} : memref<2x80x128xf32, #tpu.memory_space<vmem>>, vector<1x1x16xf32>,
      %get3A_229 = arith.constant 0 : i32
      %get3A_230 = arith.index_cast %get3A_229 : i32 to index
      %get3A_231 = arith.index_cast %scan3A_169 : i32 to index
      %get3A_232 = arith.constant 48 : index
      %get3A_233 = tpu.vector_load %arg9[%get3A_230, %get3A_231, %get3A_232] {strides = array<i32>} : memref<2x80x128xf32, #tpu.memory_space<vmem>>, vector<1x1x16xf32>,
      %get3A_234 = vector.shape_cast %get3A_233 : vector<1x1x16xf32> to vector<16xf32>
      %get3A_235 = arith.constant 0 : i32
      %get3A_236 = arith.index_cast %get3A_235 : i32 to index
      %get3A_237 = arith.index_cast %scan3A_169 : i32 to index
      %get3A_238 = arith.constant 48 : index
      %get3A_239 = tpu.vector_load %arg10[%get3A_236, %get3A_237, %get3A_238] {strides = array<i32>} : memref<2x80x128xf32, #tpu.memory_space<vmem>>, vector<1x1x16xf32>,
      %get3A_240 = vector.shape_cast %get3A_239 : vector<1x1x16xf32> to vector<16xf32>
      %add3A_241 = arith.addf %get3A_234, %get3A_240 : vector<16xf32>
      %swap3A_242 = arith.constant 0 : i32
      %swap3A_243 = arith.index_cast %swap3A_242 : i32 to index
      %swap3A_244 = arith.index_cast %scan3A_169 : i32 to index
      %swap3A_245 = arith.constant 48 : index
      %swap3A_246 = tpu.vector_load %arg9[%swap3A_243, %swap3A_244, %swap3A_245] {strides = array<i32>} : memref<2x80x128xf32, #tpu.memory_space<vmem>>, vector<1x1x16xf32>,
      %swap3A_247 = vector.shape_cast %swap3A_246 : vector<1x1x16xf32> to vector<16xf32>
      %swap3A_248 = vector.shape_cast %add3A_241 : vector<16xf32> to vector<1x1x16xf32>
      tpu.vector_store %arg9[%swap3A_243, %swap3A_244, %swap3A_245], %swap3A_248 {strides = array<i32>} : memref<2x80x128xf32, #tpu.memory_space<vmem>>, vector<1x1x16xf32>,
      %get3A_249 = arith.constant 0 : i32
      %get3A_250 = arith.index_cast %get3A_249 : i32 to index
      %get3A_251 = arith.index_cast %scan3A_169 : i32 to index
      %get3A_252 = arith.constant 64 : index
      %get3A_253 = tpu.vector_load %arg9[%get3A_250, %get3A_251, %get3A_252] {strides = array<i32>} : memref<2x80x128xf32, #tpu.memory_space<vmem>>, vector<1x1x16xf32>,
      %get3A_254 = vector.shape_cast %get3A_253 : vector<1x1x16xf32> to vector<16xf32>
      %get3A_255 = arith.constant 0 : i32
      %get3A_256 = arith.index_cast %get3A_255 : i32 to index
      %get3A_257 = arith.index_cast %scan3A_169 : i32 to index
      %get3A_258 = arith.constant 64 : index
      %get3A_259 = tpu.vector_load %arg10[%get3A_256, %get3A_257, %get3A_258] {strides = array<i32>} : memref<2x80x128xf32, #tpu.memory_space<vmem>>, vector<1x1x16xf32>,
      %get3A_260 = vector.shape_cast %get3A_259 : vector<1x1x16xf32> to vector<16xf32>
      %add3A_261 = arith.addf %get3A_254, %get3A_260 : vector<16xf32>
      %swap3A_262 = arith.constant 0 : i32
      %swap3A_263 = arith.index_cast %swap3A_262 : i32 to index
      %swap3A_264 = arith.index_cast %scan3A_169 : i32 to index
      %swap3A_265 = arith.constant 64 : index
      %swap3A_266 = tpu.vector_load %arg9[%swap3A_263, %swap3A_264, %swap3A_265] {strides = array<i32>} : memref<2x80x128xf32, #tpu.memory_space<vmem>>, vector<1x1x16xf32>,
      %swap3A_267 = vector.shape_cast %swap3A_266 : vector<1x1x16xf32> to vector<16xf32>
      %swap3A_268 = vector.shape_cast %add3A_261 : vector<16xf32> to vector<1x1x16xf32>
      tpu.vector_store %arg9[%swap3A_263, %swap3A_264, %swap3A_265], %swap3A_268 {strides = array<i32>} : memref<2x80x128xf32, #tpu.memory_space<vmem>>, vector<1x1x16xf32>,
      %get3A_269 = arith.constant 0 : i32
      %get3A_270 = arith.index_cast %get3A_269 : i32 to index
      %get3A_271 = arith.index_cast %scan3A_169 : i32 to index
      %get3A_272 = arith.constant 80 : index
      %get3A_273 = tpu.vector_load %arg9[%get3A_270, %get3A_271, %get3A_272] {strides = array<i32>} : memref<2x80x128xf32, #tpu.memory_space<vmem>>, vector<1x1x16xf32>,
      %get3A_274 = vector.shape_cast %get3A_273 : vector<1x1x16xf32> to vector<16xf32>
      %get3A_275 = arith.constant 0 : i32
      %get3A_276 = arith.index_cast %get3A_275 : i32 to index
      %get3A_277 = arith.index_cast %scan3A_169 : i32 to index
      %get3A_278 = arith.constant 80 : index
      %get3A_279 = tpu.vector_load %arg10[%get3A_276, %get3A_277, %get3A_278] {strides = array<i32>} : memref<2x80x128xf32, #tpu.memory_space<vmem>>, vector<1x1x16xf32>,
      %get3A_280 = vector.shape_cast %get3A_279 : vector<1x1x16xf32> to vector<16xf32>
      %add3A_281 = arith.addf %get3A_274, %get3A_280 : vector<16xf32>
      %swap3A_282 = arith.constant 0 : i32
      %swap3A_283 = arith.index_cast %swap3A_282 : i32 to index
      %swap3A_284 = arith.index_cast %scan3A_169 : i32 to index
      %swap3A_285 = arith.constant 80 : index
      %swap3A_286 = tpu.vector_load %arg9[%swap3A_283, %swap3A_284, %swap3A_285] {strides = array<i32>} : memref<2x80x128xf32, #tpu.memory_space<vmem>>, vector<1x1x16xf32>,
      %swap3A_287 = vector.shape_cast %swap3A_286 : vector<1x1x16xf32> to vector<16xf32>
      %swap3A_288 = vector.shape_cast %add3A_281 : vector<16xf32> to vector<1x1x16xf32>
      tpu.vector_store %arg9[%swap3A_283, %swap3A_284, %swap3A_285], %swap3A_288 {strides = array<i32>} : memref<2x80x128xf32, #tpu.memory_space<vmem>>, vector<1x1x16xf32>,
      %get3A_289 = arith.constant 0 : i32
      %get3A_290 = arith.index_cast %get3A_289 : i32 to index
      %get3A_291 = arith.index_cast %scan3A_169 : i32 to index
      %get3A_292 = arith.constant 96 : index
      %get3A_293 = tpu.vector_load %arg9[%get3A_290, %get3A_291, %get3A_292] {strides = array<i32>} : memref<2x80x128xf32, #tpu.memory_space<vmem>>, vector<1x1x16xf32>,
      %get3A_294 = vector.shape_cast %get3A_293 : vector<1x1x16xf32> to vector<16xf32>
      %get3A_295 = arith.constant 0 : i32
      %get3A_296 = arith.index_cast %get3A_295 : i32 to index
      %get3A_297 = arith.index_cast %scan3A_169 : i32 to index
      %get3A_298 = arith.constant 96 : index
      %get3A_299 = tpu.vector_load %arg10[%get3A_296, %get3A_297, %get3A_298] {strides = array<i32>} : memref<2x80x128xf32, #tpu.memory_space<vmem>>, vector<1x1x16xf32>,
      %get3A_300 = vector.shape_cast %get3A_299 : vector<1x1x16xf32> to vector<16xf32>
      %add3A_301 = arith.addf %get3A_294, %get3A_300 : vector<16xf32>
      %swap3A_302 = arith.constant 0 : i32
      %swap3A_303 = arith.index_cast %swap3A_302 : i32 to index
      %swap3A_304 = arith.index_cast %scan3A_169 : i32 to index
      %swap3A_305 = arith.constant 96 : index
      %swap3A_306 = tpu.vector_load %arg9[%swap3A_303, %swap3A_304, %swap3A_305] {strides = array<i32>} : memref<2x80x128xf32, #tpu.memory_space<vmem>>, vector<1x1x16xf32>,
      %swap3A_307 = vector.shape_cast %swap3A_306 : vector<1x1x16xf32> to vector<16xf32>
      %swap3A_308 = vector.shape_cast %add3A_301 : vector<16xf32> to vector<1x1x16xf32>
      tpu.vector_store %arg9[%swap3A_303, %swap3A_304, %swap3A_305], %swap3A_308 {strides = array<i32>} : memref<2x80x128xf32, #tpu.memory_space<vmem>>, vector<1x1x16xf32>,
      %get3A_309 = arith.constant 0 : i32
      %get3A_310 = arith.index_cast %get3A_309 : i32 to index
      %get3A_311 = arith.index_cast %scan3A_169 : i32 to index
      %get3A_312 = arith.constant 112 : index
      %get3A_313 = tpu.vector_load %arg9[%get3A_310, %get3A_311, %get3A_312] {strides = array<i32>} : memref<2x80x128xf32, #tpu.memory_space<vmem>>, vector<1x1x16xf32>,
      %get3A_314 = vector.shape_cast %get3A_313 : vector<1x1x16xf32> to vector<16xf32>
      %get3A_315 = arith.constant 0 : i32
      %get3A_316 = arith.index_cast %get3A_315 : i32 to index
      %get3A_317 = arith.index_cast %scan3A_169 : i32 to index
      %get3A_318 = arith.constant 112 : index
      %get3A_319 = tpu.vector_load %arg10[%get3A_316, %get3A_317, %get3A_318] {strides = array<i32>} : memref<2x80x128xf32, #tpu.memory_space<vmem>>, vector<1x1x16xf32>,
      %get3A_320 = vector.shape_cast %get3A_319 : vector<1x1x16xf32> to vector<16xf32>
      %add3A_321 = arith.addf %get3A_314, %get3A_320 : vector<16xf32>
      %swap3A_322 = arith.constant 0 : i32
      %swap3A_323 = arith.index_cast %swap3A_322 : i32 to index
      %swap3A_324 = arith.index_cast %scan3A_169 : i32 to index
      %swap3A_325 = arith.constant 112 : index
      %swap3A_326 = tpu.vector_load %arg9[%swap3A_323, %swap3A_324, %swap3A_325] {strides = array<i32>} : memref<2x80x128xf32, #tpu.memory_space<vmem>>, vector<1x1x16xf32>,
      %swap3A_327 = vector.shape_cast %swap3A_326 : vector<1x1x16xf32> to vector<16xf32>
      %swap3A_328 = vector.shape_cast %add3A_321 : vector<16xf32> to vector<1x1x16xf32>
      tpu.vector_store %arg9[%swap3A_323, %swap3A_324, %swap3A_325], %swap3A_328 {strides = array<i32>} : memref<2x80x128xf32, #tpu.memory_space<vmem>>, vector<1x1x16xf32>,
      %scan3A_329 = arith.constant 0 : i32
      scf.yield %scan3A_329 : i32
    }
    %scan3A_123 = arith.constant 80 : i32
    %add3A_124 = arith.constant 9920 : i32
    %add3A_125 = arith.addi %mul3A_2, %add3A_124 : i32
    %dma_start3A_126 = arith.constant 0 : i32
    %dma_start3A_127 = arith.constant 0 : i32
    %dma_start3A_128 = arith.constant 0 : i32
    %dma_start3A_129 = tpu.memref_slice %arg9[%dma_start3A_126, %dma_start3A_127, %dma_start3A_128] : memref<2x80x128xf32, #tpu.memory_space<vmem>> -> memref<1x80x128xf32, #tpu.memory_space<vmem>>
    %dma_start3A_130 = tpu.memref_squeeze %dma_start3A_129 : memref<1x80x128xf32, #tpu.memory_space<vmem>> -> memref<80x128xf32, #tpu.memory_space<vmem>>
    %dma_start3A_131 = arith.constant 0 : i32
    %dma_start3A_132 = tpu.memref_slice %arg6[%add3A_125, %dma_start3A_131] : memref<320000x128xf32, #tpu.memory_space<hbm>> -> memref<80x128xf32, #tpu.memory_space<hbm>>
    %dma_start3A_133 = arith.constant 0 : i32
    %dma_start3A_134 = tpu.memref_slice %arg6[%add3A_125, %dma_start3A_133] : memref<320000x128xf32, #tpu.memory_space<hbm>> -> memref<80x128xf32, #tpu.memory_space<hbm>>
    %dma_start3A_135 = arith.constant 0 : i32
    %dma_start3A_136 = arith.constant 0 : i32
    %dma_start3A_137 = tpu.memref_slice %arg9[%dma_start3A_126, %dma_start3A_135, %dma_start3A_136] : memref<2x80x128xf32, #tpu.memory_space<vmem>> -> memref<1x80x128xf32, #tpu.memory_space<vmem>>
    %dma_start3A_138 = tpu.memref_squeeze %dma_start3A_137 : memref<1x80x128xf32, #tpu.memory_space<vmem>> -> memref<80x128xf32, #tpu.memory_space<vmem>>
    tpu.enqueue_dma source(%dma_start3A_138 : memref<80x128xf32, #tpu.memory_space<vmem>>) target(%dma_start3A_134 : memref<80x128xf32, #tpu.memory_space<hbm>>) target_semaphore(%arg14 : memref<!tpu.dma_semaphore, #tpu.memory_space<semaphore_mem>>)
    %dma_wait3A_139 = arith.constant 1 : i32
    %dma_wait3A_140 = arith.constant 0 : i32
    %dma_wait3A_141 = arith.constant 0 : i32
    %dma_wait3A_142 = tpu.memref_slice %arg9[%dma_wait3A_139, %dma_wait3A_140, %dma_wait3A_141] : memref<2x80x128xf32, #tpu.memory_space<vmem>> -> memref<1x80x128xf32, #tpu.memory_space<vmem>>
    %dma_wait3A_143 = tpu.memref_squeeze %dma_wait3A_142 : memref<1x80x128xf32, #tpu.memory_space<vmem>> -> memref<80x128xf32, #tpu.memory_space<vmem>>
    %dma_wait3A_144 = arith.constant 0 : i32
    %dma_wait3A_145 = arith.constant 0 : i32
    %dma_wait3A_146 = tpu.memref_slice %arg6[%dma_wait3A_144, %dma_wait3A_145] : memref<320000x128xf32, #tpu.memory_space<hbm>> -> memref<80x128xf32, #tpu.memory_space<hbm>>
    %dma_wait3A_147 = arith.constant 0 : i32
    %dma_wait3A_148 = arith.constant 0 : i32
    %dma_wait3A_149 = tpu.memref_slice %arg6[%dma_wait3A_147, %dma_wait3A_148] : memref<320000x128xf32, #tpu.memory_space<hbm>> -> memref<80x128xf32, #tpu.memory_space<hbm>>
    %dma_wait3A_150 = arith.constant 0 : i32
    %dma_wait3A_151 = arith.constant 0 : i32
    %dma_wait3A_152 = tpu.memref_slice %arg9[%dma_wait3A_139, %dma_wait3A_150, %dma_wait3A_151] : memref<2x80x128xf32, #tpu.memory_space<vmem>> -> memref<1x80x128xf32, #tpu.memory_space<vmem>>
    %dma_wait3A_153 = tpu.memref_squeeze %dma_wait3A_152 : memref<1x80x128xf32, #tpu.memory_space<vmem>> -> memref<80x128xf32, #tpu.memory_space<vmem>>
    tpu.wait_dma2 semaphore(%arg15 : memref<!tpu.dma_semaphore, #tpu.memory_space<semaphore_mem>>) src(%dma_wait3A_153 : memref<80x128xf32, #tpu.memory_space<vmem>>) dst(%dma_wait3A_149 : memref<80x128xf32, #tpu.memory_space<hbm>>)
    %dma_wait3A_154 = arith.constant 0 : i32
    %dma_wait3A_155 = arith.constant 0 : i32
    %dma_wait3A_156 = arith.constant 0 : i32
    %dma_wait3A_157 = tpu.memref_slice %arg9[%dma_wait3A_154, %dma_wait3A_155, %dma_wait3A_156] : memref<2x80x128xf32, #tpu.memory_space<vmem>> -> memref<1x80x128xf32, #tpu.memory_space<vmem>>
    %dma_wait3A_158 = tpu.memref_squeeze %dma_wait3A_157 : memref<1x80x128xf32, #tpu.memory_space<vmem>> -> memref<80x128xf32, #tpu.memory_space<vmem>>
    %dma_wait3A_159 = arith.constant 0 : i32
    %dma_wait3A_160 = arith.constant 0 : i32
    %dma_wait3A_161 = tpu.memref_slice %arg6[%dma_wait3A_159, %dma_wait3A_160] : memref<320000x128xf32, #tpu.memory_space<hbm>> -> memref<80x128xf32, #tpu.memory_space<hbm>>
    %dma_wait3A_162 = arith.constant 0 : i32
    %dma_wait3A_163 = arith.constant 0 : i32
    %dma_wait3A_164 = tpu.memref_slice %arg6[%dma_wait3A_162, %dma_wait3A_163] : memref<320000x128xf32, #tpu.memory_space<hbm>> -> memref<80x128xf32, #tpu.memory_space<hbm>>
    %dma_wait3A_165 = arith.constant 0 : i32
    %dma_wait3A_166 = arith.constant 0 : i32
    %dma_wait3A_167 = tpu.memref_slice %arg9[%dma_wait3A_154, %dma_wait3A_165, %dma_wait3A_166] : memref<2x80x128xf32, #tpu.memory_space<vmem>> -> memref<1x80x128xf32, #tpu.memory_space<vmem>>
    %dma_wait3A_168 = tpu.memref_squeeze %dma_wait3A_167 : memref<1x80x128xf32, #tpu.memory_space<vmem>> -> memref<80x128xf32, #tpu.memory_space<vmem>>
    tpu.wait_dma2 semaphore(%arg14 : memref<!tpu.dma_semaphore, #tpu.memory_space<semaphore_mem>>) src(%dma_wait3A_168 : memref<80x128xf32, #tpu.memory_space<vmem>>) dst(%dma_wait3A_164 : memref<80x128xf32, #tpu.memory_space<hbm>>)
    return
  }
}

#map = affine_map<(d0, d1) -> (0, 0)>
#map1 = affine_map<(d0, d1) -> (0)>
module attributes {stable_mosaic.version = 14 : i64} {
  func.func @body(%arg0: i32, %arg1: i32, %arg2: memref<320000x128xf32, #tpu.memory_space<hbm>>, %arg3: memref<320000xi32, #tpu.memory_space<hbm>>, %arg4: memref<10000x128xf32, #tpu.memory_space<hbm>>, %arg5: memref<20000x128xf32, #tpu.memory_space<hbm>>, %arg6: memref<10000x128xf32, #tpu.memory_space<vmem_shared>>, %arg7: memref<80xi32, #tpu.memory_space<vmem>>, %arg8: memref<80xi32, #tpu.memory_space<vmem>>, %arg9: memref<2x80x128xf32, #tpu.memory_space<vmem>>, %arg10: memref<!tpu.dma_semaphore, #tpu.memory_space<semaphore_mem>>, %arg11: memref<!tpu.dma_semaphore, #tpu.memory_space<semaphore_mem>>) attributes {dimension_semantics = [#tpu.dimension_semantics<core_parallel>, #tpu.dimension_semantics<subcore_parallel>], iteration_bounds = array<i64: 2, 16>, scalar_prefetch = 0 : i64, scratch_operands = 6 : i64, tpu.core_type = #tpu.core_type<sc_vector_subcore>, window_params = [{transform_indices = #map}, {transform_indices = #map1}, {transform_indices = #map}, {transform_indices = #map}]} {
    %mul3A = arith.constant 2 : i32
    %mul3A_0 = arith.muli %arg1, %mul3A : i32
    %add3A = arith.addi %mul3A_0, %arg0 : i32
    %mul3A_1 = arith.constant 624 : i32
    %mul3A_2 = arith.muli %arg1, %mul3A_1 : i32
    %multiple_of3A = tpu.assume_multiple %mul3A_2, 8 : i32
    "tpu.region"() ({
      %run_scoped3A_74 = tpu.sem_alloc : memref<!tpu.dma_semaphore, #tpu.memory_space<semaphore_mem>>
      %dma_start3A_75 = arith.constant 0 : i32
      %dma_start3A_76 = tpu.memref_slice %arg6[%multiple_of3A, %dma_start3A_75] : memref<10000x128xf32, #tpu.memory_space<vmem_shared>> -> memref<624x128xf32, #tpu.memory_space<vmem_shared>>
      %dma_start3A_77 = arith.constant 0 : i32
      %dma_start3A_78 = tpu.memref_slice %arg4[%multiple_of3A, %dma_start3A_77] : memref<10000x128xf32, #tpu.memory_space<hbm>> -> memref<624x128xf32, #tpu.memory_space<hbm>>
      tpu.enqueue_dma source(%dma_start3A_78 : memref<624x128xf32, #tpu.memory_space<hbm>>) target(%dma_start3A_76 : memref<624x128xf32, #tpu.memory_space<vmem_shared>>) target_semaphore(%run_scoped3A_74 : memref<!tpu.dma_semaphore, #tpu.memory_space<semaphore_mem>>)
      %dma_wait3A_79 = arith.constant 0 : i32
      %dma_wait3A_80 = tpu.memref_slice %arg6[%multiple_of3A, %dma_wait3A_79] : memref<10000x128xf32, #tpu.memory_space<vmem_shared>> -> memref<624x128xf32, #tpu.memory_space<vmem_shared>>
      %dma_wait3A_81 = arith.constant 0 : i32
      %dma_wait3A_82 = tpu.memref_slice %arg4[%multiple_of3A, %dma_wait3A_81] : memref<10000x128xf32, #tpu.memory_space<hbm>> -> memref<624x128xf32, #tpu.memory_space<hbm>>
      tpu.wait_dma2 semaphore(%run_scoped3A_74 : memref<!tpu.dma_semaphore, #tpu.memory_space<semaphore_mem>>) src(%dma_wait3A_82 : memref<624x128xf32, #tpu.memory_space<hbm>>) dst(%dma_wait3A_80 : memref<624x128xf32, #tpu.memory_space<vmem_shared>>)
      tpu.yield
    }) : () -> ()
    %eq3A = arith.constant 15 : i32
    %eq3A_3 = arith.cmpi eq, %arg1, %eq3A : i32
    %convert_element_type3A = arith.extui %eq3A_3 : i1 to i32
    %cond3A = arith.constant 0 : i32
    %cond3A_4 = arith.cmpi ne, %convert_element_type3A, %cond3A : i32
    scf.if %cond3A_4 {
      "tpu.region"() ({
        %run_scoped3A_74 = tpu.sem_alloc : memref<!tpu.dma_semaphore, #tpu.memory_space<semaphore_mem>>
        %dma_start3A_75 = arith.constant 9984 : i32
        %dma_start3A_76 = arith.constant 0 : i32
        %dma_start3A_77 = tpu.memref_slice %arg6[%dma_start3A_75, %dma_start3A_76] : memref<10000x128xf32, #tpu.memory_space<vmem_shared>> -> memref<16x128xf32, #tpu.memory_space<vmem_shared>>
        %dma_start3A_78 = arith.constant 9984 : i32
        %dma_start3A_79 = arith.constant 0 : i32
        %dma_start3A_80 = tpu.memref_slice %arg4[%dma_start3A_78, %dma_start3A_79] : memref<10000x128xf32, #tpu.memory_space<hbm>> -> memref<16x128xf32, #tpu.memory_space<hbm>>
        tpu.enqueue_dma source(%dma_start3A_80 : memref<16x128xf32, #tpu.memory_space<hbm>>) target(%dma_start3A_77 : memref<16x128xf32, #tpu.memory_space<vmem_shared>>) target_semaphore(%run_scoped3A_74 : memref<!tpu.dma_semaphore, #tpu.memory_space<semaphore_mem>>)
        %dma_wait3A_81 = arith.constant 9984 : i32
        %dma_wait3A_82 = arith.constant 0 : i32
        %dma_wait3A_83 = tpu.memref_slice %arg6[%dma_wait3A_81, %dma_wait3A_82] : memref<10000x128xf32, #tpu.memory_space<vmem_shared>> -> memref<16x128xf32, #tpu.memory_space<vmem_shared>>
        %dma_wait3A_84 = arith.constant 9984 : i32
        %dma_wait3A_85 = arith.constant 0 : i32
        %dma_wait3A_86 = tpu.memref_slice %arg4[%dma_wait3A_84, %dma_wait3A_85] : memref<10000x128xf32, #tpu.memory_space<hbm>> -> memref<16x128xf32, #tpu.memory_space<hbm>>
        tpu.wait_dma2 semaphore(%run_scoped3A_74 : memref<!tpu.dma_semaphore, #tpu.memory_space<semaphore_mem>>) src(%dma_wait3A_86 : memref<16x128xf32, #tpu.memory_space<hbm>>) dst(%dma_wait3A_83 : memref<16x128xf32, #tpu.memory_space<vmem_shared>>)
        tpu.yield
      }) : () -> ()
    } else {
    }
    %barrier3A = arith.constant 0 : index
    tpu.barrier barrier_id(%barrier3A)
    %mul3A_5 = arith.constant 10000 : i32
    %mul3A_6 = arith.muli %add3A, %mul3A_5 : i32
    %add3A_7 = arith.constant 0 : i32
    %add3A_8 = arith.addi %mul3A_6, %add3A_7 : i32
    %dma_start3A = tpu.memref_slice %arg3[%add3A_8] : memref<320000xi32, #tpu.memory_space<hbm>> -> memref<80xi32, #tpu.memory_space<hbm>>
    %dma_start3A_9 = tpu.memref_slice %arg3[%add3A_8] : memref<320000xi32, #tpu.memory_space<hbm>> -> memref<80xi32, #tpu.memory_space<hbm>>
    tpu.enqueue_dma source(%dma_start3A_9 : memref<80xi32, #tpu.memory_space<hbm>>) target(%arg7 : memref<80xi32, #tpu.memory_space<vmem>>) target_semaphore(%arg10 : memref<!tpu.dma_semaphore, #tpu.memory_space<semaphore_mem>>)
    %dma_start3A_10 = arith.constant 0 : i32
    %dma_start3A_11 = arith.constant 0 : i32
    %dma_start3A_12 = arith.constant 0 : i32
    %dma_start3A_13 = tpu.memref_slice %arg9[%dma_start3A_10, %dma_start3A_11, %dma_start3A_12] : memref<2x80x128xf32, #tpu.memory_space<vmem>> -> memref<1x80x128xf32, #tpu.memory_space<vmem>>
    %dma_start3A_14 = tpu.memref_squeeze %dma_start3A_13 : memref<1x80x128xf32, #tpu.memory_space<vmem>> -> memref<80x128xf32, #tpu.memory_space<vmem>>
    %dma_start3A_15 = arith.constant 0 : i32
    %dma_start3A_16 = tpu.memref_slice %arg2[%add3A_8, %dma_start3A_15] : memref<320000x128xf32, #tpu.memory_space<hbm>> -> memref<80x128xf32, #tpu.memory_space<hbm>>
    %dma_start3A_17 = arith.constant 0 : i32
    %dma_start3A_18 = arith.constant 0 : i32
    %dma_start3A_19 = tpu.memref_slice %arg9[%dma_start3A_10, %dma_start3A_17, %dma_start3A_18] : memref<2x80x128xf32, #tpu.memory_space<vmem>> -> memref<1x80x128xf32, #tpu.memory_space<vmem>>
    %dma_start3A_20 = tpu.memref_squeeze %dma_start3A_19 : memref<1x80x128xf32, #tpu.memory_space<vmem>> -> memref<80x128xf32, #tpu.memory_space<vmem>>
    %dma_start3A_21 = arith.constant 0 : i32
    %dma_start3A_22 = tpu.memref_slice %arg2[%add3A_8, %dma_start3A_21] : memref<320000x128xf32, #tpu.memory_space<hbm>> -> memref<80x128xf32, #tpu.memory_space<hbm>>
    tpu.enqueue_dma source(%dma_start3A_22 : memref<80x128xf32, #tpu.memory_space<hbm>>) target(%dma_start3A_20 : memref<80x128xf32, #tpu.memory_space<vmem>>) target_semaphore(%arg10 : memref<!tpu.dma_semaphore, #tpu.memory_space<semaphore_mem>>)
    %dma_wait3A = arith.constant 0 : i32
    %dma_wait3A_23 = tpu.memref_slice %arg3[%dma_wait3A] : memref<320000xi32, #tpu.memory_space<hbm>> -> memref<80xi32, #tpu.memory_space<hbm>>
    %dma_wait3A_24 = arith.constant 0 : i32
    %dma_wait3A_25 = tpu.memref_slice %arg3[%dma_wait3A_24] : memref<320000xi32, #tpu.memory_space<hbm>> -> memref<80xi32, #tpu.memory_space<hbm>>
    tpu.wait_dma2 semaphore(%arg10 : memref<!tpu.dma_semaphore, #tpu.memory_space<semaphore_mem>>) src(%dma_wait3A_25 : memref<80xi32, #tpu.memory_space<hbm>>) dst(%arg7 : memref<80xi32, #tpu.memory_space<vmem>>)
    %dma_wait3A_26 = arith.constant 0 : i32
    %dma_wait3A_27 = arith.constant 0 : i32
    %dma_wait3A_28 = arith.constant 0 : i32
    %dma_wait3A_29 = tpu.memref_slice %arg9[%dma_wait3A_26, %dma_wait3A_27, %dma_wait3A_28] : memref<2x80x128xf32, #tpu.memory_space<vmem>> -> memref<1x80x128xf32, #tpu.memory_space<vmem>>
    %dma_wait3A_30 = tpu.memref_squeeze %dma_wait3A_29 : memref<1x80x128xf32, #tpu.memory_space<vmem>> -> memref<80x128xf32, #tpu.memory_space<vmem>>
    %dma_wait3A_31 = arith.constant 0 : i32
    %dma_wait3A_32 = arith.constant 0 : i32
    %dma_wait3A_33 = tpu.memref_slice %arg2[%dma_wait3A_31, %dma_wait3A_32] : memref<320000x128xf32, #tpu.memory_space<hbm>> -> memref<80x128xf32, #tpu.memory_space<hbm>>
    %dma_wait3A_34 = arith.constant 0 : i32
    %dma_wait3A_35 = arith.constant 0 : i32
    %dma_wait3A_36 = tpu.memref_slice %arg9[%dma_wait3A_26, %dma_wait3A_34, %dma_wait3A_35] : memref<2x80x128xf32, #tpu.memory_space<vmem>> -> memref<1x80x128xf32, #tpu.memory_space<vmem>>
    %dma_wait3A_37 = tpu.memref_squeeze %dma_wait3A_36 : memref<1x80x128xf32, #tpu.memory_space<vmem>> -> memref<80x128xf32, #tpu.memory_space<vmem>>
    %dma_wait3A_38 = arith.constant 0 : i32
    %dma_wait3A_39 = arith.constant 0 : i32
    %dma_wait3A_40 = tpu.memref_slice %arg2[%dma_wait3A_38, %dma_wait3A_39] : memref<320000x128xf32, #tpu.memory_space<hbm>> -> memref<80x128xf32, #tpu.memory_space<hbm>>
    tpu.wait_dma2 semaphore(%arg10 : memref<!tpu.dma_semaphore, #tpu.memory_space<semaphore_mem>>) src(%dma_wait3A_40 : memref<80x128xf32, #tpu.memory_space<hbm>>) dst(%dma_wait3A_37 : memref<80x128xf32, #tpu.memory_space<vmem>>)
    %add3A_41 = arith.constant 80 : i32
    %add3A_42 = arith.addi %mul3A_6, %add3A_41 : i32
    %dma_start3A_43 = tpu.memref_slice %arg3[%add3A_42] : memref<320000xi32, #tpu.memory_space<hbm>> -> memref<80xi32, #tpu.memory_space<hbm>>
    %dma_start3A_44 = tpu.memref_slice %arg3[%add3A_42] : memref<320000xi32, #tpu.memory_space<hbm>> -> memref<80xi32, #tpu.memory_space<hbm>>
    tpu.enqueue_dma source(%dma_start3A_44 : memref<80xi32, #tpu.memory_space<hbm>>) target(%arg8 : memref<80xi32, #tpu.memory_space<vmem>>) target_semaphore(%arg11 : memref<!tpu.dma_semaphore, #tpu.memory_space<semaphore_mem>>)
    %dma_start3A_45 = arith.constant 1 : i32
    %dma_start3A_46 = arith.constant 0 : i32
    %dma_start3A_47 = arith.constant 0 : i32
    %dma_start3A_48 = tpu.memref_slice %arg9[%dma_start3A_45, %dma_start3A_46, %dma_start3A_47] : memref<2x80x128xf32, #tpu.memory_space<vmem>> -> memref<1x80x128xf32, #tpu.memory_space<vmem>>
    %dma_start3A_49 = tpu.memref_squeeze %dma_start3A_48 : memref<1x80x128xf32, #tpu.memory_space<vmem>> -> memref<80x128xf32, #tpu.memory_space<vmem>>
    %dma_start3A_50 = arith.constant 0 : i32
    %dma_start3A_51 = tpu.memref_slice %arg2[%add3A_42, %dma_start3A_50] : memref<320000x128xf32, #tpu.memory_space<hbm>> -> memref<80x128xf32, #tpu.memory_space<hbm>>
    %dma_start3A_52 = arith.constant 0 : i32
    %dma_start3A_53 = arith.constant 0 : i32
    %dma_start3A_54 = tpu.memref_slice %arg9[%dma_start3A_45, %dma_start3A_52, %dma_start3A_53] : memref<2x80x128xf32, #tpu.memory_space<vmem>> -> memref<1x80x128xf32, #tpu.memory_space<vmem>>
    %dma_start3A_55 = tpu.memref_squeeze %dma_start3A_54 : memref<1x80x128xf32, #tpu.memory_space<vmem>> -> memref<80x128xf32, #tpu.memory_space<vmem>>
    %dma_start3A_56 = arith.constant 0 : i32
    %dma_start3A_57 = tpu.memref_slice %arg2[%add3A_42, %dma_start3A_56] : memref<320000x128xf32, #tpu.memory_space<hbm>> -> memref<80x128xf32, #tpu.memory_space<hbm>>
    tpu.enqueue_dma source(%dma_start3A_57 : memref<80x128xf32, #tpu.memory_space<hbm>>) target(%dma_start3A_55 : memref<80x128xf32, #tpu.memory_space<vmem>>) target_semaphore(%arg11 : memref<!tpu.dma_semaphore, #tpu.memory_space<semaphore_mem>>)
    %run_scoped3A = arith.constant 0 : i32
    "tpu.region"() ({
      %run_scoped3A_74 = tpu.sem_alloc : memref<!tpu.dma_semaphore, #tpu.memory_space<semaphore_mem>>
      %dma_start3A_75 = arith.constant 0 : i32
      %dma_start3A_76 = arith.constant 0 : i32
      %dma_start3A_77 = tpu.memref_slice %arg9[%run_scoped3A, %dma_start3A_75, %dma_start3A_76] : memref<2x80x128xf32, #tpu.memory_space<vmem>> -> memref<1x80x128xf32, #tpu.memory_space<vmem>>
      %dma_start3A_78 = tpu.memref_squeeze %dma_start3A_77 : memref<1x80x128xf32, #tpu.memory_space<vmem>> -> memref<80x128xf32, #tpu.memory_space<vmem>>
      %dma_start3A_79 = arith.constant 0 : i32
      %dma_start3A_80 = arith.constant 0 : i32
      %dma_start3A_81 = tpu.memref_slice %arg6[%dma_start3A_79, %dma_start3A_80] : memref<10000x128xf32, #tpu.memory_space<vmem_shared>> -> memref<10000x128xf32, #tpu.memory_space<vmem_shared>>
      tpu.enqueue_indirect_dma source(%dma_start3A_78 : memref<80x128xf32, #tpu.memory_space<vmem>>) target(%dma_start3A_81 : memref<10000x128xf32, #tpu.memory_space<vmem_shared>>) offsets(%arg7 : memref<80xi32, #tpu.memory_space<vmem>>) semaphore(%run_scoped3A_74 : memref<!tpu.dma_semaphore, #tpu.memory_space<semaphore_mem>>) {add = true}
      %dma_wait3A_82 = arith.constant 0 : i32
      %dma_wait3A_83 = arith.constant 0 : i32
      %dma_wait3A_84 = tpu.memref_slice %arg9[%run_scoped3A, %dma_wait3A_82, %dma_wait3A_83] : memref<2x80x128xf32, #tpu.memory_space<vmem>> -> memref<1x80x128xf32, #tpu.memory_space<vmem>>
      %dma_wait3A_85 = tpu.memref_squeeze %dma_wait3A_84 : memref<1x80x128xf32, #tpu.memory_space<vmem>> -> memref<80x128xf32, #tpu.memory_space<vmem>>
      %dma_wait3A_86 = arith.constant 0 : i32
      %dma_wait3A_87 = arith.constant 0 : i32
      %dma_wait3A_88 = tpu.memref_slice %arg6[%dma_wait3A_86, %dma_wait3A_87] : memref<10000x128xf32, #tpu.memory_space<vmem_shared>> -> memref<10000x128xf32, #tpu.memory_space<vmem_shared>>
      tpu.wait_indirect_dma semaphore(%run_scoped3A_74 : memref<!tpu.dma_semaphore, #tpu.memory_space<semaphore_mem>>) src(%dma_wait3A_85 : memref<80x128xf32, #tpu.memory_space<vmem>>) dst(%dma_wait3A_88 : memref<10000x128xf32, #tpu.memory_space<vmem_shared>>)
      tpu.yield
    }) : () -> ()
    %scan3A = arith.constant 0 : i32
    %scan3A_58 = arith.constant 0 : i32
    %scan3A_59 = arith.constant 62 : i32
    %scan3A_60 = arith.addi %scan3A_58, %scan3A_59 : i32
    %scan3A_61 = arith.constant 1 : i32
    %scan3A_62 = scf.for %scan3A_74 = %scan3A_58 to %scan3A_60 step %scan3A_61 iter_args(%scan3A_75 = %scan3A) -> (i32)  : i32 {
      %mul3A_76 = arith.constant 2 : i32
      %mul3A_77 = arith.muli %scan3A_74, %mul3A_76 : i32
      %add3A_78 = arith.constant 1 : i32
      %add3A_79 = arith.addi %add3A_78, %mul3A_77 : i32
      %dma_wait3A_80 = arith.constant 0 : i32
      %dma_wait3A_81 = tpu.memref_slice %arg3[%dma_wait3A_80] : memref<320000xi32, #tpu.memory_space<hbm>> -> memref<80xi32, #tpu.memory_space<hbm>>
      %dma_wait3A_82 = arith.constant 0 : i32
      %dma_wait3A_83 = tpu.memref_slice %arg3[%dma_wait3A_82] : memref<320000xi32, #tpu.memory_space<hbm>> -> memref<80xi32, #tpu.memory_space<hbm>>
      tpu.wait_dma2 semaphore(%arg11 : memref<!tpu.dma_semaphore, #tpu.memory_space<semaphore_mem>>) src(%dma_wait3A_83 : memref<80xi32, #tpu.memory_space<hbm>>) dst(%arg8 : memref<80xi32, #tpu.memory_space<vmem>>)
      %dma_wait3A_84 = arith.constant 1 : i32
      %dma_wait3A_85 = arith.constant 0 : i32
      %dma_wait3A_86 = arith.constant 0 : i32
      %dma_wait3A_87 = tpu.memref_slice %arg9[%dma_wait3A_84, %dma_wait3A_85, %dma_wait3A_86] : memref<2x80x128xf32, #tpu.memory_space<vmem>> -> memref<1x80x128xf32, #tpu.memory_space<vmem>>
      %dma_wait3A_88 = tpu.memref_squeeze %dma_wait3A_87 : memref<1x80x128xf32, #tpu.memory_space<vmem>> -> memref<80x128xf32, #tpu.memory_space<vmem>>
      %dma_wait3A_89 = arith.constant 0 : i32
      %dma_wait3A_90 = arith.constant 0 : i32
      %dma_wait3A_91 = tpu.memref_slice %arg2[%dma_wait3A_89, %dma_wait3A_90] : memref<320000x128xf32, #tpu.memory_space<hbm>> -> memref<80x128xf32, #tpu.memory_space<hbm>>
      %dma_wait3A_92 = arith.constant 0 : i32
      %dma_wait3A_93 = arith.constant 0 : i32
      %dma_wait3A_94 = tpu.memref_slice %arg9[%dma_wait3A_84, %dma_wait3A_92, %dma_wait3A_93] : memref<2x80x128xf32, #tpu.memory_space<vmem>> -> memref<1x80x128xf32, #tpu.memory_space<vmem>>
      %dma_wait3A_95 = tpu.memref_squeeze %dma_wait3A_94 : memref<1x80x128xf32, #tpu.memory_space<vmem>> -> memref<80x128xf32, #tpu.memory_space<vmem>>
      %dma_wait3A_96 = arith.constant 0 : i32
      %dma_wait3A_97 = arith.constant 0 : i32
      %dma_wait3A_98 = tpu.memref_slice %arg2[%dma_wait3A_96, %dma_wait3A_97] : memref<320000x128xf32, #tpu.memory_space<hbm>> -> memref<80x128xf32, #tpu.memory_space<hbm>>
      tpu.wait_dma2 semaphore(%arg11 : memref<!tpu.dma_semaphore, #tpu.memory_space<semaphore_mem>>) src(%dma_wait3A_98 : memref<80x128xf32, #tpu.memory_space<hbm>>) dst(%dma_wait3A_95 : memref<80x128xf32, #tpu.memory_space<vmem>>)
      %add3A_99 = arith.constant 1 : i32
      %add3A_100 = arith.addi %add3A_79, %add3A_99 : i32
      %lt3A = arith.constant 125 : i32
      %lt3A_101 = arith.cmpi slt, %add3A_100, %lt3A : i32
      %convert_element_type3A_102 = arith.extui %lt3A_101 : i1 to i32
      %cond3A_103 = arith.constant 0 : i32
      %cond3A_104 = arith.cmpi ne, %convert_element_type3A_102, %cond3A_103 : i32
      scf.if %cond3A_104 {
        %add3A_134 = arith.constant 1 : i32
        %add3A_135 = arith.addi %add3A_79, %add3A_134 : i32
        %mul3A_136 = arith.constant 80 : i32
        %mul3A_137 = arith.muli %add3A_135, %mul3A_136 : i32
        %add3A_138 = arith.addi %mul3A_6, %mul3A_137 : i32
        %dma_start3A_139 = tpu.memref_slice %arg3[%add3A_138] : memref<320000xi32, #tpu.memory_space<hbm>> -> memref<80xi32, #tpu.memory_space<hbm>>
        %dma_start3A_140 = tpu.memref_slice %arg3[%add3A_138] : memref<320000xi32, #tpu.memory_space<hbm>> -> memref<80xi32, #tpu.memory_space<hbm>>
        tpu.enqueue_dma source(%dma_start3A_140 : memref<80xi32, #tpu.memory_space<hbm>>) target(%arg7 : memref<80xi32, #tpu.memory_space<vmem>>) target_semaphore(%arg10 : memref<!tpu.dma_semaphore, #tpu.memory_space<semaphore_mem>>)
        %dma_start3A_141 = arith.constant 0 : i32
        %dma_start3A_142 = arith.constant 0 : i32
        %dma_start3A_143 = arith.constant 0 : i32
        %dma_start3A_144 = tpu.memref_slice %arg9[%dma_start3A_141, %dma_start3A_142, %dma_start3A_143] : memref<2x80x128xf32, #tpu.memory_space<vmem>> -> memref<1x80x128xf32, #tpu.memory_space<vmem>>
        %dma_start3A_145 = tpu.memref_squeeze %dma_start3A_144 : memref<1x80x128xf32, #tpu.memory_space<vmem>> -> memref<80x128xf32, #tpu.memory_space<vmem>>
        %dma_start3A_146 = arith.constant 0 : i32
        %dma_start3A_147 = tpu.memref_slice %arg2[%add3A_138, %dma_start3A_146] : memref<320000x128xf32, #tpu.memory_space<hbm>> -> memref<80x128xf32, #tpu.memory_space<hbm>>
        %dma_start3A_148 = arith.constant 0 : i32
        %dma_start3A_149 = arith.constant 0 : i32
        %dma_start3A_150 = tpu.memref_slice %arg9[%dma_start3A_141, %dma_start3A_148, %dma_start3A_149] : memref<2x80x128xf32, #tpu.memory_space<vmem>> -> memref<1x80x128xf32, #tpu.memory_space<vmem>>
        %dma_start3A_151 = tpu.memref_squeeze %dma_start3A_150 : memref<1x80x128xf32, #tpu.memory_space<vmem>> -> memref<80x128xf32, #tpu.memory_space<vmem>>
        %dma_start3A_152 = arith.constant 0 : i32
        %dma_start3A_153 = tpu.memref_slice %arg2[%add3A_138, %dma_start3A_152] : memref<320000x128xf32, #tpu.memory_space<hbm>> -> memref<80x128xf32, #tpu.memory_space<hbm>>
        tpu.enqueue_dma source(%dma_start3A_153 : memref<80x128xf32, #tpu.memory_space<hbm>>) target(%dma_start3A_151 : memref<80x128xf32, #tpu.memory_space<vmem>>) target_semaphore(%arg10 : memref<!tpu.dma_semaphore, #tpu.memory_space<semaphore_mem>>)
      } else {
      }
      %run_scoped3A_105 = arith.constant 1 : i32
      "tpu.region"() ({
        %run_scoped3A_134 = tpu.sem_alloc : memref<!tpu.dma_semaphore, #tpu.memory_space<semaphore_mem>>
        %dma_start3A_135 = arith.constant 0 : i32
        %dma_start3A_136 = arith.constant 0 : i32
        %dma_start3A_137 = tpu.memref_slice %arg9[%run_scoped3A_105, %dma_start3A_135, %dma_start3A_136] : memref<2x80x128xf32, #tpu.memory_space<vmem>> -> memref<1x80x128xf32, #tpu.memory_space<vmem>>
        %dma_start3A_138 = tpu.memref_squeeze %dma_start3A_137 : memref<1x80x128xf32, #tpu.memory_space<vmem>> -> memref<80x128xf32, #tpu.memory_space<vmem>>
        %dma_start3A_139 = arith.constant 0 : i32
        %dma_start3A_140 = arith.constant 0 : i32
        %dma_start3A_141 = tpu.memref_slice %arg6[%dma_start3A_139, %dma_start3A_140] : memref<10000x128xf32, #tpu.memory_space<vmem_shared>> -> memref<10000x128xf32, #tpu.memory_space<vmem_shared>>
        tpu.enqueue_indirect_dma source(%dma_start3A_138 : memref<80x128xf32, #tpu.memory_space<vmem>>) target(%dma_start3A_141 : memref<10000x128xf32, #tpu.memory_space<vmem_shared>>) offsets(%arg8 : memref<80xi32, #tpu.memory_space<vmem>>) semaphore(%run_scoped3A_134 : memref<!tpu.dma_semaphore, #tpu.memory_space<semaphore_mem>>) {add = true}
        %dma_wait3A_142 = arith.constant 0 : i32
        %dma_wait3A_143 = arith.constant 0 : i32
        %dma_wait3A_144 = tpu.memref_slice %arg9[%run_scoped3A_105, %dma_wait3A_142, %dma_wait3A_143] : memref<2x80x128xf32, #tpu.memory_space<vmem>> -> memref<1x80x128xf32, #tpu.memory_space<vmem>>
        %dma_wait3A_145 = tpu.memref_squeeze %dma_wait3A_144 : memref<1x80x128xf32, #tpu.memory_space<vmem>> -> memref<80x128xf32, #tpu.memory_space<vmem>>
        %dma_wait3A_146 = arith.constant 0 : i32
        %dma_wait3A_147 = arith.constant 0 : i32
        %dma_wait3A_148 = tpu.memref_slice %arg6[%dma_wait3A_146, %dma_wait3A_147] : memref<10000x128xf32, #tpu.memory_space<vmem_shared>> -> memref<10000x128xf32, #tpu.memory_space<vmem_shared>>
        tpu.wait_indirect_dma semaphore(%run_scoped3A_134 : memref<!tpu.dma_semaphore, #tpu.memory_space<semaphore_mem>>) src(%dma_wait3A_145 : memref<80x128xf32, #tpu.memory_space<vmem>>) dst(%dma_wait3A_148 : memref<10000x128xf32, #tpu.memory_space<vmem_shared>>)
        tpu.yield
      }) : () -> ()
      %dma_wait3A_106 = arith.constant 0 : i32
      %dma_wait3A_107 = tpu.memref_slice %arg3[%dma_wait3A_106] : memref<320000xi32, #tpu.memory_space<hbm>> -> memref<80xi32, #tpu.memory_space<hbm>>
      %dma_wait3A_108 = arith.constant 0 : i32
      %dma_wait3A_109 = tpu.memref_slice %arg3[%dma_wait3A_108] : memref<320000xi32, #tpu.memory_space<hbm>> -> memref<80xi32, #tpu.memory_space<hbm>>
      tpu.wait_dma2 semaphore(%arg10 : memref<!tpu.dma_semaphore, #tpu.memory_space<semaphore_mem>>) src(%dma_wait3A_109 : memref<80xi32, #tpu.memory_space<hbm>>) dst(%arg7 : memref<80xi32, #tpu.memory_space<vmem>>)
      %dma_wait3A_110 = arith.constant 0 : i32
      %dma_wait3A_111 = arith.constant 0 : i32
      %dma_wait3A_112 = arith.constant 0 : i32
      %dma_wait3A_113 = tpu.memref_slice %arg9[%dma_wait3A_110, %dma_wait3A_111, %dma_wait3A_112] : memref<2x80x128xf32, #tpu.memory_space<vmem>> -> memref<1x80x128xf32, #tpu.memory_space<vmem>>
      %dma_wait3A_114 = tpu.memref_squeeze %dma_wait3A_113 : memref<1x80x128xf32, #tpu.memory_space<vmem>> -> memref<80x128xf32, #tpu.memory_space<vmem>>
      %dma_wait3A_115 = arith.constant 0 : i32
      %dma_wait3A_116 = arith.constant 0 : i32
      %dma_wait3A_117 = tpu.memref_slice %arg2[%dma_wait3A_115, %dma_wait3A_116] : memref<320000x128xf32, #tpu.memory_space<hbm>> -> memref<80x128xf32, #tpu.memory_space<hbm>>
      %dma_wait3A_118 = arith.constant 0 : i32
      %dma_wait3A_119 = arith.constant 0 : i32
      %dma_wait3A_120 = tpu.memref_slice %arg9[%dma_wait3A_110, %dma_wait3A_118, %dma_wait3A_119] : memref<2x80x128xf32, #tpu.memory_space<vmem>> -> memref<1x80x128xf32, #tpu.memory_space<vmem>>
      %dma_wait3A_121 = tpu.memref_squeeze %dma_wait3A_120 : memref<1x80x128xf32, #tpu.memory_space<vmem>> -> memref<80x128xf32, #tpu.memory_space<vmem>>
      %dma_wait3A_122 = arith.constant 0 : i32
      %dma_wait3A_123 = arith.constant 0 : i32
      %dma_wait3A_124 = tpu.memref_slice %arg2[%dma_wait3A_122, %dma_wait3A_123] : memref<320000x128xf32, #tpu.memory_space<hbm>> -> memref<80x128xf32, #tpu.memory_space<hbm>>
      tpu.wait_dma2 semaphore(%arg10 : memref<!tpu.dma_semaphore, #tpu.memory_space<semaphore_mem>>) src(%dma_wait3A_124 : memref<80x128xf32, #tpu.memory_space<hbm>>) dst(%dma_wait3A_121 : memref<80x128xf32, #tpu.memory_space<vmem>>)
      %add3A_125 = arith.constant 2 : i32
      %add3A_126 = arith.addi %add3A_79, %add3A_125 : i32
      %lt3A_127 = arith.constant 125 : i32
      %lt3A_128 = arith.cmpi slt, %add3A_126, %lt3A_127 : i32
      %convert_element_type3A_129 = arith.extui %lt3A_128 : i1 to i32
      %cond3A_130 = arith.constant 0 : i32
      %cond3A_131 = arith.cmpi ne, %convert_element_type3A_129, %cond3A_130 : i32
      scf.if %cond3A_131 {
        %add3A_134 = arith.constant 2 : i32
        %add3A_135 = arith.addi %add3A_79, %add3A_134 : i32
        %mul3A_136 = arith.constant 80 : i32
        %mul3A_137 = arith.muli %add3A_135, %mul3A_136 : i32
        %add3A_138 = arith.addi %mul3A_6, %mul3A_137 : i32
        %dma_start3A_139 = tpu.memref_slice %arg3[%add3A_138] : memref<320000xi32, #tpu.memory_space<hbm>> -> memref<80xi32, #tpu.memory_space<hbm>>
        %dma_start3A_140 = tpu.memref_slice %arg3[%add3A_138] : memref<320000xi32, #tpu.memory_space<hbm>> -> memref<80xi32, #tpu.memory_space<hbm>>
        tpu.enqueue_dma source(%dma_start3A_140 : memref<80xi32, #tpu.memory_space<hbm>>) target(%arg8 : memref<80xi32, #tpu.memory_space<vmem>>) target_semaphore(%arg11 : memref<!tpu.dma_semaphore, #tpu.memory_space<semaphore_mem>>)
        %dma_start3A_141 = arith.constant 1 : i32
        %dma_start3A_142 = arith.constant 0 : i32
        %dma_start3A_143 = arith.constant 0 : i32
        %dma_start3A_144 = tpu.memref_slice %arg9[%dma_start3A_141, %dma_start3A_142, %dma_start3A_143] : memref<2x80x128xf32, #tpu.memory_space<vmem>> -> memref<1x80x128xf32, #tpu.memory_space<vmem>>
        %dma_start3A_145 = tpu.memref_squeeze %dma_start3A_144 : memref<1x80x128xf32, #tpu.memory_space<vmem>> -> memref<80x128xf32, #tpu.memory_space<vmem>>
        %dma_start3A_146 = arith.constant 0 : i32
        %dma_start3A_147 = tpu.memref_slice %arg2[%add3A_138, %dma_start3A_146] : memref<320000x128xf32, #tpu.memory_space<hbm>> -> memref<80x128xf32, #tpu.memory_space<hbm>>
        %dma_start3A_148 = arith.constant 0 : i32
        %dma_start3A_149 = arith.constant 0 : i32
        %dma_start3A_150 = tpu.memref_slice %arg9[%dma_start3A_141, %dma_start3A_148, %dma_start3A_149] : memref<2x80x128xf32, #tpu.memory_space<vmem>> -> memref<1x80x128xf32, #tpu.memory_space<vmem>>
        %dma_start3A_151 = tpu.memref_squeeze %dma_start3A_150 : memref<1x80x128xf32, #tpu.memory_space<vmem>> -> memref<80x128xf32, #tpu.memory_space<vmem>>
        %dma_start3A_152 = arith.constant 0 : i32
        %dma_start3A_153 = tpu.memref_slice %arg2[%add3A_138, %dma_start3A_152] : memref<320000x128xf32, #tpu.memory_space<hbm>> -> memref<80x128xf32, #tpu.memory_space<hbm>>
        tpu.enqueue_dma source(%dma_start3A_153 : memref<80x128xf32, #tpu.memory_space<hbm>>) target(%dma_start3A_151 : memref<80x128xf32, #tpu.memory_space<vmem>>) target_semaphore(%arg11 : memref<!tpu.dma_semaphore, #tpu.memory_space<semaphore_mem>>)
      } else {
      }
      %run_scoped3A_132 = arith.constant 0 : i32
      "tpu.region"() ({
        %run_scoped3A_134 = tpu.sem_alloc : memref<!tpu.dma_semaphore, #tpu.memory_space<semaphore_mem>>
        %dma_start3A_135 = arith.constant 0 : i32
        %dma_start3A_136 = arith.constant 0 : i32
        %dma_start3A_137 = tpu.memref_slice %arg9[%run_scoped3A_132, %dma_start3A_135, %dma_start3A_136] : memref<2x80x128xf32, #tpu.memory_space<vmem>> -> memref<1x80x128xf32, #tpu.memory_space<vmem>>
        %dma_start3A_138 = tpu.memref_squeeze %dma_start3A_137 : memref<1x80x128xf32, #tpu.memory_space<vmem>> -> memref<80x128xf32, #tpu.memory_space<vmem>>
        %dma_start3A_139 = arith.constant 0 : i32
        %dma_start3A_140 = arith.constant 0 : i32
        %dma_start3A_141 = tpu.memref_slice %arg6[%dma_start3A_139, %dma_start3A_140] : memref<10000x128xf32, #tpu.memory_space<vmem_shared>> -> memref<10000x128xf32, #tpu.memory_space<vmem_shared>>
        tpu.enqueue_indirect_dma source(%dma_start3A_138 : memref<80x128xf32, #tpu.memory_space<vmem>>) target(%dma_start3A_141 : memref<10000x128xf32, #tpu.memory_space<vmem_shared>>) offsets(%arg7 : memref<80xi32, #tpu.memory_space<vmem>>) semaphore(%run_scoped3A_134 : memref<!tpu.dma_semaphore, #tpu.memory_space<semaphore_mem>>) {add = true}
        %dma_wait3A_142 = arith.constant 0 : i32
        %dma_wait3A_143 = arith.constant 0 : i32
        %dma_wait3A_144 = tpu.memref_slice %arg9[%run_scoped3A_132, %dma_wait3A_142, %dma_wait3A_143] : memref<2x80x128xf32, #tpu.memory_space<vmem>> -> memref<1x80x128xf32, #tpu.memory_space<vmem>>
        %dma_wait3A_145 = tpu.memref_squeeze %dma_wait3A_144 : memref<1x80x128xf32, #tpu.memory_space<vmem>> -> memref<80x128xf32, #tpu.memory_space<vmem>>
        %dma_wait3A_146 = arith.constant 0 : i32
        %dma_wait3A_147 = arith.constant 0 : i32
        %dma_wait3A_148 = tpu.memref_slice %arg6[%dma_wait3A_146, %dma_wait3A_147] : memref<10000x128xf32, #tpu.memory_space<vmem_shared>> -> memref<10000x128xf32, #tpu.memory_space<vmem_shared>>
        tpu.wait_indirect_dma semaphore(%run_scoped3A_134 : memref<!tpu.dma_semaphore, #tpu.memory_space<semaphore_mem>>) src(%dma_wait3A_145 : memref<80x128xf32, #tpu.memory_space<vmem>>) dst(%dma_wait3A_148 : memref<10000x128xf32, #tpu.memory_space<vmem_shared>>)
        tpu.yield
      }) : () -> ()
      %scan3A_133 = arith.constant 0 : i32
      scf.yield %scan3A_133 : i32
    }
    %scan3A_63 = arith.constant 62 : i32
    %barrier3A_64 = arith.constant 0 : index
    tpu.barrier barrier_id(%barrier3A_64)
    %mul3A_65 = arith.constant 10000 : i32
    %mul3A_66 = arith.muli %arg0, %mul3A_65 : i32
    %add3A_67 = arith.addi %mul3A_66, %multiple_of3A : i32
    %multiple_of3A_68 = tpu.assume_multiple %add3A_67, 8 : i32
    "tpu.region"() ({
      %run_scoped3A_74 = tpu.sem_alloc : memref<!tpu.dma_semaphore, #tpu.memory_space<semaphore_mem>>
      %dma_start3A_75 = arith.constant 0 : i32
      %dma_start3A_76 = tpu.memref_slice %arg5[%multiple_of3A_68, %dma_start3A_75] : memref<20000x128xf32, #tpu.memory_space<hbm>> -> memref<624x128xf32, #tpu.memory_space<hbm>>
      %dma_start3A_77 = arith.constant 0 : i32
      %dma_start3A_78 = tpu.memref_slice %arg6[%multiple_of3A, %dma_start3A_77] : memref<10000x128xf32, #tpu.memory_space<vmem_shared>> -> memref<624x128xf32, #tpu.memory_space<vmem_shared>>
      tpu.enqueue_dma source(%dma_start3A_78 : memref<624x128xf32, #tpu.memory_space<vmem_shared>>) target(%dma_start3A_76 : memref<624x128xf32, #tpu.memory_space<hbm>>) target_semaphore(%run_scoped3A_74 : memref<!tpu.dma_semaphore, #tpu.memory_space<semaphore_mem>>)
      %dma_wait3A_79 = arith.constant 0 : i32
      %dma_wait3A_80 = tpu.memref_slice %arg5[%multiple_of3A_68, %dma_wait3A_79] : memref<20000x128xf32, #tpu.memory_space<hbm>> -> memref<624x128xf32, #tpu.memory_space<hbm>>
      %dma_wait3A_81 = arith.constant 0 : i32
      %dma_wait3A_82 = tpu.memref_slice %arg6[%multiple_of3A, %dma_wait3A_81] : memref<10000x128xf32, #tpu.memory_space<vmem_shared>> -> memref<624x128xf32, #tpu.memory_space<vmem_shared>>
      tpu.wait_dma2 semaphore(%run_scoped3A_74 : memref<!tpu.dma_semaphore, #tpu.memory_space<semaphore_mem>>) src(%dma_wait3A_82 : memref<624x128xf32, #tpu.memory_space<vmem_shared>>) dst(%dma_wait3A_80 : memref<624x128xf32, #tpu.memory_space<hbm>>)
      tpu.yield
    }) : () -> ()
    %eq3A_69 = arith.constant 15 : i32
    %eq3A_70 = arith.cmpi eq, %arg1, %eq3A_69 : i32
    %convert_element_type3A_71 = arith.extui %eq3A_70 : i1 to i32
    %cond3A_72 = arith.constant 0 : i32
    %cond3A_73 = arith.cmpi ne, %convert_element_type3A_71, %cond3A_72 : i32
    scf.if %cond3A_73 {
      %mul3A_74 = arith.constant 10000 : i32
      %mul3A_75 = arith.muli %arg0, %mul3A_74 : i32
      %add3A_76 = arith.constant 9984 : i32
      %add3A_77 = arith.addi %mul3A_75, %add3A_76 : i32
      %multiple_of3A_78 = tpu.assume_multiple %add3A_77, 8 : i32
      "tpu.region"() ({
        %run_scoped3A_79 = tpu.sem_alloc : memref<!tpu.dma_semaphore, #tpu.memory_space<semaphore_mem>>
        %dma_start3A_80 = arith.constant 0 : i32
        %dma_start3A_81 = tpu.memref_slice %arg5[%multiple_of3A_78, %dma_start3A_80] : memref<20000x128xf32, #tpu.memory_space<hbm>> -> memref<16x128xf32, #tpu.memory_space<hbm>>
        %dma_start3A_82 = arith.constant 9984 : i32
        %dma_start3A_83 = arith.constant 0 : i32
        %dma_start3A_84 = tpu.memref_slice %arg6[%dma_start3A_82, %dma_start3A_83] : memref<10000x128xf32, #tpu.memory_space<vmem_shared>> -> memref<16x128xf32, #tpu.memory_space<vmem_shared>>
        tpu.enqueue_dma source(%dma_start3A_84 : memref<16x128xf32, #tpu.memory_space<vmem_shared>>) target(%dma_start3A_81 : memref<16x128xf32, #tpu.memory_space<hbm>>) target_semaphore(%run_scoped3A_79 : memref<!tpu.dma_semaphore, #tpu.memory_space<semaphore_mem>>)
        %dma_wait3A_85 = arith.constant 0 : i32
        %dma_wait3A_86 = tpu.memref_slice %arg5[%multiple_of3A_78, %dma_wait3A_85] : memref<20000x128xf32, #tpu.memory_space<hbm>> -> memref<16x128xf32, #tpu.memory_space<hbm>>
        %dma_wait3A_87 = arith.constant 9984 : i32
        %dma_wait3A_88 = arith.constant 0 : i32
        %dma_wait3A_89 = tpu.memref_slice %arg6[%dma_wait3A_87, %dma_wait3A_88] : memref<10000x128xf32, #tpu.memory_space<vmem_shared>> -> memref<16x128xf32, #tpu.memory_space<vmem_shared>>
        tpu.wait_dma2 semaphore(%run_scoped3A_79 : memref<!tpu.dma_semaphore, #tpu.memory_space<semaphore_mem>>) src(%dma_wait3A_89 : memref<16x128xf32, #tpu.memory_space<vmem_shared>>) dst(%dma_wait3A_86 : memref<16x128xf32, #tpu.memory_space<hbm>>)
        tpu.yield
      }) : () -> ()
    } else {
    }
    return
  }
}

#map = affine_map<(d0, d1) -> (0)>
#map1 = affine_map<(d0, d1) -> (0, 0)>
module attributes {stable_mosaic.version = 14 : i64} {
  func.func @body(%arg0: i32, %arg1: i32, %arg2: memref<320000xi32, #tpu.memory_space<hbm>>, %arg3: memref<10000x128xf32, #tpu.memory_space<hbm>>, %arg4: memref<80x128xf32, #tpu.memory_space<hbm>>, %arg5: memref<20000x128xf32, #tpu.memory_space<hbm>>, %arg6: memref<10000x128xf32, #tpu.memory_space<vmem_shared>>, %arg7: memref<80xi32, #tpu.memory_space<vmem>>, %arg8: memref<80xi32, #tpu.memory_space<vmem>>, %arg9: memref<80x128xf32, #tpu.memory_space<vmem>>, %arg10: memref<!tpu.dma_semaphore, #tpu.memory_space<semaphore_mem>>, %arg11: memref<!tpu.dma_semaphore, #tpu.memory_space<semaphore_mem>>) attributes {dimension_semantics = [#tpu.dimension_semantics<core_parallel>, #tpu.dimension_semantics<subcore_parallel>], iteration_bounds = array<i64: 2, 16>, scalar_prefetch = 0 : i64, scratch_operands = 6 : i64, tpu.core_type = #tpu.core_type<sc_vector_subcore>, window_params = [{transform_indices = #map}, {transform_indices = #map1}, {transform_indices = #map1}, {transform_indices = #map1}]} {
    %mul3A = arith.constant 2 : i32
    %mul3A_0 = arith.muli %arg1, %mul3A : i32
    %add3A = arith.addi %mul3A_0, %arg0 : i32
    %mul3A_1 = arith.constant 624 : i32
    %mul3A_2 = arith.muli %arg1, %mul3A_1 : i32
    %multiple_of3A = tpu.assume_multiple %mul3A_2, 8 : i32
    "tpu.region"() ({
      %run_scoped3A = tpu.sem_alloc : memref<!tpu.dma_semaphore, #tpu.memory_space<semaphore_mem>>
      %dma_start3A_33 = arith.constant 0 : i32
      %dma_start3A_34 = tpu.memref_slice %arg6[%multiple_of3A, %dma_start3A_33] : memref<10000x128xf32, #tpu.memory_space<vmem_shared>> -> memref<624x128xf32, #tpu.memory_space<vmem_shared>>
      %dma_start3A_35 = arith.constant 0 : i32
      %dma_start3A_36 = tpu.memref_slice %arg3[%multiple_of3A, %dma_start3A_35] : memref<10000x128xf32, #tpu.memory_space<hbm>> -> memref<624x128xf32, #tpu.memory_space<hbm>>
      tpu.enqueue_dma source(%dma_start3A_36 : memref<624x128xf32, #tpu.memory_space<hbm>>) target(%dma_start3A_34 : memref<624x128xf32, #tpu.memory_space<vmem_shared>>) target_semaphore(%run_scoped3A : memref<!tpu.dma_semaphore, #tpu.memory_space<semaphore_mem>>)
      %dma_wait3A_37 = arith.constant 0 : i32
      %dma_wait3A_38 = tpu.memref_slice %arg6[%multiple_of3A, %dma_wait3A_37] : memref<10000x128xf32, #tpu.memory_space<vmem_shared>> -> memref<624x128xf32, #tpu.memory_space<vmem_shared>>
      %dma_wait3A_39 = arith.constant 0 : i32
      %dma_wait3A_40 = tpu.memref_slice %arg3[%multiple_of3A, %dma_wait3A_39] : memref<10000x128xf32, #tpu.memory_space<hbm>> -> memref<624x128xf32, #tpu.memory_space<hbm>>
      tpu.wait_dma2 semaphore(%run_scoped3A : memref<!tpu.dma_semaphore, #tpu.memory_space<semaphore_mem>>) src(%dma_wait3A_40 : memref<624x128xf32, #tpu.memory_space<hbm>>) dst(%dma_wait3A_38 : memref<624x128xf32, #tpu.memory_space<vmem_shared>>)
      tpu.yield
    }) : () -> ()
    "tpu.region"() ({
      %run_scoped3A = tpu.sem_alloc : memref<!tpu.dma_semaphore, #tpu.memory_space<semaphore_mem>>
      tpu.enqueue_dma source(%arg4 : memref<80x128xf32, #tpu.memory_space<hbm>>) target(%arg9 : memref<80x128xf32, #tpu.memory_space<vmem>>) target_semaphore(%run_scoped3A : memref<!tpu.dma_semaphore, #tpu.memory_space<semaphore_mem>>)
      tpu.wait_dma2 semaphore(%run_scoped3A : memref<!tpu.dma_semaphore, #tpu.memory_space<semaphore_mem>>) src(%arg4 : memref<80x128xf32, #tpu.memory_space<hbm>>) dst(%arg9 : memref<80x128xf32, #tpu.memory_space<vmem>>)
      tpu.yield
    }) : () -> ()
    %eq3A = arith.constant 15 : i32
    %eq3A_3 = arith.cmpi eq, %arg1, %eq3A : i32
    %convert_element_type3A = arith.extui %eq3A_3 : i1 to i32
    %cond3A = arith.constant 0 : i32
    %cond3A_4 = arith.cmpi ne, %convert_element_type3A, %cond3A : i32
    scf.if %cond3A_4 {
      "tpu.region"() ({
        %run_scoped3A = tpu.sem_alloc : memref<!tpu.dma_semaphore, #tpu.memory_space<semaphore_mem>>
        %dma_start3A_33 = arith.constant 9984 : i32
        %dma_start3A_34 = arith.constant 0 : i32
        %dma_start3A_35 = tpu.memref_slice %arg6[%dma_start3A_33, %dma_start3A_34] : memref<10000x128xf32, #tpu.memory_space<vmem_shared>> -> memref<16x128xf32, #tpu.memory_space<vmem_shared>>
        %dma_start3A_36 = arith.constant 9984 : i32
        %dma_start3A_37 = arith.constant 0 : i32
        %dma_start3A_38 = tpu.memref_slice %arg3[%dma_start3A_36, %dma_start3A_37] : memref<10000x128xf32, #tpu.memory_space<hbm>> -> memref<16x128xf32, #tpu.memory_space<hbm>>
        tpu.enqueue_dma source(%dma_start3A_38 : memref<16x128xf32, #tpu.memory_space<hbm>>) target(%dma_start3A_35 : memref<16x128xf32, #tpu.memory_space<vmem_shared>>) target_semaphore(%run_scoped3A : memref<!tpu.dma_semaphore, #tpu.memory_space<semaphore_mem>>)
        %dma_wait3A_39 = arith.constant 9984 : i32
        %dma_wait3A_40 = arith.constant 0 : i32
        %dma_wait3A_41 = tpu.memref_slice %arg6[%dma_wait3A_39, %dma_wait3A_40] : memref<10000x128xf32, #tpu.memory_space<vmem_shared>> -> memref<16x128xf32, #tpu.memory_space<vmem_shared>>
        %dma_wait3A_42 = arith.constant 9984 : i32
        %dma_wait3A_43 = arith.constant 0 : i32
        %dma_wait3A_44 = tpu.memref_slice %arg3[%dma_wait3A_42, %dma_wait3A_43] : memref<10000x128xf32, #tpu.memory_space<hbm>> -> memref<16x128xf32, #tpu.memory_space<hbm>>
        tpu.wait_dma2 semaphore(%run_scoped3A : memref<!tpu.dma_semaphore, #tpu.memory_space<semaphore_mem>>) src(%dma_wait3A_44 : memref<16x128xf32, #tpu.memory_space<hbm>>) dst(%dma_wait3A_41 : memref<16x128xf32, #tpu.memory_space<vmem_shared>>)
        tpu.yield
      }) : () -> ()
    } else {
    }
    %barrier3A = arith.constant 0 : index
    tpu.barrier barrier_id(%barrier3A)
    %mul3A_5 = arith.constant 10000 : i32
    %mul3A_6 = arith.muli %add3A, %mul3A_5 : i32
    %add3A_7 = arith.constant 0 : i32
    %add3A_8 = arith.addi %mul3A_6, %add3A_7 : i32
    %dma_start3A = tpu.memref_slice %arg2[%add3A_8] : memref<320000xi32, #tpu.memory_space<hbm>> -> memref<80xi32, #tpu.memory_space<hbm>>
    %dma_start3A_9 = tpu.memref_slice %arg2[%add3A_8] : memref<320000xi32, #tpu.memory_space<hbm>> -> memref<80xi32, #tpu.memory_space<hbm>>
    tpu.enqueue_dma source(%dma_start3A_9 : memref<80xi32, #tpu.memory_space<hbm>>) target(%arg7 : memref<80xi32, #tpu.memory_space<vmem>>) target_semaphore(%arg10 : memref<!tpu.dma_semaphore, #tpu.memory_space<semaphore_mem>>)
    %dma_wait3A = arith.constant 0 : i32
    %dma_wait3A_10 = tpu.memref_slice %arg2[%dma_wait3A] : memref<320000xi32, #tpu.memory_space<hbm>> -> memref<80xi32, #tpu.memory_space<hbm>>
    %dma_wait3A_11 = arith.constant 0 : i32
    %dma_wait3A_12 = tpu.memref_slice %arg2[%dma_wait3A_11] : memref<320000xi32, #tpu.memory_space<hbm>> -> memref<80xi32, #tpu.memory_space<hbm>>
    tpu.wait_dma2 semaphore(%arg10 : memref<!tpu.dma_semaphore, #tpu.memory_space<semaphore_mem>>) src(%dma_wait3A_12 : memref<80xi32, #tpu.memory_space<hbm>>) dst(%arg7 : memref<80xi32, #tpu.memory_space<vmem>>)
    %add3A_13 = arith.constant 80 : i32
    %add3A_14 = arith.addi %mul3A_6, %add3A_13 : i32
    %dma_start3A_15 = tpu.memref_slice %arg2[%add3A_14] : memref<320000xi32, #tpu.memory_space<hbm>> -> memref<80xi32, #tpu.memory_space<hbm>>
    %dma_start3A_16 = tpu.memref_slice %arg2[%add3A_14] : memref<320000xi32, #tpu.memory_space<hbm>> -> memref<80xi32, #tpu.memory_space<hbm>>
    tpu.enqueue_dma source(%dma_start3A_16 : memref<80xi32, #tpu.memory_space<hbm>>) target(%arg8 : memref<80xi32, #tpu.memory_space<vmem>>) target_semaphore(%arg11 : memref<!tpu.dma_semaphore, #tpu.memory_space<semaphore_mem>>)
    "tpu.region"() ({
      %run_scoped3A = tpu.sem_alloc : memref<!tpu.dma_semaphore, #tpu.memory_space<semaphore_mem>>
      %dma_start3A_33 = arith.constant 0 : i32
      %dma_start3A_34 = arith.constant 0 : i32
      %dma_start3A_35 = tpu.memref_slice %arg6[%dma_start3A_33, %dma_start3A_34] : memref<10000x128xf32, #tpu.memory_space<vmem_shared>> -> memref<10000x128xf32, #tpu.memory_space<vmem_shared>>
      tpu.enqueue_indirect_dma source(%arg9 : memref<80x128xf32, #tpu.memory_space<vmem>>) target(%dma_start3A_35 : memref<10000x128xf32, #tpu.memory_space<vmem_shared>>) offsets(%arg7 : memref<80xi32, #tpu.memory_space<vmem>>) semaphore(%run_scoped3A : memref<!tpu.dma_semaphore, #tpu.memory_space<semaphore_mem>>) {add = true}
      %dma_wait3A_36 = arith.constant 0 : i32
      %dma_wait3A_37 = arith.constant 0 : i32
      %dma_wait3A_38 = tpu.memref_slice %arg6[%dma_wait3A_36, %dma_wait3A_37] : memref<10000x128xf32, #tpu.memory_space<vmem_shared>> -> memref<10000x128xf32, #tpu.memory_space<vmem_shared>>
      tpu.wait_indirect_dma semaphore(%run_scoped3A : memref<!tpu.dma_semaphore, #tpu.memory_space<semaphore_mem>>) src(%arg9 : memref<80x128xf32, #tpu.memory_space<vmem>>) dst(%dma_wait3A_38 : memref<10000x128xf32, #tpu.memory_space<vmem_shared>>)
      tpu.yield
    }) : () -> ()
    %scan3A = arith.constant 0 : i32
    %scan3A_17 = arith.constant 0 : i32
    %scan3A_18 = arith.constant 62 : i32
    %scan3A_19 = arith.addi %scan3A_17, %scan3A_18 : i32
    %scan3A_20 = arith.constant 1 : i32
    %scan3A_21 = scf.for %scan3A_33 = %scan3A_17 to %scan3A_19 step %scan3A_20 iter_args(%scan3A_34 = %scan3A) -> (i32)  : i32 {
      %mul3A_35 = arith.constant 2 : i32
      %mul3A_36 = arith.muli %scan3A_33, %mul3A_35 : i32
      %add3A_37 = arith.constant 1 : i32
      %add3A_38 = arith.addi %add3A_37, %mul3A_36 : i32
      %dma_wait3A_39 = arith.constant 0 : i32
      %dma_wait3A_40 = tpu.memref_slice %arg2[%dma_wait3A_39] : memref<320000xi32, #tpu.memory_space<hbm>> -> memref<80xi32, #tpu.memory_space<hbm>>
      %dma_wait3A_41 = arith.constant 0 : i32
      %dma_wait3A_42 = tpu.memref_slice %arg2[%dma_wait3A_41] : memref<320000xi32, #tpu.memory_space<hbm>> -> memref<80xi32, #tpu.memory_space<hbm>>
      tpu.wait_dma2 semaphore(%arg11 : memref<!tpu.dma_semaphore, #tpu.memory_space<semaphore_mem>>) src(%dma_wait3A_42 : memref<80xi32, #tpu.memory_space<hbm>>) dst(%arg8 : memref<80xi32, #tpu.memory_space<vmem>>)
      %add3A_43 = arith.constant 1 : i32
      %add3A_44 = arith.addi %add3A_38, %add3A_43 : i32
      %lt3A = arith.constant 125 : i32
      %lt3A_45 = arith.cmpi slt, %add3A_44, %lt3A : i32
      %convert_element_type3A_46 = arith.extui %lt3A_45 : i1 to i32
      %cond3A_47 = arith.constant 0 : i32
      %cond3A_48 = arith.cmpi ne, %convert_element_type3A_46, %cond3A_47 : i32
      scf.if %cond3A_48 {
        %add3A_61 = arith.constant 1 : i32
        %add3A_62 = arith.addi %add3A_38, %add3A_61 : i32
        %mul3A_63 = arith.constant 80 : i32
        %mul3A_64 = arith.muli %add3A_62, %mul3A_63 : i32
        %add3A_65 = arith.addi %mul3A_6, %mul3A_64 : i32
        %dma_start3A_66 = tpu.memref_slice %arg2[%add3A_65] : memref<320000xi32, #tpu.memory_space<hbm>> -> memref<80xi32, #tpu.memory_space<hbm>>
        %dma_start3A_67 = tpu.memref_slice %arg2[%add3A_65] : memref<320000xi32, #tpu.memory_space<hbm>> -> memref<80xi32, #tpu.memory_space<hbm>>
        tpu.enqueue_dma source(%dma_start3A_67 : memref<80xi32, #tpu.memory_space<hbm>>) target(%arg7 : memref<80xi32, #tpu.memory_space<vmem>>) target_semaphore(%arg10 : memref<!tpu.dma_semaphore, #tpu.memory_space<semaphore_mem>>)
      } else {
      }
      "tpu.region"() ({
        %run_scoped3A = tpu.sem_alloc : memref<!tpu.dma_semaphore, #tpu.memory_space<semaphore_mem>>
        %dma_start3A_61 = arith.constant 0 : i32
        %dma_start3A_62 = arith.constant 0 : i32
        %dma_start3A_63 = tpu.memref_slice %arg6[%dma_start3A_61, %dma_start3A_62] : memref<10000x128xf32, #tpu.memory_space<vmem_shared>> -> memref<10000x128xf32, #tpu.memory_space<vmem_shared>>
        tpu.enqueue_indirect_dma source(%arg9 : memref<80x128xf32, #tpu.memory_space<vmem>>) target(%dma_start3A_63 : memref<10000x128xf32, #tpu.memory_space<vmem_shared>>) offsets(%arg8 : memref<80xi32, #tpu.memory_space<vmem>>) semaphore(%run_scoped3A : memref<!tpu.dma_semaphore, #tpu.memory_space<semaphore_mem>>) {add = true}
        %dma_wait3A_64 = arith.constant 0 : i32
        %dma_wait3A_65 = arith.constant 0 : i32
        %dma_wait3A_66 = tpu.memref_slice %arg6[%dma_wait3A_64, %dma_wait3A_65] : memref<10000x128xf32, #tpu.memory_space<vmem_shared>> -> memref<10000x128xf32, #tpu.memory_space<vmem_shared>>
        tpu.wait_indirect_dma semaphore(%run_scoped3A : memref<!tpu.dma_semaphore, #tpu.memory_space<semaphore_mem>>) src(%arg9 : memref<80x128xf32, #tpu.memory_space<vmem>>) dst(%dma_wait3A_66 : memref<10000x128xf32, #tpu.memory_space<vmem_shared>>)
        tpu.yield
      }) : () -> ()
      %dma_wait3A_49 = arith.constant 0 : i32
      %dma_wait3A_50 = tpu.memref_slice %arg2[%dma_wait3A_49] : memref<320000xi32, #tpu.memory_space<hbm>> -> memref<80xi32, #tpu.memory_space<hbm>>
      %dma_wait3A_51 = arith.constant 0 : i32
      %dma_wait3A_52 = tpu.memref_slice %arg2[%dma_wait3A_51] : memref<320000xi32, #tpu.memory_space<hbm>> -> memref<80xi32, #tpu.memory_space<hbm>>
      tpu.wait_dma2 semaphore(%arg10 : memref<!tpu.dma_semaphore, #tpu.memory_space<semaphore_mem>>) src(%dma_wait3A_52 : memref<80xi32, #tpu.memory_space<hbm>>) dst(%arg7 : memref<80xi32, #tpu.memory_space<vmem>>)
      %add3A_53 = arith.constant 2 : i32
      %add3A_54 = arith.addi %add3A_38, %add3A_53 : i32
      %lt3A_55 = arith.constant 125 : i32
      %lt3A_56 = arith.cmpi slt, %add3A_54, %lt3A_55 : i32
      %convert_element_type3A_57 = arith.extui %lt3A_56 : i1 to i32
      %cond3A_58 = arith.constant 0 : i32
      %cond3A_59 = arith.cmpi ne, %convert_element_type3A_57, %cond3A_58 : i32
      scf.if %cond3A_59 {
        %add3A_61 = arith.constant 2 : i32
        %add3A_62 = arith.addi %add3A_38, %add3A_61 : i32
        %mul3A_63 = arith.constant 80 : i32
        %mul3A_64 = arith.muli %add3A_62, %mul3A_63 : i32
        %add3A_65 = arith.addi %mul3A_6, %mul3A_64 : i32
        %dma_start3A_66 = tpu.memref_slice %arg2[%add3A_65] : memref<320000xi32, #tpu.memory_space<hbm>> -> memref<80xi32, #tpu.memory_space<hbm>>
        %dma_start3A_67 = tpu.memref_slice %arg2[%add3A_65] : memref<320000xi32, #tpu.memory_space<hbm>> -> memref<80xi32, #tpu.memory_space<hbm>>
        tpu.enqueue_dma source(%dma_start3A_67 : memref<80xi32, #tpu.memory_space<hbm>>) target(%arg8 : memref<80xi32, #tpu.memory_space<vmem>>) target_semaphore(%arg11 : memref<!tpu.dma_semaphore, #tpu.memory_space<semaphore_mem>>)
      } else {
      }
      "tpu.region"() ({
        %run_scoped3A = tpu.sem_alloc : memref<!tpu.dma_semaphore, #tpu.memory_space<semaphore_mem>>
        %dma_start3A_61 = arith.constant 0 : i32
        %dma_start3A_62 = arith.constant 0 : i32
        %dma_start3A_63 = tpu.memref_slice %arg6[%dma_start3A_61, %dma_start3A_62] : memref<10000x128xf32, #tpu.memory_space<vmem_shared>> -> memref<10000x128xf32, #tpu.memory_space<vmem_shared>>
        tpu.enqueue_indirect_dma source(%arg9 : memref<80x128xf32, #tpu.memory_space<vmem>>) target(%dma_start3A_63 : memref<10000x128xf32, #tpu.memory_space<vmem_shared>>) offsets(%arg7 : memref<80xi32, #tpu.memory_space<vmem>>) semaphore(%run_scoped3A : memref<!tpu.dma_semaphore, #tpu.memory_space<semaphore_mem>>) {add = true}
        %dma_wait3A_64 = arith.constant 0 : i32
        %dma_wait3A_65 = arith.constant 0 : i32
        %dma_wait3A_66 = tpu.memref_slice %arg6[%dma_wait3A_64, %dma_wait3A_65] : memref<10000x128xf32, #tpu.memory_space<vmem_shared>> -> memref<10000x128xf32, #tpu.memory_space<vmem_shared>>
        tpu.wait_indirect_dma semaphore(%run_scoped3A : memref<!tpu.dma_semaphore, #tpu.memory_space<semaphore_mem>>) src(%arg9 : memref<80x128xf32, #tpu.memory_space<vmem>>) dst(%dma_wait3A_66 : memref<10000x128xf32, #tpu.memory_space<vmem_shared>>)
        tpu.yield
      }) : () -> ()
      %scan3A_60 = arith.constant 0 : i32
      scf.yield %scan3A_60 : i32
    }
    %scan3A_22 = arith.constant 62 : i32
    %barrier3A_23 = arith.constant 0 : index
    tpu.barrier barrier_id(%barrier3A_23)
    %mul3A_24 = arith.constant 10000 : i32
    %mul3A_25 = arith.muli %arg0, %mul3A_24 : i32
    %add3A_26 = arith.addi %mul3A_25, %multiple_of3A : i32
    %multiple_of3A_27 = tpu.assume_multiple %add3A_26, 8 : i32
    "tpu.region"() ({
      %run_scoped3A = tpu.sem_alloc : memref<!tpu.dma_semaphore, #tpu.memory_space<semaphore_mem>>
      %dma_start3A_33 = arith.constant 0 : i32
      %dma_start3A_34 = tpu.memref_slice %arg5[%multiple_of3A_27, %dma_start3A_33] : memref<20000x128xf32, #tpu.memory_space<hbm>> -> memref<624x128xf32, #tpu.memory_space<hbm>>
      %dma_start3A_35 = arith.constant 0 : i32
      %dma_start3A_36 = tpu.memref_slice %arg6[%multiple_of3A, %dma_start3A_35] : memref<10000x128xf32, #tpu.memory_space<vmem_shared>> -> memref<624x128xf32, #tpu.memory_space<vmem_shared>>
      tpu.enqueue_dma source(%dma_start3A_36 : memref<624x128xf32, #tpu.memory_space<vmem_shared>>) target(%dma_start3A_34 : memref<624x128xf32, #tpu.memory_space<hbm>>) target_semaphore(%run_scoped3A : memref<!tpu.dma_semaphore, #tpu.memory_space<semaphore_mem>>)
      %dma_wait3A_37 = arith.constant 0 : i32
      %dma_wait3A_38 = tpu.memref_slice %arg5[%multiple_of3A_27, %dma_wait3A_37] : memref<20000x128xf32, #tpu.memory_space<hbm>> -> memref<624x128xf32, #tpu.memory_space<hbm>>
      %dma_wait3A_39 = arith.constant 0 : i32
      %dma_wait3A_40 = tpu.memref_slice %arg6[%multiple_of3A, %dma_wait3A_39] : memref<10000x128xf32, #tpu.memory_space<vmem_shared>> -> memref<624x128xf32, #tpu.memory_space<vmem_shared>>
      tpu.wait_dma2 semaphore(%run_scoped3A : memref<!tpu.dma_semaphore, #tpu.memory_space<semaphore_mem>>) src(%dma_wait3A_40 : memref<624x128xf32, #tpu.memory_space<vmem_shared>>) dst(%dma_wait3A_38 : memref<624x128xf32, #tpu.memory_space<hbm>>)
      tpu.yield
    }) : () -> ()
    %eq3A_28 = arith.constant 15 : i32
    %eq3A_29 = arith.cmpi eq, %arg1, %eq3A_28 : i32
    %convert_element_type3A_30 = arith.extui %eq3A_29 : i1 to i32
    %cond3A_31 = arith.constant 0 : i32
    %cond3A_32 = arith.cmpi ne, %convert_element_type3A_30, %cond3A_31 : i32
    scf.if %cond3A_32 {
      %mul3A_33 = arith.constant 10000 : i32
      %mul3A_34 = arith.muli %arg0, %mul3A_33 : i32
      %add3A_35 = arith.constant 9984 : i32
      %add3A_36 = arith.addi %mul3A_34, %add3A_35 : i32
      %multiple_of3A_37 = tpu.assume_multiple %add3A_36, 8 : i32
      "tpu.region"() ({
        %run_scoped3A = tpu.sem_alloc : memref<!tpu.dma_semaphore, #tpu.memory_space<semaphore_mem>>
        %dma_start3A_38 = arith.constant 0 : i32
        %dma_start3A_39 = tpu.memref_slice %arg5[%multiple_of3A_37, %dma_start3A_38] : memref<20000x128xf32, #tpu.memory_space<hbm>> -> memref<16x128xf32, #tpu.memory_space<hbm>>
        %dma_start3A_40 = arith.constant 9984 : i32
        %dma_start3A_41 = arith.constant 0 : i32
        %dma_start3A_42 = tpu.memref_slice %arg6[%dma_start3A_40, %dma_start3A_41] : memref<10000x128xf32, #tpu.memory_space<vmem_shared>> -> memref<16x128xf32, #tpu.memory_space<vmem_shared>>
        tpu.enqueue_dma source(%dma_start3A_42 : memref<16x128xf32, #tpu.memory_space<vmem_shared>>) target(%dma_start3A_39 : memref<16x128xf32, #tpu.memory_space<hbm>>) target_semaphore(%run_scoped3A : memref<!tpu.dma_semaphore, #tpu.memory_space<semaphore_mem>>)
        %dma_wait3A_43 = arith.constant 0 : i32
        %dma_wait3A_44 = tpu.memref_slice %arg5[%multiple_of3A_37, %dma_wait3A_43] : memref<20000x128xf32, #tpu.memory_space<hbm>> -> memref<16x128xf32, #tpu.memory_space<hbm>>
        %dma_wait3A_45 = arith.constant 9984 : i32
        %dma_wait3A_46 = arith.constant 0 : i32
        %dma_wait3A_47 = tpu.memref_slice %arg6[%dma_wait3A_45, %dma_wait3A_46] : memref<10000x128xf32, #tpu.memory_space<vmem_shared>> -> memref<16x128xf32, #tpu.memory_space<vmem_shared>>
        tpu.wait_dma2 semaphore(%run_scoped3A : memref<!tpu.dma_semaphore, #tpu.memory_space<semaphore_mem>>) src(%dma_wait3A_47 : memref<16x128xf32, #tpu.memory_space<vmem_shared>>) dst(%dma_wait3A_44 : memref<16x128xf32, #tpu.memory_space<hbm>>)
        tpu.yield
      }) : () -> ()
    } else {
    }
    return
  }
}

#map = affine_map<(d0, d1) -> (0, 0)>
#map1 = affine_map<(d0, d1) -> (0)>
module attributes {stable_mosaic.version = 14 : i64} {
  func.func @body(%arg0: i32, %arg1: i32, %arg2: memref<320000x128xf32, #tpu.memory_space<hbm>>, %arg3: memref<320000xi32, #tpu.memory_space<hbm>>, %arg4: memref<10000x128xf32, #tpu.memory_space<hbm>>, %arg5: memref<20000x128xf32, #tpu.memory_space<hbm>>, %arg6: memref<10000x128xf32, #tpu.memory_space<vmem_shared>>, %arg7: memref<80xi32, #tpu.memory_space<vmem>>, %arg8: memref<80xi32, #tpu.memory_space<vmem>>, %arg9: memref<2x80x128xf32, #tpu.memory_space<vmem>>, %arg10: memref<!tpu.dma_semaphore, #tpu.memory_space<semaphore_mem>>, %arg11: memref<!tpu.dma_semaphore, #tpu.memory_space<semaphore_mem>>) attributes {dimension_semantics = [#tpu.dimension_semantics<core_parallel>, #tpu.dimension_semantics<subcore_parallel>], iteration_bounds = array<i64: 2, 16>, scalar_prefetch = 0 : i64, scratch_operands = 6 : i64, tpu.core_type = #tpu.core_type<sc_vector_subcore>, window_params = [{transform_indices = #map}, {transform_indices = #map1}, {transform_indices = #map}, {transform_indices = #map}]} {
    %mul3A = arith.constant 2 : i32
    %mul3A_0 = arith.muli %arg1, %mul3A : i32
    %add3A = arith.addi %mul3A_0, %arg0 : i32
    %mul3A_1 = arith.constant 624 : i32
    %mul3A_2 = arith.muli %arg1, %mul3A_1 : i32
    %multiple_of3A = tpu.assume_multiple %mul3A_2, 8 : i32
    "tpu.region"() ({
      %run_scoped3A_74 = tpu.sem_alloc : memref<!tpu.dma_semaphore, #tpu.memory_space<semaphore_mem>>
      %dma_start3A_75 = arith.constant 0 : i32
      %dma_start3A_76 = tpu.memref_slice %arg6[%multiple_of3A, %dma_start3A_75] : memref<10000x128xf32, #tpu.memory_space<vmem_shared>> -> memref<624x128xf32, #tpu.memory_space<vmem_shared>>
      %dma_start3A_77 = arith.constant 0 : i32
      %dma_start3A_78 = tpu.memref_slice %arg4[%multiple_of3A, %dma_start3A_77] : memref<10000x128xf32, #tpu.memory_space<hbm>> -> memref<624x128xf32, #tpu.memory_space<hbm>>
      tpu.enqueue_dma source(%dma_start3A_78 : memref<624x128xf32, #tpu.memory_space<hbm>>) target(%dma_start3A_76 : memref<624x128xf32, #tpu.memory_space<vmem_shared>>) target_semaphore(%run_scoped3A_74 : memref<!tpu.dma_semaphore, #tpu.memory_space<semaphore_mem>>)
      %dma_wait3A_79 = arith.constant 0 : i32
      %dma_wait3A_80 = tpu.memref_slice %arg6[%multiple_of3A, %dma_wait3A_79] : memref<10000x128xf32, #tpu.memory_space<vmem_shared>> -> memref<624x128xf32, #tpu.memory_space<vmem_shared>>
      %dma_wait3A_81 = arith.constant 0 : i32
      %dma_wait3A_82 = tpu.memref_slice %arg4[%multiple_of3A, %dma_wait3A_81] : memref<10000x128xf32, #tpu.memory_space<hbm>> -> memref<624x128xf32, #tpu.memory_space<hbm>>
      tpu.wait_dma2 semaphore(%run_scoped3A_74 : memref<!tpu.dma_semaphore, #tpu.memory_space<semaphore_mem>>) src(%dma_wait3A_82 : memref<624x128xf32, #tpu.memory_space<hbm>>) dst(%dma_wait3A_80 : memref<624x128xf32, #tpu.memory_space<vmem_shared>>)
      tpu.yield
    }) : () -> ()
    %eq3A = arith.constant 15 : i32
    %eq3A_3 = arith.cmpi eq, %arg1, %eq3A : i32
    %convert_element_type3A = arith.extui %eq3A_3 : i1 to i32
    %cond3A = arith.constant 0 : i32
    %cond3A_4 = arith.cmpi ne, %convert_element_type3A, %cond3A : i32
    scf.if %cond3A_4 {
      "tpu.region"() ({
        %run_scoped3A_74 = tpu.sem_alloc : memref<!tpu.dma_semaphore, #tpu.memory_space<semaphore_mem>>
        %dma_start3A_75 = arith.constant 9984 : i32
        %dma_start3A_76 = arith.constant 0 : i32
        %dma_start3A_77 = tpu.memref_slice %arg6[%dma_start3A_75, %dma_start3A_76] : memref<10000x128xf32, #tpu.memory_space<vmem_shared>> -> memref<16x128xf32, #tpu.memory_space<vmem_shared>>
        %dma_start3A_78 = arith.constant 9984 : i32
        %dma_start3A_79 = arith.constant 0 : i32
        %dma_start3A_80 = tpu.memref_slice %arg4[%dma_start3A_78, %dma_start3A_79] : memref<10000x128xf32, #tpu.memory_space<hbm>> -> memref<16x128xf32, #tpu.memory_space<hbm>>
        tpu.enqueue_dma source(%dma_start3A_80 : memref<16x128xf32, #tpu.memory_space<hbm>>) target(%dma_start3A_77 : memref<16x128xf32, #tpu.memory_space<vmem_shared>>) target_semaphore(%run_scoped3A_74 : memref<!tpu.dma_semaphore, #tpu.memory_space<semaphore_mem>>)
        %dma_wait3A_81 = arith.constant 9984 : i32
        %dma_wait3A_82 = arith.constant 0 : i32
        %dma_wait3A_83 = tpu.memref_slice %arg6[%dma_wait3A_81, %dma_wait3A_82] : memref<10000x128xf32, #tpu.memory_space<vmem_shared>> -> memref<16x128xf32, #tpu.memory_space<vmem_shared>>
        %dma_wait3A_84 = arith.constant 9984 : i32
        %dma_wait3A_85 = arith.constant 0 : i32
        %dma_wait3A_86 = tpu.memref_slice %arg4[%dma_wait3A_84, %dma_wait3A_85] : memref<10000x128xf32, #tpu.memory_space<hbm>> -> memref<16x128xf32, #tpu.memory_space<hbm>>
        tpu.wait_dma2 semaphore(%run_scoped3A_74 : memref<!tpu.dma_semaphore, #tpu.memory_space<semaphore_mem>>) src(%dma_wait3A_86 : memref<16x128xf32, #tpu.memory_space<hbm>>) dst(%dma_wait3A_83 : memref<16x128xf32, #tpu.memory_space<vmem_shared>>)
        tpu.yield
      }) : () -> ()
    } else {
    }
    %barrier3A = arith.constant 0 : index
    tpu.barrier barrier_id(%barrier3A)
    %mul3A_5 = arith.constant 10000 : i32
    %mul3A_6 = arith.muli %add3A, %mul3A_5 : i32
    %add3A_7 = arith.constant 0 : i32
    %add3A_8 = arith.addi %mul3A_6, %add3A_7 : i32
    %dma_start3A = tpu.memref_slice %arg3[%add3A_8] : memref<320000xi32, #tpu.memory_space<hbm>> -> memref<80xi32, #tpu.memory_space<hbm>>
    %dma_start3A_9 = tpu.memref_slice %arg3[%add3A_8] : memref<320000xi32, #tpu.memory_space<hbm>> -> memref<80xi32, #tpu.memory_space<hbm>>
    tpu.enqueue_dma source(%dma_start3A_9 : memref<80xi32, #tpu.memory_space<hbm>>) target(%arg7 : memref<80xi32, #tpu.memory_space<vmem>>) target_semaphore(%arg10 : memref<!tpu.dma_semaphore, #tpu.memory_space<semaphore_mem>>)
    %dma_start3A_10 = arith.constant 0 : i32
    %dma_start3A_11 = arith.constant 0 : i32
    %dma_start3A_12 = arith.constant 0 : i32
    %dma_start3A_13 = tpu.memref_slice %arg9[%dma_start3A_10, %dma_start3A_11, %dma_start3A_12] : memref<2x80x128xf32, #tpu.memory_space<vmem>> -> memref<1x80x128xf32, #tpu.memory_space<vmem>>
    %dma_start3A_14 = tpu.memref_squeeze %dma_start3A_13 : memref<1x80x128xf32, #tpu.memory_space<vmem>> -> memref<80x128xf32, #tpu.memory_space<vmem>>
    %dma_start3A_15 = arith.constant 0 : i32
    %dma_start3A_16 = tpu.memref_slice %arg2[%add3A_8, %dma_start3A_15] : memref<320000x128xf32, #tpu.memory_space<hbm>> -> memref<80x128xf32, #tpu.memory_space<hbm>>
    %dma_start3A_17 = arith.constant 0 : i32
    %dma_start3A_18 = arith.constant 0 : i32
    %dma_start3A_19 = tpu.memref_slice %arg9[%dma_start3A_10, %dma_start3A_17, %dma_start3A_18] : memref<2x80x128xf32, #tpu.memory_space<vmem>> -> memref<1x80x128xf32, #tpu.memory_space<vmem>>
    %dma_start3A_20 = tpu.memref_squeeze %dma_start3A_19 : memref<1x80x128xf32, #tpu.memory_space<vmem>> -> memref<80x128xf32, #tpu.memory_space<vmem>>
    %dma_start3A_21 = arith.constant 0 : i32
    %dma_start3A_22 = tpu.memref_slice %arg2[%add3A_8, %dma_start3A_21] : memref<320000x128xf32, #tpu.memory_space<hbm>> -> memref<80x128xf32, #tpu.memory_space<hbm>>
    tpu.enqueue_dma source(%dma_start3A_22 : memref<80x128xf32, #tpu.memory_space<hbm>>) target(%dma_start3A_20 : memref<80x128xf32, #tpu.memory_space<vmem>>) target_semaphore(%arg10 : memref<!tpu.dma_semaphore, #tpu.memory_space<semaphore_mem>>)
    %dma_wait3A = arith.constant 0 : i32
    %dma_wait3A_23 = tpu.memref_slice %arg3[%dma_wait3A] : memref<320000xi32, #tpu.memory_space<hbm>> -> memref<80xi32, #tpu.memory_space<hbm>>
    %dma_wait3A_24 = arith.constant 0 : i32
    %dma_wait3A_25 = tpu.memref_slice %arg3[%dma_wait3A_24] : memref<320000xi32, #tpu.memory_space<hbm>> -> memref<80xi32, #tpu.memory_space<hbm>>
    tpu.wait_dma2 semaphore(%arg10 : memref<!tpu.dma_semaphore, #tpu.memory_space<semaphore_mem>>) src(%dma_wait3A_25 : memref<80xi32, #tpu.memory_space<hbm>>) dst(%arg7 : memref<80xi32, #tpu.memory_space<vmem>>)
    %dma_wait3A_26 = arith.constant 0 : i32
    %dma_wait3A_27 = arith.constant 0 : i32
    %dma_wait3A_28 = arith.constant 0 : i32
    %dma_wait3A_29 = tpu.memref_slice %arg9[%dma_wait3A_26, %dma_wait3A_27, %dma_wait3A_28] : memref<2x80x128xf32, #tpu.memory_space<vmem>> -> memref<1x80x128xf32, #tpu.memory_space<vmem>>
    %dma_wait3A_30 = tpu.memref_squeeze %dma_wait3A_29 : memref<1x80x128xf32, #tpu.memory_space<vmem>> -> memref<80x128xf32, #tpu.memory_space<vmem>>
    %dma_wait3A_31 = arith.constant 0 : i32
    %dma_wait3A_32 = arith.constant 0 : i32
    %dma_wait3A_33 = tpu.memref_slice %arg2[%dma_wait3A_31, %dma_wait3A_32] : memref<320000x128xf32, #tpu.memory_space<hbm>> -> memref<80x128xf32, #tpu.memory_space<hbm>>
    %dma_wait3A_34 = arith.constant 0 : i32
    %dma_wait3A_35 = arith.constant 0 : i32
    %dma_wait3A_36 = tpu.memref_slice %arg9[%dma_wait3A_26, %dma_wait3A_34, %dma_wait3A_35] : memref<2x80x128xf32, #tpu.memory_space<vmem>> -> memref<1x80x128xf32, #tpu.memory_space<vmem>>
    %dma_wait3A_37 = tpu.memref_squeeze %dma_wait3A_36 : memref<1x80x128xf32, #tpu.memory_space<vmem>> -> memref<80x128xf32, #tpu.memory_space<vmem>>
    %dma_wait3A_38 = arith.constant 0 : i32
    %dma_wait3A_39 = arith.constant 0 : i32
    %dma_wait3A_40 = tpu.memref_slice %arg2[%dma_wait3A_38, %dma_wait3A_39] : memref<320000x128xf32, #tpu.memory_space<hbm>> -> memref<80x128xf32, #tpu.memory_space<hbm>>
    tpu.wait_dma2 semaphore(%arg10 : memref<!tpu.dma_semaphore, #tpu.memory_space<semaphore_mem>>) src(%dma_wait3A_40 : memref<80x128xf32, #tpu.memory_space<hbm>>) dst(%dma_wait3A_37 : memref<80x128xf32, #tpu.memory_space<vmem>>)
    %add3A_41 = arith.constant 80 : i32
    %add3A_42 = arith.addi %mul3A_6, %add3A_41 : i32
    %dma_start3A_43 = tpu.memref_slice %arg3[%add3A_42] : memref<320000xi32, #tpu.memory_space<hbm>> -> memref<80xi32, #tpu.memory_space<hbm>>
    %dma_start3A_44 = tpu.memref_slice %arg3[%add3A_42] : memref<320000xi32, #tpu.memory_space<hbm>> -> memref<80xi32, #tpu.memory_space<hbm>>
    tpu.enqueue_dma source(%dma_start3A_44 : memref<80xi32, #tpu.memory_space<hbm>>) target(%arg8 : memref<80xi32, #tpu.memory_space<vmem>>) target_semaphore(%arg11 : memref<!tpu.dma_semaphore, #tpu.memory_space<semaphore_mem>>)
    %dma_start3A_45 = arith.constant 1 : i32
    %dma_start3A_46 = arith.constant 0 : i32
    %dma_start3A_47 = arith.constant 0 : i32
    %dma_start3A_48 = tpu.memref_slice %arg9[%dma_start3A_45, %dma_start3A_46, %dma_start3A_47] : memref<2x80x128xf32, #tpu.memory_space<vmem>> -> memref<1x80x128xf32, #tpu.memory_space<vmem>>
    %dma_start3A_49 = tpu.memref_squeeze %dma_start3A_48 : memref<1x80x128xf32, #tpu.memory_space<vmem>> -> memref<80x128xf32, #tpu.memory_space<vmem>>
    %dma_start3A_50 = arith.constant 0 : i32
    %dma_start3A_51 = tpu.memref_slice %arg2[%add3A_42, %dma_start3A_50] : memref<320000x128xf32, #tpu.memory_space<hbm>> -> memref<80x128xf32, #tpu.memory_space<hbm>>
    %dma_start3A_52 = arith.constant 0 : i32
    %dma_start3A_53 = arith.constant 0 : i32
    %dma_start3A_54 = tpu.memref_slice %arg9[%dma_start3A_45, %dma_start3A_52, %dma_start3A_53] : memref<2x80x128xf32, #tpu.memory_space<vmem>> -> memref<1x80x128xf32, #tpu.memory_space<vmem>>
    %dma_start3A_55 = tpu.memref_squeeze %dma_start3A_54 : memref<1x80x128xf32, #tpu.memory_space<vmem>> -> memref<80x128xf32, #tpu.memory_space<vmem>>
    %dma_start3A_56 = arith.constant 0 : i32
    %dma_start3A_57 = tpu.memref_slice %arg2[%add3A_42, %dma_start3A_56] : memref<320000x128xf32, #tpu.memory_space<hbm>> -> memref<80x128xf32, #tpu.memory_space<hbm>>
    tpu.enqueue_dma source(%dma_start3A_57 : memref<80x128xf32, #tpu.memory_space<hbm>>) target(%dma_start3A_55 : memref<80x128xf32, #tpu.memory_space<vmem>>) target_semaphore(%arg11 : memref<!tpu.dma_semaphore, #tpu.memory_space<semaphore_mem>>)
    %run_scoped3A = arith.constant 0 : i32
    "tpu.region"() ({
      %run_scoped3A_74 = tpu.sem_alloc : memref<!tpu.dma_semaphore, #tpu.memory_space<semaphore_mem>>
      %dma_start3A_75 = arith.constant 0 : i32
      %dma_start3A_76 = arith.constant 0 : i32
      %dma_start3A_77 = tpu.memref_slice %arg9[%run_scoped3A, %dma_start3A_75, %dma_start3A_76] : memref<2x80x128xf32, #tpu.memory_space<vmem>> -> memref<1x80x128xf32, #tpu.memory_space<vmem>>
      %dma_start3A_78 = tpu.memref_squeeze %dma_start3A_77 : memref<1x80x128xf32, #tpu.memory_space<vmem>> -> memref<80x128xf32, #tpu.memory_space<vmem>>
      %dma_start3A_79 = arith.constant 0 : i32
      %dma_start3A_80 = arith.constant 0 : i32
      %dma_start3A_81 = tpu.memref_slice %arg6[%dma_start3A_79, %dma_start3A_80] : memref<10000x128xf32, #tpu.memory_space<vmem_shared>> -> memref<10000x128xf32, #tpu.memory_space<vmem_shared>>
      tpu.enqueue_indirect_dma source(%dma_start3A_78 : memref<80x128xf32, #tpu.memory_space<vmem>>) target(%dma_start3A_81 : memref<10000x128xf32, #tpu.memory_space<vmem_shared>>) offsets(%arg7 : memref<80xi32, #tpu.memory_space<vmem>>) semaphore(%run_scoped3A_74 : memref<!tpu.dma_semaphore, #tpu.memory_space<semaphore_mem>>) {add = true}
      %dma_wait3A_82 = arith.constant 0 : i32
      %dma_wait3A_83 = arith.constant 0 : i32
      %dma_wait3A_84 = tpu.memref_slice %arg9[%run_scoped3A, %dma_wait3A_82, %dma_wait3A_83] : memref<2x80x128xf32, #tpu.memory_space<vmem>> -> memref<1x80x128xf32, #tpu.memory_space<vmem>>
      %dma_wait3A_85 = tpu.memref_squeeze %dma_wait3A_84 : memref<1x80x128xf32, #tpu.memory_space<vmem>> -> memref<80x128xf32, #tpu.memory_space<vmem>>
      %dma_wait3A_86 = arith.constant 0 : i32
      %dma_wait3A_87 = arith.constant 0 : i32
      %dma_wait3A_88 = tpu.memref_slice %arg6[%dma_wait3A_86, %dma_wait3A_87] : memref<10000x128xf32, #tpu.memory_space<vmem_shared>> -> memref<10000x128xf32, #tpu.memory_space<vmem_shared>>
      tpu.wait_indirect_dma semaphore(%run_scoped3A_74 : memref<!tpu.dma_semaphore, #tpu.memory_space<semaphore_mem>>) src(%dma_wait3A_85 : memref<80x128xf32, #tpu.memory_space<vmem>>) dst(%dma_wait3A_88 : memref<10000x128xf32, #tpu.memory_space<vmem_shared>>)
      tpu.yield
    }) : () -> ()
    %scan3A = arith.constant 0 : i32
    %scan3A_58 = arith.constant 0 : i32
    %scan3A_59 = arith.constant 62 : i32
    %scan3A_60 = arith.addi %scan3A_58, %scan3A_59 : i32
    %scan3A_61 = arith.constant 1 : i32
    %scan3A_62 = scf.for %scan3A_74 = %scan3A_58 to %scan3A_60 step %scan3A_61 iter_args(%scan3A_75 = %scan3A) -> (i32)  : i32 {
      %mul3A_76 = arith.constant 2 : i32
      %mul3A_77 = arith.muli %scan3A_74, %mul3A_76 : i32
      %add3A_78 = arith.constant 1 : i32
      %add3A_79 = arith.addi %add3A_78, %mul3A_77 : i32
      %dma_wait3A_80 = arith.constant 0 : i32
      %dma_wait3A_81 = tpu.memref_slice %arg3[%dma_wait3A_80] : memref<320000xi32, #tpu.memory_space<hbm>> -> memref<80xi32, #tpu.memory_space<hbm>>
      %dma_wait3A_82 = arith.constant 0 : i32
      %dma_wait3A_83 = tpu.memref_slice %arg3[%dma_wait3A_82] : memref<320000xi32, #tpu.memory_space<hbm>> -> memref<80xi32, #tpu.memory_space<hbm>>
      tpu.wait_dma2 semaphore(%arg11 : memref<!tpu.dma_semaphore, #tpu.memory_space<semaphore_mem>>) src(%dma_wait3A_83 : memref<80xi32, #tpu.memory_space<hbm>>) dst(%arg8 : memref<80xi32, #tpu.memory_space<vmem>>)
      %dma_wait3A_84 = arith.constant 1 : i32
      %dma_wait3A_85 = arith.constant 0 : i32
      %dma_wait3A_86 = arith.constant 0 : i32
      %dma_wait3A_87 = tpu.memref_slice %arg9[%dma_wait3A_84, %dma_wait3A_85, %dma_wait3A_86] : memref<2x80x128xf32, #tpu.memory_space<vmem>> -> memref<1x80x128xf32, #tpu.memory_space<vmem>>
      %dma_wait3A_88 = tpu.memref_squeeze %dma_wait3A_87 : memref<1x80x128xf32, #tpu.memory_space<vmem>> -> memref<80x128xf32, #tpu.memory_space<vmem>>
      %dma_wait3A_89 = arith.constant 0 : i32
      %dma_wait3A_90 = arith.constant 0 : i32
      %dma_wait3A_91 = tpu.memref_slice %arg2[%dma_wait3A_89, %dma_wait3A_90] : memref<320000x128xf32, #tpu.memory_space<hbm>> -> memref<80x128xf32, #tpu.memory_space<hbm>>
      %dma_wait3A_92 = arith.constant 0 : i32
      %dma_wait3A_93 = arith.constant 0 : i32
      %dma_wait3A_94 = tpu.memref_slice %arg9[%dma_wait3A_84, %dma_wait3A_92, %dma_wait3A_93] : memref<2x80x128xf32, #tpu.memory_space<vmem>> -> memref<1x80x128xf32, #tpu.memory_space<vmem>>
      %dma_wait3A_95 = tpu.memref_squeeze %dma_wait3A_94 : memref<1x80x128xf32, #tpu.memory_space<vmem>> -> memref<80x128xf32, #tpu.memory_space<vmem>>
      %dma_wait3A_96 = arith.constant 0 : i32
      %dma_wait3A_97 = arith.constant 0 : i32
      %dma_wait3A_98 = tpu.memref_slice %arg2[%dma_wait3A_96, %dma_wait3A_97] : memref<320000x128xf32, #tpu.memory_space<hbm>> -> memref<80x128xf32, #tpu.memory_space<hbm>>
      tpu.wait_dma2 semaphore(%arg11 : memref<!tpu.dma_semaphore, #tpu.memory_space<semaphore_mem>>) src(%dma_wait3A_98 : memref<80x128xf32, #tpu.memory_space<hbm>>) dst(%dma_wait3A_95 : memref<80x128xf32, #tpu.memory_space<vmem>>)
      %add3A_99 = arith.constant 1 : i32
      %add3A_100 = arith.addi %add3A_79, %add3A_99 : i32
      %lt3A = arith.constant 125 : i32
      %lt3A_101 = arith.cmpi slt, %add3A_100, %lt3A : i32
      %convert_element_type3A_102 = arith.extui %lt3A_101 : i1 to i32
      %cond3A_103 = arith.constant 0 : i32
      %cond3A_104 = arith.cmpi ne, %convert_element_type3A_102, %cond3A_103 : i32
      scf.if %cond3A_104 {
        %add3A_134 = arith.constant 1 : i32
        %add3A_135 = arith.addi %add3A_79, %add3A_134 : i32
        %mul3A_136 = arith.constant 80 : i32
        %mul3A_137 = arith.muli %add3A_135, %mul3A_136 : i32
        %add3A_138 = arith.addi %mul3A_6, %mul3A_137 : i32
        %dma_start3A_139 = tpu.memref_slice %arg3[%add3A_138] : memref<320000xi32, #tpu.memory_space<hbm>> -> memref<80xi32, #tpu.memory_space<hbm>>
        %dma_start3A_140 = tpu.memref_slice %arg3[%add3A_138] : memref<320000xi32, #tpu.memory_space<hbm>> -> memref<80xi32, #tpu.memory_space<hbm>>
        tpu.enqueue_dma source(%dma_start3A_140 : memref<80xi32, #tpu.memory_space<hbm>>) target(%arg7 : memref<80xi32, #tpu.memory_space<vmem>>) target_semaphore(%arg10 : memref<!tpu.dma_semaphore, #tpu.memory_space<semaphore_mem>>)
        %dma_start3A_141 = arith.constant 0 : i32
        %dma_start3A_142 = arith.constant 0 : i32
        %dma_start3A_143 = arith.constant 0 : i32
        %dma_start3A_144 = tpu.memref_slice %arg9[%dma_start3A_141, %dma_start3A_142, %dma_start3A_143] : memref<2x80x128xf32, #tpu.memory_space<vmem>> -> memref<1x80x128xf32, #tpu.memory_space<vmem>>
        %dma_start3A_145 = tpu.memref_squeeze %dma_start3A_144 : memref<1x80x128xf32, #tpu.memory_space<vmem>> -> memref<80x128xf32, #tpu.memory_space<vmem>>
        %dma_start3A_146 = arith.constant 0 : i32
        %dma_start3A_147 = tpu.memref_slice %arg2[%add3A_138, %dma_start3A_146] : memref<320000x128xf32, #tpu.memory_space<hbm>> -> memref<80x128xf32, #tpu.memory_space<hbm>>
        %dma_start3A_148 = arith.constant 0 : i32
        %dma_start3A_149 = arith.constant 0 : i32
        %dma_start3A_150 = tpu.memref_slice %arg9[%dma_start3A_141, %dma_start3A_148, %dma_start3A_149] : memref<2x80x128xf32, #tpu.memory_space<vmem>> -> memref<1x80x128xf32, #tpu.memory_space<vmem>>
        %dma_start3A_151 = tpu.memref_squeeze %dma_start3A_150 : memref<1x80x128xf32, #tpu.memory_space<vmem>> -> memref<80x128xf32, #tpu.memory_space<vmem>>
        %dma_start3A_152 = arith.constant 0 : i32
        %dma_start3A_153 = tpu.memref_slice %arg2[%add3A_138, %dma_start3A_152] : memref<320000x128xf32, #tpu.memory_space<hbm>> -> memref<80x128xf32, #tpu.memory_space<hbm>>
        tpu.enqueue_dma source(%dma_start3A_153 : memref<80x128xf32, #tpu.memory_space<hbm>>) target(%dma_start3A_151 : memref<80x128xf32, #tpu.memory_space<vmem>>) target_semaphore(%arg10 : memref<!tpu.dma_semaphore, #tpu.memory_space<semaphore_mem>>)
      } else {
      }
      %run_scoped3A_105 = arith.constant 1 : i32
      "tpu.region"() ({
        %run_scoped3A_134 = tpu.sem_alloc : memref<!tpu.dma_semaphore, #tpu.memory_space<semaphore_mem>>
        %dma_start3A_135 = arith.constant 0 : i32
        %dma_start3A_136 = arith.constant 0 : i32
        %dma_start3A_137 = tpu.memref_slice %arg9[%run_scoped3A_105, %dma_start3A_135, %dma_start3A_136] : memref<2x80x128xf32, #tpu.memory_space<vmem>> -> memref<1x80x128xf32, #tpu.memory_space<vmem>>
        %dma_start3A_138 = tpu.memref_squeeze %dma_start3A_137 : memref<1x80x128xf32, #tpu.memory_space<vmem>> -> memref<80x128xf32, #tpu.memory_space<vmem>>
        %dma_start3A_139 = arith.constant 0 : i32
        %dma_start3A_140 = arith.constant 0 : i32
        %dma_start3A_141 = tpu.memref_slice %arg6[%dma_start3A_139, %dma_start3A_140] : memref<10000x128xf32, #tpu.memory_space<vmem_shared>> -> memref<10000x128xf32, #tpu.memory_space<vmem_shared>>
        tpu.enqueue_indirect_dma source(%dma_start3A_138 : memref<80x128xf32, #tpu.memory_space<vmem>>) target(%dma_start3A_141 : memref<10000x128xf32, #tpu.memory_space<vmem_shared>>) offsets(%arg8 : memref<80xi32, #tpu.memory_space<vmem>>) semaphore(%run_scoped3A_134 : memref<!tpu.dma_semaphore, #tpu.memory_space<semaphore_mem>>) {add = true}
        %dma_wait3A_142 = arith.constant 0 : i32
        %dma_wait3A_143 = arith.constant 0 : i32
        %dma_wait3A_144 = tpu.memref_slice %arg9[%run_scoped3A_105, %dma_wait3A_142, %dma_wait3A_143] : memref<2x80x128xf32, #tpu.memory_space<vmem>> -> memref<1x80x128xf32, #tpu.memory_space<vmem>>
        %dma_wait3A_145 = tpu.memref_squeeze %dma_wait3A_144 : memref<1x80x128xf32, #tpu.memory_space<vmem>> -> memref<80x128xf32, #tpu.memory_space<vmem>>
        %dma_wait3A_146 = arith.constant 0 : i32
        %dma_wait3A_147 = arith.constant 0 : i32
        %dma_wait3A_148 = tpu.memref_slice %arg6[%dma_wait3A_146, %dma_wait3A_147] : memref<10000x128xf32, #tpu.memory_space<vmem_shared>> -> memref<10000x128xf32, #tpu.memory_space<vmem_shared>>
        tpu.wait_indirect_dma semaphore(%run_scoped3A_134 : memref<!tpu.dma_semaphore, #tpu.memory_space<semaphore_mem>>) src(%dma_wait3A_145 : memref<80x128xf32, #tpu.memory_space<vmem>>) dst(%dma_wait3A_148 : memref<10000x128xf32, #tpu.memory_space<vmem_shared>>)
        tpu.yield
      }) : () -> ()
      %dma_wait3A_106 = arith.constant 0 : i32
      %dma_wait3A_107 = tpu.memref_slice %arg3[%dma_wait3A_106] : memref<320000xi32, #tpu.memory_space<hbm>> -> memref<80xi32, #tpu.memory_space<hbm>>
      %dma_wait3A_108 = arith.constant 0 : i32
      %dma_wait3A_109 = tpu.memref_slice %arg3[%dma_wait3A_108] : memref<320000xi32, #tpu.memory_space<hbm>> -> memref<80xi32, #tpu.memory_space<hbm>>
      tpu.wait_dma2 semaphore(%arg10 : memref<!tpu.dma_semaphore, #tpu.memory_space<semaphore_mem>>) src(%dma_wait3A_109 : memref<80xi32, #tpu.memory_space<hbm>>) dst(%arg7 : memref<80xi32, #tpu.memory_space<vmem>>)
      %dma_wait3A_110 = arith.constant 0 : i32
      %dma_wait3A_111 = arith.constant 0 : i32
      %dma_wait3A_112 = arith.constant 0 : i32
      %dma_wait3A_113 = tpu.memref_slice %arg9[%dma_wait3A_110, %dma_wait3A_111, %dma_wait3A_112] : memref<2x80x128xf32, #tpu.memory_space<vmem>> -> memref<1x80x128xf32, #tpu.memory_space<vmem>>
      %dma_wait3A_114 = tpu.memref_squeeze %dma_wait3A_113 : memref<1x80x128xf32, #tpu.memory_space<vmem>> -> memref<80x128xf32, #tpu.memory_space<vmem>>
      %dma_wait3A_115 = arith.constant 0 : i32
      %dma_wait3A_116 = arith.constant 0 : i32
      %dma_wait3A_117 = tpu.memref_slice %arg2[%dma_wait3A_115, %dma_wait3A_116] : memref<320000x128xf32, #tpu.memory_space<hbm>> -> memref<80x128xf32, #tpu.memory_space<hbm>>
      %dma_wait3A_118 = arith.constant 0 : i32
      %dma_wait3A_119 = arith.constant 0 : i32
      %dma_wait3A_120 = tpu.memref_slice %arg9[%dma_wait3A_110, %dma_wait3A_118, %dma_wait3A_119] : memref<2x80x128xf32, #tpu.memory_space<vmem>> -> memref<1x80x128xf32, #tpu.memory_space<vmem>>
      %dma_wait3A_121 = tpu.memref_squeeze %dma_wait3A_120 : memref<1x80x128xf32, #tpu.memory_space<vmem>> -> memref<80x128xf32, #tpu.memory_space<vmem>>
      %dma_wait3A_122 = arith.constant 0 : i32
      %dma_wait3A_123 = arith.constant 0 : i32
      %dma_wait3A_124 = tpu.memref_slice %arg2[%dma_wait3A_122, %dma_wait3A_123] : memref<320000x128xf32, #tpu.memory_space<hbm>> -> memref<80x128xf32, #tpu.memory_space<hbm>>
      tpu.wait_dma2 semaphore(%arg10 : memref<!tpu.dma_semaphore, #tpu.memory_space<semaphore_mem>>) src(%dma_wait3A_124 : memref<80x128xf32, #tpu.memory_space<hbm>>) dst(%dma_wait3A_121 : memref<80x128xf32, #tpu.memory_space<vmem>>)
      %add3A_125 = arith.constant 2 : i32
      %add3A_126 = arith.addi %add3A_79, %add3A_125 : i32
      %lt3A_127 = arith.constant 125 : i32
      %lt3A_128 = arith.cmpi slt, %add3A_126, %lt3A_127 : i32
      %convert_element_type3A_129 = arith.extui %lt3A_128 : i1 to i32
      %cond3A_130 = arith.constant 0 : i32
      %cond3A_131 = arith.cmpi ne, %convert_element_type3A_129, %cond3A_130 : i32
      scf.if %cond3A_131 {
        %add3A_134 = arith.constant 2 : i32
        %add3A_135 = arith.addi %add3A_79, %add3A_134 : i32
        %mul3A_136 = arith.constant 80 : i32
        %mul3A_137 = arith.muli %add3A_135, %mul3A_136 : i32
        %add3A_138 = arith.addi %mul3A_6, %mul3A_137 : i32
        %dma_start3A_139 = tpu.memref_slice %arg3[%add3A_138] : memref<320000xi32, #tpu.memory_space<hbm>> -> memref<80xi32, #tpu.memory_space<hbm>>
        %dma_start3A_140 = tpu.memref_slice %arg3[%add3A_138] : memref<320000xi32, #tpu.memory_space<hbm>> -> memref<80xi32, #tpu.memory_space<hbm>>
        tpu.enqueue_dma source(%dma_start3A_140 : memref<80xi32, #tpu.memory_space<hbm>>) target(%arg8 : memref<80xi32, #tpu.memory_space<vmem>>) target_semaphore(%arg11 : memref<!tpu.dma_semaphore, #tpu.memory_space<semaphore_mem>>)
        %dma_start3A_141 = arith.constant 1 : i32
        %dma_start3A_142 = arith.constant 0 : i32
        %dma_start3A_143 = arith.constant 0 : i32
        %dma_start3A_144 = tpu.memref_slice %arg9[%dma_start3A_141, %dma_start3A_142, %dma_start3A_143] : memref<2x80x128xf32, #tpu.memory_space<vmem>> -> memref<1x80x128xf32, #tpu.memory_space<vmem>>
        %dma_start3A_145 = tpu.memref_squeeze %dma_start3A_144 : memref<1x80x128xf32, #tpu.memory_space<vmem>> -> memref<80x128xf32, #tpu.memory_space<vmem>>
        %dma_start3A_146 = arith.constant 0 : i32
        %dma_start3A_147 = tpu.memref_slice %arg2[%add3A_138, %dma_start3A_146] : memref<320000x128xf32, #tpu.memory_space<hbm>> -> memref<80x128xf32, #tpu.memory_space<hbm>>
        %dma_start3A_148 = arith.constant 0 : i32
        %dma_start3A_149 = arith.constant 0 : i32
        %dma_start3A_150 = tpu.memref_slice %arg9[%dma_start3A_141, %dma_start3A_148, %dma_start3A_149] : memref<2x80x128xf32, #tpu.memory_space<vmem>> -> memref<1x80x128xf32, #tpu.memory_space<vmem>>
        %dma_start3A_151 = tpu.memref_squeeze %dma_start3A_150 : memref<1x80x128xf32, #tpu.memory_space<vmem>> -> memref<80x128xf32, #tpu.memory_space<vmem>>
        %dma_start3A_152 = arith.constant 0 : i32
        %dma_start3A_153 = tpu.memref_slice %arg2[%add3A_138, %dma_start3A_152] : memref<320000x128xf32, #tpu.memory_space<hbm>> -> memref<80x128xf32, #tpu.memory_space<hbm>>
        tpu.enqueue_dma source(%dma_start3A_153 : memref<80x128xf32, #tpu.memory_space<hbm>>) target(%dma_start3A_151 : memref<80x128xf32, #tpu.memory_space<vmem>>) target_semaphore(%arg11 : memref<!tpu.dma_semaphore, #tpu.memory_space<semaphore_mem>>)
      } else {
      }
      %run_scoped3A_132 = arith.constant 0 : i32
      "tpu.region"() ({
        %run_scoped3A_134 = tpu.sem_alloc : memref<!tpu.dma_semaphore, #tpu.memory_space<semaphore_mem>>
        %dma_start3A_135 = arith.constant 0 : i32
        %dma_start3A_136 = arith.constant 0 : i32
        %dma_start3A_137 = tpu.memref_slice %arg9[%run_scoped3A_132, %dma_start3A_135, %dma_start3A_136] : memref<2x80x128xf32, #tpu.memory_space<vmem>> -> memref<1x80x128xf32, #tpu.memory_space<vmem>>
        %dma_start3A_138 = tpu.memref_squeeze %dma_start3A_137 : memref<1x80x128xf32, #tpu.memory_space<vmem>> -> memref<80x128xf32, #tpu.memory_space<vmem>>
        %dma_start3A_139 = arith.constant 0 : i32
        %dma_start3A_140 = arith.constant 0 : i32
        %dma_start3A_141 = tpu.memref_slice %arg6[%dma_start3A_139, %dma_start3A_140] : memref<10000x128xf32, #tpu.memory_space<vmem_shared>> -> memref<10000x128xf32, #tpu.memory_space<vmem_shared>>
        tpu.enqueue_indirect_dma source(%dma_start3A_138 : memref<80x128xf32, #tpu.memory_space<vmem>>) target(%dma_start3A_141 : memref<10000x128xf32, #tpu.memory_space<vmem_shared>>) offsets(%arg7 : memref<80xi32, #tpu.memory_space<vmem>>) semaphore(%run_scoped3A_134 : memref<!tpu.dma_semaphore, #tpu.memory_space<semaphore_mem>>) {add = true}
        %dma_wait3A_142 = arith.constant 0 : i32
        %dma_wait3A_143 = arith.constant 0 : i32
        %dma_wait3A_144 = tpu.memref_slice %arg9[%run_scoped3A_132, %dma_wait3A_142, %dma_wait3A_143] : memref<2x80x128xf32, #tpu.memory_space<vmem>> -> memref<1x80x128xf32, #tpu.memory_space<vmem>>
        %dma_wait3A_145 = tpu.memref_squeeze %dma_wait3A_144 : memref<1x80x128xf32, #tpu.memory_space<vmem>> -> memref<80x128xf32, #tpu.memory_space<vmem>>
        %dma_wait3A_146 = arith.constant 0 : i32
        %dma_wait3A_147 = arith.constant 0 : i32
        %dma_wait3A_148 = tpu.memref_slice %arg6[%dma_wait3A_146, %dma_wait3A_147] : memref<10000x128xf32, #tpu.memory_space<vmem_shared>> -> memref<10000x128xf32, #tpu.memory_space<vmem_shared>>
        tpu.wait_indirect_dma semaphore(%run_scoped3A_134 : memref<!tpu.dma_semaphore, #tpu.memory_space<semaphore_mem>>) src(%dma_wait3A_145 : memref<80x128xf32, #tpu.memory_space<vmem>>) dst(%dma_wait3A_148 : memref<10000x128xf32, #tpu.memory_space<vmem_shared>>)
        tpu.yield
      }) : () -> ()
      %scan3A_133 = arith.constant 0 : i32
      scf.yield %scan3A_133 : i32
    }
    %scan3A_63 = arith.constant 62 : i32
    %barrier3A_64 = arith.constant 0 : index
    tpu.barrier barrier_id(%barrier3A_64)
    %mul3A_65 = arith.constant 10000 : i32
    %mul3A_66 = arith.muli %arg0, %mul3A_65 : i32
    %add3A_67 = arith.addi %mul3A_66, %multiple_of3A : i32
    %multiple_of3A_68 = tpu.assume_multiple %add3A_67, 8 : i32
    "tpu.region"() ({
      %run_scoped3A_74 = tpu.sem_alloc : memref<!tpu.dma_semaphore, #tpu.memory_space<semaphore_mem>>
      %dma_start3A_75 = arith.constant 0 : i32
      %dma_start3A_76 = tpu.memref_slice %arg5[%multiple_of3A_68, %dma_start3A_75] : memref<20000x128xf32, #tpu.memory_space<hbm>> -> memref<624x128xf32, #tpu.memory_space<hbm>>
      %dma_start3A_77 = arith.constant 0 : i32
      %dma_start3A_78 = tpu.memref_slice %arg6[%multiple_of3A, %dma_start3A_77] : memref<10000x128xf32, #tpu.memory_space<vmem_shared>> -> memref<624x128xf32, #tpu.memory_space<vmem_shared>>
      tpu.enqueue_dma source(%dma_start3A_78 : memref<624x128xf32, #tpu.memory_space<vmem_shared>>) target(%dma_start3A_76 : memref<624x128xf32, #tpu.memory_space<hbm>>) target_semaphore(%run_scoped3A_74 : memref<!tpu.dma_semaphore, #tpu.memory_space<semaphore_mem>>)
      %dma_wait3A_79 = arith.constant 0 : i32
      %dma_wait3A_80 = tpu.memref_slice %arg5[%multiple_of3A_68, %dma_wait3A_79] : memref<20000x128xf32, #tpu.memory_space<hbm>> -> memref<624x128xf32, #tpu.memory_space<hbm>>
      %dma_wait3A_81 = arith.constant 0 : i32
      %dma_wait3A_82 = tpu.memref_slice %arg6[%multiple_of3A, %dma_wait3A_81] : memref<10000x128xf32, #tpu.memory_space<vmem_shared>> -> memref<624x128xf32, #tpu.memory_space<vmem_shared>>
      tpu.wait_dma2 semaphore(%run_scoped3A_74 : memref<!tpu.dma_semaphore, #tpu.memory_space<semaphore_mem>>) src(%dma_wait3A_82 : memref<624x128xf32, #tpu.memory_space<vmem_shared>>) dst(%dma_wait3A_80 : memref<624x128xf32, #tpu.memory_space<hbm>>)
      tpu.yield
    }) : () -> ()
    %eq3A_69 = arith.constant 15 : i32
    %eq3A_70 = arith.cmpi eq, %arg1, %eq3A_69 : i32
    %convert_element_type3A_71 = arith.extui %eq3A_70 : i1 to i32
    %cond3A_72 = arith.constant 0 : i32
    %cond3A_73 = arith.cmpi ne, %convert_element_type3A_71, %cond3A_72 : i32
    scf.if %cond3A_73 {
      %mul3A_74 = arith.constant 10000 : i32
      %mul3A_75 = arith.muli %arg0, %mul3A_74 : i32
      %add3A_76 = arith.constant 9984 : i32
      %add3A_77 = arith.addi %mul3A_75, %add3A_76 : i32
      %multiple_of3A_78 = tpu.assume_multiple %add3A_77, 8 : i32
      "tpu.region"() ({
        %run_scoped3A_79 = tpu.sem_alloc : memref<!tpu.dma_semaphore, #tpu.memory_space<semaphore_mem>>
        %dma_start3A_80 = arith.constant 0 : i32
        %dma_start3A_81 = tpu.memref_slice %arg5[%multiple_of3A_78, %dma_start3A_80] : memref<20000x128xf32, #tpu.memory_space<hbm>> -> memref<16x128xf32, #tpu.memory_space<hbm>>
        %dma_start3A_82 = arith.constant 9984 : i32
        %dma_start3A_83 = arith.constant 0 : i32
        %dma_start3A_84 = tpu.memref_slice %arg6[%dma_start3A_82, %dma_start3A_83] : memref<10000x128xf32, #tpu.memory_space<vmem_shared>> -> memref<16x128xf32, #tpu.memory_space<vmem_shared>>
        tpu.enqueue_dma source(%dma_start3A_84 : memref<16x128xf32, #tpu.memory_space<vmem_shared>>) target(%dma_start3A_81 : memref<16x128xf32, #tpu.memory_space<hbm>>) target_semaphore(%run_scoped3A_79 : memref<!tpu.dma_semaphore, #tpu.memory_space<semaphore_mem>>)
        %dma_wait3A_85 = arith.constant 0 : i32
        %dma_wait3A_86 = tpu.memref_slice %arg5[%multiple_of3A_78, %dma_wait3A_85] : memref<20000x128xf32, #tpu.memory_space<hbm>> -> memref<16x128xf32, #tpu.memory_space<hbm>>
        %dma_wait3A_87 = arith.constant 9984 : i32
        %dma_wait3A_88 = arith.constant 0 : i32
        %dma_wait3A_89 = tpu.memref_slice %arg6[%dma_wait3A_87, %dma_wait3A_88] : memref<10000x128xf32, #tpu.memory_space<vmem_shared>> -> memref<16x128xf32, #tpu.memory_space<vmem_shared>>
        tpu.wait_dma2 semaphore(%run_scoped3A_79 : memref<!tpu.dma_semaphore, #tpu.memory_space<semaphore_mem>>) src(%dma_wait3A_89 : memref<16x128xf32, #tpu.memory_space<vmem_shared>>) dst(%dma_wait3A_86 : memref<16x128xf32, #tpu.memory_space<hbm>>)
        tpu.yield
      }) : () -> ()
    } else {
    }
    return
  }
}

module attributes {stable_mosaic.version = 14 : i64} {
  func.func @_prep_body(%arg0: i32, %arg1: memref<1000x128xf32, #tpu.memory_space<vmem>>, %arg2: memref<128x128xf32, #tpu.memory_space<vmem>>, %arg3: memref<128x128xf32, #tpu.memory_space<vmem>>, %arg4: memref<128x128xf32, #tpu.memory_space<vmem>>, %arg5: memref<1x128xf32, #tpu.memory_space<vmem>>, %arg6: memref<1000x128xf32, #tpu.memory_space<vmem>>, %arg7: memref<1000x128xf32, #tpu.memory_space<vmem>>, %arg8: memref<1000x128xf32, #tpu.memory_space<vmem>>) attributes {dimension_semantics = [#tpu.dimension_semantics<arbitrary>], iteration_bounds = array<i64: 10>, scalar_prefetch = 0 : i64, scratch_operands = 0 : i64, tpu.core_type = #tpu.core_type<tc>, window_params = [{transform_indices = @transform_0, window_bounds = array<i64: 1000, 128>}, {pipeline_mode = #tpu.pipeline_mode<synchronous>, transform_indices = @transform_1, window_bounds = array<i64: 128, 128>}, {pipeline_mode = #tpu.pipeline_mode<synchronous>, transform_indices = @transform_2, window_bounds = array<i64: 128, 128>}, {pipeline_mode = #tpu.pipeline_mode<synchronous>, transform_indices = @transform_3, window_bounds = array<i64: 128, 128>}, {pipeline_mode = #tpu.pipeline_mode<synchronous>, transform_indices = @transform_4, window_bounds = array<i64: 1, 128>}, {transform_indices = @transform_5, window_bounds = array<i64: 1000, 128>}, {transform_indices = @transform_6, window_bounds = array<i64: 1000, 128>}, {transform_indices = @transform_7, window_bounds = array<i64: 1000, 128>}]} {
    %get3A = arith.constant 0 : index
    %get3A_0 = arith.constant 0 : index
    %get3A_1 = vector.load %arg1[%get3A, %get3A_0] : memref<1000x128xf32, #tpu.memory_space<vmem>>, vector<1000x128xf32>
    %get3A_2 = arith.constant 0 : index
    %get3A_3 = arith.constant 0 : index
    %get3A_4 = vector.load %arg2[%get3A_2, %get3A_3] : memref<128x128xf32, #tpu.memory_space<vmem>>, vector<128x128xf32>
    %dot_general3A = arith.constant dense<0.000000e+00> : vector<1000x128xf32>
    %dot_general3A_5 = tpu.matmul %get3A_1, %get3A_4, %dot_general3A {dimension_numbers = #tpu.dot_dimension_numbers<[1], [0], [0], [1], [0, 0, 1, 1], [], []>, transpose_lhs_hint = false} : vector<1000x128xf32>, vector<128x128xf32>, vector<1000x128xf32> -> vector<1000x128xf32>
    %swap3A = arith.constant 0 : index
    %swap3A_6 = arith.constant 0 : index
    %swap3A_7 = vector.load %arg6[%swap3A, %swap3A_6] : memref<1000x128xf32, #tpu.memory_space<vmem>>, vector<1000x128xf32>
    tpu.vector_store %arg6[%swap3A, %swap3A_6], %dot_general3A_5 {strides = array<i32>} : memref<1000x128xf32, #tpu.memory_space<vmem>>, vector<1000x128xf32>,
    %get3A_8 = arith.constant 0 : index
    %get3A_9 = arith.constant 0 : index
    %get3A_10 = vector.load %arg3[%get3A_8, %get3A_9] : memref<128x128xf32, #tpu.memory_space<vmem>>, vector<128x128xf32>
    %dot_general3A_11 = arith.constant dense<0.000000e+00> : vector<1000x128xf32>
    %dot_general3A_12 = tpu.matmul %get3A_1, %get3A_10, %dot_general3A_11 {dimension_numbers = #tpu.dot_dimension_numbers<[1], [0], [0], [1], [0, 0, 1, 1], [], []>, transpose_lhs_hint = false} : vector<1000x128xf32>, vector<128x128xf32>, vector<1000x128xf32> -> vector<1000x128xf32>
    %swap3A_13 = arith.constant 0 : index
    %swap3A_14 = arith.constant 0 : index
    %swap3A_15 = vector.load %arg7[%swap3A_13, %swap3A_14] : memref<1000x128xf32, #tpu.memory_space<vmem>>, vector<1000x128xf32>
    tpu.vector_store %arg7[%swap3A_13, %swap3A_14], %dot_general3A_12 {strides = array<i32>} : memref<1000x128xf32, #tpu.memory_space<vmem>>, vector<1000x128xf32>,
    %get3A_16 = arith.constant 0 : index
    %get3A_17 = arith.constant 0 : index
    %get3A_18 = vector.load %arg4[%get3A_16, %get3A_17] : memref<128x128xf32, #tpu.memory_space<vmem>>, vector<128x128xf32>
    %dot_general3A_19 = arith.constant dense<0.000000e+00> : vector<1000x128xf32>
    %dot_general3A_20 = tpu.matmul %get3A_1, %get3A_18, %dot_general3A_19 {dimension_numbers = #tpu.dot_dimension_numbers<[1], [0], [0], [1], [0, 0, 1, 1], [], []>, transpose_lhs_hint = false} : vector<1000x128xf32>, vector<128x128xf32>, vector<1000x128xf32> -> vector<1000x128xf32>
    %get3A_21 = arith.constant 0 : index
    %get3A_22 = arith.constant 0 : index
    %get3A_23 = vector.load %arg5[%get3A_21, %get3A_22] : memref<1x128xf32, #tpu.memory_space<vmem>>, vector<1x128xf32>
    %add3A = vector.broadcast %get3A_23 : vector<1x128xf32> to vector<1000x128xf32>
    %add3A_24 = arith.addf %dot_general3A_20, %add3A : vector<1000x128xf32>
    %swap3A_25 = arith.constant 0 : index
    %swap3A_26 = arith.constant 0 : index
    %swap3A_27 = vector.load %arg8[%swap3A_25, %swap3A_26] : memref<1000x128xf32, #tpu.memory_space<vmem>>, vector<1000x128xf32>
    tpu.vector_store %arg8[%swap3A_25, %swap3A_26], %add3A_24 {strides = array<i32>} : memref<1000x128xf32, #tpu.memory_space<vmem>>, vector<1000x128xf32>,
    return
  }
  func.func @transform_0(%arg0: i32) -> (i32, i32) {
    %c0_i32 = arith.constant 0 : i32
    %c0_i32_0 = arith.constant 0 : i32
    return %arg0, %c0_i32 : i32, i32
  }
  func.func @transform_1(%arg0: i32) -> (i32, i32) {
    %c0_i32 = arith.constant 0 : i32
    %c0_i32_0 = arith.constant 0 : i32
    %c0_i32_1 = arith.constant 0 : i32
    return %c0_i32, %c0_i32_0 : i32, i32
  }
  func.func @transform_2(%arg0: i32) -> (i32, i32) {
    %c0_i32 = arith.constant 0 : i32
    %c0_i32_0 = arith.constant 0 : i32
    %c0_i32_1 = arith.constant 0 : i32
    return %c0_i32, %c0_i32_0 : i32, i32
  }
  func.func @transform_3(%arg0: i32) -> (i32, i32) {
    %c0_i32 = arith.constant 0 : i32
    %c0_i32_0 = arith.constant 0 : i32
    %c0_i32_1 = arith.constant 0 : i32
    return %c0_i32, %c0_i32_0 : i32, i32
  }
  func.func @transform_4(%arg0: i32) -> (i32, i32) {
    %c0_i32 = arith.constant 0 : i32
    %c0_i32_0 = arith.constant 0 : i32
    %c0_i32_1 = arith.constant 0 : i32
    return %c0_i32, %c0_i32_0 : i32, i32
  }
  func.func @transform_5(%arg0: i32) -> (i32, i32) {
    %c0_i32 = arith.constant 0 : i32
    %c0_i32_0 = arith.constant 0 : i32
    return %arg0, %c0_i32 : i32, i32
  }
  func.func @transform_6(%arg0: i32) -> (i32, i32) {
    %c0_i32 = arith.constant 0 : i32
    %c0_i32_0 = arith.constant 0 : i32
    return %arg0, %c0_i32 : i32, i32
  }
  func.func @transform_7(%arg0: i32) -> (i32, i32) {
    %c0_i32 = arith.constant 0 : i32
    %c0_i32_0 = arith.constant 0 : i32
    return %arg0, %c0_i32 : i32, i32
  }
}

module attributes {stable_mosaic.version = 14 : i64} {
  func.func @_combine_body(%arg0: i32, %arg1: memref<2x1000x128xf32, #tpu.memory_space<vmem>>, %arg2: memref<2x1000x16xf32, #tpu.memory_space<vmem>>, %arg3: memref<1000x128xf32, #tpu.memory_space<vmem>>, %arg4: memref<1x1x1000xi32, #tpu.memory_space<vmem>>, %arg5: memref<1000x128xf32, #tpu.memory_space<vmem>>, %arg6: memref<64x128xf32, #tpu.memory_space<vmem>>, %arg7: memref<64x128xf32, #tpu.memory_space<vmem>>, %arg8: memref<8x64xf32, #tpu.memory_space<vmem>>) attributes {dimension_semantics = [#tpu.dimension_semantics<arbitrary>], iteration_bounds = array<i64: 10>, scalar_prefetch = 0 : i64, scratch_operands = 0 : i64, tpu.core_type = #tpu.core_type<tc>, window_params = [{transform_indices = @transform_0, window_bounds = array<i64: 2, 1000, 128>}, {transform_indices = @transform_1, window_bounds = array<i64: 2, 1000, 16>}, {transform_indices = @transform_2, window_bounds = array<i64: 1000, 128>}, {transform_indices = @transform_3, window_bounds = array<i64: 1, 1, 1000>}, {transform_indices = @transform_4, window_bounds = array<i64: 1000, 128>}, {pipeline_mode = #tpu.pipeline_mode<synchronous>, transform_indices = @transform_5, window_bounds = array<i64: 64, 128>}, {pipeline_mode = #tpu.pipeline_mode<synchronous>, transform_indices = @transform_6, window_bounds = array<i64: 64, 128>}, {pipeline_mode = #tpu.pipeline_mode<synchronous>, transform_indices = @transform_7, window_bounds = array<i64: 8, 64>}]} {
    %eq3A = arith.constant 0 : i32
    %eq3A_0 = arith.cmpi eq, %arg0, %eq3A : i32
    %convert_element_type3A = arith.extui %eq3A_0 : i1 to i32
    %cond3A = arith.constant 0 : i32
    %cond3A_1 = arith.cmpi ne, %convert_element_type3A, %cond3A : i32
    scf.if %cond3A_1 {
      %broadcast_in_dim3A_62 = arith.constant 0.000000e+00 : f32
      %broadcast_in_dim3A_63 = vector.broadcast %broadcast_in_dim3A_62 : f32 to vector<64x128xf32>
      %swap3A_64 = arith.constant 0 : index
      %swap3A_65 = arith.constant 0 : index
      %swap3A_66 = vector.load %arg6[%swap3A_64, %swap3A_65] : memref<64x128xf32, #tpu.memory_space<vmem>>, vector<64x128xf32>
      tpu.vector_store %arg6[%swap3A_64, %swap3A_65], %broadcast_in_dim3A_63 {strides = array<i32>} : memref<64x128xf32, #tpu.memory_space<vmem>>, vector<64x128xf32>,
      %broadcast_in_dim3A_67 = arith.constant 0.000000e+00 : f32
      %broadcast_in_dim3A_68 = vector.broadcast %broadcast_in_dim3A_67 : f32 to vector<64x128xf32>
      %swap3A_69 = arith.constant 0 : index
      %swap3A_70 = arith.constant 0 : index
      %swap3A_71 = vector.load %arg7[%swap3A_69, %swap3A_70] : memref<64x128xf32, #tpu.memory_space<vmem>>, vector<64x128xf32>
      tpu.vector_store %arg7[%swap3A_69, %swap3A_70], %broadcast_in_dim3A_68 {strides = array<i32>} : memref<64x128xf32, #tpu.memory_space<vmem>>, vector<64x128xf32>,
      %broadcast_in_dim3A_72 = arith.constant 0.000000e+00 : f32
      %broadcast_in_dim3A_73 = vector.broadcast %broadcast_in_dim3A_72 : f32 to vector<8x64xf32>
      %swap3A_74 = arith.constant 0 : index
      %swap3A_75 = arith.constant 0 : index
      %swap3A_76 = vector.load %arg8[%swap3A_74, %swap3A_75] : memref<8x64xf32, #tpu.memory_space<vmem>>, vector<8x64xf32>
      tpu.vector_store %arg8[%swap3A_74, %swap3A_75], %broadcast_in_dim3A_73 {strides = array<i32>} : memref<8x64xf32, #tpu.memory_space<vmem>>, vector<8x64xf32>,
    } else {
    }
    %get3A = arith.constant 0 : index
    %get3A_2 = arith.constant 0 : index
    %get3A_3 = arith.constant 0 : index
    %get3A_4 = vector.load %arg1[%get3A, %get3A_2, %get3A_3] : memref<2x1000x128xf32, #tpu.memory_space<vmem>>, vector<2x1000x128xf32>
    %get3A_5 = arith.constant 0 : index
    %get3A_6 = arith.constant 0 : index
    %get3A_7 = arith.constant 0 : index
    %get3A_8 = vector.load %arg2[%get3A_5, %get3A_6, %get3A_7] : memref<2x1000x16xf32, #tpu.memory_space<vmem>>, vector<2x1000x16xf32>
    %slice3A = vector.extract_strided_slice %get3A_8 {offsets = [0, 0, 0], sizes = [1, 1000, 1], strides = [1, 1, 1]} : vector<2x1000x16xf32> to vector<1x1000x1xf32>
    %squeeze3A = vector.shape_cast %slice3A : vector<1x1000x1xf32> to vector<1000x1xf32>
    %slice3A_9 = vector.extract_strided_slice %get3A_8 {offsets = [1, 0, 0], sizes = [1, 1000, 1], strides = [1, 1, 1]} : vector<2x1000x16xf32> to vector<1x1000x1xf32>
    %squeeze3A_10 = vector.shape_cast %slice3A_9 : vector<1x1000x1xf32> to vector<1000x1xf32>
    %add3A = arith.addf %squeeze3A, %squeeze3A_10 : vector<1000x1xf32>
    %slice3A_11 = vector.extract_strided_slice %get3A_4 {offsets = [0, 0, 0], sizes = [1, 1000, 128], strides = [1, 1, 1]} : vector<2x1000x128xf32> to vector<1x1000x128xf32>
    %squeeze3A_12 = vector.shape_cast %slice3A_11 : vector<1x1000x128xf32> to vector<1000x128xf32>
    %slice3A_13 = vector.extract_strided_slice %get3A_4 {offsets = [1, 0, 0], sizes = [1, 1000, 128], strides = [1, 1, 1]} : vector<2x1000x128xf32> to vector<1x1000x128xf32>
    %squeeze3A_14 = vector.shape_cast %slice3A_13 : vector<1x1000x128xf32> to vector<1000x128xf32>
    %add3A_15 = arith.addf %squeeze3A_12, %squeeze3A_14 : vector<1000x128xf32>
    %max3A = arith.constant 1.000000e+00 : f32
    %max3A_16 = vector.broadcast %max3A : f32 to vector<1000x1xf32>
    %max3A_17 = arith.maximumf %add3A, %max3A_16 : vector<1000x1xf32>
    %div3A = vector.broadcast %max3A_17 : vector<1000x1xf32> to vector<1000x128xf32>
    %div3A_18 = arith.divf %add3A_15, %div3A : vector<1000x128xf32>
    %get3A_19 = arith.constant 0 : index
    %get3A_20 = arith.constant 0 : index
    %get3A_21 = vector.load %arg3[%get3A_19, %get3A_20] : memref<1000x128xf32, #tpu.memory_space<vmem>>, vector<1000x128xf32>
    %add3A_22 = arith.addf %div3A_18, %get3A_21 : vector<1000x128xf32>
    %swap3A = arith.constant 0 : index
    %swap3A_23 = arith.constant 0 : index
    %swap3A_24 = vector.load %arg5[%swap3A, %swap3A_23] : memref<1000x128xf32, #tpu.memory_space<vmem>>, vector<1000x128xf32>
    tpu.vector_store %arg5[%swap3A, %swap3A_23], %add3A_22 {strides = array<i32>} : memref<1000x128xf32, #tpu.memory_space<vmem>>, vector<1000x128xf32>,
    %get3A_25 = arith.constant 0 : index
    %get3A_26 = arith.constant 0 : index
    %get3A_27 = arith.constant 0 : index
    %get3A_28 = vector.load %arg4[%get3A_25, %get3A_26, %get3A_27] : memref<1x1x1000xi32, #tpu.memory_space<vmem>>, vector<1x1x1000xi32>
    %get3A_29 = vector.shape_cast %get3A_28 : vector<1x1x1000xi32> to vector<1000xi32>
    %iota3A = tpu.iota {dimensions = array<i32: 1>} : vector<1000x64xi32>
    %broadcast_in_dim3A = vector.shape_cast %get3A_29 : vector<1000xi32> to vector<1000x1xi32>
    %eq3A_30 = vector.broadcast %broadcast_in_dim3A : vector<1000x1xi32> to vector<1000x64xi32>
    %eq3A_31 = arith.cmpi eq, %eq3A_30, %iota3A : vector<1000x64xi32>
    %convert_element_type3A_32 = arith.extui %eq3A_31 : vector<1000x64xi1> to vector<1000x64xi32>
    %convert_element_type3A_33 = arith.sitofp %convert_element_type3A_32 : vector<1000x64xi32> to vector<1000x64xf32>
    %get3A_34 = arith.constant 0 : index
    %get3A_35 = arith.constant 0 : index
    %get3A_36 = vector.load %arg6[%get3A_34, %get3A_35] : memref<64x128xf32, #tpu.memory_space<vmem>>, vector<64x128xf32>
    %dot_general3A = arith.constant dense<0.000000e+00> : vector<64x128xf32>
    %dot_general3A_37 = tpu.matmul %convert_element_type3A_33, %add3A_22, %dot_general3A {dimension_numbers = #tpu.dot_dimension_numbers<[0], [0], [1], [1], [0, 1, 1, 1], [], []>, precision = #tpu.contract_precision<fp32>, transpose_lhs_hint = false} : vector<1000x64xf32>, vector<1000x128xf32>, vector<64x128xf32> -> vector<64x128xf32>
    %add3A_38 = arith.addf %get3A_36, %dot_general3A_37 : vector<64x128xf32>
    %swap3A_39 = arith.constant 0 : index
    %swap3A_40 = arith.constant 0 : index
    %swap3A_41 = vector.load %arg6[%swap3A_39, %swap3A_40] : memref<64x128xf32, #tpu.memory_space<vmem>>, vector<64x128xf32>
    tpu.vector_store %arg6[%swap3A_39, %swap3A_40], %add3A_38 {strides = array<i32>} : memref<64x128xf32, #tpu.memory_space<vmem>>, vector<64x128xf32>,
    %get3A_42 = arith.constant 0 : index
    %get3A_43 = arith.constant 0 : index
    %get3A_44 = vector.load %arg7[%get3A_42, %get3A_43] : memref<64x128xf32, #tpu.memory_space<vmem>>, vector<64x128xf32>
    %mul3A = arith.mulf %add3A_22, %add3A_22 : vector<1000x128xf32>
    %dot_general3A_45 = arith.constant dense<0.000000e+00> : vector<64x128xf32>
    %dot_general3A_46 = tpu.matmul %convert_element_type3A_33, %mul3A, %dot_general3A_45 {dimension_numbers = #tpu.dot_dimension_numbers<[0], [0], [1], [1], [0, 1, 1, 1], [], []>, precision = #tpu.contract_precision<fp32>, transpose_lhs_hint = false} : vector<1000x64xf32>, vector<1000x128xf32>, vector<64x128xf32> -> vector<64x128xf32>
    %add3A_47 = arith.addf %get3A_44, %dot_general3A_46 : vector<64x128xf32>
    %swap3A_48 = arith.constant 0 : index
    %swap3A_49 = arith.constant 0 : index
    %swap3A_50 = vector.load %arg7[%swap3A_48, %swap3A_49] : memref<64x128xf32, #tpu.memory_space<vmem>>, vector<64x128xf32>
    tpu.vector_store %arg7[%swap3A_48, %swap3A_49], %add3A_47 {strides = array<i32>} : memref<64x128xf32, #tpu.memory_space<vmem>>, vector<64x128xf32>,
    %reduce_sum3A = arith.constant dense<0.000000e+00> : vector<64xf32>
    %reduce_sum3A_51 = vector.multi_reduction <add>, %convert_element_type3A_33, %reduce_sum3A [0] : vector<1000x64xf32> to vector<64xf32>
    %get3A_52 = arith.constant 0 : index
    %get3A_53 = arith.constant 0 : index
    %get3A_54 = vector.load %arg8[%get3A_52, %get3A_53] : memref<8x64xf32, #tpu.memory_space<vmem>>, vector<8x64xf32>
    %broadcast_in_dim3A_55 = vector.shape_cast %reduce_sum3A_51 : vector<64xf32> to vector<1x64xf32>
    %broadcast_in_dim3A_56 = vector.shape_cast %broadcast_in_dim3A_55 : vector<1x64xf32> to vector<1x64xf32>
    %broadcast_in_dim3A_57 = vector.broadcast %broadcast_in_dim3A_56 : vector<1x64xf32> to vector<8x64xf32>
    %add3A_58 = arith.addf %get3A_54, %broadcast_in_dim3A_57 : vector<8x64xf32>
    %swap3A_59 = arith.constant 0 : index
    %swap3A_60 = arith.constant 0 : index
    %swap3A_61 = vector.load %arg8[%swap3A_59, %swap3A_60] : memref<8x64xf32, #tpu.memory_space<vmem>>, vector<8x64xf32>
    tpu.vector_store %arg8[%swap3A_59, %swap3A_60], %add3A_58 {strides = array<i32>} : memref<8x64xf32, #tpu.memory_space<vmem>>, vector<8x64xf32>,
    return
  }
  func.func @transform_0(%arg0: i32) -> (i32, i32, i32) {
    %c0_i32 = arith.constant 0 : i32
    %c0_i32_0 = arith.constant 0 : i32
    %c0_i32_1 = arith.constant 0 : i32
    return %c0_i32, %arg0, %c0_i32_0 : i32, i32, i32
  }
  func.func @transform_1(%arg0: i32) -> (i32, i32, i32) {
    %c0_i32 = arith.constant 0 : i32
    %c0_i32_0 = arith.constant 0 : i32
    %c0_i32_1 = arith.constant 0 : i32
    return %c0_i32, %arg0, %c0_i32_0 : i32, i32, i32
  }
  func.func @transform_2(%arg0: i32) -> (i32, i32) {
    %c0_i32 = arith.constant 0 : i32
    %c0_i32_0 = arith.constant 0 : i32
    return %arg0, %c0_i32 : i32, i32
  }
  func.func @transform_3(%arg0: i32) -> (i32, i32, i32) {
    %c0_i32 = arith.constant 0 : i32
    %c0_i32_0 = arith.constant 0 : i32
    %c0_i32_1 = arith.constant 0 : i32
    return %arg0, %c0_i32, %c0_i32_0 : i32, i32, i32
  }
  func.func @transform_4(%arg0: i32) -> (i32, i32) {
    %c0_i32 = arith.constant 0 : i32
    %c0_i32_0 = arith.constant 0 : i32
    return %arg0, %c0_i32 : i32, i32
  }
  func.func @transform_5(%arg0: i32) -> (i32, i32) {
    %c0_i32 = arith.constant 0 : i32
    %c0_i32_0 = arith.constant 0 : i32
    %c0_i32_1 = arith.constant 0 : i32
    return %c0_i32, %c0_i32_0 : i32, i32
  }
  func.func @transform_6(%arg0: i32) -> (i32, i32) {
    %c0_i32 = arith.constant 0 : i32
    %c0_i32_0 = arith.constant 0 : i32
    %c0_i32_1 = arith.constant 0 : i32
    return %c0_i32, %c0_i32_0 : i32, i32
  }
  func.func @transform_7(%arg0: i32) -> (i32, i32) {
    %c0_i32 = arith.constant 0 : i32
    %c0_i32_0 = arith.constant 0 : i32
    %c0_i32_1 = arith.constant 0 : i32
    return %c0_i32, %c0_i32_0 : i32, i32
  }
}

module attributes {stable_mosaic.version = 14 : i64} {
  func.func @_edge_body(%arg0: i32, %arg1: memref<2000x128xf32, #tpu.memory_space<vmem>>, %arg2: memref<1x128xf32, #tpu.memory_space<vmem>>, %arg3: memref<128x128xf32, #tpu.memory_space<vmem>>, %arg4: memref<1x128xf32, #tpu.memory_space<vmem>>, %arg5: memref<2000x128xf32, #tpu.memory_space<vmem>>) attributes {dimension_semantics = [#tpu.dimension_semantics<arbitrary>], iteration_bounds = array<i64: 160>, scalar_prefetch = 0 : i64, scratch_operands = 0 : i64, tpu.core_type = #tpu.core_type<tc>, window_params = [{transform_indices = @transform_0, window_bounds = array<i64: 2000, 128>}, {pipeline_mode = #tpu.pipeline_mode<synchronous>, transform_indices = @transform_1, window_bounds = array<i64: 1, 128>}, {pipeline_mode = #tpu.pipeline_mode<synchronous>, transform_indices = @transform_2, window_bounds = array<i64: 128, 128>}, {pipeline_mode = #tpu.pipeline_mode<synchronous>, transform_indices = @transform_3, window_bounds = array<i64: 1, 128>}, {transform_indices = @transform_4, window_bounds = array<i64: 2000, 128>}]} {
    %get3A = arith.constant 0 : index
    %get3A_0 = arith.constant 0 : index
    %get3A_1 = vector.load %arg1[%get3A, %get3A_0] : memref<2000x128xf32, #tpu.memory_space<vmem>>, vector<2000x128xf32>
    %get3A_2 = arith.constant 0 : index
    %get3A_3 = arith.constant 0 : index
    %get3A_4 = vector.load %arg2[%get3A_2, %get3A_3] : memref<1x128xf32, #tpu.memory_space<vmem>>, vector<1x128xf32>
    %add3A = vector.broadcast %get3A_4 : vector<1x128xf32> to vector<2000x128xf32>
    %add3A_5 = arith.addf %get3A_1, %add3A : vector<2000x128xf32>
    %max3A = arith.constant 0.000000e+00 : f32
    %max3A_6 = vector.broadcast %max3A : f32 to vector<2000x128xf32>
    %max3A_7 = arith.maximumf %add3A_5, %max3A_6 : vector<2000x128xf32>
    %get3A_8 = arith.constant 0 : index
    %get3A_9 = arith.constant 0 : index
    %get3A_10 = vector.load %arg3[%get3A_8, %get3A_9] : memref<128x128xf32, #tpu.memory_space<vmem>>, vector<128x128xf32>
    %dot_general3A = arith.constant dense<0.000000e+00> : vector<2000x128xf32>
    %dot_general3A_11 = tpu.matmul %max3A_7, %get3A_10, %dot_general3A {dimension_numbers = #tpu.dot_dimension_numbers<[1], [0], [0], [1], [0, 0, 1, 1], [], []>, transpose_lhs_hint = false} : vector<2000x128xf32>, vector<128x128xf32>, vector<2000x128xf32> -> vector<2000x128xf32>
    %get3A_12 = arith.constant 0 : index
    %get3A_13 = arith.constant 0 : index
    %get3A_14 = vector.load %arg4[%get3A_12, %get3A_13] : memref<1x128xf32, #tpu.memory_space<vmem>>, vector<1x128xf32>
    %add3A_15 = vector.broadcast %get3A_14 : vector<1x128xf32> to vector<2000x128xf32>
    %add3A_16 = arith.addf %dot_general3A_11, %add3A_15 : vector<2000x128xf32>
    %max3A_17 = arith.constant 0.000000e+00 : f32
    %max3A_18 = vector.broadcast %max3A_17 : f32 to vector<2000x128xf32>
    %max3A_19 = arith.maximumf %add3A_16, %max3A_18 : vector<2000x128xf32>
    %swap3A = arith.constant 0 : index
    %swap3A_20 = arith.constant 0 : index
    %swap3A_21 = vector.load %arg5[%swap3A, %swap3A_20] : memref<2000x128xf32, #tpu.memory_space<vmem>>, vector<2000x128xf32>
    tpu.vector_store %arg5[%swap3A, %swap3A_20], %max3A_19 {strides = array<i32>} : memref<2000x128xf32, #tpu.memory_space<vmem>>, vector<2000x128xf32>,
    return
  }
  func.func @transform_0(%arg0: i32) -> (i32, i32) {
    %c0_i32 = arith.constant 0 : i32
    %c0_i32_0 = arith.constant 0 : i32
    return %arg0, %c0_i32 : i32, i32
  }
  func.func @transform_1(%arg0: i32) -> (i32, i32) {
    %c0_i32 = arith.constant 0 : i32
    %c0_i32_0 = arith.constant 0 : i32
    %c0_i32_1 = arith.constant 0 : i32
    return %c0_i32, %c0_i32_0 : i32, i32
  }
  func.func @transform_2(%arg0: i32) -> (i32, i32) {
    %c0_i32 = arith.constant 0 : i32
    %c0_i32_0 = arith.constant 0 : i32
    %c0_i32_1 = arith.constant 0 : i32
    return %c0_i32, %c0_i32_0 : i32, i32
  }
  func.func @transform_3(%arg0: i32) -> (i32, i32) {
    %c0_i32 = arith.constant 0 : i32
    %c0_i32_0 = arith.constant 0 : i32
    %c0_i32_1 = arith.constant 0 : i32
    return %c0_i32, %c0_i32_0 : i32, i32
  }
  func.func @transform_4(%arg0: i32) -> (i32, i32) {
    %c0_i32 = arith.constant 0 : i32
    %c0_i32_0 = arith.constant 0 : i32
    return %arg0, %c0_i32 : i32, i32
  }
}

module attributes {stable_mosaic.version = 14 : i64} {
  func.func @_norm_prep_body(%arg0: i32, %arg1: memref<1000x128xf32, #tpu.memory_space<vmem>>, %arg2: memref<1x1x1000xi32, #tpu.memory_space<vmem>>, %arg3: memref<64x128xf32, #tpu.memory_space<vmem>>, %arg4: memref<64x128xf32, #tpu.memory_space<vmem>>, %arg5: memref<8x64xf32, #tpu.memory_space<vmem>>, %arg6: memref<128x128xf32, #tpu.memory_space<vmem>>, %arg7: memref<128x128xf32, #tpu.memory_space<vmem>>, %arg8: memref<128x128xf32, #tpu.memory_space<vmem>>, %arg9: memref<1x128xf32, #tpu.memory_space<vmem>>, %arg10: memref<1000x128xf32, #tpu.memory_space<vmem>>, %arg11: memref<1000x128xf32, #tpu.memory_space<vmem>>, %arg12: memref<1000x128xf32, #tpu.memory_space<vmem>>) attributes {dimension_semantics = [#tpu.dimension_semantics<arbitrary>], iteration_bounds = array<i64: 10>, scalar_prefetch = 0 : i64, scratch_operands = 0 : i64, tpu.core_type = #tpu.core_type<tc>, window_params = [{transform_indices = @transform_0, window_bounds = array<i64: 1000, 128>}, {transform_indices = @transform_1, window_bounds = array<i64: 1, 1, 1000>}, {pipeline_mode = #tpu.pipeline_mode<synchronous>, transform_indices = @transform_2, window_bounds = array<i64: 64, 128>}, {pipeline_mode = #tpu.pipeline_mode<synchronous>, transform_indices = @transform_3, window_bounds = array<i64: 64, 128>}, {pipeline_mode = #tpu.pipeline_mode<synchronous>, transform_indices = @transform_4, window_bounds = array<i64: 8, 64>}, {pipeline_mode = #tpu.pipeline_mode<synchronous>, transform_indices = @transform_5, window_bounds = array<i64: 128, 128>}, {pipeline_mode = #tpu.pipeline_mode<synchronous>, transform_indices = @transform_6, window_bounds = array<i64: 128, 128>}, {pipeline_mode = #tpu.pipeline_mode<synchronous>, transform_indices = @transform_7, window_bounds = array<i64: 128, 128>}, {pipeline_mode = #tpu.pipeline_mode<synchronous>, transform_indices = @transform_8, window_bounds = array<i64: 1, 128>}, {transform_indices = @transform_9, window_bounds = array<i64: 1000, 128>}, {transform_indices = @transform_10, window_bounds = array<i64: 1000, 128>}, {transform_indices = @transform_11, window_bounds = array<i64: 1000, 128>}]} {
    %get3A = arith.constant 0 : index
    %get3A_0 = arith.constant 0 : index
    %get3A_1 = vector.load %arg5[%get3A, %get3A_0] : memref<8x64xf32, #tpu.memory_space<vmem>>, vector<1x64xf32>
    %get3A_2 = vector.shape_cast %get3A_1 : vector<1x64xf32> to vector<64xf32>
    %max3A = arith.constant 1.000000e+00 : f32
    %max3A_3 = vector.broadcast %max3A : f32 to vector<64xf32>
    %max3A_4 = arith.maximumf %get3A_2, %max3A_3 : vector<64xf32>
    %broadcast_in_dim3A = vector.shape_cast %max3A_4 : vector<64xf32> to vector<64x1xf32>
    %get3A_5 = arith.constant 0 : index
    %get3A_6 = arith.constant 0 : index
    %get3A_7 = vector.load %arg3[%get3A_5, %get3A_6] : memref<64x128xf32, #tpu.memory_space<vmem>>, vector<64x128xf32>
    %div3A = vector.broadcast %broadcast_in_dim3A : vector<64x1xf32> to vector<64x128xf32>
    %div3A_8 = arith.divf %get3A_7, %div3A : vector<64x128xf32>
    %get3A_9 = arith.constant 0 : index
    %get3A_10 = arith.constant 0 : index
    %get3A_11 = vector.load %arg4[%get3A_9, %get3A_10] : memref<64x128xf32, #tpu.memory_space<vmem>>, vector<64x128xf32>
    %div3A_12 = vector.broadcast %broadcast_in_dim3A : vector<64x1xf32> to vector<64x128xf32>
    %div3A_13 = arith.divf %get3A_11, %div3A_12 : vector<64x128xf32>
    %mul3A = arith.mulf %div3A_8, %div3A_8 : vector<64x128xf32>
    %sub3A = arith.subf %div3A_13, %mul3A : vector<64x128xf32>
    %max3A_14 = arith.constant 0.000000e+00 : f32
    %max3A_15 = vector.broadcast %max3A_14 : f32 to vector<64x128xf32>
    %max3A_16 = arith.maximumf %sub3A, %max3A_15 : vector<64x128xf32>
    %get3A_17 = arith.constant 0 : index
    %get3A_18 = arith.constant 0 : index
    %get3A_19 = vector.load %arg1[%get3A_17, %get3A_18] : memref<1000x128xf32, #tpu.memory_space<vmem>>, vector<1000x128xf32>
    %get3A_20 = arith.constant 0 : index
    %get3A_21 = arith.constant 0 : index
    %get3A_22 = arith.constant 0 : index
    %get3A_23 = vector.load %arg2[%get3A_20, %get3A_21, %get3A_22] : memref<1x1x1000xi32, #tpu.memory_space<vmem>>, vector<1x1x1000xi32>
    %get3A_24 = vector.shape_cast %get3A_23 : vector<1x1x1000xi32> to vector<1000xi32>
    %iota3A = tpu.iota {dimensions = array<i32: 1>} : vector<1000x64xi32>
    %broadcast_in_dim3A_25 = vector.shape_cast %get3A_24 : vector<1000xi32> to vector<1000x1xi32>
    %eq3A = vector.broadcast %broadcast_in_dim3A_25 : vector<1000x1xi32> to vector<1000x64xi32>
    %eq3A_26 = arith.cmpi eq, %eq3A, %iota3A : vector<1000x64xi32>
    %convert_element_type3A = arith.extui %eq3A_26 : vector<1000x64xi1> to vector<1000x64xi32>
    %convert_element_type3A_27 = arith.sitofp %convert_element_type3A : vector<1000x64xi32> to vector<1000x64xf32>
    %dot_general3A = arith.constant dense<0.000000e+00> : vector<1000x128xf32>
    %dot_general3A_28 = tpu.matmul %convert_element_type3A_27, %div3A_8, %dot_general3A {dimension_numbers = #tpu.dot_dimension_numbers<[1], [0], [0], [1], [0, 0, 1, 1], [], []>, precision = #tpu.contract_precision<fp32>, transpose_lhs_hint = false} : vector<1000x64xf32>, vector<64x128xf32>, vector<1000x128xf32> -> vector<1000x128xf32>
    %dot_general3A_29 = arith.constant dense<0.000000e+00> : vector<1000x128xf32>
    %dot_general3A_30 = tpu.matmul %convert_element_type3A_27, %max3A_16, %dot_general3A_29 {dimension_numbers = #tpu.dot_dimension_numbers<[1], [0], [0], [1], [0, 0, 1, 1], [], []>, precision = #tpu.contract_precision<fp32>, transpose_lhs_hint = false} : vector<1000x64xf32>, vector<64x128xf32>, vector<1000x128xf32> -> vector<1000x128xf32>
    %sub3A_31 = arith.subf %get3A_19, %dot_general3A_28 : vector<1000x128xf32>
    %add3A = arith.constant 9.99999974E-6 : f32
    %add3A_32 = vector.broadcast %add3A : f32 to vector<1000x128xf32>
    %add3A_33 = arith.addf %dot_general3A_30, %add3A_32 : vector<1000x128xf32>
    %rsqrt3A = math.rsqrt %add3A_33 : vector<1000x128xf32>
    %mul3A_34 = arith.mulf %sub3A_31, %rsqrt3A : vector<1000x128xf32>
    %max3A_35 = arith.constant 0.000000e+00 : f32
    %max3A_36 = vector.broadcast %max3A_35 : f32 to vector<1000x128xf32>
    %max3A_37 = arith.maximumf %mul3A_34, %max3A_36 : vector<1000x128xf32>
    %get3A_38 = arith.constant 0 : index
    %get3A_39 = arith.constant 0 : index
    %get3A_40 = vector.load %arg6[%get3A_38, %get3A_39] : memref<128x128xf32, #tpu.memory_space<vmem>>, vector<128x128xf32>
    %dot_general3A_41 = arith.constant dense<0.000000e+00> : vector<1000x128xf32>
    %dot_general3A_42 = tpu.matmul %max3A_37, %get3A_40, %dot_general3A_41 {dimension_numbers = #tpu.dot_dimension_numbers<[1], [0], [0], [1], [0, 0, 1, 1], [], []>, transpose_lhs_hint = false} : vector<1000x128xf32>, vector<128x128xf32>, vector<1000x128xf32> -> vector<1000x128xf32>
    %swap3A = arith.constant 0 : index
    %swap3A_43 = arith.constant 0 : index
    %swap3A_44 = vector.load %arg10[%swap3A, %swap3A_43] : memref<1000x128xf32, #tpu.memory_space<vmem>>, vector<1000x128xf32>
    tpu.vector_store %arg10[%swap3A, %swap3A_43], %dot_general3A_42 {strides = array<i32>} : memref<1000x128xf32, #tpu.memory_space<vmem>>, vector<1000x128xf32>,
    %get3A_45 = arith.constant 0 : index
    %get3A_46 = arith.constant 0 : index
    %get3A_47 = vector.load %arg7[%get3A_45, %get3A_46] : memref<128x128xf32, #tpu.memory_space<vmem>>, vector<128x128xf32>
    %dot_general3A_48 = arith.constant dense<0.000000e+00> : vector<1000x128xf32>
    %dot_general3A_49 = tpu.matmul %max3A_37, %get3A_47, %dot_general3A_48 {dimension_numbers = #tpu.dot_dimension_numbers<[1], [0], [0], [1], [0, 0, 1, 1], [], []>, transpose_lhs_hint = false} : vector<1000x128xf32>, vector<128x128xf32>, vector<1000x128xf32> -> vector<1000x128xf32>
    %swap3A_50 = arith.constant 0 : index
    %swap3A_51 = arith.constant 0 : index
    %swap3A_52 = vector.load %arg11[%swap3A_50, %swap3A_51] : memref<1000x128xf32, #tpu.memory_space<vmem>>, vector<1000x128xf32>
    tpu.vector_store %arg11[%swap3A_50, %swap3A_51], %dot_general3A_49 {strides = array<i32>} : memref<1000x128xf32, #tpu.memory_space<vmem>>, vector<1000x128xf32>,
    %get3A_53 = arith.constant 0 : index
    %get3A_54 = arith.constant 0 : index
    %get3A_55 = vector.load %arg8[%get3A_53, %get3A_54] : memref<128x128xf32, #tpu.memory_space<vmem>>, vector<128x128xf32>
    %dot_general3A_56 = arith.constant dense<0.000000e+00> : vector<1000x128xf32>
    %dot_general3A_57 = tpu.matmul %max3A_37, %get3A_55, %dot_general3A_56 {dimension_numbers = #tpu.dot_dimension_numbers<[1], [0], [0], [1], [0, 0, 1, 1], [], []>, transpose_lhs_hint = false} : vector<1000x128xf32>, vector<128x128xf32>, vector<1000x128xf32> -> vector<1000x128xf32>
    %get3A_58 = arith.constant 0 : index
    %get3A_59 = arith.constant 0 : index
    %get3A_60 = vector.load %arg9[%get3A_58, %get3A_59] : memref<1x128xf32, #tpu.memory_space<vmem>>, vector<1x128xf32>
    %add3A_61 = vector.broadcast %get3A_60 : vector<1x128xf32> to vector<1000x128xf32>
    %add3A_62 = arith.addf %dot_general3A_57, %add3A_61 : vector<1000x128xf32>
    %swap3A_63 = arith.constant 0 : index
    %swap3A_64 = arith.constant 0 : index
    %swap3A_65 = vector.load %arg12[%swap3A_63, %swap3A_64] : memref<1000x128xf32, #tpu.memory_space<vmem>>, vector<1000x128xf32>
    tpu.vector_store %arg12[%swap3A_63, %swap3A_64], %add3A_62 {strides = array<i32>} : memref<1000x128xf32, #tpu.memory_space<vmem>>, vector<1000x128xf32>,
    return
  }
  func.func @transform_0(%arg0: i32) -> (i32, i32) {
    %c0_i32 = arith.constant 0 : i32
    %c0_i32_0 = arith.constant 0 : i32
    return %arg0, %c0_i32 : i32, i32
  }
  func.func @transform_1(%arg0: i32) -> (i32, i32, i32) {
    %c0_i32 = arith.constant 0 : i32
    %c0_i32_0 = arith.constant 0 : i32
    %c0_i32_1 = arith.constant 0 : i32
    return %arg0, %c0_i32, %c0_i32_0 : i32, i32, i32
  }
  func.func @transform_2(%arg0: i32) -> (i32, i32) {
    %c0_i32 = arith.constant 0 : i32
    %c0_i32_0 = arith.constant 0 : i32
    %c0_i32_1 = arith.constant 0 : i32
    return %c0_i32, %c0_i32_0 : i32, i32
  }
  func.func @transform_3(%arg0: i32) -> (i32, i32) {
    %c0_i32 = arith.constant 0 : i32
    %c0_i32_0 = arith.constant 0 : i32
    %c0_i32_1 = arith.constant 0 : i32
    return %c0_i32, %c0_i32_0 : i32, i32
  }
  func.func @transform_4(%arg0: i32) -> (i32, i32) {
    %c0_i32 = arith.constant 0 : i32
    %c0_i32_0 = arith.constant 0 : i32
    %c0_i32_1 = arith.constant 0 : i32
    return %c0_i32, %c0_i32_0 : i32, i32
  }
  func.func @transform_5(%arg0: i32) -> (i32, i32) {
    %c0_i32 = arith.constant 0 : i32
    %c0_i32_0 = arith.constant 0 : i32
    %c0_i32_1 = arith.constant 0 : i32
    return %c0_i32, %c0_i32_0 : i32, i32
  }
  func.func @transform_6(%arg0: i32) -> (i32, i32) {
    %c0_i32 = arith.constant 0 : i32
    %c0_i32_0 = arith.constant 0 : i32
    %c0_i32_1 = arith.constant 0 : i32
    return %c0_i32, %c0_i32_0 : i32, i32
  }
  func.func @transform_7(%arg0: i32) -> (i32, i32) {
    %c0_i32 = arith.constant 0 : i32
    %c0_i32_0 = arith.constant 0 : i32
    %c0_i32_1 = arith.constant 0 : i32
    return %c0_i32, %c0_i32_0 : i32, i32
  }
  func.func @transform_8(%arg0: i32) -> (i32, i32) {
    %c0_i32 = arith.constant 0 : i32
    %c0_i32_0 = arith.constant 0 : i32
    %c0_i32_1 = arith.constant 0 : i32
    return %c0_i32, %c0_i32_0 : i32, i32
  }
  func.func @transform_9(%arg0: i32) -> (i32, i32) {
    %c0_i32 = arith.constant 0 : i32
    %c0_i32_0 = arith.constant 0 : i32
    return %arg0, %c0_i32 : i32, i32
  }
  func.func @transform_10(%arg0: i32) -> (i32, i32) {
    %c0_i32 = arith.constant 0 : i32
    %c0_i32_0 = arith.constant 0 : i32
    return %arg0, %c0_i32 : i32, i32
  }
  func.func @transform_11(%arg0: i32) -> (i32, i32) {
    %c0_i32 = arith.constant 0 : i32
    %c0_i32_0 = arith.constant 0 : i32
    return %arg0, %c0_i32 : i32, i32
  }
}

module attributes {stable_mosaic.version = 14 : i64} {
  func.func @_norm_pool_body(%arg0: i32, %arg1: memref<1000x128xf32, #tpu.memory_space<vmem>>, %arg2: memref<1x1x1000xi32, #tpu.memory_space<vmem>>, %arg3: memref<64x128xf32, #tpu.memory_space<vmem>>, %arg4: memref<64x128xf32, #tpu.memory_space<vmem>>, %arg5: memref<8x64xf32, #tpu.memory_space<vmem>>, %arg6: memref<64x128xf32, #tpu.memory_space<vmem>>) attributes {dimension_semantics = [#tpu.dimension_semantics<arbitrary>], iteration_bounds = array<i64: 10>, scalar_prefetch = 0 : i64, scratch_operands = 0 : i64, tpu.core_type = #tpu.core_type<tc>, window_params = [{transform_indices = @transform_0, window_bounds = array<i64: 1000, 128>}, {transform_indices = @transform_1, window_bounds = array<i64: 1, 1, 1000>}, {pipeline_mode = #tpu.pipeline_mode<synchronous>, transform_indices = @transform_2, window_bounds = array<i64: 64, 128>}, {pipeline_mode = #tpu.pipeline_mode<synchronous>, transform_indices = @transform_3, window_bounds = array<i64: 64, 128>}, {pipeline_mode = #tpu.pipeline_mode<synchronous>, transform_indices = @transform_4, window_bounds = array<i64: 8, 64>}, {pipeline_mode = #tpu.pipeline_mode<synchronous>, transform_indices = @transform_5, window_bounds = array<i64: 64, 128>}]} {
    %eq3A = arith.constant 0 : i32
    %eq3A_0 = arith.cmpi eq, %arg0, %eq3A : i32
    %convert_element_type3A = arith.extui %eq3A_0 : i1 to i32
    %cond3A = arith.constant 0 : i32
    %cond3A_1 = arith.cmpi ne, %convert_element_type3A, %cond3A : i32
    scf.if %cond3A_1 {
      %broadcast_in_dim3A_50 = arith.constant 0.000000e+00 : f32
      %broadcast_in_dim3A_51 = vector.broadcast %broadcast_in_dim3A_50 : f32 to vector<64x128xf32>
      %swap3A_52 = arith.constant 0 : index
      %swap3A_53 = arith.constant 0 : index
      %swap3A_54 = vector.load %arg6[%swap3A_52, %swap3A_53] : memref<64x128xf32, #tpu.memory_space<vmem>>, vector<64x128xf32>
      tpu.vector_store %arg6[%swap3A_52, %swap3A_53], %broadcast_in_dim3A_51 {strides = array<i32>} : memref<64x128xf32, #tpu.memory_space<vmem>>, vector<64x128xf32>,
    } else {
    }
    %get3A = arith.constant 0 : index
    %get3A_2 = arith.constant 0 : index
    %get3A_3 = vector.load %arg5[%get3A, %get3A_2] : memref<8x64xf32, #tpu.memory_space<vmem>>, vector<1x64xf32>
    %get3A_4 = vector.shape_cast %get3A_3 : vector<1x64xf32> to vector<64xf32>
    %max3A = arith.constant 1.000000e+00 : f32
    %max3A_5 = vector.broadcast %max3A : f32 to vector<64xf32>
    %max3A_6 = arith.maximumf %get3A_4, %max3A_5 : vector<64xf32>
    %broadcast_in_dim3A = vector.shape_cast %max3A_6 : vector<64xf32> to vector<64x1xf32>
    %get3A_7 = arith.constant 0 : index
    %get3A_8 = arith.constant 0 : index
    %get3A_9 = vector.load %arg3[%get3A_7, %get3A_8] : memref<64x128xf32, #tpu.memory_space<vmem>>, vector<64x128xf32>
    %div3A = vector.broadcast %broadcast_in_dim3A : vector<64x1xf32> to vector<64x128xf32>
    %div3A_10 = arith.divf %get3A_9, %div3A : vector<64x128xf32>
    %get3A_11 = arith.constant 0 : index
    %get3A_12 = arith.constant 0 : index
    %get3A_13 = vector.load %arg4[%get3A_11, %get3A_12] : memref<64x128xf32, #tpu.memory_space<vmem>>, vector<64x128xf32>
    %div3A_14 = vector.broadcast %broadcast_in_dim3A : vector<64x1xf32> to vector<64x128xf32>
    %div3A_15 = arith.divf %get3A_13, %div3A_14 : vector<64x128xf32>
    %mul3A = arith.mulf %div3A_10, %div3A_10 : vector<64x128xf32>
    %sub3A = arith.subf %div3A_15, %mul3A : vector<64x128xf32>
    %max3A_16 = arith.constant 0.000000e+00 : f32
    %max3A_17 = vector.broadcast %max3A_16 : f32 to vector<64x128xf32>
    %max3A_18 = arith.maximumf %sub3A, %max3A_17 : vector<64x128xf32>
    %get3A_19 = arith.constant 0 : index
    %get3A_20 = arith.constant 0 : index
    %get3A_21 = vector.load %arg1[%get3A_19, %get3A_20] : memref<1000x128xf32, #tpu.memory_space<vmem>>, vector<1000x128xf32>
    %get3A_22 = arith.constant 0 : index
    %get3A_23 = arith.constant 0 : index
    %get3A_24 = arith.constant 0 : index
    %get3A_25 = vector.load %arg2[%get3A_22, %get3A_23, %get3A_24] : memref<1x1x1000xi32, #tpu.memory_space<vmem>>, vector<1x1x1000xi32>
    %get3A_26 = vector.shape_cast %get3A_25 : vector<1x1x1000xi32> to vector<1000xi32>
    %iota3A = tpu.iota {dimensions = array<i32: 1>} : vector<1000x64xi32>
    %broadcast_in_dim3A_27 = vector.shape_cast %get3A_26 : vector<1000xi32> to vector<1000x1xi32>
    %eq3A_28 = vector.broadcast %broadcast_in_dim3A_27 : vector<1000x1xi32> to vector<1000x64xi32>
    %eq3A_29 = arith.cmpi eq, %eq3A_28, %iota3A : vector<1000x64xi32>
    %convert_element_type3A_30 = arith.extui %eq3A_29 : vector<1000x64xi1> to vector<1000x64xi32>
    %convert_element_type3A_31 = arith.sitofp %convert_element_type3A_30 : vector<1000x64xi32> to vector<1000x64xf32>
    %dot_general3A = arith.constant dense<0.000000e+00> : vector<1000x128xf32>
    %dot_general3A_32 = tpu.matmul %convert_element_type3A_31, %div3A_10, %dot_general3A {dimension_numbers = #tpu.dot_dimension_numbers<[1], [0], [0], [1], [0, 0, 1, 1], [], []>, precision = #tpu.contract_precision<fp32>, transpose_lhs_hint = false} : vector<1000x64xf32>, vector<64x128xf32>, vector<1000x128xf32> -> vector<1000x128xf32>
    %dot_general3A_33 = arith.constant dense<0.000000e+00> : vector<1000x128xf32>
    %dot_general3A_34 = tpu.matmul %convert_element_type3A_31, %max3A_18, %dot_general3A_33 {dimension_numbers = #tpu.dot_dimension_numbers<[1], [0], [0], [1], [0, 0, 1, 1], [], []>, precision = #tpu.contract_precision<fp32>, transpose_lhs_hint = false} : vector<1000x64xf32>, vector<64x128xf32>, vector<1000x128xf32> -> vector<1000x128xf32>
    %sub3A_35 = arith.subf %get3A_21, %dot_general3A_32 : vector<1000x128xf32>
    %add3A = arith.constant 9.99999974E-6 : f32
    %add3A_36 = vector.broadcast %add3A : f32 to vector<1000x128xf32>
    %add3A_37 = arith.addf %dot_general3A_34, %add3A_36 : vector<1000x128xf32>
    %rsqrt3A = math.rsqrt %add3A_37 : vector<1000x128xf32>
    %mul3A_38 = arith.mulf %sub3A_35, %rsqrt3A : vector<1000x128xf32>
    %max3A_39 = arith.constant 0.000000e+00 : f32
    %max3A_40 = vector.broadcast %max3A_39 : f32 to vector<1000x128xf32>
    %max3A_41 = arith.maximumf %mul3A_38, %max3A_40 : vector<1000x128xf32>
    %get3A_42 = arith.constant 0 : index
    %get3A_43 = arith.constant 0 : index
    %get3A_44 = vector.load %arg6[%get3A_42, %get3A_43] : memref<64x128xf32, #tpu.memory_space<vmem>>, vector<64x128xf32>
    %dot_general3A_45 = arith.constant dense<0.000000e+00> : vector<64x128xf32>
    %dot_general3A_46 = tpu.matmul %convert_element_type3A_31, %max3A_41, %dot_general3A_45 {dimension_numbers = #tpu.dot_dimension_numbers<[0], [0], [1], [1], [0, 1, 1, 1], [], []>, precision = #tpu.contract_precision<fp32>, transpose_lhs_hint = false} : vector<1000x64xf32>, vector<1000x128xf32>, vector<64x128xf32> -> vector<64x128xf32>
    %add3A_47 = arith.addf %get3A_44, %dot_general3A_46 : vector<64x128xf32>
    %swap3A = arith.constant 0 : index
    %swap3A_48 = arith.constant 0 : index
    %swap3A_49 = vector.load %arg6[%swap3A, %swap3A_48] : memref<64x128xf32, #tpu.memory_space<vmem>>, vector<64x128xf32>
    tpu.vector_store %arg6[%swap3A, %swap3A_48], %add3A_47 {strides = array<i32>} : memref<64x128xf32, #tpu.memory_space<vmem>>, vector<64x128xf32>,
    return
  }
  func.func @transform_0(%arg0: i32) -> (i32, i32) {
    %c0_i32 = arith.constant 0 : i32
    %c0_i32_0 = arith.constant 0 : i32
    return %arg0, %c0_i32 : i32, i32
  }
  func.func @transform_1(%arg0: i32) -> (i32, i32, i32) {
    %c0_i32 = arith.constant 0 : i32
    %c0_i32_0 = arith.constant 0 : i32
    %c0_i32_1 = arith.constant 0 : i32
    return %arg0, %c0_i32, %c0_i32_0 : i32, i32, i32
  }
  func.func @transform_2(%arg0: i32) -> (i32, i32) {
    %c0_i32 = arith.constant 0 : i32
    %c0_i32_0 = arith.constant 0 : i32
    %c0_i32_1 = arith.constant 0 : i32
    return %c0_i32, %c0_i32_0 : i32, i32
  }
  func.func @transform_3(%arg0: i32) -> (i32, i32) {
    %c0_i32 = arith.constant 0 : i32
    %c0_i32_0 = arith.constant 0 : i32
    %c0_i32_1 = arith.constant 0 : i32
    return %c0_i32, %c0_i32_0 : i32, i32
  }
  func.func @transform_4(%arg0: i32) -> (i32, i32) {
    %c0_i32 = arith.constant 0 : i32
    %c0_i32_0 = arith.constant 0 : i32
    %c0_i32_1 = arith.constant 0 : i32
    return %c0_i32, %c0_i32_0 : i32, i32
  }
  func.func @transform_5(%arg0: i32) -> (i32, i32) {
    %c0_i32 = arith.constant 0 : i32
    %c0_i32_0 = arith.constant 0 : i32
    %c0_i32_1 = arith.constant 0 : i32
    return %c0_i32, %c0_i32_0 : i32, i32
  }
}

module attributes {stable_mosaic.version = 14 : i64} {
  func.func @_final_body(%arg0: memref<64x128xf32, #tpu.memory_space<vmem>>, %arg1: memref<8x64xf32, #tpu.memory_space<vmem>>, %arg2: memref<128x256xf32, #tpu.memory_space<vmem>>, %arg3: memref<1x256xf32, #tpu.memory_space<vmem>>, %arg4: memref<256x2xf32, #tpu.memory_space<vmem>>, %arg5: memref<1x2xf32, #tpu.memory_space<vmem>>, %arg6: memref<64x2xf32, #tpu.memory_space<vmem>>) attributes {dimension_semantics = [], scalar_prefetch = 0 : i64, scratch_operands = 0 : i64, tpu.core_type = #tpu.core_type<tc>} {
    %get3A = arith.constant 0 : index
    %get3A_0 = arith.constant 0 : index
    %get3A_1 = vector.load %arg1[%get3A, %get3A_0] : memref<8x64xf32, #tpu.memory_space<vmem>>, vector<1x64xf32>
    %get3A_2 = vector.shape_cast %get3A_1 : vector<1x64xf32> to vector<64xf32>
    %max3A = arith.constant 1.000000e+00 : f32
    %max3A_3 = vector.broadcast %max3A : f32 to vector<64xf32>
    %max3A_4 = arith.maximumf %get3A_2, %max3A_3 : vector<64xf32>
    %broadcast_in_dim3A = vector.shape_cast %max3A_4 : vector<64xf32> to vector<64x1xf32>
    %get3A_5 = arith.constant 0 : index
    %get3A_6 = arith.constant 0 : index
    %get3A_7 = vector.load %arg0[%get3A_5, %get3A_6] : memref<64x128xf32, #tpu.memory_space<vmem>>, vector<64x128xf32>
    %div3A = vector.broadcast %broadcast_in_dim3A : vector<64x1xf32> to vector<64x128xf32>
    %div3A_8 = arith.divf %get3A_7, %div3A : vector<64x128xf32>
    %get3A_9 = arith.constant 0 : index
    %get3A_10 = arith.constant 0 : index
    %get3A_11 = vector.load %arg2[%get3A_9, %get3A_10] : memref<128x256xf32, #tpu.memory_space<vmem>>, vector<128x256xf32>
    %dot_general3A = arith.constant dense<0.000000e+00> : vector<64x256xf32>
    %dot_general3A_12 = tpu.matmul %div3A_8, %get3A_11, %dot_general3A {dimension_numbers = #tpu.dot_dimension_numbers<[1], [0], [0], [1], [0, 0, 1, 1], [], []>, transpose_lhs_hint = false} : vector<64x128xf32>, vector<128x256xf32>, vector<64x256xf32> -> vector<64x256xf32>
    %get3A_13 = arith.constant 0 : index
    %get3A_14 = arith.constant 0 : index
    %get3A_15 = vector.load %arg3[%get3A_13, %get3A_14] : memref<1x256xf32, #tpu.memory_space<vmem>>, vector<1x256xf32>
    %add3A = vector.broadcast %get3A_15 : vector<1x256xf32> to vector<64x256xf32>
    %add3A_16 = arith.addf %dot_general3A_12, %add3A : vector<64x256xf32>
    %max3A_17 = arith.constant 0.000000e+00 : f32
    %max3A_18 = vector.broadcast %max3A_17 : f32 to vector<64x256xf32>
    %max3A_19 = arith.maximumf %add3A_16, %max3A_18 : vector<64x256xf32>
    %get3A_20 = arith.constant 0 : index
    %get3A_21 = arith.constant 0 : index
    %get3A_22 = vector.load %arg4[%get3A_20, %get3A_21] : memref<256x2xf32, #tpu.memory_space<vmem>>, vector<256x2xf32>
    %dot_general3A_23 = arith.constant dense<0.000000e+00> : vector<64x2xf32>
    %dot_general3A_24 = tpu.matmul %max3A_19, %get3A_22, %dot_general3A_23 {dimension_numbers = #tpu.dot_dimension_numbers<[1], [0], [0], [1], [0, 0, 1, 1], [], []>, transpose_lhs_hint = false} : vector<64x256xf32>, vector<256x2xf32>, vector<64x2xf32> -> vector<64x2xf32>
    %get3A_25 = arith.constant 0 : index
    %get3A_26 = arith.constant 0 : index
    %get3A_27 = vector.load %arg5[%get3A_25, %get3A_26] : memref<1x2xf32, #tpu.memory_space<vmem>>, vector<1x2xf32>
    %add3A_28 = vector.broadcast %get3A_27 : vector<1x2xf32> to vector<64x2xf32>
    %add3A_29 = arith.addf %dot_general3A_24, %add3A_28 : vector<64x2xf32>
    %swap3A = arith.constant 0 : index
    %swap3A_30 = arith.constant 0 : index
    %swap3A_31 = vector.load %arg6[%swap3A, %swap3A_30] : memref<64x2xf32, #tpu.memory_space<vmem>>, vector<64x2xf32>
    tpu.vector_store %arg6[%swap3A, %swap3A_30], %add3A_29 {strides = array<i32>} : memref<64x2xf32, #tpu.memory_space<vmem>>, vector<64x2xf32>,
    return
  }
}

</mosaic_0001>

<sc_bundles>
// kernel: kernel.15.cloned.1.call-start
scs
__scs_entry_jumppad:
0x0: {  	(pc) =	sbr.rel $0x88, $3  }
0x1: {  	(tag) =	ssettag $0x0;
	lr =	simm.s32 $0x1  }
0x2: {  	[smem:$0x3F8E] =	sst lr;
	_ =	strace $0xD0000000  }
0x3: {  	_ = 	snop  }
0x4: {  	_ = 	snop  }
0x5: {  	_ = 	snop  }
0x6: {  	_ = 	snop  }
0x7: {  	_ = 	snop  }
__scs_overlays_trampoline_lowered:
0x8: {  	[smem:$0x3F9D] =	sst s0  }
0x9: {  	[smem:$0x3F9E] =	sst s1  }
0xa: {  	[smem:$0x3F9F] =	sst s2  }
0xb: {  	[smem:$0x3FA0] =	sst s3  }
0xc: {  	[smem:$0x3FA1] =	sst s4  }
0xd: {  	[smem:$0x3FA2] =	sst s5  }
0xe: {  	[smem:$0x3FA3] =	sst s6  }
0xf: {  	[smem:$0x3FA4] =	sst s7  }
0x10: {  	[smem:$0x3FA5] =	sst s8  }
0x11: {  	[smem:$0x3FA6] =	sst s9;
	s0 =	simm.s32 @!p0 $0x0  }
0x12: {  	s1 =	sld [smem:$0x3F8C];
	s0 =	simm.s32 @p0 $0x1  }
0x13: {  	[smem:$0x3FA7] =	sst s0;
	s0 =	simm.s32 @!p1 $0x0  }
0x14: {  	s2 =	sld [smem:$0x3F8B];
	s0 =	simm.s32 @p1 $0x1  }
0x15: {  	[smem:$0x3FA8] =	sst s0;
	s0 =	simm.s32 @!p2 $0x0  }
0x16: {  	s3 =	sld [smem:$0x3FDB];
	s0 =	simm.s32 @p2 $0x1  }
0x17: {  	s4 =	simm.s32 $0x1BF5;
	[smem:$0x3FAA] =	sst s0  }
0x18: {  	s0 =	sld [smem:$0x3F8D];
	_ =	swait.ge [sflag:s4], $0x0  }
0x19: {  	s7 =	sld [smem:$0x3F8E]  }
0x1a: {  	s8 =	sadd.s32 $0xFFFFE003, lr  }
0x1b: {  	s9 =	sadd.s32 $0xFFFFFEF7, lr;
	s5 =	simm.s32 $0xFFFFFFFF;
	p2 =	slt.u32 s8, $0xFFFFF086  }
0x1c: {  	p1 =	slt.u32 s9, $0xF7A;
	s5 =	simm.s32 @!p2 $0x0  }
0x1d: {  	s5 =	simm.s32 @p1 $0x1;
	p0 =	seq.s32 s7, s2  }
0x1e: {  	s7 =	smul.u32 @!p0 $0xF7A, s2;
	p2 =	seq.s32 @!p0 s5, $0x0  }
0x1f: {  	s9 =	smul.u32 $0xF7A, s1;
	s8 =	simm.s32 @!p0 $0x1BF5;
	p2 =	por !p2, p0  }
0x20: {  	[sflag:s8] =	ssyncset.s32 @!p0 $0xFFFFF086;
	s6 =	sadd.s32 @!p0 s3, s7;
	s7 =	simm.s32 @!p0 $0x108  }
0x21: {  	s3 =	sadd.s32 s3, s9;
	s6 =	sadd.s32 @!p0 $0x88, s6;
	s7 =	simm.s32 @p2 $0x1082  }
0x22: {  	[simem:s7], [sflag:s8] =	dma.local @!p0 [hbm:s6], $0xF7A  }
0x23: {  	s9 =	sor.u32 $0xD0000000, s2;
	s6 =	simm.s32 $0x108;
	_ =	swait.ge @!p0 [sflag:s8], $0x0  }
0x24: {  	s3 =	sadd.s32 $0x88, s3;
	s6 =	simm.s32 @!p1 $0x1082;
	[sflag:s4] =	ssyncset.s32 $0xFFFFF086  }
0x25: {  	[simem:s6], [sflag:s4] =	dma.local [hbm:s3], $0xF7A  }
0x26: {  	[smem:$0x3F8E] =	sst s1;
	(tag) =	ssettag s2;
	_ =	strace s9  }
0x27: {  	s1 =	sld [smem:$0x3F9E]  }
0x28: {  	s2 =	sld [smem:$0x3F9F]  }
0x29: {  	s4 =	sld [smem:$0x3FA1]  }
0x2a: {  	p0 =	seq.s32 s5, $0x0;
	s5 =	sld [smem:$0x3FA2]  }
0x2b: {  	s6 =	sld [smem:$0x3FA3]  }
0x2c: {  	s7 =	sld [smem:$0x3FA4]  }
0x2d: {  	s3 =	simm.s32 $0x108;
	s8 =	sld [smem:$0x3FA5]  }
0x2e: {  	s3 =	simm.s32 @!p0 $0x1082;
	s9 =	sld [smem:$0x3FA6]  }
0x2f: {  	lr =	sadd.s32 s0, s3;
	s0 =	sld [smem:$0x3F9D]  }
0x30: {  	s3 =	sld [smem:$0x3FA0]  }
0x31: {  	[smem:$0x3FA9] =	sst s10  }
0x32: {  	s10 =	sld [smem:$0x3FA7];
	_ =	sdelay $0x3  }
0x33: {  	p0 =	seq.s32 s10, $0x1;
	s10 =	sld [smem:$0x3FA9];
	_ =	sdelay $0x3  }
0x34: {  	[smem:$0x3FA9] =	sst s10  }
0x35: {  	s10 =	sld [smem:$0x3FA8];
	_ =	sdelay $0x3  }
0x36: {  	p1 =	seq.s32 s10, $0x1;
	s10 =	sld [smem:$0x3FA9];
	_ =	sdelay $0x3  }
0x37: {  	[smem:$0x3FA9] =	sst s10  }
0x38: {  	s10 =	sld [smem:$0x3FAA]  }
0x39: {  	_ = 	snop;
	(pc) =	sbr.ind lr, $3  }
0x3a: {  	_ = 	snop  }
0x3b: {  	_ = 	snop  }
0x3c: {  	p2 =	seq.s32 s10, $0x1;
	s10 =	sld [smem:$0x3FA9]  }
0x3d: {  	_ =	shalt  }
0x3e: {  	_ =	shalt  }
0x3f: {  	_ =	shalt  }
0x40: {  	_ =	shalt  }
0x41: {  	_ =	shalt  }
0x42: {  	_ =	shalt  }
0x43: {  	_ =	shalt  }
0x44: {  	_ =	shalt  }
0x45: {  	_ =	shalt  }
0x46: {  	_ =	shalt  }
0x47: {  	_ =	shalt  }
0x48: {  	_ =	shalt  }
0x49: {  	_ =	shalt  }
0x4a: {  	_ =	shalt  }
0x4b: {  	_ =	shalt  }
0x4c: {  	_ =	shalt  }
0x4d: {  	_ =	shalt  }
0x4e: {  	_ =	shalt  }
0x4f: {  	_ =	shalt  }
0x50: {  	_ =	shalt  }
0x51: {  	_ =	shalt  }
0x52: {  	_ =	shalt  }
0x53: {  	_ =	shalt  }
0x54: {  	_ =	shalt  }
0x55: {  	_ =	shalt  }
0x56: {  	_ =	shalt  }
0x57: {  	_ =	shalt  }
0x58: {  	_ =	shalt  }
0x59: {  	_ =	shalt  }
0x5a: {  	_ =	shalt  }
0x5b: {  	_ =	shalt  }
0x5c: {  	_ =	shalt  }
0x5d: {  	_ =	shalt  }
0x5e: {  	_ =	shalt  }
0x5f: {  	_ =	shalt  }
0x60: {  	_ =	shalt  }
0x61: {  	_ =	shalt  }
0x62: {  	_ =	shalt  }
0x63: {  	_ =	shalt  }
0x64: {  	_ =	shalt  }
0x65: {  	_ =	shalt  }
0x66: {  	_ =	shalt  }
0x67: {  	_ =	shalt  }
0x68: {  	_ =	shalt  }
0x69: {  	_ =	shalt  }
0x6a: {  	_ =	shalt  }
0x6b: {  	_ =	shalt  }
0x6c: {  	_ =	shalt  }
0x6d: {  	_ =	shalt  }
0x6e: {  	_ =	shalt  }
0x6f: {  	_ =	shalt  }
0x70: {  	_ =	shalt  }
0x71: {  	_ =	shalt  }
0x72: {  	_ =	shalt  }
0x73: {  	_ =	shalt  }
0x74: {  	_ =	shalt  }
0x75: {  	_ =	shalt  }
0x76: {  	_ =	shalt  }
0x77: {  	_ =	shalt  }
0x78: {  	_ =	shalt  }
0x79: {  	_ =	shalt  }
0x7a: {  	_ =	shalt  }
0x7b: {  	_ =	shalt  }
0x7c: {  	_ =	shalt  }
0x7d: {  	_ =	shalt  }
0x7e: {  	_ =	shalt  }
0x7f: {  	_ =	shalt  }
0x80: {  	_ =	shalt  }
0x81: {  	_ =	shalt  }
0x82: {  	_ =	shalt  }
0x83: {  	_ =	shalt  }
0x84: {  	_ =	shalt  }
0x85: {  	_ =	shalt  }
0x86: {  	_ =	shalt  }
0x87: {  	_ =	shalt  }
.Lfunc_end0:
.L_simem_size_0:
called_computation_lowered:
.L_overlay_start_0:
0x88: {  	s2 =	sld [smem:$0x3FD9]  }
0x89: {  	s3 =	sld [smem:$0x3FFE];
	_ =	sdelay $0x1  }
0x8a: {  	s1 =	srdreg.scid  }
0x8b: {  	s0 =	sand.u32 $0x1, s1  }
0x8c: {  	s16 =	sshll.u32 s0, $0xA;
	s2 =	sadd.s32 s3, s2  }
0x8d: {  	s2 =	sadd.s32 s2, s16  }
0x8e: {  	[smem:$0x3FB5] =	sst s2  }
0x8f: {  	_ = 	snop  }
0x90: {  	(tm) =	ssettm $0x1  }
0x91: {  	s17 =	sld [smem:$0x3FFB];
	_ =	sdelay $0x3  }
0x92: {  	_ =	strace s17  }
0x93: {  	s2 =	sld [smem:$0x3FFC];
	_ =	sdelay $0x3  }
0x94: {  	_ =	strace s2  }
0x95: {  	s2 =	sld [smem:$0x3FFD];
	_ =	sdelay $0x3  }
0x96: {  	_ =	strace s2  }
0x97: {  	_ =	strace $0x8FFFFFFF  }
0x98: {  	s18 =	sld [smem:$0x3FDB];
	_ =	sdelay $0x1  }
0x99: {  	s19 =	simm.s32 $_scs_section_size  }
0x9a: {  	s4 =	simm.s32 $_size__tile_overlayer_lowered;
	s5 =	simm.s32 $_tile_overlayer_lowered  }
0x9b: {  	s22 =	simm.s32 $0x1BFF;
	s21 =	sshll.u32 s5, $0x1;
	s2 =	sadd.s32 s19, s18  }
0x9c: {  	s6 =	simm.s32 $0x0;
	s20 =	sshll.u32 s4, $0x1;
	s4 =	sadd.s32 s21, s2  }
0x9d: {  	[timem:s6], [sflag:s22] =	dma.local [hbm:s4], s20  }
0x9e: {  	_ =	swait.ge [sflag:s22], s20  }
0x9f: {  	s3 =	ssub.s32 $0x0, s20;
	[sflag:s22] =	ssyncset.done $0x0  }
0xa0: {  	[sflag:s22] =	ssyncadd.s32 s3;
	_ =	sdelay $0x1  }
0xa1: {  	s23 =	simm.s32 $0x1B8B  }
0xa2: {  	_ =	swait.ge [sflag:s23], $0x1  }
0xa3: {  	[sflag:s23] =	ssyncset.done $0x0  }
0xa4: {  	s25 =	simm.s32 $0x1B8E;
	s24 =	sld [smem:$0x3FFE];
	[sflag:s23] =	ssyncadd.s32 $0xFFFFFFFF  }
0xa5: {  	s26 =	simm.s32 $execute0_lowered;
	[smem:$0x3FD2] =	sst s25  }
0xa6: {  	s4 =	sshll.u32 s26, $0x1;
	_ =	strace $0x80000046;
	[dreg:$0x1] =	wrdreg $0xFFFFFFFF  }
0xa7: {  	s28 =	simm.s32 $_size_execute0_lowered;
	s2 =	sadd.s32 s2, s4;
	[dreg:$0x0] =	wrdreg $0x0  }
0xa8: {  	s4 =	sshll.u32 s28, $0x1;
	[dreg:$0x2] =	wrdreg s2  }
0xa9: {  	[dreg:$0x3] =	wrdreg s4  }
0xaa: {  	[dreg:$0x4] =	wrdreg $0xC0  }
0xab: {  	_ =	task [dreg:s6], $0x5FFFF  }
0xac: {  	[dreg:$0x1] =	wrdreg $0xFFFFFFFF  }
0xad: {  	[dreg:$0x0] =	wrdreg $0x60  }
0xae: {  	[dreg:$0x2] =	wrdreg s24  }
0xaf: {  	[dreg:$0x3] =	wrdreg $0xA  }
0xb0: {  	_ =	task.clear_ibuf [dreg:s6], $0x4FFFF;
	_ =	strace $0x90000046  }
0xb1: {  	s29 =	simm.s32 $0xA;
	_ =	strace $0x80000048  }
0xb2: {  	_ =	swait.ge [sflag:s29], $0x1  }
0xb3: {  	[sflag:s29] =	ssyncadd.s32 $0xFFFFFFFF  }
0xb4: {  	_ =	strace $0x90000048  }
0xb5: {  	_ =	sfence  }
0xb6: {  	s30 =	sld [smem:$0x0];
	_ =	sdelay $0x2  }
0xb7: {  	s31 =	sshll.u32 s1, $0xD;
	s1 =	sshrl.u32 s1, $0x2  }
0xb8: {  	s3 =	sand.u32 $0x4000, s31;
	s1 =	sadd.s32 s1, s30  }
0xb9: {  	s0 =	sor.u32 s3, s0;
	s1 =	sshll.u32 s1, $0x11  }
0xba: {  	s0 =	sor.u32 s1, s0  }
0xbb: {  	s0 =	sadd.s32 $0x8F2B, s0  }
0xbc: {  	[sflag:s0] =	ssyncadd.remote.s32 $0x1  }
0xbd: {  	_ =	sfence.sel $0xFFFF  }
0xbe: {  	[dreg:$0x0] =	wrdreg $0xFFFFFFFF;
	(pc) =	sbr.abs _section_cstart, $3  }
0xbf: {  	[dreg:$0x1] =	wrdreg $0xFFFFFFFF  }
0xc0: {  	_ =	task.clear_ibuf [dreg:s6], $0x2FFFF;
	_ =	strace $0x9FFFFFFF  }
0xc1: {  	(tm) =	ssettm $0x7FFFFFFF  }
tec
execute0_lowered:
.L_overlay_start_1:
0x0: {  	(tag) =	ssettag $0x1  }
0x1: {  	s0 =	rddreg [dreg:$0x0];
	s2 =	simm.s32 $0x0;
	s1 =	srdreg.scid  }
0x2: {  	s3 =	stileid.u32;
	s18 =	simm.s32 $0x100;
	s19 =	simm.s32 $0x1  }
0x3: {  	s20 =	simm.s32 $0x80;
	s28 =	simm.s32 $0x2A00;
	s29 =	simm.s32 $0x7A00  }
0x4: {  	s30 =	simm.s32 $0x4;
	s31 =	simm.s32 $0x5;
	[smem:$0x7FF] =	sst s2  }
0x5: {  	s1 =	sand.u32 $0x1, s1;
	s4 =	sshll.u32 s3, $0x1;
	s3 =	sadd.s32 $0x19000, s0  }
0x6: {  	s5 =	sadd.s32 $0xF200, s0;
	s7 =	sadd.s32 $0x5400, s0;
	s9 =	sor.u32 s1, s4  }
0x7: {  	s8 =	sadd.s32 $0x8E600, s0;
	s21 =	ssub.s32 $0x2, s1;
	s6 =	smul.u32 $0x2710, s9  }
0x8: {  	_ =	strace $0x80000047;
	s1 =	sshrl.u32 s21, $0x1;
	s9 =	smul.u32 $0x138800, s9  }
0x9: {  	s4 =	sadd.s32 $0x40200, s0;
	s0 =	ssub.s32 s21, s1;
	s21 =	simm.s32 $0x180  }
0xa: {  	s11 =	sshrl.u32 s6, $0x3;
	s10 =	sadd.s32 $0x50, s6;
	s9 =	sshrl.u32 s9, $0x3  }
0xb: {  	s14 =	sadd.s32 $0xA0, s6;
	s15 =	sadd.s32 $0xF0, s6;
	s17 =	smax.u32 s0, $0x1  }
0xc: {  	s0 =	simm.s32 $0x0;
	s22 =	sadd.s32 s5, s11;
	s23 =	sadd.s32 s7, s11  }
0xd: {  	s24 =	sshrl.u32 s10, $0x3;
	s26 =	sadd.s32 s8, s9;
	[dreg:$0x2] =	wrdreg s22  }
0xe: {  	[dreg:$0x3] =	wrdreg s23;
	s25 =	sadd.s32 s5, s24;
	s1 =	sadd.s32 s7, s24  }
0xf: {  	s22 =	simm.s32 $0x50;
	s23 =	simm.s32 $0x200;
	[dreg:$0x4] =	wrdreg s25  }
0x10: {  	s24 =	simm.s32 $0x3;
	[dreg:$0x5] =	wrdreg s1;
	s1 =	sadd.s32 $0x26C00, s26  }
0x11: {  	s25 =	simm.s32 $0x5200;
	s26 =	simm.s32 $0x2;
	[dreg:$0x6] =	wrdreg s1  }
.LBB2_1:
0x12: {  	s1 =	rddreg [dreg:$0x2]  }
0x13: {  	[tilespmem:s2], [sflag:$0x1] =	stream.linear.gather [hbm4b:s1+s2], $0x50, $0x38;
	[tilespmem:$0xA200] =	vst v63  }
0x14: {  	s12 =	rddreg [dreg:$0x3]  }
0x15: {  	[tilespmem:s18], [sflag:$0x1] =	stream.linear.gather [hbm4b:s12+s2], $0x50, $0x38;
	[tilespmem:$0xA200] =	vst v63  }
0x16: {  	_ =	swait.ge [sflag:s19], $0x50  }
0x17: {  	[sflag:s19] =	ssyncset.done $0x0  }
0x18: {  	[sflag:s19] =	ssyncadd.s32 $0xFFFFFFB0  }
0x19: {  	_ =	swait.ge [sflag:s19], $0x50  }
0x1a: {  	[sflag:s19] =	ssyncset.done $0x0  }
0x1b: {  	s13 =	rddreg [dreg:$0x4];
	[sflag:s19] =	ssyncadd.s32 $0xFFFFFFB0  }
0x1c: {  	[tilespmem:s20], [sflag:$0x2] =	stream.linear.gather [hbm4b:s13+s2], $0x50, $0x38;
	[tilespmem:$0xA200] =	vst v63  }
0x1d: {  	s16 =	rddreg [dreg:$0x5]  }
0x1e: {  	[tilespmem:s21], [sflag:$0x2] =	stream.linear.gather [hbm4b:s16+s2], $0x50, $0x38;
	[tilespmem:$0xA200] =	vst v63  }
0x1f: {  	_ = 	snop  }
0x20: {  	[tilespmem:s23], [sflag:$0x3] =	stream.indirect.gather [hbm4b:s3+s22], $0x80, s2, s22, $0xb8;
	[tilespmem:$0xA200] =	vst v63  }
0x21: {  	_ =	swait.ge [sflag:s24], $0x2800  }
0x22: {  	[sflag:s24] =	ssyncset.done $0x0  }
0x23: {  	[sflag:s24] =	ssyncadd.s32 $0xFFFFD800  }
0x24: {  	[tilespmem:s25], [sflag:$0x3] =	stream.indirect.gather [hbm4b:s4+s22], $0x80, s18, s22, $0xb8;
	[tilespmem:$0xA200] =	vst v63  }
0x25: {  	_ =	swait.ge [sflag:s24], $0x2800  }
0x26: {  	[sflag:s24] =	ssyncset.done $0x0  }
0x27: {  	s1 =	simm.s32 $0x0;
	[sflag:s24] =	ssyncadd.s32 $0xFFFFD800  }
.LBB2_2:
0x28: {  	_ =	swait.ge [sflag:s26], $0x50  }
0x29: {  	s9 =	smul.u32 $0xA0, s1;
	[sflag:s26] =	ssyncset.done $0x0  }
0x2a: {  	[sflag:s26] =	ssyncadd.s32 $0xFFFFFFB0  }
0x2b: {  	s11 =	sadd.s32 s9, s14;
	_ =	swait.ge [sflag:s26], $0x50  }
0x2c: {  	s11 =	sshrl.u32 s11, $0x3;
	[sflag:s26] =	ssyncset.done $0x0  }
0x2d: {  	s12 =	sadd.s32 s5, s11;
	[sflag:s26] =	ssyncadd.s32 $0xFFFFFFB0  }
0x2e: {  	[tilespmem:s2], [sflag:$0x1] =	stream.linear.gather [hbm4b:s12+s2], $0x50, $0x38;
	[tilespmem:$0xA200] =	vst v63  }
0x2f: {  	p0 =	seq.s32 s1, $0x0;
	s11 =	sadd.s32 s7, s11  }
0x30: {  	[tilespmem:s18], [sflag:$0x1] =	stream.linear.gather [hbm4b:s11+s2], $0x50, $0x38;
	[tilespmem:$0xA200] =	vst v63  }
0x31: {  	s11 =	simm.s32 @!p0 $0x5  }
0x32: {  	_ =	swait.ge @!p0 [sflag:s11], $0x2800  }
0x33: {  	[sflag:s11] =	ssyncset.done @!p0 $0x0  }
0x34: {  	[sflag:s11] =	ssyncadd.s32 @!p0 $0xFFFFD800;
	s11 =	simm.s32 $0x0  }
0x35: {  	[tilespmem:s28], [sflag:$0x3] =	stream.indirect.gather [hbm4b:s3+s22], $0x80, s20, s22, $0xb8;
	[tilespmem:$0xA200] =	vst v63  }
0x36: {  	v7 =	vld [tilespmem:s11+$0x5200]  }
0x37: {  	v11 =	vld [tilespmem:s11+$0x5210]  }
0x38: {  	v5 =	vld [tilespmem:s11+$0x5220]  }
0x39: {  	v4 =	vld [tilespmem:s11+$0x5230]  }
0x3a: {  	v3 =	vld [tilespmem:s11+$0x5240]  }
0x3b: {  	v2 =	vld [tilespmem:s11+$0x5250]  }
0x3c: {  	v1 =	vld [tilespmem:s11+$0x5260]  }
0x3d: {  	v0 =	vld [tilespmem:s11+$0x5270]  }
0x3e: {  	v12 =	vld [tilespmem:s11+$0x200]  }
0x3f: {  	v13 =	vld [tilespmem:s11+$0x210]  }
0x40: {  	v10 =	vld [tilespmem:s11+$0x220]  }
0x41: {  	v9 =	vld [tilespmem:s11+$0x230]  }
0x42: {  	v8 =	vld [tilespmem:s11+$0x240]  }
0x43: {  	v6 =	vld [tilespmem:s11+$0x250];
	v12 =	vadd.f32 v7, v12  }
0x44: {  	s12 =	simm.s32 $0x200;
	v11 =	vadd.f32 v11, v13;
	v7 =	vld [tilespmem:s11+$0x260]  }
.LBB2_3:
0x45: {  	s13 =	sshra.s32 s12, $0x2;
	p0 =	sne.s32 s12, $0x9E00;
	[tilespmem:s11+$0x200] =	vst v12;
	v5 =	vadd.f32 v5, v10;
	v10 =	vld [tilespmem:s11+$0x270]  }
0x46: {  	v12 =	vld [tilespmem:s13+$0x5200];
	[tilespmem:s11+$0x210] =	vst v11;
	v4 =	vadd.f32 v4, v9  }
0x47: {  	v11 =	vld [tilespmem:s13+$0x5210];
	[tilespmem:s11+$0x220] =	vst v5;
	v3 =	vadd.f32 v3, v8  }
0x48: {  	v5 =	vld [tilespmem:s13+$0x5220];
	[tilespmem:s11+$0x230] =	vst v4;
	v2 =	vadd.f32 v2, v6  }
0x49: {  	v4 =	vld [tilespmem:s13+$0x5230];
	[tilespmem:s11+$0x240] =	vst v3;
	v1 =	vadd.f32 v1, v7  }
0x4a: {  	v3 =	vld [tilespmem:s13+$0x5240];
	[tilespmem:s11+$0x250] =	vst v2;
	v0 =	vadd.f32 v0, v10  }
0x4b: {  	v2 =	vld [tilespmem:s13+$0x5250];
	[tilespmem:s11+$0x260] =	vst v1  }
0x4c: {  	v1 =	vld [tilespmem:s13+$0x5260];
	[tilespmem:s11+$0x270] =	vst v0;
	s11 =	smov.u32 s13  }
0x4d: {  	v0 =	vld [tilespmem:s11+$0x5270]  }
0x4e: {  	v6 =	vld [tilespmem:s11+$0x200]  }
0x4f: {  	v7 =	vld [tilespmem:s11+$0x210]  }
.Ltmp0:
0x50: {  	v10 =	vld [tilespmem:s11+$0x220];
	(pc) =	sbr.rel @p0 .LBB2_3-.Ltmp0, $4  }
0x51: {  	v9 =	vld [tilespmem:s11+$0x230]  }
0x52: {  	v8 =	vld [tilespmem:s11+$0x240]  }
0x53: {  	v12 =	vadd.f32 v12, v6;
	v6 =	vld [tilespmem:s11+$0x250]  }
0x54: {  	s12 =	sadd.s32 $0x200, s12;
	v11 =	vadd.f32 v11, v7;
	v7 =	vld [tilespmem:s11+$0x260]  }
0x55: {  	[tilespmem:s11+$0x200] =	vst v12;
	v5 =	vadd.f32 v5, v10;
	v10 =	vld [tilespmem:s11+$0x270]  }
0x56: {  	[tilespmem:s11+$0x210] =	vst v11;
	v4 =	vadd.f32 v4, v9  }
0x57: {  	[tilespmem:s11+$0x220] =	vst v5;
	v3 =	vadd.f32 v3, v8  }
0x58: {  	[tilespmem:s11+$0x230] =	vst v4;
	v2 =	vadd.f32 v2, v6  }
0x59: {  	[tilespmem:s11+$0x240] =	vst v3;
	v1 =	vadd.f32 v1, v7  }
0x5a: {  	[tilespmem:s11+$0x250] =	vst v2;
	v0 =	vadd.f32 v0, v10  }
0x5b: {  	[tilespmem:s11+$0x260] =	vst v1  }
0x5c: {  	[tilespmem:s11+$0x270] =	vst v0  }
0x5d: {  	_ =	swait.ge [sflag:s24], $0x2800  }
0x5e: {  	s13 =	sadd.s32 s6, s9;
	[sflag:s24] =	ssyncset.done $0x0  }
0x5f: {  	s11 =	sshll.u32 s13, $0x4;
	[sflag:s24] =	ssyncadd.s32 $0xFFFFD800  }
0x60: {  	[tilespmem:s29], [sflag:$0x3] =	stream.indirect.gather [hbm4b:s4+s22], $0x80, s21, s22, $0xb8;
	[tilespmem:$0xA200] =	vst v63  }
0x61: {  	s11 =	sadd.s32 s8, s11  }
0x62: {  	[hbm4b:s11+s2] =	stream.linear.scatter [tilespmem:s23], [sflag:$0x4], $0x2800, $0x38;
	[tilespmem:$0xA200] =	vst v63  }
0x63: {  	_ =	swait.ge [sflag:s24], $0x2800  }
0x64: {  	[sflag:s24] =	ssyncset.done $0x0  }
0x65: {  	[sflag:s24] =	ssyncadd.s32 $0xFFFFD800  }
0x66: {  	_ =	swait.ge [sflag:s19], $0x50  }
0x67: {  	[sflag:s19] =	ssyncset.done $0x0  }
0x68: {  	p0 =	seq.s32 s1, $0x3D;
	[sflag:s19] =	ssyncadd.s32 $0xFFFFFFB0  }
0x69: {  	s11 =	sadd.s32 @!p0 s9, s15;
	_ =	swait.ge [sflag:s19], $0x50  }
0x6a: {  	s16 =	simm.s32 @!p0 $0x80;
	s11 =	sshrl.u32 @!p0 s11, $0x3;
	[sflag:s19] =	ssyncset.done $0x0  }
0x6b: {  	s13 =	simm.s32 @!p0 $0x0;
	s12 =	sadd.s32 @!p0 s5, s11;
	[sflag:s19] =	ssyncadd.s32 $0xFFFFFFB0  }
0x6c: {  	[tilespmem:s16], [sflag:$0x2] =	stream.linear.gather @!p0 [hbm4b:s12+s13], $0x50, $0x38;
	[tilespmem:$0xA200] =	vst v63  }
0x6d: {  	s11 =	sadd.s32 @!p0 s7, s11;
	s12 =	simm.s32 @!p0 $0x180  }
0x6e: {  	[tilespmem:s12], [sflag:$0x2] =	stream.linear.gather @!p0 [hbm4b:s11+s13], $0x50, $0x38;
	[tilespmem:$0xA200] =	vst v63  }
0x6f: {  	_ =	swait.ge [sflag:s30], $0x2800  }
0x70: {  	[sflag:s30] =	ssyncset.done $0x0  }
0x71: {  	s16 =	simm.s32 $0x0;
	s11 =	simm.s32 $0x0;
	[sflag:s30] =	ssyncadd.s32 $0xFFFFD800  }
0x72: {  	[tilespmem:s23], [sflag:$0x3] =	stream.indirect.gather [hbm4b:s3+s22], $0x80, s16, s22, $0xb8;
	[tilespmem:$0xA200] =	vst v63  }
0x73: {  	v7 =	vld [tilespmem:s11+$0x7A00]  }
0x74: {  	v11 =	vld [tilespmem:s11+$0x7A10]  }
0x75: {  	v5 =	vld [tilespmem:s11+$0x7A20]  }
0x76: {  	v4 =	vld [tilespmem:s11+$0x7A30]  }
0x77: {  	v3 =	vld [tilespmem:s11+$0x7A40]  }
0x78: {  	v2 =	vld [tilespmem:s11+$0x7A50]  }
0x79: {  	v1 =	vld [tilespmem:s11+$0x7A60]  }
0x7a: {  	v0 =	vld [tilespmem:s11+$0x7A70]  }
0x7b: {  	v12 =	vld [tilespmem:s11+$0x2A00]  }
0x7c: {  	v13 =	vld [tilespmem:s11+$0x2A10]  }
0x7d: {  	v10 =	vld [tilespmem:s11+$0x2A20]  }
0x7e: {  	v9 =	vld [tilespmem:s11+$0x2A30]  }
0x7f: {  	v8 =	vld [tilespmem:s11+$0x2A40]  }
0x80: {  	v6 =	vld [tilespmem:s11+$0x2A50];
	v12 =	vadd.f32 v7, v12  }
0x81: {  	s12 =	simm.s32 $0x200;
	v11 =	vadd.f32 v11, v13;
	v7 =	vld [tilespmem:s11+$0x2A60]  }
.LBB2_5:
0x82: {  	s13 =	sshra.s32 s12, $0x2;
	p0 =	sne.s32 s12, $0x9E00;
	[tilespmem:s11+$0x2A00] =	vst v12;
	v5 =	vadd.f32 v5, v10;
	v10 =	vld [tilespmem:s11+$0x2A70]  }
0x83: {  	v12 =	vld [tilespmem:s13+$0x7A00];
	[tilespmem:s11+$0x2A10] =	vst v11;
	v4 =	vadd.f32 v4, v9  }
0x84: {  	v11 =	vld [tilespmem:s13+$0x7A10];
	[tilespmem:s11+$0x2A20] =	vst v5;
	v3 =	vadd.f32 v3, v8  }
0x85: {  	v5 =	vld [tilespmem:s13+$0x7A20];
	[tilespmem:s11+$0x2A30] =	vst v4;
	v2 =	vadd.f32 v2, v6  }
0x86: {  	v4 =	vld [tilespmem:s13+$0x7A30];
	[tilespmem:s11+$0x2A40] =	vst v3;
	v1 =	vadd.f32 v1, v7  }
0x87: {  	v3 =	vld [tilespmem:s13+$0x7A40];
	[tilespmem:s11+$0x2A50] =	vst v2;
	v0 =	vadd.f32 v0, v10  }
0x88: {  	v2 =	vld [tilespmem:s13+$0x7A50];
	[tilespmem:s11+$0x2A60] =	vst v1  }
0x89: {  	v1 =	vld [tilespmem:s13+$0x7A60];
	[tilespmem:s11+$0x2A70] =	vst v0;
	s11 =	smov.u32 s13  }
0x8a: {  	v0 =	vld [tilespmem:s11+$0x7A70]  }
0x8b: {  	v6 =	vld [tilespmem:s11+$0x2A00]  }
0x8c: {  	v7 =	vld [tilespmem:s11+$0x2A10]  }
.Ltmp1:
0x8d: {  	v10 =	vld [tilespmem:s11+$0x2A20];
	(pc) =	sbr.rel @p0 .LBB2_5-.Ltmp1, $4  }
0x8e: {  	v9 =	vld [tilespmem:s11+$0x2A30]  }
0x8f: {  	v8 =	vld [tilespmem:s11+$0x2A40]  }
0x90: {  	v12 =	vadd.f32 v12, v6;
	v6 =	vld [tilespmem:s11+$0x2A50]  }
0x91: {  	s12 =	sadd.s32 $0x200, s12;
	v11 =	vadd.f32 v11, v7;
	v7 =	vld [tilespmem:s11+$0x2A60]  }
0x92: {  	[tilespmem:s11+$0x2A00] =	vst v12;
	v5 =	vadd.f32 v5, v10;
	v63 =	vld [tilespmem:s11+$0x2A70]  }
0x93: {  	[tilespmem:s11+$0x2A10] =	vst v11;
	v4 =	vadd.f32 v4, v9  }
0x94: {  	[tilespmem:s11+$0x2A20] =	vst v5;
	v3 =	vadd.f32 v3, v8  }
0x95: {  	[tilespmem:s11+$0x2A30] =	vst v4;
	v2 =	vadd.f32 v2, v6  }
0x96: {  	[tilespmem:s11+$0x2A40] =	vst v3;
	v1 =	vadd.f32 v1, v7  }
0x97: {  	[tilespmem:s11+$0x2A50] =	vst v2;
	v0 =	vadd.f32 v0, v63  }
0x98: {  	[tilespmem:s11+$0x2A60] =	vst v1  }
0x99: {  	[tilespmem:s11+$0x2A70] =	vst v0  }
0x9a: {  	_ =	swait.ge [sflag:s24], $0x2800  }
0x9b: {  	s9 =	sadd.s32 s9, s10;
	s1 =	sadd.s32 $0x1, s1;
	[sflag:s24] =	ssyncset.done $0x0  }
0x9c: {  	s9 =	sshll.u32 s9, $0x4;
	p0 =	sne.s32 s1, $0x3E;
	[sflag:s24] =	ssyncadd.s32 $0xFFFFD800  }
0x9d: {  	[tilespmem:s25], [sflag:$0x3] =	stream.indirect.gather [hbm4b:s4+s22], $0x80, s18, s22, $0xb8;
	[tilespmem:$0xA200] =	vst v63  }
.Ltmp2:
0x9e: {  	s16 =	simm.s32 $0x0;
	s9 =	sadd.s32 s8, s9;
	(pc) =	sbr.rel @p0 .LBB2_2-.Ltmp2, $4  }
0x9f: {  	[hbm4b:s9+s16] =	stream.linear.scatter [tilespmem:s28], [sflag:$0x5], $0x2800, $0x38;
	[tilespmem:$0xA200] =	vst v63  }
0xa0: {  	_ =	swait.ge [sflag:s24], $0x2800  }
0xa1: {  	[sflag:s24] =	ssyncset.done $0x0  }
0xa2: {  	[sflag:s24] =	ssyncadd.s32 $0xFFFFD800  }
0xa3: {  	s1 =	simm.s32 $0x0  }
0xa4: {  	v7 =	vld [tilespmem:s1+$0x5200]  }
0xa5: {  	v11 =	vld [tilespmem:s1+$0x5210]  }
0xa6: {  	v5 =	vld [tilespmem:s1+$0x5220]  }
0xa7: {  	v4 =	vld [tilespmem:s1+$0x5230]  }
0xa8: {  	v3 =	vld [tilespmem:s1+$0x5240]  }
0xa9: {  	v2 =	vld [tilespmem:s1+$0x5250]  }
0xaa: {  	v1 =	vld [tilespmem:s1+$0x5260]  }
0xab: {  	v0 =	vld [tilespmem:s1+$0x5270]  }
0xac: {  	v12 =	vld [tilespmem:s1+$0x200]  }
0xad: {  	v13 =	vld [tilespmem:s1+$0x210]  }
0xae: {  	v10 =	vld [tilespmem:s1+$0x220]  }
0xaf: {  	v9 =	vld [tilespmem:s1+$0x230]  }
0xb0: {  	v8 =	vld [tilespmem:s1+$0x240]  }
0xb1: {  	v6 =	vld [tilespmem:s1+$0x250];
	v12 =	vadd.f32 v7, v12  }
0xb2: {  	s9 =	simm.s32 $0x200;
	v11 =	vadd.f32 v11, v13;
	v7 =	vld [tilespmem:s1+$0x260]  }
.LBB2_8:
0xb3: {  	s11 =	sshra.s32 s9, $0x2;
	p0 =	sne.s32 s9, $0x9E00;
	[tilespmem:s1+$0x200] =	vst v12;
	v5 =	vadd.f32 v5, v10;
	v10 =	vld [tilespmem:s1+$0x270]  }
0xb4: {  	v12 =	vld [tilespmem:s11+$0x5200];
	[tilespmem:s1+$0x210] =	vst v11;
	v4 =	vadd.f32 v4, v9  }
0xb5: {  	v11 =	vld [tilespmem:s11+$0x5210];
	[tilespmem:s1+$0x220] =	vst v5;
	v3 =	vadd.f32 v3, v8  }
0xb6: {  	v5 =	vld [tilespmem:s11+$0x5220];
	[tilespmem:s1+$0x230] =	vst v4;
	v2 =	vadd.f32 v2, v6  }
0xb7: {  	v4 =	vld [tilespmem:s11+$0x5230];
	[tilespmem:s1+$0x240] =	vst v3;
	v1 =	vadd.f32 v1, v7  }
0xb8: {  	v3 =	vld [tilespmem:s11+$0x5240];
	[tilespmem:s1+$0x250] =	vst v2;
	v0 =	vadd.f32 v0, v10  }
0xb9: {  	v2 =	vld [tilespmem:s11+$0x5250];
	[tilespmem:s1+$0x260] =	vst v1  }
0xba: {  	v1 =	vld [tilespmem:s11+$0x5260];
	[tilespmem:s1+$0x270] =	vst v0;
	s1 =	smov.u32 s11  }
0xbb: {  	v0 =	vld [tilespmem:s1+$0x5270]  }
0xbc: {  	v6 =	vld [tilespmem:s1+$0x200]  }
0xbd: {  	v7 =	vld [tilespmem:s1+$0x210]  }
.Ltmp3:
0xbe: {  	v10 =	vld [tilespmem:s1+$0x220];
	(pc) =	sbr.rel @p0 .LBB2_8-.Ltmp3, $4  }
0xbf: {  	v9 =	vld [tilespmem:s1+$0x230]  }
0xc0: {  	v8 =	vld [tilespmem:s1+$0x240]  }
0xc1: {  	v12 =	vadd.f32 v12, v6;
	v6 =	vld [tilespmem:s1+$0x250]  }
0xc2: {  	s9 =	sadd.s32 $0x200, s9;
	v11 =	vadd.f32 v11, v7;
	v7 =	vld [tilespmem:s1+$0x260]  }
0xc3: {  	[tilespmem:s1+$0x200] =	vst v12;
	v5 =	vadd.f32 v5, v10;
	v63 =	vld [tilespmem:s1+$0x270]  }
0xc4: {  	[tilespmem:s1+$0x210] =	vst v11;
	v4 =	vadd.f32 v4, v9  }
0xc5: {  	[tilespmem:s1+$0x220] =	vst v5;
	v3 =	vadd.f32 v3, v8  }
0xc6: {  	[tilespmem:s1+$0x230] =	vst v4;
	v2 =	vadd.f32 v2, v6  }
0xc7: {  	[tilespmem:s1+$0x240] =	vst v3;
	v1 =	vadd.f32 v1, v7  }
0xc8: {  	[tilespmem:s1+$0x250] =	vst v2;
	v0 =	vadd.f32 v0, v63  }
0xc9: {  	[tilespmem:s1+$0x260] =	vst v1  }
0xca: {  	s16 =	rddreg [dreg:$0x6];
	s0 =	sadd.s32 $0x1, s0;
	[tilespmem:s1+$0x270] =	vst v0  }
0xcb: {  	[hbm4b:s16+s2] =	stream.linear.scatter [tilespmem:s23], [sflag:$0x4], $0x2800, $0x38;
	[tilespmem:$0xA200] =	vst v63  }
0xcc: {  	p0 =	sne.s32 s0, s17;
	_ =	swait.ge [sflag:s31], $0x2800  }
.Ltmp4:
0xcd: {  	[sflag:s31] =	ssyncset.done $0x0;
	(pc) =	sbr.rel @p0 .LBB2_1-.Ltmp4, $4  }
0xce: {  	[sflag:s31] =	ssyncadd.s32 $0xFFFFD800  }
0xcf: {  	_ =	swait.ge [sflag:s30], $0x2800  }
0xd0: {  	[sflag:s30] =	ssyncset.done $0x0  }
0xd1: {  	[sflag:s30] =	ssyncadd.s32 $0xFFFFD800  }
0xd2: {  	_ =	sfence.sel $0x180000  }
0xd3: {  	[bflag:$0x0] =	sbarrier.arrive $0xFFFF  }
0xd4: {  	_ =	strace $0x90000047  }
0xd5: {  	s0 =	stileid.u32;
	[bflag:$0x2] =	sbarrier.arrive $0xFFFF  }
0xd6: {  	p0 =	sne.s32 s0, $0x0;
	s0 =	rddreg [dreg:$0x1]  }
0xd7: {  	s0 =	sadd.s32 @!p0 $0x100000, s0  }
0xd8: {  	[sflag:s0] =	ssyncadd.tile.s32 @!p0 $0x1;
	_ =	shalt  }
.Lfunc_end2:
_tile_overlayer_lowered:
.L_overlay_start_2:
0xd9: {  	(tag) =	ssettag $0x2  }
0xda: {  	s0 =	rddreg [dreg:$0x0];
	s2 =	stileid.u32  }
0xdb: {  	s1 =	rddreg [dreg:$0x1];
	p0 =	sne.s32 s2, $0x0  }
0xdc: {  	s3 =	rddreg [dreg:$0x2];
	[bflag:$0x3] =	sbarrier.arrive $0xFFFF;
	s2 =	simm.s32 @!p0 $0x1C06  }
0xdd: {  	[timem:s3], [sflag:s2] =	dma.local @!p0 [hbm:s0], s1  }
0xde: {  	s0 =	simm.s32 @!p0 $0x6  }
0xdf: {  	_ =	swait.ge @!p0 [sflag:s0], s1  }
0xe0: {  	s1 =	ssub.s32 @!p0 $0x0, s1;
	[sflag:s0] =	ssyncset.done @!p0 $0x0  }
0xe1: {  	[sflag:s0] =	ssyncadd.s32 @!p0 s1  }
0xe2: {  	[bflag:$0x3] =	sbarrier.arrive $0xFFFF  }
0xe3: {  	_ =	shalt  }

// kernel: kernel.18.cloned.1.call-start
scs
__scs_entry_jumppad:
0x0: {  	(pc) =	sbr.rel $0x88, $3  }
0x1: {  	(tag) =	ssettag $0x0;
	lr =	simm.s32 $0x1  }
0x2: {  	[smem:$0x3F8E] =	sst lr;
	_ =	strace $0xD0000000  }
0x3: {  	_ = 	snop  }
0x4: {  	_ = 	snop  }
0x5: {  	_ = 	snop  }
0x6: {  	_ = 	snop  }
0x7: {  	_ = 	snop  }
__scs_overlays_trampoline_lowered:
0x8: {  	[smem:$0x3F9D] =	sst s0  }
0x9: {  	[smem:$0x3F9E] =	sst s1  }
0xa: {  	[smem:$0x3F9F] =	sst s2  }
0xb: {  	[smem:$0x3FA0] =	sst s3  }
0xc: {  	[smem:$0x3FA1] =	sst s4  }
0xd: {  	[smem:$0x3FA2] =	sst s5  }
0xe: {  	[smem:$0x3FA3] =	sst s6  }
0xf: {  	[smem:$0x3FA4] =	sst s7  }
0x10: {  	[smem:$0x3FA5] =	sst s8  }
0x11: {  	[smem:$0x3FA6] =	sst s9;
	s0 =	simm.s32 @!p0 $0x0  }
0x12: {  	s1 =	sld [smem:$0x3F8C];
	s0 =	simm.s32 @p0 $0x1  }
0x13: {  	[smem:$0x3FA7] =	sst s0;
	s0 =	simm.s32 @!p1 $0x0  }
0x14: {  	s2 =	sld [smem:$0x3F8B];
	s0 =	simm.s32 @p1 $0x1  }
0x15: {  	[smem:$0x3FA8] =	sst s0;
	s0 =	simm.s32 @!p2 $0x0  }
0x16: {  	s3 =	sld [smem:$0x3FDB];
	s0 =	simm.s32 @p2 $0x1  }
0x17: {  	s4 =	simm.s32 $0x1BF5;
	[smem:$0x3FAA] =	sst s0  }
0x18: {  	s0 =	sld [smem:$0x3F8D];
	_ =	swait.ge [sflag:s4], $0x0  }
0x19: {  	s7 =	sld [smem:$0x3F8E]  }
0x1a: {  	s8 =	sadd.s32 $0xFFFFE003, lr  }
0x1b: {  	s9 =	sadd.s32 $0xFFFFFEF7, lr;
	s5 =	simm.s32 $0xFFFFFFFF;
	p2 =	slt.u32 s8, $0xFFFFF086  }
0x1c: {  	p1 =	slt.u32 s9, $0xF7A;
	s5 =	simm.s32 @!p2 $0x0  }
0x1d: {  	s5 =	simm.s32 @p1 $0x1;
	p0 =	seq.s32 s7, s2  }
0x1e: {  	s7 =	smul.u32 @!p0 $0xF7A, s2;
	p2 =	seq.s32 @!p0 s5, $0x0  }
0x1f: {  	s9 =	smul.u32 $0xF7A, s1;
	s8 =	simm.s32 @!p0 $0x1BF5;
	p2 =	por !p2, p0  }
0x20: {  	[sflag:s8] =	ssyncset.s32 @!p0 $0xFFFFF086;
	s6 =	sadd.s32 @!p0 s3, s7;
	s7 =	simm.s32 @!p0 $0x108  }
0x21: {  	s3 =	sadd.s32 s3, s9;
	s6 =	sadd.s32 @!p0 $0x88, s6;
	s7 =	simm.s32 @p2 $0x1082  }
0x22: {  	[simem:s7], [sflag:s8] =	dma.local @!p0 [hbm:s6], $0xF7A  }
0x23: {  	s9 =	sor.u32 $0xD0000000, s2;
	s6 =	simm.s32 $0x108;
	_ =	swait.ge @!p0 [sflag:s8], $0x0  }
0x24: {  	s3 =	sadd.s32 $0x88, s3;
	s6 =	simm.s32 @!p1 $0x1082;
	[sflag:s4] =	ssyncset.s32 $0xFFFFF086  }
0x25: {  	[simem:s6], [sflag:s4] =	dma.local [hbm:s3], $0xF7A  }
0x26: {  	[smem:$0x3F8E] =	sst s1;
	(tag) =	ssettag s2;
	_ =	strace s9  }
0x27: {  	s1 =	sld [smem:$0x3F9E]  }
0x28: {  	s2 =	sld [smem:$0x3F9F]  }
0x29: {  	s4 =	sld [smem:$0x3FA1]  }
0x2a: {  	p0 =	seq.s32 s5, $0x0;
	s5 =	sld [smem:$0x3FA2]  }
0x2b: {  	s6 =	sld [smem:$0x3FA3]  }
0x2c: {  	s7 =	sld [smem:$0x3FA4]  }
0x2d: {  	s3 =	simm.s32 $0x108;
	s8 =	sld [smem:$0x3FA5]  }
0x2e: {  	s3 =	simm.s32 @!p0 $0x1082;
	s9 =	sld [smem:$0x3FA6]  }
0x2f: {  	lr =	sadd.s32 s0, s3;
	s0 =	sld [smem:$0x3F9D]  }
0x30: {  	s3 =	sld [smem:$0x3FA0]  }
0x31: {  	[smem:$0x3FA9] =	sst s10  }
0x32: {  	s10 =	sld [smem:$0x3FA7];
	_ =	sdelay $0x3  }
0x33: {  	p0 =	seq.s32 s10, $0x1;
	s10 =	sld [smem:$0x3FA9];
	_ =	sdelay $0x3  }
0x34: {  	[smem:$0x3FA9] =	sst s10  }
0x35: {  	s10 =	sld [smem:$0x3FA8];
	_ =	sdelay $0x3  }
0x36: {  	p1 =	seq.s32 s10, $0x1;
	s10 =	sld [smem:$0x3FA9];
	_ =	sdelay $0x3  }
0x37: {  	[smem:$0x3FA9] =	sst s10  }
0x38: {  	s10 =	sld [smem:$0x3FAA]  }
0x39: {  	_ = 	snop;
	(pc) =	sbr.ind lr, $3  }
0x3a: {  	_ = 	snop  }
0x3b: {  	_ = 	snop  }
0x3c: {  	p2 =	seq.s32 s10, $0x1;
	s10 =	sld [smem:$0x3FA9]  }
0x3d: {  	_ =	shalt  }
0x3e: {  	_ =	shalt  }
0x3f: {  	_ =	shalt  }
0x40: {  	_ =	shalt  }
0x41: {  	_ =	shalt  }
0x42: {  	_ =	shalt  }
0x43: {  	_ =	shalt  }
0x44: {  	_ =	shalt  }
0x45: {  	_ =	shalt  }
0x46: {  	_ =	shalt  }
0x47: {  	_ =	shalt  }
0x48: {  	_ =	shalt  }
0x49: {  	_ =	shalt  }
0x4a: {  	_ =	shalt  }
0x4b: {  	_ =	shalt  }
0x4c: {  	_ =	shalt  }
0x4d: {  	_ =	shalt  }
0x4e: {  	_ =	shalt  }
0x4f: {  	_ =	shalt  }
0x50: {  	_ =	shalt  }
0x51: {  	_ =	shalt  }
0x52: {  	_ =	shalt  }
0x53: {  	_ =	shalt  }
0x54: {  	_ =	shalt  }
0x55: {  	_ =	shalt  }
0x56: {  	_ =	shalt  }
0x57: {  	_ =	shalt  }
0x58: {  	_ =	shalt  }
0x59: {  	_ =	shalt  }
0x5a: {  	_ =	shalt  }
0x5b: {  	_ =	shalt  }
0x5c: {  	_ =	shalt  }
0x5d: {  	_ =	shalt  }
0x5e: {  	_ =	shalt  }
0x5f: {  	_ =	shalt  }
0x60: {  	_ =	shalt  }
0x61: {  	_ =	shalt  }
0x62: {  	_ =	shalt  }
0x63: {  	_ =	shalt  }
0x64: {  	_ =	shalt  }
0x65: {  	_ =	shalt  }
0x66: {  	_ =	shalt  }
0x67: {  	_ =	shalt  }
0x68: {  	_ =	shalt  }
0x69: {  	_ =	shalt  }
0x6a: {  	_ =	shalt  }
0x6b: {  	_ =	shalt  }
0x6c: {  	_ =	shalt  }
0x6d: {  	_ =	shalt  }
0x6e: {  	_ =	shalt  }
0x6f: {  	_ =	shalt  }
0x70: {  	_ =	shalt  }
0x71: {  	_ =	shalt  }
0x72: {  	_ =	shalt  }
0x73: {  	_ =	shalt  }
0x74: {  	_ =	shalt  }
0x75: {  	_ =	shalt  }
0x76: {  	_ =	shalt  }
0x77: {  	_ =	shalt  }
0x78: {  	_ =	shalt  }
0x79: {  	_ =	shalt  }
0x7a: {  	_ =	shalt  }
0x7b: {  	_ =	shalt  }
0x7c: {  	_ =	shalt  }
0x7d: {  	_ =	shalt  }
0x7e: {  	_ =	shalt  }
0x7f: {  	_ =	shalt  }
0x80: {  	_ =	shalt  }
0x81: {  	_ =	shalt  }
0x82: {  	_ =	shalt  }
0x83: {  	_ =	shalt  }
0x84: {  	_ =	shalt  }
0x85: {  	_ =	shalt  }
0x86: {  	_ =	shalt  }
0x87: {  	_ =	shalt  }
.Lfunc_end0:
.L_simem_size_0:
called_computation.1_lowered:
.L_overlay_start_0:
0x88: {  	s2 =	sld [smem:$0x3FD9]  }
0x89: {  	s3 =	sld [smem:$0x3FFE];
	_ =	sdelay $0x1  }
0x8a: {  	s1 =	srdreg.scid  }
0x8b: {  	s0 =	sand.u32 $0x1, s1  }
0x8c: {  	s17 =	sshll.u32 s0, $0xA;
	s2 =	sadd.s32 s3, s2  }
0x8d: {  	s2 =	sadd.s32 s2, s17  }
0x8e: {  	[smem:$0x3FB5] =	sst s2  }
0x8f: {  	_ = 	snop  }
0x90: {  	(tm) =	ssettm $0x1  }
0x91: {  	s18 =	sld [smem:$0x3FFB];
	_ =	sdelay $0x3  }
0x92: {  	_ =	strace s18  }
0x93: {  	s2 =	sld [smem:$0x3FFC];
	_ =	sdelay $0x3  }
0x94: {  	_ =	strace s2  }
0x95: {  	s2 =	sld [smem:$0x3FFD];
	_ =	sdelay $0x3  }
0x96: {  	_ =	strace s2  }
0x97: {  	_ =	strace $0x8FFFFFFF  }
0x98: {  	s19 =	sld [smem:$0x3FDB];
	_ =	sdelay $0x1  }
0x99: {  	s20 =	simm.s32 $_scs_section_size  }
0x9a: {  	s4 =	simm.s32 $_size__tile_overlayer_lowered;
	s5 =	simm.s32 $_tile_overlayer_lowered  }
0x9b: {  	s6 =	simm.s32 $0x1BFF;
	s21 =	sshll.u32 s5, $0x1;
	s3 =	sadd.s32 s20, s19  }
0x9c: {  	s22 =	simm.s32 $0x0;
	s4 =	sshll.u32 s4, $0x1;
	s5 =	sadd.s32 s21, s3  }
0x9d: {  	[timem:s22], [sflag:s6] =	dma.local [hbm:s5], s4  }
0x9e: {  	_ =	swait.ge [sflag:s6], s4  }
0x9f: {  	s4 =	ssub.s32 $0x0, s4;
	[sflag:s6] =	ssyncset.done $0x0  }
0xa0: {  	[sflag:s6] =	ssyncadd.s32 s4;
	_ =	sdelay $0x1  }
0xa1: {  	s23 =	simm.s32 $0x1B8B  }
0xa2: {  	_ =	swait.ge [sflag:s23], $0x1  }
0xa3: {  	[sflag:s23] =	ssyncset.done $0x0  }
0xa4: {  	[sflag:s23] =	ssyncadd.s32 $0xFFFFFFFF  }
0xa5: {  	s4 =	sld [smem:$0x0]  }
0xa6: {  	s5 =	sand.u32 $0xFFFFFFFE, s1  }
0xa7: {  	p0 =	sne.s32 s1, s5  }
0xa8: {  	s5 =	sshll.u32 @p0 s5, $0xE  }
0xa9: {  	s5 =	sadd.s32 @p0 $0x11B8D, s5;
	s6 =	sshll.u32 @p0 s4, $0x11  }
0xaa: {  	s5 =	sor.u32 @p0 s6, s5  }
0xab: {  	[sflag:s5] =	ssyncadd.remote.s32 @p0 $0x1;
	_ =	sdelay $0x1  }
0xac: {  	s5 =	simm.s32 @p0 $0x1B8D  }
0xad: {  	_ =	swait.eq @p0 [sflag:s5], $0x1  }
0xae: {  	[sflag:s5] =	ssyncadd.s32 @p0 $0xFFFFFFFF  }
0xaf: {  	s6 =	sshll.u32 @!p0 s1, $0xE  }
0xb0: {  	s6 =	sor.u32 @!p0 $0x4000, s6;
	s5 =	simm.s32 @!p0 $0x1B8D  }
0xb1: {  	s4 =	sshll.u32 @!p0 s4, $0x11;
	s6 =	sadd.s32 @!p0 $0x11B8D, s6;
	_ =	swait.eq @!p0 [sflag:s5], $0x1  }
0xb2: {  	s4 =	sor.u32 @!p0 s4, s6;
	[sflag:s5] =	ssyncadd.s32 @!p0 $0xFFFFFFFF  }
0xb3: {  	s25 =	simm.s32 $0x1B8E;
	s24 =	sld [smem:$0x3FFE];
	[sflag:s4] =	ssyncadd.remote.s32 @!p0 $0x1  }
0xb4: {  	s26 =	simm.s32 $execute0_lowered;
	[smem:$0x3FD2] =	sst s25  }
0xb5: {  	s5 =	sshll.u32 s26, $0x1;
	_ =	strace $0x8000004C;
	[dreg:$0x1] =	wrdreg $0xFFFFFFFF  }
0xb6: {  	s28 =	simm.s32 $_size_execute0_lowered;
	s3 =	sadd.s32 s3, s5;
	[dreg:$0x0] =	wrdreg $0x0  }
0xb7: {  	s5 =	sshll.u32 s28, $0x1;
	[dreg:$0x2] =	wrdreg s3  }
0xb8: {  	[dreg:$0x3] =	wrdreg s5  }
0xb9: {  	[dreg:$0x4] =	wrdreg $0xC0  }
0xba: {  	_ =	task [dreg:s22], $0x5FFFF  }
0xbb: {  	[dreg:$0x1] =	wrdreg $0xFFFFFFFF  }
0xbc: {  	[dreg:$0x0] =	wrdreg $0x60  }
0xbd: {  	[dreg:$0x2] =	wrdreg s24  }
0xbe: {  	[dreg:$0x3] =	wrdreg $0x0  }
0xbf: {  	[dreg:$0x4] =	wrdreg $0xA  }
0xc0: {  	_ =	task.clear_ibuf [dreg:s22], $0x5FFFF;
	_ =	strace $0x9000004C  }
0xc1: {  	s29 =	simm.s32 $0xA;
	_ =	strace $0x8000004E  }
0xc2: {  	_ =	swait.ge [sflag:s29], $0x1  }
0xc3: {  	[sflag:s29] =	ssyncadd.s32 $0xFFFFFFFF  }
0xc4: {  	_ =	strace $0x9000004E  }
0xc5: {  	_ =	sfence  }
0xc6: {  	s30 =	sld [smem:$0x0];
	_ =	sdelay $0x2  }
0xc7: {  	s31 =	sshll.u32 s1, $0xD;
	s1 =	sshrl.u32 s1, $0x2  }
0xc8: {  	s4 =	sand.u32 $0x4000, s31;
	s1 =	sadd.s32 s1, s30  }
0xc9: {  	s0 =	sor.u32 s4, s0;
	s1 =	sshll.u32 s1, $0x11  }
0xca: {  	s0 =	sor.u32 s1, s0  }
0xcb: {  	s0 =	sadd.s32 $0x8F2B, s0  }
0xcc: {  	[sflag:s0] =	ssyncadd.remote.s32 $0x1  }
0xcd: {  	_ =	sfence.sel $0xFFFF  }
0xce: {  	[dreg:$0x0] =	wrdreg $0xFFFFFFFF;
	(pc) =	sbr.abs _section_cstart, $3  }
0xcf: {  	[dreg:$0x1] =	wrdreg $0xFFFFFFFF  }
0xd0: {  	_ =	task.clear_ibuf [dreg:s22], $0x2FFFF;
	_ =	strace $0x9FFFFFFF  }
0xd1: {  	(tm) =	ssettm $0x7FFFFFFF  }
tec
execute0_lowered:
.L_overlay_start_1:
0x0: {  	(tag) =	ssettag $0x1  }
0x1: {  	s0 =	rddreg [dreg:$0x0]  }
0x2: {  	s2 =	rddreg [dreg:$0x1];
	s3 =	simm.s32 $0x0  }
0x3: {  	s21 =	stileid.u32;
	s4 =	srdreg.scid;
	s28 =	simm.s32 $0x16180  }
0x4: {  	s29 =	simm.s32 $0x50;
	s30 =	simm.s32 $0x2;
	s31 =	simm.s32 $0x0  }
0x5: {  	[smem:$0x7FF] =	sst s3;
	s1 =	smul.u32 $0x2700, s21;
	s5 =	sadd.s32 $0x5E6000, s0  }
0x6: {  	s6 =	sand.u32 $0x1, s4;
	s4 =	sadd.s32 $0xF200, s0;
	s10 =	sshll.u32 s21, $0x1  }
0x7: {  	s11 =	smul.u32 $0x4E000, s21;
	s15 =	sadd.s32 $0x19000, s0;
	s20 =	sshll.u32 s21, $0x6  }
0x8: {  	s22 =	sadd.s32 $0x138000, s2;
	s18 =	sor.u32 s6, s10;
	s17 =	smul.u32 $0x138800, s6  }
0x9: {  	p0 =	sne.s32 s21, $0xF;
	_ =	strace $0x8000004D;
	s16 =	smul.u32 $0x2710, s18  }
0xa: {  	s8 =	ssub.s32 $0x2, s6;
	[dreg:$0x5] =	wrdreg s22;
	s24 =	smul.u32 $0x27100, s18  }
0xb: {  	s7 =	sadd.s32 s1, s0;
	s9 =	sshrl.u32 s8, $0x1;
	s18 =	smul.u32 $0x27100, s6  }
0xc: {  	s19 =	sshrl.u32 s11, $0x2;
	s0 =	sadd.s32 $0x597600, s0;
	s6 =	smul.u32 $0x2710, s6  }
0xd: {  	s8 =	ssub.s32 s8, s9;
	s10 =	sadd.s32 s19, s2;
	[dreg:$0x6] =	wrdreg s0  }
0xe: {  	s7 =	sadd.s32 $0x570600, s7;
	s9 =	smul.u32 $0x4E200, s21;
	[dreg:$0x3] =	wrdreg s10  }
0xf: {  	s19 =	smul.u32 $0x4E20, s21;
	[dreg:$0x4] =	wrdreg s7;
	s7 =	sor.u32 $0x1C03, s20  }
0x10: {  	s23 =	sshrl.u32 s16, $0x3;
	s26 =	sadd.s32 $0x50, s16;
	s11 =	sadd.s32 s5, s24  }
0x11: {  	s1 =	sadd.s32 s1, s18;
	s10 =	sshrl.u32 s17, $0x3;
	s20 =	sadd.s32 $0x26C0, s16  }
0x12: {  	s16 =	smax.u32 s8, $0x1;
	s25 =	sadd.s32 s4, s23;
	s12 =	sshrl.u32 s26, $0x3  }
0x13: {  	s0 =	sshll.u32 s26, $0x4;
	s14 =	sadd.s32 s15, s1;
	s17 =	sshrl.u32 s20, $0x3  }
0x14: {  	s22 =	sadd.s32 s9, s5;
	s23 =	sadd.s32 s6, s19;
	s24 =	sshll.u32 s20, $0x4  }
0x15: {  	[dreg:$0x7] =	wrdreg s25;
	s12 =	sadd.s32 s4, s12;
	s13 =	sadd.s32 s5, s0  }
0x16: {  	s0 =	sadd.s32 s15, s10;
	s17 =	sadd.s32 s4, s17;
	s25 =	sadd.s32 $0xF0, s23  }
0x17: {  	s8 =	sadd.s32 $0xA0, s23;
	s23 =	simm.s32 $0x13880;
	s15 =	sadd.s32 $0x27000, s0  }
0x18: {  	s0 =	sadd.s32 s18, s22;
	s18 =	sadd.s32 s5, s24;
	s26 =	sshrl.u32 s25, $0x3  }
0x19: {  	s22 =	simm.s32 $0x3;
	s24 =	simm.s32 $0x13980;
	s25 =	simm.s32 $0x1  }
0x1a: {  	s6 =	sadd.s32 $0xF00, s0;
	s20 =	sadd.s32 s26, s4;
	s26 =	simm.s32 $0x13900  }
.LBB2_1:
0x1b: {  	s0 =	rddreg [dreg:$0x3]  }
0x1c: {  	s1 =	rddreg [dreg:$0x4];
	s0 =	sshrl.u32 s0, $0x3  }
0x1d: {  	[spmem:s0], [sflag:s7] =	dma.local [hbm:s1], $0x2700  }
0x1e: {  	_ =	swait.ge [sflag:s22], $0x2700  }
0x1f: {  	[sflag:s22] =	ssyncset.done $0x0;
	s1 =	rddreg [dreg:$0x5]  }
0x20: {  	s5 =	rddreg [dreg:$0x6];
	[sflag:s22] =	ssyncadd.s32 $0xFFFFD900;
	s1 =	sshrl.u32 @!p0 s1, $0x3  }
0x21: {  	[spmem:s1], [sflag:s7] =	dma.local @!p0 [hbm:s5], $0x100  }
0x22: {  	s5 =	simm.s32 @!p0 $0x3  }
0x23: {  	_ =	swait.ge @!p0 [sflag:s5], $0x100  }
0x24: {  	[sflag:s5] =	ssyncset.done @!p0 $0x0  }
0x25: {  	[sflag:s5] =	ssyncadd.s32 @!p0 $0xFFFFFF00  }
0x26: {  	[bflag:$0x0] =	sbarrier.arrive $0xFFFF  }
0x27: {  	s9 =	rddreg [dreg:$0x7]  }
0x28: {  	[tilespmem:s23], [sflag:$0x1] =	stream.linear.gather [hbm4b:s9+s3], $0x50, $0x38;
	[tilespmem:$0x18980] =	vst v63  }
0x29: {  	_ = 	snop  }
0x2a: {  	[tilespmem:s24], [sflag:$0x1] =	stream.linear.gather [hbm4b:s11+s3], $0x2800, $0x38;
	[tilespmem:$0x18980] =	vst v63  }
0x2b: {  	_ =	swait.ge [sflag:s25], $0x50  }
0x2c: {  	[sflag:s25] =	ssyncset.done $0x0  }
0x2d: {  	[sflag:s25] =	ssyncadd.s32 $0xFFFFFFB0  }
0x2e: {  	_ =	swait.ge [sflag:s25], $0x2800  }
0x2f: {  	[sflag:s25] =	ssyncset.done $0x0  }
0x30: {  	[sflag:s25] =	ssyncadd.s32 $0xFFFFD800  }
0x31: {  	[tilespmem:s26], [sflag:$0x2] =	stream.linear.gather [hbm4b:s12+s3], $0x50, $0x38;
	[tilespmem:$0x18980] =	vst v63  }
0x32: {  	_ = 	snop  }
0x33: {  	[tilespmem:s28], [sflag:$0x2] =	stream.linear.gather [hbm4b:s13+s3], $0x2800, $0x38;
	[tilespmem:$0x18980] =	vst v63  }
0x34: {  	_ = 	snop  }
0x35: {  	[spmem:s2] =	stream.indirect.scatter.add.f32 [tilespmem:s24], [sflag:$0x3], $0x80, s23, s29, $0xb8;
	[tilespmem:$0x18980] =	vst v63  }
0x36: {  	_ =	swait.ge [sflag:s22], $0x2800  }
0x37: {  	[sflag:s22] =	ssyncset.done $0x0  }
0x38: {  	[sflag:s22] =	ssyncadd.s32 $0xFFFFD800  }
0x39: {  	_ =	swait.ge [sflag:s30], $0x50  }
0x3a: {  	[sflag:s30] =	ssyncset.done $0x0  }
0x3b: {  	[sflag:s30] =	ssyncadd.s32 $0xFFFFFFB0  }
0x3c: {  	_ =	swait.ge [sflag:s30], $0x2800  }
0x3d: {  	s10 =	sshrl.u32 s8, $0x3;
	[sflag:s30] =	ssyncset.done $0x0  }
0x3e: {  	s5 =	sadd.s32 s4, s10;
	[sflag:s30] =	ssyncadd.s32 $0xFFFFD800  }
0x3f: {  	[tilespmem:s23], [sflag:$0x1] =	stream.linear.gather [hbm4b:s5+s3], $0x50, $0x38;
	[tilespmem:$0x18980] =	vst v63  }
0x40: {  	s19 =	sadd.s32 $0xFFFFFB00, s6  }
0x41: {  	[tilespmem:s24], [sflag:$0x1] =	stream.linear.gather [hbm4b:s19+s3], $0x2800, $0x38;
	[tilespmem:$0x18980] =	vst v63  }
0x42: {  	_ = 	snop  }
0x43: {  	[spmem:s2] =	stream.indirect.scatter.add.f32 [tilespmem:s28], [sflag:$0x3], $0x80, s26, s29, $0xb8;
	[tilespmem:$0x18980] =	vst v63  }
0x44: {  	_ =	swait.ge [sflag:s22], $0x2800  }
0x45: {  	[sflag:s22] =	ssyncset.done $0x0  }
0x46: {  	[sflag:s22] =	ssyncadd.s32 $0xFFFFD800  }
0x47: {  	_ =	swait.ge [sflag:s25], $0x50  }
0x48: {  	[sflag:s25] =	ssyncset.done $0x0  }
0x49: {  	[sflag:s25] =	ssyncadd.s32 $0xFFFFFFB0  }
0x4a: {  	_ =	swait.ge [sflag:s25], $0x2800  }
0x4b: {  	[sflag:s25] =	ssyncset.done $0x0  }
0x4c: {  	s21 =	sadd.s32 $0x0, s20;
	[sflag:s25] =	ssyncadd.s32 $0xFFFFD800  }
0x4d: {  	[tilespmem:s26], [sflag:$0x2] =	stream.linear.gather [hbm4b:s21+s3], $0x50, $0x38;
	[tilespmem:$0x18980] =	vst v63  }
0x4e: {  	_ = 	snop  }
0x4f: {  	[tilespmem:s28], [sflag:$0x2] =	stream.linear.gather [hbm4b:s6+s3], $0x2800, $0x38;
	[tilespmem:$0x18980] =	vst v63  }
0x50: {  	_ = 	snop  }
0x51: {  	[spmem:s2] =	stream.indirect.scatter.add.f32 [tilespmem:s24], [sflag:$0x3], $0x80, s23, s29, $0xb8;
	[tilespmem:$0x18980] =	vst v63  }
0x52: {  	s5 =	simm.s32 $0x14;
	_ =	swait.ge [sflag:s22], $0x2800  }
0x53: {  	s19 =	smov.u32 s6;
	s21 =	smov.u32 s8;
	[sflag:s22] =	ssyncset.done $0x0  }
.LBB2_2:
0x54: {  	[sflag:s22] =	ssyncadd.s32 $0xFFFFD800;
	s19 =	sadd.s32 $0xA00, s19;
	s21 =	sadd.s32 $0xA0, s21  }
0x55: {  	p1 =	sne.s32 s5, $0x4B0;
	s9 =	smov.u32 s5;
	s5 =	sadd.s32 $0x14, s5  }
0x56: {  	_ =	swait.ge [sflag:s30], $0x50  }
0x57: {  	[sflag:s30] =	ssyncset.done $0x0  }
0x58: {  	[sflag:s30] =	ssyncadd.s32 $0xFFFFFFB0  }
0x59: {  	_ =	swait.ge [sflag:s30], $0x2800  }
0x5a: {  	s10 =	sshrl.u32 s21, $0x3;
	[sflag:s30] =	ssyncset.done $0x0  }
0x5b: {  	s10 =	sadd.s32 s4, s10;
	[sflag:s30] =	ssyncadd.s32 $0xFFFFD800  }
0x5c: {  	[tilespmem:s23], [sflag:$0x1] =	stream.linear.gather [hbm4b:s10+s3], $0x50, $0x38;
	[tilespmem:$0x18980] =	vst v63  }
0x5d: {  	s10 =	sadd.s32 $0xFFFFFB00, s19  }
0x5e: {  	[tilespmem:s24], [sflag:$0x1] =	stream.linear.gather [hbm4b:s10+s3], $0x2800, $0x38;
	[tilespmem:$0x18980] =	vst v63  }
0x5f: {  	_ = 	snop  }
0x60: {  	[spmem:s2] =	stream.indirect.scatter.add.f32 [tilespmem:s28], [sflag:$0x3], $0x80, s26, s29, $0xb8;
	[tilespmem:$0x18980] =	vst v63  }
0x61: {  	_ =	swait.ge [sflag:s22], $0x2800  }
0x62: {  	[sflag:s22] =	ssyncset.done $0x0  }
0x63: {  	[sflag:s22] =	ssyncadd.s32 $0xFFFFD800  }
0x64: {  	_ =	swait.ge [sflag:s25], $0x50  }
0x65: {  	[sflag:s25] =	ssyncset.done $0x0  }
0x66: {  	[sflag:s25] =	ssyncadd.s32 $0xFFFFFFB0  }
0x67: {  	_ =	swait.ge [sflag:s25], $0x2800  }
0x68: {  	[sflag:s25] =	ssyncset.done $0x0  }
0x69: {  	s9 =	sadd.s32 s9, s20;
	[sflag:s25] =	ssyncadd.s32 $0xFFFFD800  }
0x6a: {  	[tilespmem:s26], [sflag:$0x2] =	stream.linear.gather [hbm4b:s9+s3], $0x50, $0x38;
	[tilespmem:$0x18980] =	vst v63  }
0x6b: {  	_ = 	snop  }
0x6c: {  	[tilespmem:s28], [sflag:$0x2] =	stream.linear.gather [hbm4b:s19+s3], $0x2800, $0x38;
	[tilespmem:$0x18980] =	vst v63  }
.Ltmp0:
0x6d: {  	_ = 	snop;
	(pc) =	sbr.rel @p1 .LBB2_2-.Ltmp0, $4  }
0x6e: {  	_ = 	snop  }
0x6f: {  	[spmem:s2] =	stream.indirect.scatter.add.f32 [tilespmem:s24], [sflag:$0x3], $0x80, s23, s29, $0xb8;
	[tilespmem:$0x18980] =	vst v63  }
0x70: {  	_ =	swait.ge [sflag:s22], $0x2800  }
0x71: {  	[sflag:s22] =	ssyncset.done $0x0  }
0x72: {  	[sflag:s22] =	ssyncadd.s32 $0xFFFFD800  }
0x73: {  	_ =	swait.ge [sflag:s30], $0x50  }
0x74: {  	[sflag:s30] =	ssyncset.done $0x0  }
0x75: {  	[sflag:s30] =	ssyncadd.s32 $0xFFFFFFB0  }
0x76: {  	_ =	swait.ge [sflag:s30], $0x2800  }
0x77: {  	[sflag:s30] =	ssyncset.done $0x0  }
0x78: {  	[sflag:s30] =	ssyncadd.s32 $0xFFFFD800  }
0x79: {  	[tilespmem:s23], [sflag:$0x1] =	stream.linear.gather [hbm4b:s17+s3], $0x50, $0x38;
	[tilespmem:$0x18980] =	vst v63  }
0x7a: {  	_ = 	snop  }
0x7b: {  	[tilespmem:s24], [sflag:$0x1] =	stream.linear.gather [hbm4b:s18+s3], $0x2800, $0x38;
	[tilespmem:$0x18980] =	vst v63  }
0x7c: {  	_ = 	snop  }
0x7d: {  	[spmem:s2] =	stream.indirect.scatter.add.f32 [tilespmem:s28], [sflag:$0x3], $0x80, s26, s29, $0xb8;
	[tilespmem:$0x18980] =	vst v63  }
0x7e: {  	_ =	swait.ge [sflag:s22], $0x2800  }
0x7f: {  	[sflag:s22] =	ssyncset.done $0x0  }
0x80: {  	[sflag:s22] =	ssyncadd.s32 $0xFFFFD800  }
0x81: {  	_ =	swait.ge [sflag:s25], $0x50  }
0x82: {  	[sflag:s25] =	ssyncset.done $0x0  }
0x83: {  	[sflag:s25] =	ssyncadd.s32 $0xFFFFFFB0  }
0x84: {  	_ =	swait.ge [sflag:s25], $0x2800  }
0x85: {  	[sflag:s25] =	ssyncset.done $0x0  }
0x86: {  	[sflag:s25] =	ssyncadd.s32 $0xFFFFD800  }
0x87: {  	[spmem:s2] =	stream.indirect.scatter.add.f32 [tilespmem:s24], [sflag:$0x3], $0x80, s23, s29, $0xb8;
	[tilespmem:$0x18980] =	vst v63  }
0x88: {  	_ =	swait.ge [sflag:s22], $0x2800  }
0x89: {  	[sflag:s22] =	ssyncset.done $0x0  }
0x8a: {  	[sflag:s22] =	ssyncadd.s32 $0xFFFFD800  }
0x8b: {  	[bflag:$0x0] =	sbarrier.arrive $0xFFFF  }
0x8c: {  	[hbm:s14], [sflag:s7] =	dma.local [spmem:s0], $0x2700  }
0x8d: {  	s31 =	sadd.s32 $0x1, s31;
	_ =	swait.ge [sflag:s22], $0x2700  }
0x8e: {  	p1 =	sne.s32 s31, s16;
	[sflag:s22] =	ssyncset.done $0x0  }
.Ltmp1:
0x8f: {  	s0 =	simm.s32 @!p0 $0x3;
	[sflag:s22] =	ssyncadd.s32 $0xFFFFD900;
	(pc) =	sbr.rel @p1 .LBB2_1-.Ltmp1, $4  }
0x90: {  	[hbm:s15], [sflag:s7] =	dma.local @!p0 [spmem:s1], $0x100  }
0x91: {  	_ =	swait.ge @!p0 [sflag:s0], $0x100  }
0x92: {  	[sflag:s0] =	ssyncset.done @!p0 $0x0  }
0x93: {  	[sflag:s0] =	ssyncadd.s32 @!p0 $0xFFFFFF00  }
0x94: {  	_ =	sfence.sel $0x180000  }
0x95: {  	[bflag:$0x0] =	sbarrier.arrive $0xFFFF  }
0x96: {  	_ =	strace $0x9000004D  }
0x97: {  	s0 =	stileid.u32;
	[bflag:$0x2] =	sbarrier.arrive $0xFFFF  }
0x98: {  	p0 =	sne.s32 s0, $0x0;
	s0 =	rddreg [dreg:$0x2]  }
0x99: {  	s0 =	sadd.s32 @!p0 $0x100000, s0  }
0x9a: {  	[sflag:s0] =	ssyncadd.tile.s32 @!p0 $0x1;
	_ =	shalt  }
.Lfunc_end2:
_tile_overlayer_lowered:
.L_overlay_start_2:
0x9b: {  	(tag) =	ssettag $0x2  }
0x9c: {  	s0 =	rddreg [dreg:$0x0];
	s2 =	stileid.u32  }
0x9d: {  	s1 =	rddreg [dreg:$0x1];
	p0 =	sne.s32 s2, $0x0  }
0x9e: {  	s3 =	rddreg [dreg:$0x2];
	[bflag:$0x3] =	sbarrier.arrive $0xFFFF;
	s2 =	simm.s32 @!p0 $0x1C03  }
0x9f: {  	[timem:s3], [sflag:s2] =	dma.local @!p0 [hbm:s0], s1  }
0xa0: {  	s0 =	simm.s32 @!p0 $0x3  }
0xa1: {  	_ =	swait.ge @!p0 [sflag:s0], s1  }
0xa2: {  	s1 =	ssub.s32 @!p0 $0x0, s1;
	[sflag:s0] =	ssyncset.done @!p0 $0x0  }
0xa3: {  	[sflag:s0] =	ssyncadd.s32 @!p0 s1  }
0xa4: {  	[bflag:$0x3] =	sbarrier.arrive $0xFFFF  }
0xa5: {  	_ =	shalt  }

// kernel: kernel.21.cloned.1.call-start
scs
__scs_entry_jumppad:
0x0: {  	(pc) =	sbr.rel $0x88, $3  }
0x1: {  	(tag) =	ssettag $0x0;
	lr =	simm.s32 $0x1  }
0x2: {  	[smem:$0x3F8E] =	sst lr;
	_ =	strace $0xD0000000  }
0x3: {  	_ = 	snop  }
0x4: {  	_ = 	snop  }
0x5: {  	_ = 	snop  }
0x6: {  	_ = 	snop  }
0x7: {  	_ = 	snop  }
__scs_overlays_trampoline_lowered:
0x8: {  	[smem:$0x3F9D] =	sst s0  }
0x9: {  	[smem:$0x3F9E] =	sst s1  }
0xa: {  	[smem:$0x3F9F] =	sst s2  }
0xb: {  	[smem:$0x3FA0] =	sst s3  }
0xc: {  	[smem:$0x3FA1] =	sst s4  }
0xd: {  	[smem:$0x3FA2] =	sst s5  }
0xe: {  	[smem:$0x3FA3] =	sst s6  }
0xf: {  	[smem:$0x3FA4] =	sst s7  }
0x10: {  	[smem:$0x3FA5] =	sst s8  }
0x11: {  	[smem:$0x3FA6] =	sst s9;
	s0 =	simm.s32 @!p0 $0x0  }
0x12: {  	s1 =	sld [smem:$0x3F8C];
	s0 =	simm.s32 @p0 $0x1  }
0x13: {  	[smem:$0x3FA7] =	sst s0;
	s0 =	simm.s32 @!p1 $0x0  }
0x14: {  	s2 =	sld [smem:$0x3F8B];
	s0 =	simm.s32 @p1 $0x1  }
0x15: {  	[smem:$0x3FA8] =	sst s0;
	s0 =	simm.s32 @!p2 $0x0  }
0x16: {  	s3 =	sld [smem:$0x3FDB];
	s0 =	simm.s32 @p2 $0x1  }
0x17: {  	s4 =	simm.s32 $0x1BF5;
	[smem:$0x3FAA] =	sst s0  }
0x18: {  	s0 =	sld [smem:$0x3F8D];
	_ =	swait.ge [sflag:s4], $0x0  }
0x19: {  	s7 =	sld [smem:$0x3F8E]  }
0x1a: {  	s8 =	sadd.s32 $0xFFFFE003, lr  }
0x1b: {  	s9 =	sadd.s32 $0xFFFFFEF7, lr;
	s5 =	simm.s32 $0xFFFFFFFF;
	p2 =	slt.u32 s8, $0xFFFFF086  }
0x1c: {  	p1 =	slt.u32 s9, $0xF7A;
	s5 =	simm.s32 @!p2 $0x0  }
0x1d: {  	s5 =	simm.s32 @p1 $0x1;
	p0 =	seq.s32 s7, s2  }
0x1e: {  	s7 =	smul.u32 @!p0 $0xF7A, s2;
	p2 =	seq.s32 @!p0 s5, $0x0  }
0x1f: {  	s9 =	smul.u32 $0xF7A, s1;
	s8 =	simm.s32 @!p0 $0x1BF5;
	p2 =	por !p2, p0  }
0x20: {  	[sflag:s8] =	ssyncset.s32 @!p0 $0xFFFFF086;
	s6 =	sadd.s32 @!p0 s3, s7;
	s7 =	simm.s32 @!p0 $0x108  }
0x21: {  	s3 =	sadd.s32 s3, s9;
	s6 =	sadd.s32 @!p0 $0x88, s6;
	s7 =	simm.s32 @p2 $0x1082  }
0x22: {  	[simem:s7], [sflag:s8] =	dma.local @!p0 [hbm:s6], $0xF7A  }
0x23: {  	s9 =	sor.u32 $0xD0000000, s2;
	s6 =	simm.s32 $0x108;
	_ =	swait.ge @!p0 [sflag:s8], $0x0  }
0x24: {  	s3 =	sadd.s32 $0x88, s3;
	s6 =	simm.s32 @!p1 $0x1082;
	[sflag:s4] =	ssyncset.s32 $0xFFFFF086  }
0x25: {  	[simem:s6], [sflag:s4] =	dma.local [hbm:s3], $0xF7A  }
0x26: {  	[smem:$0x3F8E] =	sst s1;
	(tag) =	ssettag s2;
	_ =	strace s9  }
0x27: {  	s1 =	sld [smem:$0x3F9E]  }
0x28: {  	s2 =	sld [smem:$0x3F9F]  }
0x29: {  	s4 =	sld [smem:$0x3FA1]  }
0x2a: {  	p0 =	seq.s32 s5, $0x0;
	s5 =	sld [smem:$0x3FA2]  }
0x2b: {  	s6 =	sld [smem:$0x3FA3]  }
0x2c: {  	s7 =	sld [smem:$0x3FA4]  }
0x2d: {  	s3 =	simm.s32 $0x108;
	s8 =	sld [smem:$0x3FA5]  }
0x2e: {  	s3 =	simm.s32 @!p0 $0x1082;
	s9 =	sld [smem:$0x3FA6]  }
0x2f: {  	lr =	sadd.s32 s0, s3;
	s0 =	sld [smem:$0x3F9D]  }
0x30: {  	s3 =	sld [smem:$0x3FA0]  }
0x31: {  	[smem:$0x3FA9] =	sst s10  }
0x32: {  	s10 =	sld [smem:$0x3FA7];
	_ =	sdelay $0x3  }
0x33: {  	p0 =	seq.s32 s10, $0x1;
	s10 =	sld [smem:$0x3FA9];
	_ =	sdelay $0x3  }
0x34: {  	[smem:$0x3FA9] =	sst s10  }
0x35: {  	s10 =	sld [smem:$0x3FA8];
	_ =	sdelay $0x3  }
0x36: {  	p1 =	seq.s32 s10, $0x1;
	s10 =	sld [smem:$0x3FA9];
	_ =	sdelay $0x3  }
0x37: {  	[smem:$0x3FA9] =	sst s10  }
0x38: {  	s10 =	sld [smem:$0x3FAA]  }
0x39: {  	_ = 	snop;
	(pc) =	sbr.ind lr, $3  }
0x3a: {  	_ = 	snop  }
0x3b: {  	_ = 	snop  }
0x3c: {  	p2 =	seq.s32 s10, $0x1;
	s10 =	sld [smem:$0x3FA9]  }
0x3d: {  	_ =	shalt  }
0x3e: {  	_ =	shalt  }
0x3f: {  	_ =	shalt  }
0x40: {  	_ =	shalt  }
0x41: {  	_ =	shalt  }
0x42: {  	_ =	shalt  }
0x43: {  	_ =	shalt  }
0x44: {  	_ =	shalt  }
0x45: {  	_ =	shalt  }
0x46: {  	_ =	shalt  }
0x47: {  	_ =	shalt  }
0x48: {  	_ =	shalt  }
0x49: {  	_ =	shalt  }
0x4a: {  	_ =	shalt  }
0x4b: {  	_ =	shalt  }
0x4c: {  	_ =	shalt  }
0x4d: {  	_ =	shalt  }
0x4e: {  	_ =	shalt  }
0x4f: {  	_ =	shalt  }
0x50: {  	_ =	shalt  }
0x51: {  	_ =	shalt  }
0x52: {  	_ =	shalt  }
0x53: {  	_ =	shalt  }
0x54: {  	_ =	shalt  }
0x55: {  	_ =	shalt  }
0x56: {  	_ =	shalt  }
0x57: {  	_ =	shalt  }
0x58: {  	_ =	shalt  }
0x59: {  	_ =	shalt  }
0x5a: {  	_ =	shalt  }
0x5b: {  	_ =	shalt  }
0x5c: {  	_ =	shalt  }
0x5d: {  	_ =	shalt  }
0x5e: {  	_ =	shalt  }
0x5f: {  	_ =	shalt  }
0x60: {  	_ =	shalt  }
0x61: {  	_ =	shalt  }
0x62: {  	_ =	shalt  }
0x63: {  	_ =	shalt  }
0x64: {  	_ =	shalt  }
0x65: {  	_ =	shalt  }
0x66: {  	_ =	shalt  }
0x67: {  	_ =	shalt  }
0x68: {  	_ =	shalt  }
0x69: {  	_ =	shalt  }
0x6a: {  	_ =	shalt  }
0x6b: {  	_ =	shalt  }
0x6c: {  	_ =	shalt  }
0x6d: {  	_ =	shalt  }
0x6e: {  	_ =	shalt  }
0x6f: {  	_ =	shalt  }
0x70: {  	_ =	shalt  }
0x71: {  	_ =	shalt  }
0x72: {  	_ =	shalt  }
0x73: {  	_ =	shalt  }
0x74: {  	_ =	shalt  }
0x75: {  	_ =	shalt  }
0x76: {  	_ =	shalt  }
0x77: {  	_ =	shalt  }
0x78: {  	_ =	shalt  }
0x79: {  	_ =	shalt  }
0x7a: {  	_ =	shalt  }
0x7b: {  	_ =	shalt  }
0x7c: {  	_ =	shalt  }
0x7d: {  	_ =	shalt  }
0x7e: {  	_ =	shalt  }
0x7f: {  	_ =	shalt  }
0x80: {  	_ =	shalt  }
0x81: {  	_ =	shalt  }
0x82: {  	_ =	shalt  }
0x83: {  	_ =	shalt  }
0x84: {  	_ =	shalt  }
0x85: {  	_ =	shalt  }
0x86: {  	_ =	shalt  }
0x87: {  	_ =	shalt  }
.Lfunc_end0:
.L_simem_size_0:
called_computation.2_lowered:
.L_overlay_start_0:
0x88: {  	s2 =	sld [smem:$0x3FD9]  }
0x89: {  	s3 =	sld [smem:$0x3FFE];
	_ =	sdelay $0x1  }
0x8a: {  	s1 =	srdreg.scid  }
0x8b: {  	s0 =	sand.u32 $0x1, s1  }
0x8c: {  	s17 =	sshll.u32 s0, $0xA;
	s2 =	sadd.s32 s3, s2  }
0x8d: {  	s2 =	sadd.s32 s2, s17  }
0x8e: {  	[smem:$0x3FB5] =	sst s2  }
0x8f: {  	_ = 	snop  }
0x90: {  	(tm) =	ssettm $0x1  }
0x91: {  	s18 =	sld [smem:$0x3FFB];
	_ =	sdelay $0x3  }
0x92: {  	_ =	strace s18  }
0x93: {  	s2 =	sld [smem:$0x3FFC];
	_ =	sdelay $0x3  }
0x94: {  	_ =	strace s2  }
0x95: {  	s2 =	sld [smem:$0x3FFD];
	_ =	sdelay $0x3  }
0x96: {  	_ =	strace s2  }
0x97: {  	_ =	strace $0x8FFFFFFF  }
0x98: {  	s19 =	sld [smem:$0x3FDB];
	_ =	sdelay $0x1  }
0x99: {  	s20 =	simm.s32 $_scs_section_size  }
0x9a: {  	s4 =	simm.s32 $_size__tile_overlayer_lowered;
	s5 =	simm.s32 $_tile_overlayer_lowered  }
0x9b: {  	s6 =	simm.s32 $0x1BFF;
	s21 =	sshll.u32 s5, $0x1;
	s3 =	sadd.s32 s20, s19  }
0x9c: {  	s22 =	simm.s32 $0x0;
	s4 =	sshll.u32 s4, $0x1;
	s5 =	sadd.s32 s21, s3  }
0x9d: {  	[timem:s22], [sflag:s6] =	dma.local [hbm:s5], s4  }
0x9e: {  	_ =	swait.ge [sflag:s6], s4  }
0x9f: {  	s4 =	ssub.s32 $0x0, s4;
	[sflag:s6] =	ssyncset.done $0x0  }
0xa0: {  	[sflag:s6] =	ssyncadd.s32 s4;
	_ =	sdelay $0x1  }
0xa1: {  	s23 =	simm.s32 $0x1B8B  }
0xa2: {  	_ =	swait.ge [sflag:s23], $0x1  }
0xa3: {  	[sflag:s23] =	ssyncset.done $0x0  }
0xa4: {  	[sflag:s23] =	ssyncadd.s32 $0xFFFFFFFF  }
0xa5: {  	s4 =	sld [smem:$0x0]  }
0xa6: {  	s5 =	sand.u32 $0xFFFFFFFE, s1  }
0xa7: {  	p0 =	sne.s32 s1, s5  }
0xa8: {  	s5 =	sshll.u32 @p0 s5, $0xE  }
0xa9: {  	s5 =	sadd.s32 @p0 $0x11B8D, s5;
	s6 =	sshll.u32 @p0 s4, $0x11  }
0xaa: {  	s5 =	sor.u32 @p0 s6, s5  }
0xab: {  	[sflag:s5] =	ssyncadd.remote.s32 @p0 $0x1;
	_ =	sdelay $0x1  }
0xac: {  	s5 =	simm.s32 @p0 $0x1B8D  }
0xad: {  	_ =	swait.eq @p0 [sflag:s5], $0x1  }
0xae: {  	[sflag:s5] =	ssyncadd.s32 @p0 $0xFFFFFFFF  }
0xaf: {  	s6 =	sshll.u32 @!p0 s1, $0xE  }
0xb0: {  	s6 =	sor.u32 @!p0 $0x4000, s6;
	s5 =	simm.s32 @!p0 $0x1B8D  }
0xb1: {  	s4 =	sshll.u32 @!p0 s4, $0x11;
	s6 =	sadd.s32 @!p0 $0x11B8D, s6;
	_ =	swait.eq @!p0 [sflag:s5], $0x1  }
0xb2: {  	s4 =	sor.u32 @!p0 s4, s6;
	[sflag:s5] =	ssyncadd.s32 @!p0 $0xFFFFFFFF  }
0xb3: {  	s25 =	simm.s32 $0x1B8E;
	s24 =	sld [smem:$0x3FFE];
	[sflag:s4] =	ssyncadd.remote.s32 @!p0 $0x1  }
0xb4: {  	s26 =	simm.s32 $execute0_lowered;
	[smem:$0x3FD2] =	sst s25  }
0xb5: {  	s5 =	sshll.u32 s26, $0x1;
	_ =	strace $0x80000049;
	[dreg:$0x1] =	wrdreg $0xFFFFFFFF  }
0xb6: {  	s28 =	simm.s32 $_size_execute0_lowered;
	s3 =	sadd.s32 s3, s5;
	[dreg:$0x0] =	wrdreg $0x0  }
0xb7: {  	s5 =	sshll.u32 s28, $0x1;
	[dreg:$0x2] =	wrdreg s3  }
0xb8: {  	[dreg:$0x3] =	wrdreg s5  }
0xb9: {  	[dreg:$0x4] =	wrdreg $0xC0  }
0xba: {  	_ =	task [dreg:s22], $0x5FFFF  }
0xbb: {  	[dreg:$0x1] =	wrdreg $0xFFFFFFFF  }
0xbc: {  	[dreg:$0x0] =	wrdreg $0x60  }
0xbd: {  	[dreg:$0x2] =	wrdreg s24  }
0xbe: {  	[dreg:$0x3] =	wrdreg $0x0  }
0xbf: {  	[dreg:$0x4] =	wrdreg $0x9  }
0xc0: {  	_ =	task.clear_ibuf [dreg:s22], $0x5FFFF;
	_ =	strace $0x90000049  }
0xc1: {  	s29 =	simm.s32 $0x9;
	_ =	strace $0x8000004B  }
0xc2: {  	_ =	swait.ge [sflag:s29], $0x1  }
0xc3: {  	[sflag:s29] =	ssyncadd.s32 $0xFFFFFFFF  }
0xc4: {  	_ =	strace $0x9000004B  }
0xc5: {  	_ =	sfence  }
0xc6: {  	s30 =	sld [smem:$0x0];
	_ =	sdelay $0x2  }
0xc7: {  	s31 =	sshll.u32 s1, $0xD;
	s1 =	sshrl.u32 s1, $0x2  }
0xc8: {  	s4 =	sand.u32 $0x4000, s31;
	s1 =	sadd.s32 s1, s30  }
0xc9: {  	s0 =	sor.u32 s4, s0;
	s1 =	sshll.u32 s1, $0x11  }
0xca: {  	s0 =	sor.u32 s1, s0  }
0xcb: {  	s0 =	sadd.s32 $0x8F2B, s0  }
0xcc: {  	[sflag:s0] =	ssyncadd.remote.s32 $0x1  }
0xcd: {  	_ =	sfence.sel $0xFFFF  }
0xce: {  	[dreg:$0x0] =	wrdreg $0xFFFFFFFF;
	(pc) =	sbr.abs _section_cstart, $3  }
0xcf: {  	[dreg:$0x1] =	wrdreg $0xFFFFFFFF  }
0xd0: {  	_ =	task.clear_ibuf [dreg:s22], $0x2FFFF;
	_ =	strace $0x9FFFFFFF  }
0xd1: {  	(tm) =	ssettm $0x7FFFFFFF  }
tec
execute0_lowered:
.L_overlay_start_1:
0x0: {  	(tag) =	ssettag $0x1  }
0x1: {  	s8 =	rddreg [dreg:$0x0]  }
0x2: {  	s2 =	rddreg [dreg:$0x1]  }
0x3: {  	s0 =	rddreg [dreg:$0x2];
	s3 =	simm.s32 $0x0  }
0x4: {  	s1 =	stileid.u32;
	s6 =	srdreg.scid;
	s19 =	simm.s32 $0x13980  }
0x5: {  	s21 =	simm.s32 $0x13880;
	s22 =	simm.s32 $0x1;
	s23 =	simm.s32 $0x13900  }
0x6: {  	s24 =	simm.s32 $0x50;
	s25 =	simm.s32 $0x2;
	[smem:$0x7FF] =	sst s3  }
0x7: {  	s11 =	smul.u32 $0x2700, s1;
	s4 =	sadd.s32 $0xF200, s8;
	s5 =	sadd.s32 $0x597800, s8  }
0x8: {  	s10 =	sand.u32 $0x1, s6;
	s9 =	sshll.u32 s1, $0x1;
	s12 =	smul.u32 $0x4E000, s1  }
0x9: {  	s13 =	sadd.s32 $0x597E00, s8;
	s28 =	sshll.u32 s1, $0x6;
	s29 =	smul.u32 $0x4E20, s1  }
0xa: {  	s20 =	sadd.s32 $0x138000, s2;
	p0 =	sne.s32 s1, $0xF;
	s15 =	smul.u32 $0x138800, s10  }
0xb: {  	_ =	strace $0x8000004A;
	s6 =	ssub.s32 $0x2, s10;
	s16 =	smul.u32 $0x2710, s10  }
0xc: {  	s9 =	sor.u32 s10, s9;
	s18 =	smul.u32 $0x27100, s10;
	s20 =	sshrl.u32 @!p0 s20, $0x3  }
0xd: {  	s7 =	sadd.s32 s11, s8;
	s14 =	sshrl.u32 s6, $0x1;
	s26 =	sshrl.u32 s12, $0x2  }
0xe: {  	s9 =	smul.u32 $0x2710, s9;
	s8 =	sadd.s32 $0x597600, s8;
	s14 =	ssub.s32 s6, s14  }
0xf: {  	s17 =	sadd.s32 s26, s2;
	s6 =	sadd.s32 $0x570600, s7;
	s7 =	sor.u32 $0x1C03, s28  }
0x10: {  	s15 =	sshrl.u32 s15, $0x3;
	s16 =	sadd.s32 s16, s29;
	s11 =	sadd.s32 s11, s18  }
0x11: {  	s18 =	simm.s32 $0x3;
	s26 =	simm.s32 $0x0;
	s9 =	sshrl.u32 s9, $0x3  }
0x12: {  	s30 =	sadd.s32 s13, s15;
	s31 =	sadd.s32 $0xF0, s16;
	s11 =	sadd.s32 s13, s11  }
0x13: {  	s13 =	smax.u32 s14, $0x1;
	s16 =	sadd.s32 $0xA0, s16;
	s17 =	sshrl.u32 s17, $0x3  }
0x14: {  	s9 =	sadd.s32 s4, s9;
	s12 =	sadd.s32 $0x27000, s30;
	s15 =	sshrl.u32 s31, $0x3  }
0x15: {  	s10 =	sadd.s32 $0xA, s9;
	s14 =	sadd.s32 $0x4D8, s9;
	s15 =	sadd.s32 s15, s4  }
.LBB2_1:
0x16: {  	[spmem:s17], [sflag:s7] =	dma.local [hbm:s6], $0x2700  }
0x17: {  	_ =	swait.ge [sflag:s18], $0x2700  }
0x18: {  	[sflag:s18] =	ssyncset.done $0x0  }
0x19: {  	[sflag:s18] =	ssyncadd.s32 $0xFFFFD900  }
0x1a: {  	[tilespmem:s19], [sflag:$0x3] =	stream.linear.gather [hbm4b:s5+s3], $0x2800, $0x38;
	[tilespmem:$0x16180] =	vst v63  }
0x1b: {  	_ =	swait.ge [sflag:s18], $0x2800  }
0x1c: {  	[sflag:s18] =	ssyncset.done $0x0  }
0x1d: {  	s28 =	simm.s32 @!p0 $0x3;
	[sflag:s18] =	ssyncadd.s32 $0xFFFFD800  }
0x1e: {  	[spmem:s20], [sflag:s7] =	dma.local @!p0 [hbm:s8], $0x100  }
0x1f: {  	_ =	swait.ge @!p0 [sflag:s28], $0x100  }
0x20: {  	[sflag:s28] =	ssyncset.done @!p0 $0x0  }
0x21: {  	[sflag:s28] =	ssyncadd.s32 @!p0 $0xFFFFFF00  }
0x22: {  	[bflag:$0x0] =	sbarrier.arrive $0xFFFF  }
0x23: {  	[tilespmem:s21], [sflag:$0x1] =	stream.linear.gather [hbm4b:s9+s3], $0x50, $0x38;
	[tilespmem:$0x16180] =	vst v63  }
0x24: {  	_ =	swait.ge [sflag:s22], $0x50  }
0x25: {  	[sflag:s22] =	ssyncset.done $0x0  }
0x26: {  	[sflag:s22] =	ssyncadd.s32 $0xFFFFFFB0  }
0x27: {  	[tilespmem:s23], [sflag:$0x2] =	stream.linear.gather [hbm4b:s10+s3], $0x50, $0x38;
	[tilespmem:$0x16180] =	vst v63  }
0x28: {  	_ = 	snop  }
0x29: {  	[spmem:s2] =	stream.indirect.scatter.add.f32 [tilespmem:s19], [sflag:$0x3], $0x80, s21, s24, $0xb8;
	[tilespmem:$0x16180] =	vst v63  }
0x2a: {  	_ =	swait.ge [sflag:s18], $0x2800  }
0x2b: {  	[sflag:s18] =	ssyncset.done $0x0  }
0x2c: {  	[sflag:s18] =	ssyncadd.s32 $0xFFFFD800  }
0x2d: {  	_ =	swait.ge [sflag:s25], $0x50  }
0x2e: {  	s28 =	sshrl.u32 s16, $0x3;
	[sflag:s25] =	ssyncset.done $0x0  }
0x2f: {  	s28 =	sadd.s32 s4, s28;
	[sflag:s25] =	ssyncadd.s32 $0xFFFFFFB0  }
0x30: {  	[tilespmem:s21], [sflag:$0x1] =	stream.linear.gather [hbm4b:s28+s3], $0x50, $0x38;
	[tilespmem:$0x16180] =	vst v63  }
0x31: {  	_ = 	snop  }
0x32: {  	[spmem:s2] =	stream.indirect.scatter.add.f32 [tilespmem:s19], [sflag:$0x3], $0x80, s23, s24, $0xb8;
	[tilespmem:$0x16180] =	vst v63  }
0x33: {  	_ =	swait.ge [sflag:s18], $0x2800  }
0x34: {  	[sflag:s18] =	ssyncset.done $0x0  }
0x35: {  	[sflag:s18] =	ssyncadd.s32 $0xFFFFD800  }
0x36: {  	_ =	swait.ge [sflag:s22], $0x50  }
0x37: {  	[sflag:s22] =	ssyncset.done $0x0  }
0x38: {  	s28 =	sadd.s32 $0x0, s15;
	[sflag:s22] =	ssyncadd.s32 $0xFFFFFFB0  }
0x39: {  	[tilespmem:s23], [sflag:$0x2] =	stream.linear.gather [hbm4b:s28+s3], $0x50, $0x38;
	[tilespmem:$0x16180] =	vst v63  }
0x3a: {  	_ = 	snop  }
0x3b: {  	[spmem:s2] =	stream.indirect.scatter.add.f32 [tilespmem:s19], [sflag:$0x3], $0x80, s21, s24, $0xb8;
	[tilespmem:$0x16180] =	vst v63  }
0x3c: {  	_ =	swait.ge [sflag:s18], $0x2800  }
0x3d: {  	s29 =	smov.u32 s16;
	s28 =	simm.s32 $0x14;
	[sflag:s18] =	ssyncset.done $0x0  }
.LBB2_2:
0x3e: {  	p1 =	sne.s32 s28, $0x4B0;
	[sflag:s18] =	ssyncadd.s32 $0xFFFFD800;
	s29 =	sadd.s32 $0xA0, s29  }
0x3f: {  	s30 =	smov.u32 s28;
	s28 =	sadd.s32 $0x14, s28  }
0x40: {  	_ =	swait.ge [sflag:s25], $0x50  }
0x41: {  	s31 =	sshrl.u32 s29, $0x3;
	[sflag:s25] =	ssyncset.done $0x0  }
0x42: {  	s31 =	sadd.s32 s4, s31;
	[sflag:s25] =	ssyncadd.s32 $0xFFFFFFB0  }
0x43: {  	[tilespmem:s21], [sflag:$0x1] =	stream.linear.gather [hbm4b:s31+s3], $0x50, $0x38;
	[tilespmem:$0x16180] =	vst v63  }
0x44: {  	_ = 	snop  }
0x45: {  	[spmem:s2] =	stream.indirect.scatter.add.f32 [tilespmem:s19], [sflag:$0x3], $0x80, s23, s24, $0xb8;
	[tilespmem:$0x16180] =	vst v63  }
0x46: {  	_ =	swait.ge [sflag:s18], $0x2800  }
0x47: {  	[sflag:s18] =	ssyncset.done $0x0  }
0x48: {  	[sflag:s18] =	ssyncadd.s32 $0xFFFFD800  }
0x49: {  	_ =	swait.ge [sflag:s22], $0x50  }
0x4a: {  	[sflag:s22] =	ssyncset.done $0x0  }
0x4b: {  	s30 =	sadd.s32 s30, s15;
	[sflag:s22] =	ssyncadd.s32 $0xFFFFFFB0  }
0x4c: {  	[tilespmem:s23], [sflag:$0x2] =	stream.linear.gather [hbm4b:s30+s3], $0x50, $0x38;
	[tilespmem:$0x16180] =	vst v63  }
.Ltmp0:
0x4d: {  	_ = 	snop;
	(pc) =	sbr.rel @p1 .LBB2_2-.Ltmp0, $4  }
0x4e: {  	_ = 	snop  }
0x4f: {  	[spmem:s2] =	stream.indirect.scatter.add.f32 [tilespmem:s19], [sflag:$0x3], $0x80, s21, s24, $0xb8;
	[tilespmem:$0x16180] =	vst v63  }
0x50: {  	_ =	swait.ge [sflag:s18], $0x2800  }
0x51: {  	[sflag:s18] =	ssyncset.done $0x0  }
0x52: {  	[sflag:s18] =	ssyncadd.s32 $0xFFFFD800  }
0x53: {  	_ =	swait.ge [sflag:s25], $0x50  }
0x54: {  	[sflag:s25] =	ssyncset.done $0x0  }
0x55: {  	[sflag:s25] =	ssyncadd.s32 $0xFFFFFFB0  }
0x56: {  	[tilespmem:s21], [sflag:$0x1] =	stream.linear.gather [hbm4b:s14+s3], $0x50, $0x38;
	[tilespmem:$0x16180] =	vst v63  }
0x57: {  	_ = 	snop  }
0x58: {  	[spmem:s2] =	stream.indirect.scatter.add.f32 [tilespmem:s19], [sflag:$0x3], $0x80, s23, s24, $0xb8;
	[tilespmem:$0x16180] =	vst v63  }
0x59: {  	_ =	swait.ge [sflag:s18], $0x2800  }
0x5a: {  	[sflag:s18] =	ssyncset.done $0x0  }
0x5b: {  	[sflag:s18] =	ssyncadd.s32 $0xFFFFD800  }
0x5c: {  	_ =	swait.ge [sflag:s22], $0x50  }
0x5d: {  	[sflag:s22] =	ssyncset.done $0x0  }
0x5e: {  	[sflag:s22] =	ssyncadd.s32 $0xFFFFFFB0  }
0x5f: {  	[spmem:s2] =	stream.indirect.scatter.add.f32 [tilespmem:s19], [sflag:$0x3], $0x80, s21, s24, $0xb8;
	[tilespmem:$0x16180] =	vst v63  }
0x60: {  	_ =	swait.ge [sflag:s18], $0x2800  }
0x61: {  	[sflag:s18] =	ssyncset.done $0x0  }
0x62: {  	[sflag:s18] =	ssyncadd.s32 $0xFFFFD800  }
0x63: {  	[bflag:$0x0] =	sbarrier.arrive $0xFFFF  }
0x64: {  	[hbm:s11], [sflag:s7] =	dma.local [spmem:s17], $0x2700  }
0x65: {  	s26 =	sadd.s32 $0x1, s26;
	_ =	swait.ge [sflag:s18], $0x2700  }
0x66: {  	p1 =	sne.s32 s26, s13;
	[sflag:s18] =	ssyncset.done $0x0  }
.Ltmp1:
0x67: {  	s28 =	simm.s32 @!p0 $0x3;
	[sflag:s18] =	ssyncadd.s32 $0xFFFFD900;
	(pc) =	sbr.rel @p1 .LBB2_1-.Ltmp1, $4  }
0x68: {  	[hbm:s12], [sflag:s7] =	dma.local @!p0 [spmem:s20], $0x100  }
0x69: {  	_ =	swait.ge @!p0 [sflag:s28], $0x100  }
0x6a: {  	[sflag:s28] =	ssyncset.done @!p0 $0x0  }
0x6b: {  	[sflag:s28] =	ssyncadd.s32 @!p0 $0xFFFFFF00  }
0x6c: {  	_ =	sfence.sel $0x180000  }
0x6d: {  	[bflag:$0x0] =	sbarrier.arrive $0xFFFF  }
0x6e: {  	p0 =	sne.s32 s1, $0x0;
	_ =	strace $0x9000004A  }
0x6f: {  	s0 =	sadd.s32 @!p0 $0x100000, s0;
	[bflag:$0x2] =	sbarrier.arrive $0xFFFF  }
0x70: {  	[sflag:s0] =	ssyncadd.tile.s32 @!p0 $0x1;
	_ =	shalt  }
.Lfunc_end2:
_tile_overlayer_lowered:
.L_overlay_start_2:
0x71: {  	(tag) =	ssettag $0x2  }
0x72: {  	s0 =	rddreg [dreg:$0x0];
	s2 =	stileid.u32  }
0x73: {  	s1 =	rddreg [dreg:$0x1];
	p0 =	sne.s32 s2, $0x0  }
0x74: {  	s3 =	rddreg [dreg:$0x2];
	[bflag:$0x3] =	sbarrier.arrive $0xFFFF;
	s2 =	simm.s32 @!p0 $0x1C03  }
0x75: {  	[timem:s3], [sflag:s2] =	dma.local @!p0 [hbm:s0], s1  }
0x76: {  	s0 =	simm.s32 @!p0 $0x3  }
0x77: {  	_ =	swait.ge @!p0 [sflag:s0], s1  }
0x78: {  	s1 =	ssub.s32 @!p0 $0x0, s1;
	[sflag:s0] =	ssyncset.done @!p0 $0x0  }
0x79: {  	[sflag:s0] =	ssyncadd.s32 @!p0 s1  }
0x7a: {  	[bflag:$0x3] =	sbarrier.arrive $0xFFFF  }
0x7b: {  	_ =	shalt  }

// kernel: kernel.24.cloned.1.call-start
scs
__scs_entry_jumppad:
0x0: {  	(pc) =	sbr.rel $0x88, $3  }
0x1: {  	(tag) =	ssettag $0x0;
	lr =	simm.s32 $0x1  }
0x2: {  	[smem:$0x3F8E] =	sst lr;
	_ =	strace $0xD0000000  }
0x3: {  	_ = 	snop  }
0x4: {  	_ = 	snop  }
0x5: {  	_ = 	snop  }
0x6: {  	_ = 	snop  }
0x7: {  	_ = 	snop  }
__scs_overlays_trampoline_lowered:
0x8: {  	[smem:$0x3F9D] =	sst s0  }
0x9: {  	[smem:$0x3F9E] =	sst s1  }
0xa: {  	[smem:$0x3F9F] =	sst s2  }
0xb: {  	[smem:$0x3FA0] =	sst s3  }
0xc: {  	[smem:$0x3FA1] =	sst s4  }
0xd: {  	[smem:$0x3FA2] =	sst s5  }
0xe: {  	[smem:$0x3FA3] =	sst s6  }
0xf: {  	[smem:$0x3FA4] =	sst s7  }
0x10: {  	[smem:$0x3FA5] =	sst s8  }
0x11: {  	[smem:$0x3FA6] =	sst s9;
	s0 =	simm.s32 @!p0 $0x0  }
0x12: {  	s1 =	sld [smem:$0x3F8C];
	s0 =	simm.s32 @p0 $0x1  }
0x13: {  	[smem:$0x3FA7] =	sst s0;
	s0 =	simm.s32 @!p1 $0x0  }
0x14: {  	s2 =	sld [smem:$0x3F8B];
	s0 =	simm.s32 @p1 $0x1  }
0x15: {  	[smem:$0x3FA8] =	sst s0;
	s0 =	simm.s32 @!p2 $0x0  }
0x16: {  	s3 =	sld [smem:$0x3FDB];
	s0 =	simm.s32 @p2 $0x1  }
0x17: {  	s4 =	simm.s32 $0x1BF5;
	[smem:$0x3FAA] =	sst s0  }
0x18: {  	s0 =	sld [smem:$0x3F8D];
	_ =	swait.ge [sflag:s4], $0x0  }
0x19: {  	s7 =	sld [smem:$0x3F8E]  }
0x1a: {  	s8 =	sadd.s32 $0xFFFFE003, lr  }
0x1b: {  	s9 =	sadd.s32 $0xFFFFFEF7, lr;
	s5 =	simm.s32 $0xFFFFFFFF;
	p2 =	slt.u32 s8, $0xFFFFF086  }
0x1c: {  	p1 =	slt.u32 s9, $0xF7A;
	s5 =	simm.s32 @!p2 $0x0  }
0x1d: {  	s5 =	simm.s32 @p1 $0x1;
	p0 =	seq.s32 s7, s2  }
0x1e: {  	s7 =	smul.u32 @!p0 $0xF7A, s2;
	p2 =	seq.s32 @!p0 s5, $0x0  }
0x1f: {  	s9 =	smul.u32 $0xF7A, s1;
	s8 =	simm.s32 @!p0 $0x1BF5;
	p2 =	por !p2, p0  }
0x20: {  	[sflag:s8] =	ssyncset.s32 @!p0 $0xFFFFF086;
	s6 =	sadd.s32 @!p0 s3, s7;
	s7 =	simm.s32 @!p0 $0x108  }
0x21: {  	s3 =	sadd.s32 s3, s9;
	s6 =	sadd.s32 @!p0 $0x88, s6;
	s7 =	simm.s32 @p2 $0x1082  }
0x22: {  	[simem:s7], [sflag:s8] =	dma.local @!p0 [hbm:s6], $0xF7A  }
0x23: {  	s9 =	sor.u32 $0xD0000000, s2;
	s6 =	simm.s32 $0x108;
	_ =	swait.ge @!p0 [sflag:s8], $0x0  }
0x24: {  	s3 =	sadd.s32 $0x88, s3;
	s6 =	simm.s32 @!p1 $0x1082;
	[sflag:s4] =	ssyncset.s32 $0xFFFFF086  }
0x25: {  	[simem:s6], [sflag:s4] =	dma.local [hbm:s3], $0xF7A  }
0x26: {  	[smem:$0x3F8E] =	sst s1;
	(tag) =	ssettag s2;
	_ =	strace s9  }
0x27: {  	s1 =	sld [smem:$0x3F9E]  }
0x28: {  	s2 =	sld [smem:$0x3F9F]  }
0x29: {  	s4 =	sld [smem:$0x3FA1]  }
0x2a: {  	p0 =	seq.s32 s5, $0x0;
	s5 =	sld [smem:$0x3FA2]  }
0x2b: {  	s6 =	sld [smem:$0x3FA3]  }
0x2c: {  	s7 =	sld [smem:$0x3FA4]  }
0x2d: {  	s3 =	simm.s32 $0x108;
	s8 =	sld [smem:$0x3FA5]  }
0x2e: {  	s3 =	simm.s32 @!p0 $0x1082;
	s9 =	sld [smem:$0x3FA6]  }
0x2f: {  	lr =	sadd.s32 s0, s3;
	s0 =	sld [smem:$0x3F9D]  }
0x30: {  	s3 =	sld [smem:$0x3FA0]  }
0x31: {  	[smem:$0x3FA9] =	sst s10  }
0x32: {  	s10 =	sld [smem:$0x3FA7];
	_ =	sdelay $0x3  }
0x33: {  	p0 =	seq.s32 s10, $0x1;
	s10 =	sld [smem:$0x3FA9];
	_ =	sdelay $0x3  }
0x34: {  	[smem:$0x3FA9] =	sst s10  }
0x35: {  	s10 =	sld [smem:$0x3FA8];
	_ =	sdelay $0x3  }
0x36: {  	p1 =	seq.s32 s10, $0x1;
	s10 =	sld [smem:$0x3FA9];
	_ =	sdelay $0x3  }
0x37: {  	[smem:$0x3FA9] =	sst s10  }
0x38: {  	s10 =	sld [smem:$0x3FAA]  }
0x39: {  	_ = 	snop;
	(pc) =	sbr.ind lr, $3  }
0x3a: {  	_ = 	snop  }
0x3b: {  	_ = 	snop  }
0x3c: {  	p2 =	seq.s32 s10, $0x1;
	s10 =	sld [smem:$0x3FA9]  }
0x3d: {  	_ =	shalt  }
0x3e: {  	_ =	shalt  }
0x3f: {  	_ =	shalt  }
0x40: {  	_ =	shalt  }
0x41: {  	_ =	shalt  }
0x42: {  	_ =	shalt  }
0x43: {  	_ =	shalt  }
0x44: {  	_ =	shalt  }
0x45: {  	_ =	shalt  }
0x46: {  	_ =	shalt  }
0x47: {  	_ =	shalt  }
0x48: {  	_ =	shalt  }
0x49: {  	_ =	shalt  }
0x4a: {  	_ =	shalt  }
0x4b: {  	_ =	shalt  }
0x4c: {  	_ =	shalt  }
0x4d: {  	_ =	shalt  }
0x4e: {  	_ =	shalt  }
0x4f: {  	_ =	shalt  }
0x50: {  	_ =	shalt  }
0x51: {  	_ =	shalt  }
0x52: {  	_ =	shalt  }
0x53: {  	_ =	shalt  }
0x54: {  	_ =	shalt  }
0x55: {  	_ =	shalt  }
0x56: {  	_ =	shalt  }
0x57: {  	_ =	shalt  }
0x58: {  	_ =	shalt  }
0x59: {  	_ =	shalt  }
0x5a: {  	_ =	shalt  }
0x5b: {  	_ =	shalt  }
0x5c: {  	_ =	shalt  }
0x5d: {  	_ =	shalt  }
0x5e: {  	_ =	shalt  }
0x5f: {  	_ =	shalt  }
0x60: {  	_ =	shalt  }
0x61: {  	_ =	shalt  }
0x62: {  	_ =	shalt  }
0x63: {  	_ =	shalt  }
0x64: {  	_ =	shalt  }
0x65: {  	_ =	shalt  }
0x66: {  	_ =	shalt  }
0x67: {  	_ =	shalt  }
0x68: {  	_ =	shalt  }
0x69: {  	_ =	shalt  }
0x6a: {  	_ =	shalt  }
0x6b: {  	_ =	shalt  }
0x6c: {  	_ =	shalt  }
0x6d: {  	_ =	shalt  }
0x6e: {  	_ =	shalt  }
0x6f: {  	_ =	shalt  }
0x70: {  	_ =	shalt  }
0x71: {  	_ =	shalt  }
0x72: {  	_ =	shalt  }
0x73: {  	_ =	shalt  }
0x74: {  	_ =	shalt  }
0x75: {  	_ =	shalt  }
0x76: {  	_ =	shalt  }
0x77: {  	_ =	shalt  }
0x78: {  	_ =	shalt  }
0x79: {  	_ =	shalt  }
0x7a: {  	_ =	shalt  }
0x7b: {  	_ =	shalt  }
0x7c: {  	_ =	shalt  }
0x7d: {  	_ =	shalt  }
0x7e: {  	_ =	shalt  }
0x7f: {  	_ =	shalt  }
0x80: {  	_ =	shalt  }
0x81: {  	_ =	shalt  }
0x82: {  	_ =	shalt  }
0x83: {  	_ =	shalt  }
0x84: {  	_ =	shalt  }
0x85: {  	_ =	shalt  }
0x86: {  	_ =	shalt  }
0x87: {  	_ =	shalt  }
.Lfunc_end0:
.L_simem_size_0:
called_computation.3_lowered:
.L_overlay_start_0:
0x88: {  	s2 =	sld [smem:$0x3FD9]  }
0x89: {  	s3 =	sld [smem:$0x3FFE];
	_ =	sdelay $0x1  }
0x8a: {  	s1 =	srdreg.scid  }
0x8b: {  	s0 =	sand.u32 $0x1, s1  }
0x8c: {  	s16 =	sshll.u32 s0, $0xA;
	s2 =	sadd.s32 s3, s2  }
0x8d: {  	s2 =	sadd.s32 s2, s16  }
0x8e: {  	[smem:$0x3FB5] =	sst s2  }
0x8f: {  	_ = 	snop  }
0x90: {  	(tm) =	ssettm $0x1  }
0x91: {  	s17 =	sld [smem:$0x3FFB];
	_ =	sdelay $0x3  }
0x92: {  	_ =	strace s17  }
0x93: {  	s2 =	sld [smem:$0x3FFC];
	_ =	sdelay $0x3  }
0x94: {  	_ =	strace s2  }
0x95: {  	s2 =	sld [smem:$0x3FFD];
	_ =	sdelay $0x3  }
0x96: {  	_ =	strace s2  }
0x97: {  	_ =	strace $0x8FFFFFFF  }
0x98: {  	s18 =	sld [smem:$0x3FDB];
	_ =	sdelay $0x1  }
0x99: {  	s19 =	simm.s32 $_scs_section_size  }
0x9a: {  	s4 =	simm.s32 $_size__tile_overlayer_lowered;
	s5 =	simm.s32 $_tile_overlayer_lowered  }
0x9b: {  	s22 =	simm.s32 $0x1BFF;
	s21 =	sshll.u32 s5, $0x1;
	s2 =	sadd.s32 s19, s18  }
0x9c: {  	s6 =	simm.s32 $0x0;
	s20 =	sshll.u32 s4, $0x1;
	s4 =	sadd.s32 s21, s2  }
0x9d: {  	[timem:s6], [sflag:s22] =	dma.local [hbm:s4], s20  }
0x9e: {  	_ =	swait.ge [sflag:s22], s20  }
0x9f: {  	s3 =	ssub.s32 $0x0, s20;
	[sflag:s22] =	ssyncset.done $0x0  }
0xa0: {  	[sflag:s22] =	ssyncadd.s32 s3;
	_ =	sdelay $0x1  }
0xa1: {  	s23 =	simm.s32 $0x1B8B  }
0xa2: {  	_ =	swait.ge [sflag:s23], $0x1  }
0xa3: {  	[sflag:s23] =	ssyncset.done $0x0  }
0xa4: {  	s25 =	simm.s32 $0x1B8E;
	s24 =	sld [smem:$0x3FFE];
	[sflag:s23] =	ssyncadd.s32 $0xFFFFFFFF  }
0xa5: {  	s26 =	simm.s32 $execute0_lowered;
	[smem:$0x3FD2] =	sst s25  }
0xa6: {  	s4 =	sshll.u32 s26, $0x1;
	_ =	strace $0x8000004F;
	[dreg:$0x1] =	wrdreg $0xFFFFFFFF  }
0xa7: {  	s28 =	simm.s32 $_size_execute0_lowered;
	s2 =	sadd.s32 s2, s4;
	[dreg:$0x0] =	wrdreg $0x0  }
0xa8: {  	s4 =	sshll.u32 s28, $0x1;
	[dreg:$0x2] =	wrdreg s2  }
0xa9: {  	[dreg:$0x3] =	wrdreg s4  }
0xaa: {  	[dreg:$0x4] =	wrdreg $0xC0  }
0xab: {  	_ =	task [dreg:s6], $0x5FFFF  }
0xac: {  	[dreg:$0x1] =	wrdreg $0xFFFFFFFF  }
0xad: {  	[dreg:$0x0] =	wrdreg $0x60  }
0xae: {  	[dreg:$0x2] =	wrdreg s24  }
0xaf: {  	[dreg:$0x3] =	wrdreg $0x9  }
0xb0: {  	_ =	task.clear_ibuf [dreg:s6], $0x4FFFF;
	_ =	strace $0x9000004F  }
0xb1: {  	s29 =	simm.s32 $0x9;
	_ =	strace $0x80000051  }
0xb2: {  	_ =	swait.ge [sflag:s29], $0x1  }
0xb3: {  	[sflag:s29] =	ssyncadd.s32 $0xFFFFFFFF  }
0xb4: {  	_ =	strace $0x90000051  }
0xb5: {  	_ =	sfence  }
0xb6: {  	s30 =	sld [smem:$0x0];
	_ =	sdelay $0x2  }
0xb7: {  	s31 =	sshll.u32 s1, $0xD;
	s1 =	sshrl.u32 s1, $0x2  }
0xb8: {  	s3 =	sand.u32 $0x4000, s31;
	s1 =	sadd.s32 s1, s30  }
0xb9: {  	s0 =	sor.u32 s3, s0;
	s1 =	sshll.u32 s1, $0x11  }
0xba: {  	s0 =	sor.u32 s1, s0  }
0xbb: {  	s0 =	sadd.s32 $0x8F2B, s0  }
0xbc: {  	[sflag:s0] =	ssyncadd.remote.s32 $0x1  }
0xbd: {  	_ =	sfence.sel $0xFFFF  }
0xbe: {  	[dreg:$0x0] =	wrdreg $0xFFFFFFFF;
	(pc) =	sbr.abs _section_cstart, $3  }
0xbf: {  	[dreg:$0x1] =	wrdreg $0xFFFFFFFF  }
0xc0: {  	_ =	task.clear_ibuf [dreg:s6], $0x2FFFF;
	_ =	strace $0x9FFFFFFF  }
0xc1: {  	(tm) =	ssettm $0x7FFFFFFF  }
tec
execute0_lowered:
.L_overlay_start_1:
0x0: {  	(tag) =	ssettag $0x1  }
0x1: {  	s0 =	rddreg [dreg:$0x0];
	s2 =	simm.s32 $0x0;
	s1 =	srdreg.scid  }
0x2: {  	s3 =	stileid.u32;
	s18 =	simm.s32 $0x100;
	s19 =	simm.s32 $0x1  }
0x3: {  	s20 =	simm.s32 $0x80;
	s28 =	simm.s32 $0x2A00;
	s29 =	simm.s32 $0x7A00  }
0x4: {  	s30 =	simm.s32 $0x4;
	s31 =	simm.s32 $0x5;
	[smem:$0x7FF] =	sst s2  }
0x5: {  	s1 =	sand.u32 $0x1, s1;
	s4 =	sshll.u32 s3, $0x1;
	s3 =	sadd.s32 $0x19000, s0  }
0x6: {  	s5 =	sadd.s32 $0xF200, s0;
	s7 =	sadd.s32 $0x5400, s0;
	s9 =	sor.u32 s1, s4  }
0x7: {  	s8 =	sadd.s32 $0x5E6000, s0;
	s21 =	ssub.s32 $0x2, s1;
	s6 =	smul.u32 $0x2710, s9  }
0x8: {  	_ =	strace $0x80000050;
	s1 =	sshrl.u32 s21, $0x1;
	s9 =	smul.u32 $0x138800, s9  }
0x9: {  	s4 =	sadd.s32 $0x40200, s0;
	s0 =	ssub.s32 s21, s1;
	s21 =	simm.s32 $0x180  }
0xa: {  	s11 =	sshrl.u32 s6, $0x3;
	s10 =	sadd.s32 $0x50, s6;
	s9 =	sshrl.u32 s9, $0x3  }
0xb: {  	s14 =	sadd.s32 $0xA0, s6;
	s15 =	sadd.s32 $0xF0, s6;
	s17 =	smax.u32 s0, $0x1  }
0xc: {  	s0 =	simm.s32 $0x0;
	s22 =	sadd.s32 s5, s11;
	s23 =	sadd.s32 s7, s11  }
0xd: {  	s24 =	sshrl.u32 s10, $0x3;
	s26 =	sadd.s32 s8, s9;
	[dreg:$0x2] =	wrdreg s22  }
0xe: {  	[dreg:$0x3] =	wrdreg s23;
	s25 =	sadd.s32 s5, s24;
	s1 =	sadd.s32 s7, s24  }
0xf: {  	s22 =	simm.s32 $0x50;
	s23 =	simm.s32 $0x200;
	[dreg:$0x4] =	wrdreg s25  }
0x10: {  	s24 =	simm.s32 $0x3;
	[dreg:$0x5] =	wrdreg s1;
	s1 =	sadd.s32 $0x26C00, s26  }
0x11: {  	s25 =	simm.s32 $0x5200;
	s26 =	simm.s32 $0x2;
	[dreg:$0x6] =	wrdreg s1  }
.LBB2_1:
0x12: {  	s1 =	rddreg [dreg:$0x2]  }
0x13: {  	[tilespmem:s2], [sflag:$0x1] =	stream.linear.gather [hbm4b:s1+s2], $0x50, $0x38;
	[tilespmem:$0xA200] =	vst v63  }
0x14: {  	s12 =	rddreg [dreg:$0x3]  }
0x15: {  	[tilespmem:s18], [sflag:$0x1] =	stream.linear.gather [hbm4b:s12+s2], $0x50, $0x38;
	[tilespmem:$0xA200] =	vst v63  }
0x16: {  	_ =	swait.ge [sflag:s19], $0x50  }
0x17: {  	[sflag:s19] =	ssyncset.done $0x0  }
0x18: {  	[sflag:s19] =	ssyncadd.s32 $0xFFFFFFB0  }
0x19: {  	_ =	swait.ge [sflag:s19], $0x50  }
0x1a: {  	[sflag:s19] =	ssyncset.done $0x0  }
0x1b: {  	s13 =	rddreg [dreg:$0x4];
	[sflag:s19] =	ssyncadd.s32 $0xFFFFFFB0  }
0x1c: {  	[tilespmem:s20], [sflag:$0x2] =	stream.linear.gather [hbm4b:s13+s2], $0x50, $0x38;
	[tilespmem:$0xA200] =	vst v63  }
0x1d: {  	s16 =	rddreg [dreg:$0x5]  }
0x1e: {  	[tilespmem:s21], [sflag:$0x2] =	stream.linear.gather [hbm4b:s16+s2], $0x50, $0x38;
	[tilespmem:$0xA200] =	vst v63  }
0x1f: {  	_ = 	snop  }
0x20: {  	[tilespmem:s23], [sflag:$0x3] =	stream.indirect.gather [hbm4b:s3+s22], $0x80, s2, s22, $0xb8;
	[tilespmem:$0xA200] =	vst v63  }
0x21: {  	_ =	swait.ge [sflag:s24], $0x2800  }
0x22: {  	[sflag:s24] =	ssyncset.done $0x0  }
0x23: {  	[sflag:s24] =	ssyncadd.s32 $0xFFFFD800  }
0x24: {  	[tilespmem:s25], [sflag:$0x3] =	stream.indirect.gather [hbm4b:s4+s22], $0x80, s18, s22, $0xb8;
	[tilespmem:$0xA200] =	vst v63  }
0x25: {  	_ =	swait.ge [sflag:s24], $0x2800  }
0x26: {  	[sflag:s24] =	ssyncset.done $0x0  }
0x27: {  	s1 =	simm.s32 $0x0;
	[sflag:s24] =	ssyncadd.s32 $0xFFFFD800  }
.LBB2_2:
0x28: {  	_ =	swait.ge [sflag:s26], $0x50  }
0x29: {  	s9 =	smul.u32 $0xA0, s1;
	[sflag:s26] =	ssyncset.done $0x0  }
0x2a: {  	[sflag:s26] =	ssyncadd.s32 $0xFFFFFFB0  }
0x2b: {  	s11 =	sadd.s32 s9, s14;
	_ =	swait.ge [sflag:s26], $0x50  }
0x2c: {  	s11 =	sshrl.u32 s11, $0x3;
	[sflag:s26] =	ssyncset.done $0x0  }
0x2d: {  	s12 =	sadd.s32 s5, s11;
	[sflag:s26] =	ssyncadd.s32 $0xFFFFFFB0  }
0x2e: {  	[tilespmem:s2], [sflag:$0x1] =	stream.linear.gather [hbm4b:s12+s2], $0x50, $0x38;
	[tilespmem:$0xA200] =	vst v63  }
0x2f: {  	p0 =	seq.s32 s1, $0x0;
	s11 =	sadd.s32 s7, s11  }
0x30: {  	[tilespmem:s18], [sflag:$0x1] =	stream.linear.gather [hbm4b:s11+s2], $0x50, $0x38;
	[tilespmem:$0xA200] =	vst v63  }
0x31: {  	s11 =	simm.s32 @!p0 $0x5  }
0x32: {  	_ =	swait.ge @!p0 [sflag:s11], $0x2800  }
0x33: {  	[sflag:s11] =	ssyncset.done @!p0 $0x0  }
0x34: {  	[sflag:s11] =	ssyncadd.s32 @!p0 $0xFFFFD800;
	s11 =	simm.s32 $0x0  }
0x35: {  	[tilespmem:s28], [sflag:$0x3] =	stream.indirect.gather [hbm4b:s3+s22], $0x80, s20, s22, $0xb8;
	[tilespmem:$0xA200] =	vst v63  }
0x36: {  	v7 =	vld [tilespmem:s11+$0x5200]  }
0x37: {  	v11 =	vld [tilespmem:s11+$0x5210]  }
0x38: {  	v5 =	vld [tilespmem:s11+$0x5220]  }
0x39: {  	v4 =	vld [tilespmem:s11+$0x5230]  }
0x3a: {  	v3 =	vld [tilespmem:s11+$0x5240]  }
0x3b: {  	v2 =	vld [tilespmem:s11+$0x5250]  }
0x3c: {  	v1 =	vld [tilespmem:s11+$0x5260]  }
0x3d: {  	v0 =	vld [tilespmem:s11+$0x5270]  }
0x3e: {  	v12 =	vld [tilespmem:s11+$0x200]  }
0x3f: {  	v13 =	vld [tilespmem:s11+$0x210]  }
0x40: {  	v10 =	vld [tilespmem:s11+$0x220]  }
0x41: {  	v9 =	vld [tilespmem:s11+$0x230]  }
0x42: {  	v8 =	vld [tilespmem:s11+$0x240]  }
0x43: {  	v6 =	vld [tilespmem:s11+$0x250];
	v12 =	vadd.f32 v7, v12  }
0x44: {  	s12 =	simm.s32 $0x200;
	v11 =	vadd.f32 v11, v13;
	v7 =	vld [tilespmem:s11+$0x260]  }
.LBB2_3:
0x45: {  	s13 =	sshra.s32 s12, $0x2;
	p0 =	sne.s32 s12, $0x9E00;
	[tilespmem:s11+$0x200] =	vst v12;
	v5 =	vadd.f32 v5, v10;
	v10 =	vld [tilespmem:s11+$0x270]  }
0x46: {  	v12 =	vld [tilespmem:s13+$0x5200];
	[tilespmem:s11+$0x210] =	vst v11;
	v4 =	vadd.f32 v4, v9  }
0x47: {  	v11 =	vld [tilespmem:s13+$0x5210];
	[tilespmem:s11+$0x220] =	vst v5;
	v3 =	vadd.f32 v3, v8  }
0x48: {  	v5 =	vld [tilespmem:s13+$0x5220];
	[tilespmem:s11+$0x230] =	vst v4;
	v2 =	vadd.f32 v2, v6  }
0x49: {  	v4 =	vld [tilespmem:s13+$0x5230];
	[tilespmem:s11+$0x240] =	vst v3;
	v1 =	vadd.f32 v1, v7  }
0x4a: {  	v3 =	vld [tilespmem:s13+$0x5240];
	[tilespmem:s11+$0x250] =	vst v2;
	v0 =	vadd.f32 v0, v10  }
0x4b: {  	v2 =	vld [tilespmem:s13+$0x5250];
	[tilespmem:s11+$0x260] =	vst v1  }
0x4c: {  	v1 =	vld [tilespmem:s13+$0x5260];
	[tilespmem:s11+$0x270] =	vst v0;
	s11 =	smov.u32 s13  }
0x4d: {  	v0 =	vld [tilespmem:s11+$0x5270]  }
0x4e: {  	v6 =	vld [tilespmem:s11+$0x200]  }
0x4f: {  	v7 =	vld [tilespmem:s11+$0x210]  }
.Ltmp0:
0x50: {  	v10 =	vld [tilespmem:s11+$0x220];
	(pc) =	sbr.rel @p0 .LBB2_3-.Ltmp0, $4  }
0x51: {  	v9 =	vld [tilespmem:s11+$0x230]  }
0x52: {  	v8 =	vld [tilespmem:s11+$0x240]  }
0x53: {  	v12 =	vadd.f32 v12, v6;
	v6 =	vld [tilespmem:s11+$0x250]  }
0x54: {  	s12 =	sadd.s32 $0x200, s12;
	v11 =	vadd.f32 v11, v7;
	v7 =	vld [tilespmem:s11+$0x260]  }
0x55: {  	[tilespmem:s11+$0x200] =	vst v12;
	v5 =	vadd.f32 v5, v10;
	v10 =	vld [tilespmem:s11+$0x270]  }
0x56: {  	[tilespmem:s11+$0x210] =	vst v11;
	v4 =	vadd.f32 v4, v9  }
0x57: {  	[tilespmem:s11+$0x220] =	vst v5;
	v3 =	vadd.f32 v3, v8  }
0x58: {  	[tilespmem:s11+$0x230] =	vst v4;
	v2 =	vadd.f32 v2, v6  }
0x59: {  	[tilespmem:s11+$0x240] =	vst v3;
	v1 =	vadd.f32 v1, v7  }
0x5a: {  	[tilespmem:s11+$0x250] =	vst v2;
	v0 =	vadd.f32 v0, v10  }
0x5b: {  	[tilespmem:s11+$0x260] =	vst v1  }
0x5c: {  	[tilespmem:s11+$0x270] =	vst v0  }
0x5d: {  	_ =	swait.ge [sflag:s24], $0x2800  }
0x5e: {  	s13 =	sadd.s32 s6, s9;
	[sflag:s24] =	ssyncset.done $0x0  }
0x5f: {  	s11 =	sshll.u32 s13, $0x4;
	[sflag:s24] =	ssyncadd.s32 $0xFFFFD800  }
0x60: {  	[tilespmem:s29], [sflag:$0x3] =	stream.indirect.gather [hbm4b:s4+s22], $0x80, s21, s22, $0xb8;
	[tilespmem:$0xA200] =	vst v63  }
0x61: {  	s11 =	sadd.s32 s8, s11  }
0x62: {  	[hbm4b:s11+s2] =	stream.linear.scatter [tilespmem:s23], [sflag:$0x4], $0x2800, $0x38;
	[tilespmem:$0xA200] =	vst v63  }
0x63: {  	_ =	swait.ge [sflag:s24], $0x2800  }
0x64: {  	[sflag:s24] =	ssyncset.done $0x0  }
0x65: {  	[sflag:s24] =	ssyncadd.s32 $0xFFFFD800  }
0x66: {  	_ =	swait.ge [sflag:s19], $0x50  }
0x67: {  	[sflag:s19] =	ssyncset.done $0x0  }
0x68: {  	p0 =	seq.s32 s1, $0x3D;
	[sflag:s19] =	ssyncadd.s32 $0xFFFFFFB0  }
0x69: {  	s11 =	sadd.s32 @!p0 s9, s15;
	_ =	swait.ge [sflag:s19], $0x50  }
0x6a: {  	s16 =	simm.s32 @!p0 $0x80;
	s11 =	sshrl.u32 @!p0 s11, $0x3;
	[sflag:s19] =	ssyncset.done $0x0  }
0x6b: {  	s13 =	simm.s32 @!p0 $0x0;
	s12 =	sadd.s32 @!p0 s5, s11;
	[sflag:s19] =	ssyncadd.s32 $0xFFFFFFB0  }
0x6c: {  	[tilespmem:s16], [sflag:$0x2] =	stream.linear.gather @!p0 [hbm4b:s12+s13], $0x50, $0x38;
	[tilespmem:$0xA200] =	vst v63  }
0x6d: {  	s11 =	sadd.s32 @!p0 s7, s11;
	s12 =	simm.s32 @!p0 $0x180  }
0x6e: {  	[tilespmem:s12], [sflag:$0x2] =	stream.linear.gather @!p0 [hbm4b:s11+s13], $0x50, $0x38;
	[tilespmem:$0xA200] =	vst v63  }
0x6f: {  	_ =	swait.ge [sflag:s30], $0x2800  }
0x70: {  	[sflag:s30] =	ssyncset.done $0x0  }
0x71: {  	s16 =	simm.s32 $0x0;
	s11 =	simm.s32 $0x0;
	[sflag:s30] =	ssyncadd.s32 $0xFFFFD800  }
0x72: {  	[tilespmem:s23], [sflag:$0x3] =	stream.indirect.gather [hbm4b:s3+s22], $0x80, s16, s22, $0xb8;
	[tilespmem:$0xA200] =	vst v63  }
0x73: {  	v7 =	vld [tilespmem:s11+$0x7A00]  }
0x74: {  	v11 =	vld [tilespmem:s11+$0x7A10]  }
0x75: {  	v5 =	vld [tilespmem:s11+$0x7A20]  }
0x76: {  	v4 =	vld [tilespmem:s11+$0x7A30]  }
0x77: {  	v3 =	vld [tilespmem:s11+$0x7A40]  }
0x78: {  	v2 =	vld [tilespmem:s11+$0x7A50]  }
0x79: {  	v1 =	vld [tilespmem:s11+$0x7A60]  }
0x7a: {  	v0 =	vld [tilespmem:s11+$0x7A70]  }
0x7b: {  	v12 =	vld [tilespmem:s11+$0x2A00]  }
0x7c: {  	v13 =	vld [tilespmem:s11+$0x2A10]  }
0x7d: {  	v10 =	vld [tilespmem:s11+$0x2A20]  }
0x7e: {  	v9 =	vld [tilespmem:s11+$0x2A30]  }
0x7f: {  	v8 =	vld [tilespmem:s11+$0x2A40]  }
0x80: {  	v6 =	vld [tilespmem:s11+$0x2A50];
	v12 =	vadd.f32 v7, v12  }
0x81: {  	s12 =	simm.s32 $0x200;
	v11 =	vadd.f32 v11, v13;
	v7 =	vld [tilespmem:s11+$0x2A60]  }
.LBB2_5:
0x82: {  	s13 =	sshra.s32 s12, $0x2;
	p0 =	sne.s32 s12, $0x9E00;
	[tilespmem:s11+$0x2A00] =	vst v12;
	v5 =	vadd.f32 v5, v10;
	v10 =	vld [tilespmem:s11+$0x2A70]  }
0x83: {  	v12 =	vld [tilespmem:s13+$0x7A00];
	[tilespmem:s11+$0x2A10] =	vst v11;
	v4 =	vadd.f32 v4, v9  }
0x84: {  	v11 =	vld [tilespmem:s13+$0x7A10];
	[tilespmem:s11+$0x2A20] =	vst v5;
	v3 =	vadd.f32 v3, v8  }
0x85: {  	v5 =	vld [tilespmem:s13+$0x7A20];
	[tilespmem:s11+$0x2A30] =	vst v4;
	v2 =	vadd.f32 v2, v6  }
0x86: {  	v4 =	vld [tilespmem:s13+$0x7A30];
	[tilespmem:s11+$0x2A40] =	vst v3;
	v1 =	vadd.f32 v1, v7  }
0x87: {  	v3 =	vld [tilespmem:s13+$0x7A40];
	[tilespmem:s11+$0x2A50] =	vst v2;
	v0 =	vadd.f32 v0, v10  }
0x88: {  	v2 =	vld [tilespmem:s13+$0x7A50];
	[tilespmem:s11+$0x2A60] =	vst v1  }
0x89: {  	v1 =	vld [tilespmem:s13+$0x7A60];
	[tilespmem:s11+$0x2A70] =	vst v0;
	s11 =	smov.u32 s13  }
0x8a: {  	v0 =	vld [tilespmem:s11+$0x7A70]  }
0x8b: {  	v6 =	vld [tilespmem:s11+$0x2A00]  }
0x8c: {  	v7 =	vld [tilespmem:s11+$0x2A10]  }
.Ltmp1:
0x8d: {  	v10 =	vld [tilespmem:s11+$0x2A20];
	(pc) =	sbr.rel @p0 .LBB2_5-.Ltmp1, $4  }
0x8e: {  	v9 =	vld [tilespmem:s11+$0x2A30]  }
0x8f: {  	v8 =	vld [tilespmem:s11+$0x2A40]  }
0x90: {  	v12 =	vadd.f32 v12, v6;
	v6 =	vld [tilespmem:s11+$0x2A50]  }
0x91: {  	s12 =	sadd.s32 $0x200, s12;
	v11 =	vadd.f32 v11, v7;
	v7 =	vld [tilespmem:s11+$0x2A60]  }
0x92: {  	[tilespmem:s11+$0x2A00] =	vst v12;
	v5 =	vadd.f32 v5, v10;
	v63 =	vld [tilespmem:s11+$0x2A70]  }
0x93: {  	[tilespmem:s11+$0x2A10] =	vst v11;
	v4 =	vadd.f32 v4, v9  }
0x94: {  	[tilespmem:s11+$0x2A20] =	vst v5;
	v3 =	vadd.f32 v3, v8  }
0x95: {  	[tilespmem:s11+$0x2A30] =	vst v4;
	v2 =	vadd.f32 v2, v6  }
0x96: {  	[tilespmem:s11+$0x2A40] =	vst v3;
	v1 =	vadd.f32 v1, v7  }
0x97: {  	[tilespmem:s11+$0x2A50] =	vst v2;
	v0 =	vadd.f32 v0, v63  }
0x98: {  	[tilespmem:s11+$0x2A60] =	vst v1  }
0x99: {  	[tilespmem:s11+$0x2A70] =	vst v0  }
0x9a: {  	_ =	swait.ge [sflag:s24], $0x2800  }
0x9b: {  	s9 =	sadd.s32 s9, s10;
	s1 =	sadd.s32 $0x1, s1;
	[sflag:s24] =	ssyncset.done $0x0  }
0x9c: {  	s9 =	sshll.u32 s9, $0x4;
	p0 =	sne.s32 s1, $0x3E;
	[sflag:s24] =	ssyncadd.s32 $0xFFFFD800  }
0x9d: {  	[tilespmem:s25], [sflag:$0x3] =	stream.indirect.gather [hbm4b:s4+s22], $0x80, s18, s22, $0xb8;
	[tilespmem:$0xA200] =	vst v63  }
.Ltmp2:
0x9e: {  	s16 =	simm.s32 $0x0;
	s9 =	sadd.s32 s8, s9;
	(pc) =	sbr.rel @p0 .LBB2_2-.Ltmp2, $4  }
0x9f: {  	[hbm4b:s9+s16] =	stream.linear.scatter [tilespmem:s28], [sflag:$0x5], $0x2800, $0x38;
	[tilespmem:$0xA200] =	vst v63  }
0xa0: {  	_ =	swait.ge [sflag:s24], $0x2800  }
0xa1: {  	[sflag:s24] =	ssyncset.done $0x0  }
0xa2: {  	[sflag:s24] =	ssyncadd.s32 $0xFFFFD800  }
0xa3: {  	s1 =	simm.s32 $0x0  }
0xa4: {  	v7 =	vld [tilespmem:s1+$0x5200]  }
0xa5: {  	v11 =	vld [tilespmem:s1+$0x5210]  }
0xa6: {  	v5 =	vld [tilespmem:s1+$0x5220]  }
0xa7: {  	v4 =	vld [tilespmem:s1+$0x5230]  }
0xa8: {  	v3 =	vld [tilespmem:s1+$0x5240]  }
0xa9: {  	v2 =	vld [tilespmem:s1+$0x5250]  }
0xaa: {  	v1 =	vld [tilespmem:s1+$0x5260]  }
0xab: {  	v0 =	vld [tilespmem:s1+$0x5270]  }
0xac: {  	v12 =	vld [tilespmem:s1+$0x200]  }
0xad: {  	v13 =	vld [tilespmem:s1+$0x210]  }
0xae: {  	v10 =	vld [tilespmem:s1+$0x220]  }
0xaf: {  	v9 =	vld [tilespmem:s1+$0x230]  }
0xb0: {  	v8 =	vld [tilespmem:s1+$0x240]  }
0xb1: {  	v6 =	vld [tilespmem:s1+$0x250];
	v12 =	vadd.f32 v7, v12  }
0xb2: {  	s9 =	simm.s32 $0x200;
	v11 =	vadd.f32 v11, v13;
	v7 =	vld [tilespmem:s1+$0x260]  }
.LBB2_8:
0xb3: {  	s11 =	sshra.s32 s9, $0x2;
	p0 =	sne.s32 s9, $0x9E00;
	[tilespmem:s1+$0x200] =	vst v12;
	v5 =	vadd.f32 v5, v10;
	v10 =	vld [tilespmem:s1+$0x270]  }
0xb4: {  	v12 =	vld [tilespmem:s11+$0x5200];
	[tilespmem:s1+$0x210] =	vst v11;
	v4 =	vadd.f32 v4, v9  }
0xb5: {  	v11 =	vld [tilespmem:s11+$0x5210];
	[tilespmem:s1+$0x220] =	vst v5;
	v3 =	vadd.f32 v3, v8  }
0xb6: {  	v5 =	vld [tilespmem:s11+$0x5220];
	[tilespmem:s1+$0x230] =	vst v4;
	v2 =	vadd.f32 v2, v6  }
0xb7: {  	v4 =	vld [tilespmem:s11+$0x5230];
	[tilespmem:s1+$0x240] =	vst v3;
	v1 =	vadd.f32 v1, v7  }
0xb8: {  	v3 =	vld [tilespmem:s11+$0x5240];
	[tilespmem:s1+$0x250] =	vst v2;
	v0 =	vadd.f32 v0, v10  }
0xb9: {  	v2 =	vld [tilespmem:s11+$0x5250];
	[tilespmem:s1+$0x260] =	vst v1  }
0xba: {  	v1 =	vld [tilespmem:s11+$0x5260];
	[tilespmem:s1+$0x270] =	vst v0;
	s1 =	smov.u32 s11  }
0xbb: {  	v0 =	vld [tilespmem:s1+$0x5270]  }
0xbc: {  	v6 =	vld [tilespmem:s1+$0x200]  }
0xbd: {  	v7 =	vld [tilespmem:s1+$0x210]  }
.Ltmp3:
0xbe: {  	v10 =	vld [tilespmem:s1+$0x220];
	(pc) =	sbr.rel @p0 .LBB2_8-.Ltmp3, $4  }
0xbf: {  	v9 =	vld [tilespmem:s1+$0x230]  }
0xc0: {  	v8 =	vld [tilespmem:s1+$0x240]  }
0xc1: {  	v12 =	vadd.f32 v12, v6;
	v6 =	vld [tilespmem:s1+$0x250]  }
0xc2: {  	s9 =	sadd.s32 $0x200, s9;
	v11 =	vadd.f32 v11, v7;
	v7 =	vld [tilespmem:s1+$0x260]  }
0xc3: {  	[tilespmem:s1+$0x200] =	vst v12;
	v5 =	vadd.f32 v5, v10;
	v63 =	vld [tilespmem:s1+$0x270]  }
0xc4: {  	[tilespmem:s1+$0x210] =	vst v11;
	v4 =	vadd.f32 v4, v9  }
0xc5: {  	[tilespmem:s1+$0x220] =	vst v5;
	v3 =	vadd.f32 v3, v8  }
0xc6: {  	[tilespmem:s1+$0x230] =	vst v4;
	v2 =	vadd.f32 v2, v6  }
0xc7: {  	[tilespmem:s1+$0x240] =	vst v3;
	v1 =	vadd.f32 v1, v7  }
0xc8: {  	[tilespmem:s1+$0x250] =	vst v2;
	v0 =	vadd.f32 v0, v63  }
0xc9: {  	[tilespmem:s1+$0x260] =	vst v1  }
0xca: {  	s16 =	rddreg [dreg:$0x6];
	s0 =	sadd.s32 $0x1, s0;
	[tilespmem:s1+$0x270] =	vst v0  }
0xcb: {  	[hbm4b:s16+s2] =	stream.linear.scatter [tilespmem:s23], [sflag:$0x4], $0x2800, $0x38;
	[tilespmem:$0xA200] =	vst v63  }
0xcc: {  	p0 =	sne.s32 s0, s17;
	_ =	swait.ge [sflag:s31], $0x2800  }
.Ltmp4:
0xcd: {  	[sflag:s31] =	ssyncset.done $0x0;
	(pc) =	sbr.rel @p0 .LBB2_1-.Ltmp4, $4  }
0xce: {  	[sflag:s31] =	ssyncadd.s32 $0xFFFFD800  }
0xcf: {  	_ =	swait.ge [sflag:s30], $0x2800  }
0xd0: {  	[sflag:s30] =	ssyncset.done $0x0  }
0xd1: {  	[sflag:s30] =	ssyncadd.s32 $0xFFFFD800  }
0xd2: {  	_ =	sfence.sel $0x180000  }
0xd3: {  	[bflag:$0x0] =	sbarrier.arrive $0xFFFF  }
0xd4: {  	_ =	strace $0x90000050  }
0xd5: {  	s0 =	stileid.u32;
	[bflag:$0x2] =	sbarrier.arrive $0xFFFF  }
0xd6: {  	p0 =	sne.s32 s0, $0x0;
	s0 =	rddreg [dreg:$0x1]  }
0xd7: {  	s0 =	sadd.s32 @!p0 $0x100000, s0  }
0xd8: {  	[sflag:s0] =	ssyncadd.tile.s32 @!p0 $0x1;
	_ =	shalt  }
.Lfunc_end2:
_tile_overlayer_lowered:
.L_overlay_start_2:
0xd9: {  	(tag) =	ssettag $0x2  }
0xda: {  	s0 =	rddreg [dreg:$0x0];
	s2 =	stileid.u32  }
0xdb: {  	s1 =	rddreg [dreg:$0x1];
	p0 =	sne.s32 s2, $0x0  }
0xdc: {  	s3 =	rddreg [dreg:$0x2];
	[bflag:$0x3] =	sbarrier.arrive $0xFFFF;
	s2 =	simm.s32 @!p0 $0x1C06  }
0xdd: {  	[timem:s3], [sflag:s2] =	dma.local @!p0 [hbm:s0], s1  }
0xde: {  	s0 =	simm.s32 @!p0 $0x6  }
0xdf: {  	_ =	swait.ge @!p0 [sflag:s0], s1  }
0xe0: {  	s1 =	ssub.s32 @!p0 $0x0, s1;
	[sflag:s0] =	ssyncset.done @!p0 $0x0  }
0xe1: {  	[sflag:s0] =	ssyncadd.s32 @!p0 s1  }
0xe2: {  	[bflag:$0x3] =	sbarrier.arrive $0xFFFF  }
0xe3: {  	_ =	shalt  }

// kernel: kernel.27.cloned.1.call-start
scs
__scs_entry_jumppad:
0x0: {  	(pc) =	sbr.rel $0x88, $3  }
0x1: {  	(tag) =	ssettag $0x0;
	lr =	simm.s32 $0x1  }
0x2: {  	[smem:$0x3F8E] =	sst lr;
	_ =	strace $0xD0000000  }
0x3: {  	_ = 	snop  }
0x4: {  	_ = 	snop  }
0x5: {  	_ = 	snop  }
0x6: {  	_ = 	snop  }
0x7: {  	_ = 	snop  }
__scs_overlays_trampoline_lowered:
0x8: {  	[smem:$0x3F9D] =	sst s0  }
0x9: {  	[smem:$0x3F9E] =	sst s1  }
0xa: {  	[smem:$0x3F9F] =	sst s2  }
0xb: {  	[smem:$0x3FA0] =	sst s3  }
0xc: {  	[smem:$0x3FA1] =	sst s4  }
0xd: {  	[smem:$0x3FA2] =	sst s5  }
0xe: {  	[smem:$0x3FA3] =	sst s6  }
0xf: {  	[smem:$0x3FA4] =	sst s7  }
0x10: {  	[smem:$0x3FA5] =	sst s8  }
0x11: {  	[smem:$0x3FA6] =	sst s9;
	s0 =	simm.s32 @!p0 $0x0  }
0x12: {  	s1 =	sld [smem:$0x3F8C];
	s0 =	simm.s32 @p0 $0x1  }
0x13: {  	[smem:$0x3FA7] =	sst s0;
	s0 =	simm.s32 @!p1 $0x0  }
0x14: {  	s2 =	sld [smem:$0x3F8B];
	s0 =	simm.s32 @p1 $0x1  }
0x15: {  	[smem:$0x3FA8] =	sst s0;
	s0 =	simm.s32 @!p2 $0x0  }
0x16: {  	s3 =	sld [smem:$0x3FDB];
	s0 =	simm.s32 @p2 $0x1  }
0x17: {  	s4 =	simm.s32 $0x1BF5;
	[smem:$0x3FAA] =	sst s0  }
0x18: {  	s0 =	sld [smem:$0x3F8D];
	_ =	swait.ge [sflag:s4], $0x0  }
0x19: {  	s7 =	sld [smem:$0x3F8E]  }
0x1a: {  	s8 =	sadd.s32 $0xFFFFE003, lr  }
0x1b: {  	s9 =	sadd.s32 $0xFFFFFEF7, lr;
	s5 =	simm.s32 $0xFFFFFFFF;
	p2 =	slt.u32 s8, $0xFFFFF086  }
0x1c: {  	p1 =	slt.u32 s9, $0xF7A;
	s5 =	simm.s32 @!p2 $0x0  }
0x1d: {  	s5 =	simm.s32 @p1 $0x1;
	p0 =	seq.s32 s7, s2  }
0x1e: {  	s7 =	smul.u32 @!p0 $0xF7A, s2;
	p2 =	seq.s32 @!p0 s5, $0x0  }
0x1f: {  	s9 =	smul.u32 $0xF7A, s1;
	s8 =	simm.s32 @!p0 $0x1BF5;
	p2 =	por !p2, p0  }
0x20: {  	[sflag:s8] =	ssyncset.s32 @!p0 $0xFFFFF086;
	s6 =	sadd.s32 @!p0 s3, s7;
	s7 =	simm.s32 @!p0 $0x108  }
0x21: {  	s3 =	sadd.s32 s3, s9;
	s6 =	sadd.s32 @!p0 $0x88, s6;
	s7 =	simm.s32 @p2 $0x1082  }
0x22: {  	[simem:s7], [sflag:s8] =	dma.local @!p0 [hbm:s6], $0xF7A  }
0x23: {  	s9 =	sor.u32 $0xD0000000, s2;
	s6 =	simm.s32 $0x108;
	_ =	swait.ge @!p0 [sflag:s8], $0x0  }
0x24: {  	s3 =	sadd.s32 $0x88, s3;
	s6 =	simm.s32 @!p1 $0x1082;
	[sflag:s4] =	ssyncset.s32 $0xFFFFF086  }
0x25: {  	[simem:s6], [sflag:s4] =	dma.local [hbm:s3], $0xF7A  }
0x26: {  	[smem:$0x3F8E] =	sst s1;
	(tag) =	ssettag s2;
	_ =	strace s9  }
0x27: {  	s1 =	sld [smem:$0x3F9E]  }
0x28: {  	s2 =	sld [smem:$0x3F9F]  }
0x29: {  	s4 =	sld [smem:$0x3FA1]  }
0x2a: {  	p0 =	seq.s32 s5, $0x0;
	s5 =	sld [smem:$0x3FA2]  }
0x2b: {  	s6 =	sld [smem:$0x3FA3]  }
0x2c: {  	s7 =	sld [smem:$0x3FA4]  }
0x2d: {  	s3 =	simm.s32 $0x108;
	s8 =	sld [smem:$0x3FA5]  }
0x2e: {  	s3 =	simm.s32 @!p0 $0x1082;
	s9 =	sld [smem:$0x3FA6]  }
0x2f: {  	lr =	sadd.s32 s0, s3;
	s0 =	sld [smem:$0x3F9D]  }
0x30: {  	s3 =	sld [smem:$0x3FA0]  }
0x31: {  	[smem:$0x3FA9] =	sst s10  }
0x32: {  	s10 =	sld [smem:$0x3FA7];
	_ =	sdelay $0x3  }
0x33: {  	p0 =	seq.s32 s10, $0x1;
	s10 =	sld [smem:$0x3FA9];
	_ =	sdelay $0x3  }
0x34: {  	[smem:$0x3FA9] =	sst s10  }
0x35: {  	s10 =	sld [smem:$0x3FA8];
	_ =	sdelay $0x3  }
0x36: {  	p1 =	seq.s32 s10, $0x1;
	s10 =	sld [smem:$0x3FA9];
	_ =	sdelay $0x3  }
0x37: {  	[smem:$0x3FA9] =	sst s10  }
0x38: {  	s10 =	sld [smem:$0x3FAA]  }
0x39: {  	_ = 	snop;
	(pc) =	sbr.ind lr, $3  }
0x3a: {  	_ = 	snop  }
0x3b: {  	_ = 	snop  }
0x3c: {  	p2 =	seq.s32 s10, $0x1;
	s10 =	sld [smem:$0x3FA9]  }
0x3d: {  	_ =	shalt  }
0x3e: {  	_ =	shalt  }
0x3f: {  	_ =	shalt  }
0x40: {  	_ =	shalt  }
0x41: {  	_ =	shalt  }
0x42: {  	_ =	shalt  }
0x43: {  	_ =	shalt  }
0x44: {  	_ =	shalt  }
0x45: {  	_ =	shalt  }
0x46: {  	_ =	shalt  }
0x47: {  	_ =	shalt  }
0x48: {  	_ =	shalt  }
0x49: {  	_ =	shalt  }
0x4a: {  	_ =	shalt  }
0x4b: {  	_ =	shalt  }
0x4c: {  	_ =	shalt  }
0x4d: {  	_ =	shalt  }
0x4e: {  	_ =	shalt  }
0x4f: {  	_ =	shalt  }
0x50: {  	_ =	shalt  }
0x51: {  	_ =	shalt  }
0x52: {  	_ =	shalt  }
0x53: {  	_ =	shalt  }
0x54: {  	_ =	shalt  }
0x55: {  	_ =	shalt  }
0x56: {  	_ =	shalt  }
0x57: {  	_ =	shalt  }
0x58: {  	_ =	shalt  }
0x59: {  	_ =	shalt  }
0x5a: {  	_ =	shalt  }
0x5b: {  	_ =	shalt  }
0x5c: {  	_ =	shalt  }
0x5d: {  	_ =	shalt  }
0x5e: {  	_ =	shalt  }
0x5f: {  	_ =	shalt  }
0x60: {  	_ =	shalt  }
0x61: {  	_ =	shalt  }
0x62: {  	_ =	shalt  }
0x63: {  	_ =	shalt  }
0x64: {  	_ =	shalt  }
0x65: {  	_ =	shalt  }
0x66: {  	_ =	shalt  }
0x67: {  	_ =	shalt  }
0x68: {  	_ =	shalt  }
0x69: {  	_ =	shalt  }
0x6a: {  	_ =	shalt  }
0x6b: {  	_ =	shalt  }
0x6c: {  	_ =	shalt  }
0x6d: {  	_ =	shalt  }
0x6e: {  	_ =	shalt  }
0x6f: {  	_ =	shalt  }
0x70: {  	_ =	shalt  }
0x71: {  	_ =	shalt  }
0x72: {  	_ =	shalt  }
0x73: {  	_ =	shalt  }
0x74: {  	_ =	shalt  }
0x75: {  	_ =	shalt  }
0x76: {  	_ =	shalt  }
0x77: {  	_ =	shalt  }
0x78: {  	_ =	shalt  }
0x79: {  	_ =	shalt  }
0x7a: {  	_ =	shalt  }
0x7b: {  	_ =	shalt  }
0x7c: {  	_ =	shalt  }
0x7d: {  	_ =	shalt  }
0x7e: {  	_ =	shalt  }
0x7f: {  	_ =	shalt  }
0x80: {  	_ =	shalt  }
0x81: {  	_ =	shalt  }
0x82: {  	_ =	shalt  }
0x83: {  	_ =	shalt  }
0x84: {  	_ =	shalt  }
0x85: {  	_ =	shalt  }
0x86: {  	_ =	shalt  }
0x87: {  	_ =	shalt  }
.Lfunc_end0:
.L_simem_size_0:
called_computation.4_lowered:
.L_overlay_start_0:
0x88: {  	s2 =	sld [smem:$0x3FD9]  }
0x89: {  	s3 =	sld [smem:$0x3FFE];
	_ =	sdelay $0x1  }
0x8a: {  	s1 =	srdreg.scid  }
0x8b: {  	s0 =	sand.u32 $0x1, s1  }
0x8c: {  	s16 =	sshll.u32 s0, $0xA;
	s2 =	sadd.s32 s3, s2  }
0x8d: {  	s2 =	sadd.s32 s2, s16  }
0x8e: {  	[smem:$0x3FB5] =	sst s2  }
0x8f: {  	_ = 	snop  }
0x90: {  	(tm) =	ssettm $0x1  }
0x91: {  	s17 =	sld [smem:$0x3FFB];
	_ =	sdelay $0x3  }
0x92: {  	_ =	strace s17  }
0x93: {  	s2 =	sld [smem:$0x3FFC];
	_ =	sdelay $0x3  }
0x94: {  	_ =	strace s2  }
0x95: {  	s2 =	sld [smem:$0x3FFD];
	_ =	sdelay $0x3  }
0x96: {  	_ =	strace s2  }
0x97: {  	_ =	strace $0x8FFFFFFF  }
0x98: {  	s18 =	sld [smem:$0x3FDB];
	_ =	sdelay $0x1  }
0x99: {  	s19 =	simm.s32 $_scs_section_size  }
0x9a: {  	s4 =	simm.s32 $_size__tile_overlayer_lowered;
	s5 =	simm.s32 $_tile_overlayer_lowered  }
0x9b: {  	s22 =	simm.s32 $0x1BFF;
	s21 =	sshll.u32 s5, $0x1;
	s2 =	sadd.s32 s19, s18  }
0x9c: {  	s6 =	simm.s32 $0x0;
	s20 =	sshll.u32 s4, $0x1;
	s4 =	sadd.s32 s21, s2  }
0x9d: {  	[timem:s6], [sflag:s22] =	dma.local [hbm:s4], s20  }
0x9e: {  	_ =	swait.ge [sflag:s22], s20  }
0x9f: {  	s3 =	ssub.s32 $0x0, s20;
	[sflag:s22] =	ssyncset.done $0x0  }
0xa0: {  	[sflag:s22] =	ssyncadd.s32 s3;
	_ =	sdelay $0x1  }
0xa1: {  	s23 =	simm.s32 $0x1B8B  }
0xa2: {  	_ =	swait.ge [sflag:s23], $0x1  }
0xa3: {  	[sflag:s23] =	ssyncset.done $0x0  }
0xa4: {  	s25 =	simm.s32 $0x1B8E;
	s24 =	sld [smem:$0x3FFE];
	[sflag:s23] =	ssyncadd.s32 $0xFFFFFFFF  }
0xa5: {  	s26 =	simm.s32 $execute0_lowered;
	[smem:$0x3FD2] =	sst s25  }
0xa6: {  	s4 =	sshll.u32 s26, $0x1;
	_ =	strace $0x80000052;
	[dreg:$0x1] =	wrdreg $0xFFFFFFFF  }
0xa7: {  	s28 =	simm.s32 $_size_execute0_lowered;
	s2 =	sadd.s32 s2, s4;
	[dreg:$0x0] =	wrdreg $0x0  }
0xa8: {  	s4 =	sshll.u32 s28, $0x1;
	[dreg:$0x2] =	wrdreg s2  }
0xa9: {  	[dreg:$0x3] =	wrdreg s4  }
0xaa: {  	[dreg:$0x4] =	wrdreg $0xC0  }
0xab: {  	_ =	task [dreg:s6], $0x5FFFF  }
0xac: {  	[dreg:$0x1] =	wrdreg $0xFFFFFFFF  }
0xad: {  	[dreg:$0x0] =	wrdreg $0x60  }
0xae: {  	[dreg:$0x2] =	wrdreg s24  }
0xaf: {  	[dreg:$0x3] =	wrdreg $0x0  }
0xb0: {  	[dreg:$0x4] =	wrdreg $0x9  }
0xb1: {  	_ =	task.clear_ibuf [dreg:s6], $0x5FFFF;
	_ =	strace $0x90000052  }
0xb2: {  	s29 =	simm.s32 $0x9;
	_ =	strace $0x80000054  }
0xb3: {  	_ =	swait.ge [sflag:s29], $0x1  }
0xb4: {  	[sflag:s29] =	ssyncadd.s32 $0xFFFFFFFF  }
0xb5: {  	_ =	strace $0x90000054  }
0xb6: {  	_ =	sfence  }
0xb7: {  	s30 =	sld [smem:$0x0];
	_ =	sdelay $0x2  }
0xb8: {  	s31 =	sshll.u32 s1, $0xD;
	s1 =	sshrl.u32 s1, $0x2  }
0xb9: {  	s3 =	sand.u32 $0x4000, s31;
	s1 =	sadd.s32 s1, s30  }
0xba: {  	s0 =	sor.u32 s3, s0;
	s1 =	sshll.u32 s1, $0x11  }
0xbb: {  	s0 =	sor.u32 s1, s0  }
0xbc: {  	s0 =	sadd.s32 $0x8F2B, s0  }
0xbd: {  	[sflag:s0] =	ssyncadd.remote.s32 $0x1  }
0xbe: {  	_ =	sfence.sel $0xFFFF  }
0xbf: {  	[dreg:$0x0] =	wrdreg $0xFFFFFFFF;
	(pc) =	sbr.abs _section_cstart, $3  }
0xc0: {  	[dreg:$0x1] =	wrdreg $0xFFFFFFFF  }
0xc1: {  	_ =	task.clear_ibuf [dreg:s6], $0x2FFFF;
	_ =	strace $0x9FFFFFFF  }
0xc2: {  	(tm) =	ssettm $0x7FFFFFFF  }
0xc3: {  	_ =	shalt  }
tec
execute0_lowered:
.L_overlay_start_1:
0x0: {  	(tag) =	ssettag $0x1  }
0x1: {  	s0 =	rddreg [dreg:$0x0]  }
0x2: {  	s2 =	rddreg [dreg:$0x1];
	s3 =	simm.s32 $0x0  }
0x3: {  	s21 =	stileid.u32;
	s4 =	srdreg.scid;
	s28 =	simm.s32 $0x16180  }
0x4: {  	s29 =	simm.s32 $0x50;
	s30 =	simm.s32 $0x2;
	s31 =	simm.s32 $0x0  }
0x5: {  	[smem:$0x7FF] =	sst s3;
	s1 =	smul.u32 $0x2700, s21;
	s5 =	sadd.s32 $0xAC8000, s0  }
0x6: {  	s6 =	sand.u32 $0x1, s4;
	s4 =	sadd.s32 $0xF200, s0;
	s10 =	sshll.u32 s21, $0x1  }
0x7: {  	s11 =	smul.u32 $0x4E000, s21;
	s15 =	sadd.s32 $0x19000, s0;
	s20 =	sshll.u32 s21, $0x6  }
0x8: {  	s22 =	sadd.s32 $0x138000, s2;
	s18 =	sor.u32 s6, s10;
	s17 =	smul.u32 $0x138800, s6  }
0x9: {  	p0 =	sne.s32 s21, $0xF;
	_ =	strace $0x80000053;
	s16 =	smul.u32 $0x2710, s18  }
0xa: {  	s8 =	ssub.s32 $0x2, s6;
	[dreg:$0x5] =	wrdreg s22;
	s24 =	smul.u32 $0x27100, s18  }
0xb: {  	s7 =	sadd.s32 s1, s0;
	s9 =	sshrl.u32 s8, $0x1;
	s18 =	smul.u32 $0x27100, s6  }
0xc: {  	s19 =	sshrl.u32 s11, $0x2;
	s0 =	sadd.s32 $0x597600, s0;
	s6 =	smul.u32 $0x2710, s6  }
0xd: {  	s8 =	ssub.s32 s8, s9;
	s10 =	sadd.s32 s19, s2;
	[dreg:$0x6] =	wrdreg s0  }
0xe: {  	s7 =	sadd.s32 $0x570600, s7;
	s9 =	smul.u32 $0x4E200, s21;
	[dreg:$0x3] =	wrdreg s10  }
0xf: {  	s19 =	smul.u32 $0x4E20, s21;
	[dreg:$0x4] =	wrdreg s7;
	s7 =	sor.u32 $0x1C03, s20  }
0x10: {  	s23 =	sshrl.u32 s16, $0x3;
	s26 =	sadd.s32 $0x50, s16;
	s11 =	sadd.s32 s5, s24  }
0x11: {  	s1 =	sadd.s32 s1, s18;
	s10 =	sshrl.u32 s17, $0x3;
	s20 =	sadd.s32 $0x26C0, s16  }
0x12: {  	s16 =	smax.u32 s8, $0x1;
	s25 =	sadd.s32 s4, s23;
	s12 =	sshrl.u32 s26, $0x3  }
0x13: {  	s0 =	sshll.u32 s26, $0x4;
	s14 =	sadd.s32 s15, s1;
	s17 =	sshrl.u32 s20, $0x3  }
0x14: {  	s22 =	sadd.s32 s9, s5;
	s23 =	sadd.s32 s6, s19;
	s24 =	sshll.u32 s20, $0x4  }
0x15: {  	[dreg:$0x7] =	wrdreg s25;
	s12 =	sadd.s32 s4, s12;
	s13 =	sadd.s32 s5, s0  }
0x16: {  	s0 =	sadd.s32 s15, s10;
	s17 =	sadd.s32 s4, s17;
	s25 =	sadd.s32 $0xF0, s23  }
0x17: {  	s8 =	sadd.s32 $0xA0, s23;
	s23 =	simm.s32 $0x13880;
	s15 =	sadd.s32 $0x27000, s0  }
0x18: {  	s0 =	sadd.s32 s18, s22;
	s18 =	sadd.s32 s5, s24;
	s26 =	sshrl.u32 s25, $0x3  }
0x19: {  	s22 =	simm.s32 $0x3;
	s24 =	simm.s32 $0x13980;
	s25 =	simm.s32 $0x1  }
0x1a: {  	s6 =	sadd.s32 $0xF00, s0;
	s20 =	sadd.s32 s26, s4;
	s26 =	simm.s32 $0x13900  }
.LBB2_1:
0x1b: {  	s0 =	rddreg [dreg:$0x3]  }
0x1c: {  	s1 =	rddreg [dreg:$0x4];
	s0 =	sshrl.u32 s0, $0x3  }
0x1d: {  	[spmem:s0], [sflag:s7] =	dma.local [hbm:s1], $0x2700  }
0x1e: {  	_ =	swait.ge [sflag:s22], $0x2700  }
0x1f: {  	[sflag:s22] =	ssyncset.done $0x0;
	s1 =	rddreg [dreg:$0x5]  }
0x20: {  	s5 =	rddreg [dreg:$0x6];
	[sflag:s22] =	ssyncadd.s32 $0xFFFFD900;
	s1 =	sshrl.u32 @!p0 s1, $0x3  }
0x21: {  	[spmem:s1], [sflag:s7] =	dma.local @!p0 [hbm:s5], $0x100  }
0x22: {  	s5 =	simm.s32 @!p0 $0x3  }
0x23: {  	_ =	swait.ge @!p0 [sflag:s5], $0x100  }
0x24: {  	[sflag:s5] =	ssyncset.done @!p0 $0x0  }
0x25: {  	[sflag:s5] =	ssyncadd.s32 @!p0 $0xFFFFFF00  }
0x26: {  	[bflag:$0x0] =	sbarrier.arrive $0xFFFF  }
0x27: {  	s9 =	rddreg [dreg:$0x7]  }
0x28: {  	[tilespmem:s23], [sflag:$0x1] =	stream.linear.gather [hbm4b:s9+s3], $0x50, $0x38;
	[tilespmem:$0x18980] =	vst v63  }
0x29: {  	_ = 	snop  }
0x2a: {  	[tilespmem:s24], [sflag:$0x1] =	stream.linear.gather [hbm4b:s11+s3], $0x2800, $0x38;
	[tilespmem:$0x18980] =	vst v63  }
0x2b: {  	_ =	swait.ge [sflag:s25], $0x50  }
0x2c: {  	[sflag:s25] =	ssyncset.done $0x0  }
0x2d: {  	[sflag:s25] =	ssyncadd.s32 $0xFFFFFFB0  }
0x2e: {  	_ =	swait.ge [sflag:s25], $0x2800  }
0x2f: {  	[sflag:s25] =	ssyncset.done $0x0  }
0x30: {  	[sflag:s25] =	ssyncadd.s32 $0xFFFFD800  }
0x31: {  	[tilespmem:s26], [sflag:$0x2] =	stream.linear.gather [hbm4b:s12+s3], $0x50, $0x38;
	[tilespmem:$0x18980] =	vst v63  }
0x32: {  	_ = 	snop  }
0x33: {  	[tilespmem:s28], [sflag:$0x2] =	stream.linear.gather [hbm4b:s13+s3], $0x2800, $0x38;
	[tilespmem:$0x18980] =	vst v63  }
0x34: {  	_ = 	snop  }
0x35: {  	[spmem:s2] =	stream.indirect.scatter.add.f32 [tilespmem:s24], [sflag:$0x3], $0x80, s23, s29, $0xb8;
	[tilespmem:$0x18980] =	vst v63  }
0x36: {  	_ =	swait.ge [sflag:s22], $0x2800  }
0x37: {  	[sflag:s22] =	ssyncset.done $0x0  }
0x38: {  	[sflag:s22] =	ssyncadd.s32 $0xFFFFD800  }
0x39: {  	_ =	swait.ge [sflag:s30], $0x50  }
0x3a: {  	[sflag:s30] =	ssyncset.done $0x0  }
0x3b: {  	[sflag:s30] =	ssyncadd.s32 $0xFFFFFFB0  }
0x3c: {  	_ =	swait.ge [sflag:s30], $0x2800  }
0x3d: {  	s10 =	sshrl.u32 s8, $0x3;
	[sflag:s30] =	ssyncset.done $0x0  }
0x3e: {  	s5 =	sadd.s32 s4, s10;
	[sflag:s30] =	ssyncadd.s32 $0xFFFFD800  }
0x3f: {  	[tilespmem:s23], [sflag:$0x1] =	stream.linear.gather [hbm4b:s5+s3], $0x50, $0x38;
	[tilespmem:$0x18980] =	vst v63  }
0x40: {  	s19 =	sadd.s32 $0xFFFFFB00, s6  }
0x41: {  	[tilespmem:s24], [sflag:$0x1] =	stream.linear.gather [hbm4b:s19+s3], $0x2800, $0x38;
	[tilespmem:$0x18980] =	vst v63  }
0x42: {  	_ = 	snop  }
0x43: {  	[spmem:s2] =	stream.indirect.scatter.add.f32 [tilespmem:s28], [sflag:$0x3], $0x80, s26, s29, $0xb8;
	[tilespmem:$0x18980] =	vst v63  }
0x44: {  	_ =	swait.ge [sflag:s22], $0x2800  }
0x45: {  	[sflag:s22] =	ssyncset.done $0x0  }
0x46: {  	[sflag:s22] =	ssyncadd.s32 $0xFFFFD800  }
0x47: {  	_ =	swait.ge [sflag:s25], $0x50  }
0x48: {  	[sflag:s25] =	ssyncset.done $0x0  }
0x49: {  	[sflag:s25] =	ssyncadd.s32 $0xFFFFFFB0  }
0x4a: {  	_ =	swait.ge [sflag:s25], $0x2800  }
0x4b: {  	[sflag:s25] =	ssyncset.done $0x0  }
0x4c: {  	s21 =	sadd.s32 $0x0, s20;
	[sflag:s25] =	ssyncadd.s32 $0xFFFFD800  }
0x4d: {  	[tilespmem:s26], [sflag:$0x2] =	stream.linear.gather [hbm4b:s21+s3], $0x50, $0x38;
	[tilespmem:$0x18980] =	vst v63  }
0x4e: {  	_ = 	snop  }
0x4f: {  	[tilespmem:s28], [sflag:$0x2] =	stream.linear.gather [hbm4b:s6+s3], $0x2800, $0x38;
	[tilespmem:$0x18980] =	vst v63  }
0x50: {  	_ = 	snop  }
0x51: {  	[spmem:s2] =	stream.indirect.scatter.add.f32 [tilespmem:s24], [sflag:$0x3], $0x80, s23, s29, $0xb8;
	[tilespmem:$0x18980] =	vst v63  }
0x52: {  	s5 =	simm.s32 $0x14;
	_ =	swait.ge [sflag:s22], $0x2800  }
0x53: {  	s19 =	smov.u32 s6;
	s21 =	smov.u32 s8;
	[sflag:s22] =	ssyncset.done $0x0  }
.LBB2_2:
0x54: {  	[sflag:s22] =	ssyncadd.s32 $0xFFFFD800;
	s19 =	sadd.s32 $0xA00, s19;
	s21 =	sadd.s32 $0xA0, s21  }
0x55: {  	p1 =	sne.s32 s5, $0x4B0;
	s9 =	smov.u32 s5;
	s5 =	sadd.s32 $0x14, s5  }
0x56: {  	_ =	swait.ge [sflag:s30], $0x50  }
0x57: {  	[sflag:s30] =	ssyncset.done $0x0  }
0x58: {  	[sflag:s30] =	ssyncadd.s32 $0xFFFFFFB0  }
0x59: {  	_ =	swait.ge [sflag:s30], $0x2800  }
0x5a: {  	s10 =	sshrl.u32 s21, $0x3;
	[sflag:s30] =	ssyncset.done $0x0  }
0x5b: {  	s10 =	sadd.s32 s4, s10;
	[sflag:s30] =	ssyncadd.s32 $0xFFFFD800  }
0x5c: {  	[tilespmem:s23], [sflag:$0x1] =	stream.linear.gather [hbm4b:s10+s3], $0x50, $0x38;
	[tilespmem:$0x18980] =	vst v63  }
0x5d: {  	s10 =	sadd.s32 $0xFFFFFB00, s19  }
0x5e: {  	[tilespmem:s24], [sflag:$0x1] =	stream.linear.gather [hbm4b:s10+s3], $0x2800, $0x38;
	[tilespmem:$0x18980] =	vst v63  }
0x5f: {  	_ = 	snop  }
0x60: {  	[spmem:s2] =	stream.indirect.scatter.add.f32 [tilespmem:s28], [sflag:$0x3], $0x80, s26, s29, $0xb8;
	[tilespmem:$0x18980] =	vst v63  }
0x61: {  	_ =	swait.ge [sflag:s22], $0x2800  }
0x62: {  	[sflag:s22] =	ssyncset.done $0x0  }
0x63: {  	[sflag:s22] =	ssyncadd.s32 $0xFFFFD800  }
0x64: {  	_ =	swait.ge [sflag:s25], $0x50  }
0x65: {  	[sflag:s25] =	ssyncset.done $0x0  }
0x66: {  	[sflag:s25] =	ssyncadd.s32 $0xFFFFFFB0  }
0x67: {  	_ =	swait.ge [sflag:s25], $0x2800  }
0x68: {  	[sflag:s25] =	ssyncset.done $0x0  }
0x69: {  	s9 =	sadd.s32 s9, s20;
	[sflag:s25] =	ssyncadd.s32 $0xFFFFD800  }
0x6a: {  	[tilespmem:s26], [sflag:$0x2] =	stream.linear.gather [hbm4b:s9+s3], $0x50, $0x38;
	[tilespmem:$0x18980] =	vst v63  }
0x6b: {  	_ = 	snop  }
0x6c: {  	[tilespmem:s28], [sflag:$0x2] =	stream.linear.gather [hbm4b:s19+s3], $0x2800, $0x38;
	[tilespmem:$0x18980] =	vst v63  }
.Ltmp0:
0x6d: {  	_ = 	snop;
	(pc) =	sbr.rel @p1 .LBB2_2-.Ltmp0, $4  }
0x6e: {  	_ = 	snop  }
0x6f: {  	[spmem:s2] =	stream.indirect.scatter.add.f32 [tilespmem:s24], [sflag:$0x3], $0x80, s23, s29, $0xb8;
	[tilespmem:$0x18980] =	vst v63  }
0x70: {  	_ =	swait.ge [sflag:s22], $0x2800  }
0x71: {  	[sflag:s22] =	ssyncset.done $0x0  }
0x72: {  	[sflag:s22] =	ssyncadd.s32 $0xFFFFD800  }
0x73: {  	_ =	swait.ge [sflag:s30], $0x50  }
0x74: {  	[sflag:s30] =	ssyncset.done $0x0  }
0x75: {  	[sflag:s30] =	ssyncadd.s32 $0xFFFFFFB0  }
0x76: {  	_ =	swait.ge [sflag:s30], $0x2800  }
0x77: {  	[sflag:s30] =	ssyncset.done $0x0  }
0x78: {  	[sflag:s30] =	ssyncadd.s32 $0xFFFFD800  }
0x79: {  	[tilespmem:s23], [sflag:$0x1] =	stream.linear.gather [hbm4b:s17+s3], $0x50, $0x38;
	[tilespmem:$0x18980] =	vst v63  }
0x7a: {  	_ = 	snop  }
0x7b: {  	[tilespmem:s24], [sflag:$0x1] =	stream.linear.gather [hbm4b:s18+s3], $0x2800, $0x38;
	[tilespmem:$0x18980] =	vst v63  }
0x7c: {  	_ = 	snop  }
0x7d: {  	[spmem:s2] =	stream.indirect.scatter.add.f32 [tilespmem:s28], [sflag:$0x3], $0x80, s26, s29, $0xb8;
	[tilespmem:$0x18980] =	vst v63  }
0x7e: {  	_ =	swait.ge [sflag:s22], $0x2800  }
0x7f: {  	[sflag:s22] =	ssyncset.done $0x0  }
0x80: {  	[sflag:s22] =	ssyncadd.s32 $0xFFFFD800  }
0x81: {  	_ =	swait.ge [sflag:s25], $0x50  }
0x82: {  	[sflag:s25] =	ssyncset.done $0x0  }
0x83: {  	[sflag:s25] =	ssyncadd.s32 $0xFFFFFFB0  }
0x84: {  	_ =	swait.ge [sflag:s25], $0x2800  }
0x85: {  	[sflag:s25] =	ssyncset.done $0x0  }
0x86: {  	[sflag:s25] =	ssyncadd.s32 $0xFFFFD800  }
0x87: {  	[spmem:s2] =	stream.indirect.scatter.add.f32 [tilespmem:s24], [sflag:$0x3], $0x80, s23, s29, $0xb8;
	[tilespmem:$0x18980] =	vst v63  }
0x88: {  	_ =	swait.ge [sflag:s22], $0x2800  }
0x89: {  	[sflag:s22] =	ssyncset.done $0x0  }
0x8a: {  	[sflag:s22] =	ssyncadd.s32 $0xFFFFD800  }
0x8b: {  	[bflag:$0x0] =	sbarrier.arrive $0xFFFF  }
0x8c: {  	[hbm:s14], [sflag:s7] =	dma.local [spmem:s0], $0x2700  }
0x8d: {  	s31 =	sadd.s32 $0x1, s31;
	_ =	swait.ge [sflag:s22], $0x2700  }
0x8e: {  	p1 =	sne.s32 s31, s16;
	[sflag:s22] =	ssyncset.done $0x0  }
.Ltmp1:
0x8f: {  	s0 =	simm.s32 @!p0 $0x3;
	[sflag:s22] =	ssyncadd.s32 $0xFFFFD900;
	(pc) =	sbr.rel @p1 .LBB2_1-.Ltmp1, $4  }
0x90: {  	[hbm:s15], [sflag:s7] =	dma.local @!p0 [spmem:s1], $0x100  }
0x91: {  	_ =	swait.ge @!p0 [sflag:s0], $0x100  }
0x92: {  	[sflag:s0] =	ssyncset.done @!p0 $0x0  }
0x93: {  	[sflag:s0] =	ssyncadd.s32 @!p0 $0xFFFFFF00  }
0x94: {  	_ =	sfence.sel $0x180000  }
0x95: {  	[bflag:$0x0] =	sbarrier.arrive $0xFFFF  }
0x96: {  	_ =	strace $0x90000053  }
0x97: {  	s0 =	stileid.u32;
	[bflag:$0x2] =	sbarrier.arrive $0xFFFF  }
0x98: {  	p0 =	sne.s32 s0, $0x0;
	s0 =	rddreg [dreg:$0x2]  }
0x99: {  	s0 =	sadd.s32 @!p0 $0x100000, s0  }
0x9a: {  	[sflag:s0] =	ssyncadd.tile.s32 @!p0 $0x1;
	_ =	shalt  }
.Lfunc_end2:
_tile_overlayer_lowered:
.L_overlay_start_2:
0x9b: {  	(tag) =	ssettag $0x2  }
0x9c: {  	s0 =	rddreg [dreg:$0x0];
	s2 =	stileid.u32  }
0x9d: {  	s1 =	rddreg [dreg:$0x1];
	p0 =	sne.s32 s2, $0x0  }
0x9e: {  	s3 =	rddreg [dreg:$0x2];
	[bflag:$0x3] =	sbarrier.arrive $0xFFFF;
	s2 =	simm.s32 @!p0 $0x1C03  }
0x9f: {  	[timem:s3], [sflag:s2] =	dma.local @!p0 [hbm:s0], s1  }
0xa0: {  	s0 =	simm.s32 @!p0 $0x3  }
0xa1: {  	_ =	swait.ge @!p0 [sflag:s0], s1  }
0xa2: {  	s1 =	ssub.s32 @!p0 $0x0, s1;
	[sflag:s0] =	ssyncset.done @!p0 $0x0  }
0xa3: {  	[sflag:s0] =	ssyncadd.s32 @!p0 s1  }
0xa4: {  	[bflag:$0x3] =	sbarrier.arrive $0xFFFF  }
0xa5: {  	_ =	shalt  }

</sc_bundles>
